<compile_context>
chip_gen: v7x
topology: tpu7x:2x2x1
jax: 0.10.2.dev20260603
libtpu: 0.0.44.dev20260713+nightly
codegen_flags: <defaults>
</compile_context>

<pallas_src>
import functools
import math

import jax
import jax.numpy as jnp
from jax import lax
from jax.experimental import pallas as pl
from jax.experimental.pallas import tpu as pltpu
from jax.experimental.pallas import tpu_sc as plsc

NUM_BUCKETS = 32
MAX_DISTANCE = 128
N_HEADS = 16
Q_LEN = 2048
K_LEN = 2048
DIAGS = Q_LEN + K_LEN - 1

_THRESHOLDS = (12, 16, 23, 32, 46, 64, 91)

_VFULL_PAD = 4112
_SHIFT_LEN = 4096
_LANES = 16
_CHUNK = 8
_ROWS_PER_TILE = Q_LEN // 2


def _vgather(vec, idx):
    return lax.gather(
        vec, idx[:, None],
        dimension_numbers=lax.GatherDimensionNumbers(
            offset_dims=(), collapsed_slice_dims=(0,), start_index_map=(0,)),
        slice_sizes=(1,),
        mode=lax.GatherScatterMode.PROMISE_IN_BOUNDS)


def _bucket_vec(d):
    rp = d - (Q_LEN - 1)
    na = jnp.abs(rp)
    sign_off = jnp.where(rp > 0, 16, 0)
    large = jnp.full((_LANES,), 8, dtype=jnp.int32)
    for t in _THRESHOLDS:
        large = large + jnp.where(na >= t, 1, 0).astype(jnp.int32)
    return sign_off + jnp.where(na < 8, na, large)


def _tile_body(table_hbm, out_hbm, table_v, vfull_v, v8_v, sem):
    head = lax.axis_index("s")
    q0 = lax.axis_index("c") * _ROWS_PER_TILE

    pltpu.sync_copy(table_hbm, table_v)

    lane = lax.iota(jnp.int32, _LANES)
    col_off = pl.multiple_of(head * NUM_BUCKETS, 8)
    col_lo = table_v[pl.ds(col_off, _LANES)]
    col_hi = table_v[pl.ds(col_off + _LANES, _LANES)]

    def diag_step(j, _):
        d = j * _LANES + lane
        b = _bucket_vec(d)
        bl = jnp.bitwise_and(b, 15)
        vals = jnp.where(
            b < _LANES, _vgather(col_lo, bl), _vgather(col_hi, bl))
        vfull_v[pl.ds(j * _LANES, _LANES)] = vals
        return _

    lax.fori_loop(0, _VFULL_PAD // _LANES, diag_step, None, unroll=4)

    for s in range(8):
        def shift_step(j, _, s=s):
            v8_v[pl.ds(s * _SHIFT_LEN + j * _LANES, _LANES)] = (
                vfull_v[pl.ds(j * _LANES + s, _LANES)])
            return _

        lax.fori_loop(0, _SHIFT_LEN // _LANES, shift_step, None, unroll=8)

    out_base = head * (Q_LEN * K_LEN)

    def drain_chunk():
        pltpu.make_async_copy(
            out_hbm.at[pl.ds(0, _CHUNK * K_LEN)],
            v8_v.at[pl.ds(0, _CHUNK * K_LEN)], sem).wait()

    def dma_step(g, _):
        for r in range(_CHUNK):
            q = q0 + g * _CHUNK + r
            t = (Q_LEN - 1) - q
            s = jnp.bitwise_and(t, 7)
            a = t - s
            src_off = pl.multiple_of(s * _SHIFT_LEN + a, 8)
            qt = lax.shift_right_logical(q, 3)
            qr = jnp.bitwise_and(q, 7)
            dst_off = pl.multiple_of(
                out_base + qt * (8 * K_LEN) + qr * 128, 8)
            for kt in range(K_LEN // 128):
                pltpu.async_copy(
                    v8_v.at[pl.ds(src_off + kt * 128, 128)],
                    out_hbm.at[pl.ds(dst_off + kt * (8 * 128), 128)],
                    sem)

        @pl.when(g > 1)
        def _drain_prev():
            drain_chunk()

        return _

    lax.fori_loop(0, _ROWS_PER_TILE // _CHUNK, dma_step, None)
    drain_chunk()
    drain_chunk()


@functools.partial(jax.jit, static_argnums=())
def _rpb(bias_table):
    mesh = plsc.VectorSubcoreMesh(core_axis_name="c", subcore_axis_name="s")
    run = functools.partial(
        pl.kernel,
        mesh=mesh,
        out_type=jax.ShapeDtypeStruct((N_HEADS * Q_LEN * K_LEN,), jnp.float32),
        scratch_types=[
            pltpu.VMEM((NUM_BUCKETS * N_HEADS,), jnp.float32),
            pltpu.VMEM((_VFULL_PAD,), jnp.float32),
            pltpu.VMEM((8 * _SHIFT_LEN,), jnp.float32),
            pltpu.SemaphoreType.DMA,
        ],
    )(_tile_body)
    return run(bias_table.T.reshape(-1))


def kernel(query_length, key_length, bias_table):
    del query_length, key_length
    out = _rpb(bias_table)
    out5 = out.reshape(N_HEADS, Q_LEN // 8, K_LEN // 128, 8, 128)
    return out5.transpose(0, 1, 3, 2, 4).reshape(1, N_HEADS, Q_LEN, K_LEN)

# --- scband reference (transcript-rebuilt; emitter-appended) ---
"""Pipeline reference for scband-t5-relative-position-bias-20916490732195 (READ-ONLY COPY).

The authoritative reference and input builder live on the scoring server;
editing this copy changes nothing except your own understanding.
"""

import jax, jax.numpy as jnp
import numpy as np
import math

NUM_BUCKETS = 32
MAX_DISTANCE = 128
N_HEADS = 16

QUERY_LENGTH = 2048
KEY_LENGTH = 2048


def _relative_position_bucket(relative_position, num_buckets=NUM_BUCKETS, max_distance=MAX_DISTANCE):
    ret = jnp.zeros_like(relative_position)
    n = -relative_position
    num_buckets = num_buckets // 2
    ret = ret + (n < 0).astype(relative_position.dtype) * num_buckets
    n = jnp.abs(n)
    max_exact = num_buckets // 2
    is_small = n < max_exact
    # clamp n to >=1 inside log to avoid -inf; masked out by is_small branch anyway
    val_if_large = max_exact + (
        jnp.log(jnp.maximum(n, 1).astype(jnp.float32) / max_exact)
        / math.log(max_distance / max_exact)
        * (num_buckets - max_exact)
    ).astype(relative_position.dtype)
    val_if_large = jnp.minimum(val_if_large, jnp.full_like(val_if_large, num_buckets - 1))
    ret = ret + jnp.where(is_small, n, val_if_large)
    return ret


def setup_inputs(seed: int = 0) -> dict:
    key = jax.random.key(seed)
    bias_table = jax.random.normal(key, (NUM_BUCKETS, N_HEADS), dtype=jnp.float32) * 0.02
    return {"query_length": 2048, "key_length": 2048, "bias_table": bias_table}


def reference(query_length, key_length, bias_table):
    q_zero = (jnp.asarray(query_length, dtype=jnp.int32) - QUERY_LENGTH) * 0
    k_zero = (jnp.asarray(key_length, dtype=jnp.int32) - KEY_LENGTH) * 0
    context_position = (jnp.arange(QUERY_LENGTH, dtype=jnp.int32) + q_zero)[:, None]
    memory_position = (jnp.arange(KEY_LENGTH, dtype=jnp.int32) + k_zero)[None, :]
    relative_position = memory_position - context_position  # [q, k]
    relative_position_bucket = _relative_position_bucket(
        relative_position, NUM_BUCKETS, MAX_DISTANCE
    )
    # embedding lookup: [q, k] -> [q, k, n_heads]
    values = jnp.take(bias_table, relative_position_bucket, axis=0)
    values = jnp.transpose(values, (2, 0, 1))[None, ...]  # [1, n_heads, q, k]
    return values

if __name__ == "__main__":
    import jax
    _d = setup_inputs()
    print(jax.jit(kernel)(*tuple(_d.values())))

</pallas_src>

<mosaic_0001>
#map = affine_map<(d0, d1) -> (0)>
module attributes {stable_mosaic.version = 14 : i64} {
  func.func @_tile_body(%arg0: i32, %arg1: i32, %arg2: memref<512xf32, #tpu.memory_space<hbm>>, %arg3: memref<67108864xf32, #tpu.memory_space<hbm>>, %arg4: memref<512xf32, #tpu.memory_space<vmem>>, %arg5: memref<4112xf32, #tpu.memory_space<vmem>>, %arg6: memref<32768xf32, #tpu.memory_space<vmem>>, %arg7: memref<!tpu.dma_semaphore, #tpu.memory_space<semaphore_mem>>) attributes {dimension_semantics = [#tpu.dimension_semantics<core_parallel>, #tpu.dimension_semantics<subcore_parallel>], iteration_bounds = array<i64: 2, 16>, scalar_prefetch = 0 : i64, scratch_operands = 4 : i64, tpu.core_type = #tpu.core_type<sc_vector_subcore>, window_params = [{transform_indices = #map}, {transform_indices = #map}]} {
    %mul3A = arith.constant 1024 : i32
    %mul3A_0 = arith.muli %arg0, %mul3A : i32
    "tpu.region"() ({
      %run_scoped3A = tpu.sem_alloc : memref<!tpu.dma_semaphore, #tpu.memory_space<semaphore_mem>>
      tpu.enqueue_dma source(%arg2 : memref<512xf32, #tpu.memory_space<hbm>>) target(%arg4 : memref<512xf32, #tpu.memory_space<vmem>>) target_semaphore(%run_scoped3A : memref<!tpu.dma_semaphore, #tpu.memory_space<semaphore_mem>>)
      tpu.wait_dma2 semaphore(%run_scoped3A : memref<!tpu.dma_semaphore, #tpu.memory_space<semaphore_mem>>) src(%arg2 : memref<512xf32, #tpu.memory_space<hbm>>) dst(%arg4 : memref<512xf32, #tpu.memory_space<vmem>>)
      tpu.yield
    }) : () -> ()
    %iota3A = tpu.iota {dimensions = array<i32: 0>} : vector<16xi32>
    %mul3A_1 = arith.constant 32 : i32
    %mul3A_2 = arith.muli %arg1, %mul3A_1 : i32
    %multiple_of3A = tpu.assume_multiple %mul3A_2, 8 : i32
    %get3A = arith.index_cast %multiple_of3A : i32 to index
    %get3A_3 = tpu.vector_load %arg4[%get3A] {strides = array<i32>} : memref<512xf32, #tpu.memory_space<vmem>>, vector<16xf32>,
    %get3A_4 = vector.shape_cast %get3A_3 : vector<16xf32> to vector<16xf32>
    %add3A = arith.constant 16 : i32
    %add3A_5 = arith.addi %multiple_of3A, %add3A : i32
    %get3A_6 = arith.index_cast %add3A_5 : i32 to index
    %get3A_7 = tpu.vector_load %arg4[%get3A_6] {strides = array<i32>} : memref<512xf32, #tpu.memory_space<vmem>>, vector<16xf32>,
    %get3A_8 = vector.shape_cast %get3A_7 : vector<16xf32> to vector<16xf32>
    %scan3A = arith.constant 0 : i32
    %scan3A_9 = arith.constant 256 : i32
    %scan3A_10 = arith.addi %scan3A, %scan3A_9 : i32
    %scan3A_11 = arith.constant 4 : i32
    scf.for %scan3A_171 = %scan3A to %scan3A_10 step %scan3A_11  : i32 {
      %mul3A_172 = arith.constant 16 : i32
      %mul3A_173 = arith.muli %scan3A_171, %mul3A_172 : i32
      %add3A_174 = vector.broadcast %mul3A_173 : i32 to vector<16xi32>
      %add3A_175 = arith.addi %add3A_174, %iota3A : vector<16xi32>
      %sub3A_176 = arith.constant 2047 : i32
      %sub3A_177 = vector.broadcast %sub3A_176 : i32 to vector<16xi32>
      %sub3A_178 = arith.subi %add3A_175, %sub3A_177 : vector<16xi32>
      %abs3A_179 = math.absi %sub3A_178 : vector<16xi32>
      %gt3A_180 = arith.constant 0 : i32
      %gt3A_181 = vector.broadcast %gt3A_180 : i32 to vector<16xi32>
      %gt3A_182 = arith.cmpi sgt, %sub3A_178, %gt3A_181 : vector<16xi32>
      %jit3A_183 = arith.constant 16 : i32
      %jit3A_184 = arith.constant 0 : i32
      %broadcast_in_dim3A_185 = vector.broadcast %jit3A_183 : i32 to vector<16xi32>
      %broadcast_in_dim3A_186 = vector.broadcast %jit3A_184 : i32 to vector<16xi32>
      %select_n3A_187 = arith.select %gt3A_182, %broadcast_in_dim3A_185, %broadcast_in_dim3A_186 : vector<16xi1>, vector<16xi32>
      %broadcast_in_dim3A_188 = arith.constant 8 : i32
      %broadcast_in_dim3A_189 = vector.broadcast %broadcast_in_dim3A_188 : i32 to vector<16xi32>
      %ge3A_190 = arith.constant 12 : i32
      %ge3A_191 = vector.broadcast %ge3A_190 : i32 to vector<16xi32>
      %ge3A_192 = arith.cmpi sge, %abs3A_179, %ge3A_191 : vector<16xi32>
      %jit3A_193 = arith.constant 1 : i32
      %jit3A_194 = arith.constant 0 : i32
      %broadcast_in_dim3A_195 = vector.broadcast %jit3A_193 : i32 to vector<16xi32>
      %broadcast_in_dim3A_196 = vector.broadcast %jit3A_194 : i32 to vector<16xi32>
      %select_n3A_197 = arith.select %ge3A_192, %broadcast_in_dim3A_195, %broadcast_in_dim3A_196 : vector<16xi1>, vector<16xi32>
      %add3A_198 = arith.addi %broadcast_in_dim3A_189, %select_n3A_197 : vector<16xi32>
      %ge3A_199 = arith.constant 16 : i32
      %ge3A_200 = vector.broadcast %ge3A_199 : i32 to vector<16xi32>
      %ge3A_201 = arith.cmpi sge, %abs3A_179, %ge3A_200 : vector<16xi32>
      %jit3A_202 = arith.constant 1 : i32
      %jit3A_203 = arith.constant 0 : i32
      %broadcast_in_dim3A_204 = vector.broadcast %jit3A_202 : i32 to vector<16xi32>
      %broadcast_in_dim3A_205 = vector.broadcast %jit3A_203 : i32 to vector<16xi32>
      %select_n3A_206 = arith.select %ge3A_201, %broadcast_in_dim3A_204, %broadcast_in_dim3A_205 : vector<16xi1>, vector<16xi32>
      %add3A_207 = arith.addi %add3A_198, %select_n3A_206 : vector<16xi32>
      %ge3A_208 = arith.constant 23 : i32
      %ge3A_209 = vector.broadcast %ge3A_208 : i32 to vector<16xi32>
      %ge3A_210 = arith.cmpi sge, %abs3A_179, %ge3A_209 : vector<16xi32>
      %jit3A_211 = arith.constant 1 : i32
      %jit3A_212 = arith.constant 0 : i32
      %broadcast_in_dim3A_213 = vector.broadcast %jit3A_211 : i32 to vector<16xi32>
      %broadcast_in_dim3A_214 = vector.broadcast %jit3A_212 : i32 to vector<16xi32>
      %select_n3A_215 = arith.select %ge3A_210, %broadcast_in_dim3A_213, %broadcast_in_dim3A_214 : vector<16xi1>, vector<16xi32>
      %add3A_216 = arith.addi %add3A_207, %select_n3A_215 : vector<16xi32>
      %ge3A_217 = arith.constant 32 : i32
      %ge3A_218 = vector.broadcast %ge3A_217 : i32 to vector<16xi32>
      %ge3A_219 = arith.cmpi sge, %abs3A_179, %ge3A_218 : vector<16xi32>
      %jit3A_220 = arith.constant 1 : i32
      %jit3A_221 = arith.constant 0 : i32
      %broadcast_in_dim3A_222 = vector.broadcast %jit3A_220 : i32 to vector<16xi32>
      %broadcast_in_dim3A_223 = vector.broadcast %jit3A_221 : i32 to vector<16xi32>
      %select_n3A_224 = arith.select %ge3A_219, %broadcast_in_dim3A_222, %broadcast_in_dim3A_223 : vector<16xi1>, vector<16xi32>
      %add3A_225 = arith.addi %add3A_216, %select_n3A_224 : vector<16xi32>
      %ge3A_226 = arith.constant 46 : i32
      %ge3A_227 = vector.broadcast %ge3A_226 : i32 to vector<16xi32>
      %ge3A_228 = arith.cmpi sge, %abs3A_179, %ge3A_227 : vector<16xi32>
      %jit3A_229 = arith.constant 1 : i32
      %jit3A_230 = arith.constant 0 : i32
      %broadcast_in_dim3A_231 = vector.broadcast %jit3A_229 : i32 to vector<16xi32>
      %broadcast_in_dim3A_232 = vector.broadcast %jit3A_230 : i32 to vector<16xi32>
      %select_n3A_233 = arith.select %ge3A_228, %broadcast_in_dim3A_231, %broadcast_in_dim3A_232 : vector<16xi1>, vector<16xi32>
      %add3A_234 = arith.addi %add3A_225, %select_n3A_233 : vector<16xi32>
      %ge3A_235 = arith.constant 64 : i32
      %ge3A_236 = vector.broadcast %ge3A_235 : i32 to vector<16xi32>
      %ge3A_237 = arith.cmpi sge, %abs3A_179, %ge3A_236 : vector<16xi32>
      %jit3A_238 = arith.constant 1 : i32
      %jit3A_239 = arith.constant 0 : i32
      %broadcast_in_dim3A_240 = vector.broadcast %jit3A_238 : i32 to vector<16xi32>
      %broadcast_in_dim3A_241 = vector.broadcast %jit3A_239 : i32 to vector<16xi32>
      %select_n3A_242 = arith.select %ge3A_237, %broadcast_in_dim3A_240, %broadcast_in_dim3A_241 : vector<16xi1>, vector<16xi32>
      %add3A_243 = arith.addi %add3A_234, %select_n3A_242 : vector<16xi32>
      %ge3A_244 = arith.constant 91 : i32
      %ge3A_245 = vector.broadcast %ge3A_244 : i32 to vector<16xi32>
      %ge3A_246 = arith.cmpi sge, %abs3A_179, %ge3A_245 : vector<16xi32>
      %jit3A_247 = arith.constant 1 : i32
      %jit3A_248 = arith.constant 0 : i32
      %broadcast_in_dim3A_249 = vector.broadcast %jit3A_247 : i32 to vector<16xi32>
      %broadcast_in_dim3A_250 = vector.broadcast %jit3A_248 : i32 to vector<16xi32>
      %select_n3A_251 = arith.select %ge3A_246, %broadcast_in_dim3A_249, %broadcast_in_dim3A_250 : vector<16xi1>, vector<16xi32>
      %add3A_252 = arith.addi %add3A_243, %select_n3A_251 : vector<16xi32>
      %lt3A_253 = arith.constant 8 : i32
      %lt3A_254 = vector.broadcast %lt3A_253 : i32 to vector<16xi32>
      %lt3A_255 = arith.cmpi slt, %abs3A_179, %lt3A_254 : vector<16xi32>
      %select_n3A_256 = arith.select %lt3A_255, %abs3A_179, %add3A_252 : vector<16xi1>, vector<16xi32>
      %add3A_257 = arith.addi %select_n3A_187, %select_n3A_256 : vector<16xi32>
      %and3A_258 = arith.constant 15 : i32
      %and3A_259 = vector.broadcast %and3A_258 : i32 to vector<16xi32>
      %and3A_260 = arith.andi %add3A_257, %and3A_259 : vector<16xi32>
      %lt3A_261 = arith.constant 16 : i32
      %lt3A_262 = vector.broadcast %lt3A_261 : i32 to vector<16xi32>
      %lt3A_263 = arith.cmpi slt, %add3A_257, %lt3A_262 : vector<16xi32>
      %broadcast_in_dim3A_264 = vector.shape_cast %and3A_260 : vector<16xi32> to vector<16x1xi32>
      %gather3A_265 = vector.shape_cast %broadcast_in_dim3A_264 : vector<16x1xi32> to vector<16xi32>
      %gather3A_266 = tpu.dynamic_gather %get3A_4[%gather3A_265] in [0] : vector<16xf32>, vector<16xi32> -> vector<16xf32>
      %broadcast_in_dim3A_267 = vector.shape_cast %and3A_260 : vector<16xi32> to vector<16x1xi32>
      %gather3A_268 = vector.shape_cast %broadcast_in_dim3A_267 : vector<16x1xi32> to vector<16xi32>
      %gather3A_269 = tpu.dynamic_gather %get3A_8[%gather3A_268] in [0] : vector<16xf32>, vector<16xi32> -> vector<16xf32>
      %select_n3A_270 = arith.select %lt3A_263, %gather3A_266, %gather3A_269 : vector<16xi1>, vector<16xf32>
      %mul3A_271 = arith.constant 16 : i32
      %mul3A_272 = arith.muli %scan3A_171, %mul3A_271 : i32
      %swap3A_273 = arith.index_cast %mul3A_272 : i32 to index
      %swap3A_274 = tpu.vector_load %arg5[%swap3A_273] {strides = array<i32>} : memref<4112xf32, #tpu.memory_space<vmem>>, vector<16xf32>,
      %swap3A_275 = vector.shape_cast %swap3A_274 : vector<16xf32> to vector<16xf32>
      %swap3A_276 = vector.shape_cast %select_n3A_270 : vector<16xf32> to vector<16xf32>
      tpu.vector_store %arg5[%swap3A_273], %swap3A_276 {strides = array<i32>} : memref<4112xf32, #tpu.memory_space<vmem>>, vector<16xf32>,
      %scan3A_277 = arith.constant 1 : i32
      %scan3A_278 = arith.addi %scan3A_171, %scan3A_277 : i32
      %mul3A_279 = arith.constant 16 : i32
      %mul3A_280 = arith.muli %scan3A_278, %mul3A_279 : i32
      %add3A_281 = vector.broadcast %mul3A_280 : i32 to vector<16xi32>
      %add3A_282 = arith.addi %add3A_281, %iota3A : vector<16xi32>
      %sub3A_283 = arith.constant 2047 : i32
      %sub3A_284 = vector.broadcast %sub3A_283 : i32 to vector<16xi32>
      %sub3A_285 = arith.subi %add3A_282, %sub3A_284 : vector<16xi32>
      %abs3A_286 = math.absi %sub3A_285 : vector<16xi32>
      %gt3A_287 = arith.constant 0 : i32
      %gt3A_288 = vector.broadcast %gt3A_287 : i32 to vector<16xi32>
      %gt3A_289 = arith.cmpi sgt, %sub3A_285, %gt3A_288 : vector<16xi32>
      %jit3A_290 = arith.constant 16 : i32
      %jit3A_291 = arith.constant 0 : i32
      %broadcast_in_dim3A_292 = vector.broadcast %jit3A_290 : i32 to vector<16xi32>
      %broadcast_in_dim3A_293 = vector.broadcast %jit3A_291 : i32 to vector<16xi32>
      %select_n3A_294 = arith.select %gt3A_289, %broadcast_in_dim3A_292, %broadcast_in_dim3A_293 : vector<16xi1>, vector<16xi32>
      %broadcast_in_dim3A_295 = arith.constant 8 : i32
      %broadcast_in_dim3A_296 = vector.broadcast %broadcast_in_dim3A_295 : i32 to vector<16xi32>
      %ge3A_297 = arith.constant 12 : i32
      %ge3A_298 = vector.broadcast %ge3A_297 : i32 to vector<16xi32>
      %ge3A_299 = arith.cmpi sge, %abs3A_286, %ge3A_298 : vector<16xi32>
      %jit3A_300 = arith.constant 1 : i32
      %jit3A_301 = arith.constant 0 : i32
      %broadcast_in_dim3A_302 = vector.broadcast %jit3A_300 : i32 to vector<16xi32>
      %broadcast_in_dim3A_303 = vector.broadcast %jit3A_301 : i32 to vector<16xi32>
      %select_n3A_304 = arith.select %ge3A_299, %broadcast_in_dim3A_302, %broadcast_in_dim3A_303 : vector<16xi1>, vector<16xi32>
      %add3A_305 = arith.addi %broadcast_in_dim3A_296, %select_n3A_304 : vector<16xi32>
      %ge3A_306 = arith.constant 16 : i32
      %ge3A_307 = vector.broadcast %ge3A_306 : i32 to vector<16xi32>
      %ge3A_308 = arith.cmpi sge, %abs3A_286, %ge3A_307 : vector<16xi32>
      %jit3A_309 = arith.constant 1 : i32
      %jit3A_310 = arith.constant 0 : i32
      %broadcast_in_dim3A_311 = vector.broadcast %jit3A_309 : i32 to vector<16xi32>
      %broadcast_in_dim3A_312 = vector.broadcast %jit3A_310 : i32 to vector<16xi32>
      %select_n3A_313 = arith.select %ge3A_308, %broadcast_in_dim3A_311, %broadcast_in_dim3A_312 : vector<16xi1>, vector<16xi32>
      %add3A_314 = arith.addi %add3A_305, %select_n3A_313 : vector<16xi32>
      %ge3A_315 = arith.constant 23 : i32
      %ge3A_316 = vector.broadcast %ge3A_315 : i32 to vector<16xi32>
      %ge3A_317 = arith.cmpi sge, %abs3A_286, %ge3A_316 : vector<16xi32>
      %jit3A_318 = arith.constant 1 : i32
      %jit3A_319 = arith.constant 0 : i32
      %broadcast_in_dim3A_320 = vector.broadcast %jit3A_318 : i32 to vector<16xi32>
      %broadcast_in_dim3A_321 = vector.broadcast %jit3A_319 : i32 to vector<16xi32>
      %select_n3A_322 = arith.select %ge3A_317, %broadcast_in_dim3A_320, %broadcast_in_dim3A_321 : vector<16xi1>, vector<16xi32>
      %add3A_323 = arith.addi %add3A_314, %select_n3A_322 : vector<16xi32>
      %ge3A_324 = arith.constant 32 : i32
      %ge3A_325 = vector.broadcast %ge3A_324 : i32 to vector<16xi32>
      %ge3A_326 = arith.cmpi sge, %abs3A_286, %ge3A_325 : vector<16xi32>
      %jit3A_327 = arith.constant 1 : i32
      %jit3A_328 = arith.constant 0 : i32
      %broadcast_in_dim3A_329 = vector.broadcast %jit3A_327 : i32 to vector<16xi32>
      %broadcast_in_dim3A_330 = vector.broadcast %jit3A_328 : i32 to vector<16xi32>
      %select_n3A_331 = arith.select %ge3A_326, %broadcast_in_dim3A_329, %broadcast_in_dim3A_330 : vector<16xi1>, vector<16xi32>
      %add3A_332 = arith.addi %add3A_323, %select_n3A_331 : vector<16xi32>
      %ge3A_333 = arith.constant 46 : i32
      %ge3A_334 = vector.broadcast %ge3A_333 : i32 to vector<16xi32>
      %ge3A_335 = arith.cmpi sge, %abs3A_286, %ge3A_334 : vector<16xi32>
      %jit3A_336 = arith.constant 1 : i32
      %jit3A_337 = arith.constant 0 : i32
      %broadcast_in_dim3A_338 = vector.broadcast %jit3A_336 : i32 to vector<16xi32>
      %broadcast_in_dim3A_339 = vector.broadcast %jit3A_337 : i32 to vector<16xi32>
      %select_n3A_340 = arith.select %ge3A_335, %broadcast_in_dim3A_338, %broadcast_in_dim3A_339 : vector<16xi1>, vector<16xi32>
      %add3A_341 = arith.addi %add3A_332, %select_n3A_340 : vector<16xi32>
      %ge3A_342 = arith.constant 64 : i32
      %ge3A_343 = vector.broadcast %ge3A_342 : i32 to vector<16xi32>
      %ge3A_344 = arith.cmpi sge, %abs3A_286, %ge3A_343 : vector<16xi32>
      %jit3A_345 = arith.constant 1 : i32
      %jit3A_346 = arith.constant 0 : i32
      %broadcast_in_dim3A_347 = vector.broadcast %jit3A_345 : i32 to vector<16xi32>
      %broadcast_in_dim3A_348 = vector.broadcast %jit3A_346 : i32 to vector<16xi32>
      %select_n3A_349 = arith.select %ge3A_344, %broadcast_in_dim3A_347, %broadcast_in_dim3A_348 : vector<16xi1>, vector<16xi32>
      %add3A_350 = arith.addi %add3A_341, %select_n3A_349 : vector<16xi32>
      %ge3A_351 = arith.constant 91 : i32
      %ge3A_352 = vector.broadcast %ge3A_351 : i32 to vector<16xi32>
      %ge3A_353 = arith.cmpi sge, %abs3A_286, %ge3A_352 : vector<16xi32>
      %jit3A_354 = arith.constant 1 : i32
      %jit3A_355 = arith.constant 0 : i32
      %broadcast_in_dim3A_356 = vector.broadcast %jit3A_354 : i32 to vector<16xi32>
      %broadcast_in_dim3A_357 = vector.broadcast %jit3A_355 : i32 to vector<16xi32>
      %select_n3A_358 = arith.select %ge3A_353, %broadcast_in_dim3A_356, %broadcast_in_dim3A_357 : vector<16xi1>, vector<16xi32>
      %add3A_359 = arith.addi %add3A_350, %select_n3A_358 : vector<16xi32>
      %lt3A_360 = arith.constant 8 : i32
      %lt3A_361 = vector.broadcast %lt3A_360 : i32 to vector<16xi32>
      %lt3A_362 = arith.cmpi slt, %abs3A_286, %lt3A_361 : vector<16xi32>
      %select_n3A_363 = arith.select %lt3A_362, %abs3A_286, %add3A_359 : vector<16xi1>, vector<16xi32>
      %add3A_364 = arith.addi %select_n3A_294, %select_n3A_363 : vector<16xi32>
      %and3A_365 = arith.constant 15 : i32
      %and3A_366 = vector.broadcast %and3A_365 : i32 to vector<16xi32>
      %and3A_367 = arith.andi %add3A_364, %and3A_366 : vector<16xi32>
      %lt3A_368 = arith.constant 16 : i32
      %lt3A_369 = vector.broadcast %lt3A_368 : i32 to vector<16xi32>
      %lt3A_370 = arith.cmpi slt, %add3A_364, %lt3A_369 : vector<16xi32>
      %broadcast_in_dim3A_371 = vector.shape_cast %and3A_367 : vector<16xi32> to vector<16x1xi32>
      %gather3A_372 = vector.shape_cast %broadcast_in_dim3A_371 : vector<16x1xi32> to vector<16xi32>
      %gather3A_373 = tpu.dynamic_gather %get3A_4[%gather3A_372] in [0] : vector<16xf32>, vector<16xi32> -> vector<16xf32>
      %broadcast_in_dim3A_374 = vector.shape_cast %and3A_367 : vector<16xi32> to vector<16x1xi32>
      %gather3A_375 = vector.shape_cast %broadcast_in_dim3A_374 : vector<16x1xi32> to vector<16xi32>
      %gather3A_376 = tpu.dynamic_gather %get3A_8[%gather3A_375] in [0] : vector<16xf32>, vector<16xi32> -> vector<16xf32>
      %select_n3A_377 = arith.select %lt3A_370, %gather3A_373, %gather3A_376 : vector<16xi1>, vector<16xf32>
      %mul3A_378 = arith.constant 16 : i32
      %mul3A_379 = arith.muli %scan3A_278, %mul3A_378 : i32
      %swap3A_380 = arith.index_cast %mul3A_379 : i32 to index
      %swap3A_381 = tpu.vector_load %arg5[%swap3A_380] {strides = array<i32>} : memref<4112xf32, #tpu.memory_space<vmem>>, vector<16xf32>,
      %swap3A_382 = vector.shape_cast %swap3A_381 : vector<16xf32> to vector<16xf32>
      %swap3A_383 = vector.shape_cast %select_n3A_377 : vector<16xf32> to vector<16xf32>
      tpu.vector_store %arg5[%swap3A_380], %swap3A_383 {strides = array<i32>} : memref<4112xf32, #tpu.memory_space<vmem>>, vector<16xf32>,
      %scan3A_384 = arith.constant 2 : i32
      %scan3A_385 = arith.addi %scan3A_171, %scan3A_384 : i32
      %mul3A_386 = arith.constant 16 : i32
      %mul3A_387 = arith.muli %scan3A_385, %mul3A_386 : i32
      %add3A_388 = vector.broadcast %mul3A_387 : i32 to vector<16xi32>
      %add3A_389 = arith.addi %add3A_388, %iota3A : vector<16xi32>
      %sub3A_390 = arith.constant 2047 : i32
      %sub3A_391 = vector.broadcast %sub3A_390 : i32 to vector<16xi32>
      %sub3A_392 = arith.subi %add3A_389, %sub3A_391 : vector<16xi32>
      %abs3A_393 = math.absi %sub3A_392 : vector<16xi32>
      %gt3A_394 = arith.constant 0 : i32
      %gt3A_395 = vector.broadcast %gt3A_394 : i32 to vector<16xi32>
      %gt3A_396 = arith.cmpi sgt, %sub3A_392, %gt3A_395 : vector<16xi32>
      %jit3A_397 = arith.constant 16 : i32
      %jit3A_398 = arith.constant 0 : i32
      %broadcast_in_dim3A_399 = vector.broadcast %jit3A_397 : i32 to vector<16xi32>
      %broadcast_in_dim3A_400 = vector.broadcast %jit3A_398 : i32 to vector<16xi32>
      %select_n3A_401 = arith.select %gt3A_396, %broadcast_in_dim3A_399, %broadcast_in_dim3A_400 : vector<16xi1>, vector<16xi32>
      %broadcast_in_dim3A_402 = arith.constant 8 : i32
      %broadcast_in_dim3A_403 = vector.broadcast %broadcast_in_dim3A_402 : i32 to vector<16xi32>
      %ge3A_404 = arith.constant 12 : i32
      %ge3A_405 = vector.broadcast %ge3A_404 : i32 to vector<16xi32>
      %ge3A_406 = arith.cmpi sge, %abs3A_393, %ge3A_405 : vector<16xi32>
      %jit3A_407 = arith.constant 1 : i32
      %jit3A_408 = arith.constant 0 : i32
      %broadcast_in_dim3A_409 = vector.broadcast %jit3A_407 : i32 to vector<16xi32>
      %broadcast_in_dim3A_410 = vector.broadcast %jit3A_408 : i32 to vector<16xi32>
      %select_n3A_411 = arith.select %ge3A_406, %broadcast_in_dim3A_409, %broadcast_in_dim3A_410 : vector<16xi1>, vector<16xi32>
      %add3A_412 = arith.addi %broadcast_in_dim3A_403, %select_n3A_411 : vector<16xi32>
      %ge3A_413 = arith.constant 16 : i32
      %ge3A_414 = vector.broadcast %ge3A_413 : i32 to vector<16xi32>
      %ge3A_415 = arith.cmpi sge, %abs3A_393, %ge3A_414 : vector<16xi32>
      %jit3A_416 = arith.constant 1 : i32
      %jit3A_417 = arith.constant 0 : i32
      %broadcast_in_dim3A_418 = vector.broadcast %jit3A_416 : i32 to vector<16xi32>
      %broadcast_in_dim3A_419 = vector.broadcast %jit3A_417 : i32 to vector<16xi32>
      %select_n3A_420 = arith.select %ge3A_415, %broadcast_in_dim3A_418, %broadcast_in_dim3A_419 : vector<16xi1>, vector<16xi32>
      %add3A_421 = arith.addi %add3A_412, %select_n3A_420 : vector<16xi32>
      %ge3A_422 = arith.constant 23 : i32
      %ge3A_423 = vector.broadcast %ge3A_422 : i32 to vector<16xi32>
      %ge3A_424 = arith.cmpi sge, %abs3A_393, %ge3A_423 : vector<16xi32>
      %jit3A_425 = arith.constant 1 : i32
      %jit3A_426 = arith.constant 0 : i32
      %broadcast_in_dim3A_427 = vector.broadcast %jit3A_425 : i32 to vector<16xi32>
      %broadcast_in_dim3A_428 = vector.broadcast %jit3A_426 : i32 to vector<16xi32>
      %select_n3A_429 = arith.select %ge3A_424, %broadcast_in_dim3A_427, %broadcast_in_dim3A_428 : vector<16xi1>, vector<16xi32>
      %add3A_430 = arith.addi %add3A_421, %select_n3A_429 : vector<16xi32>
      %ge3A_431 = arith.constant 32 : i32
      %ge3A_432 = vector.broadcast %ge3A_431 : i32 to vector<16xi32>
      %ge3A_433 = arith.cmpi sge, %abs3A_393, %ge3A_432 : vector<16xi32>
      %jit3A_434 = arith.constant 1 : i32
      %jit3A_435 = arith.constant 0 : i32
      %broadcast_in_dim3A_436 = vector.broadcast %jit3A_434 : i32 to vector<16xi32>
      %broadcast_in_dim3A_437 = vector.broadcast %jit3A_435 : i32 to vector<16xi32>
      %select_n3A_438 = arith.select %ge3A_433, %broadcast_in_dim3A_436, %broadcast_in_dim3A_437 : vector<16xi1>, vector<16xi32>
      %add3A_439 = arith.addi %add3A_430, %select_n3A_438 : vector<16xi32>
      %ge3A_440 = arith.constant 46 : i32
      %ge3A_441 = vector.broadcast %ge3A_440 : i32 to vector<16xi32>
      %ge3A_442 = arith.cmpi sge, %abs3A_393, %ge3A_441 : vector<16xi32>
      %jit3A_443 = arith.constant 1 : i32
      %jit3A_444 = arith.constant 0 : i32
      %broadcast_in_dim3A_445 = vector.broadcast %jit3A_443 : i32 to vector<16xi32>
      %broadcast_in_dim3A_446 = vector.broadcast %jit3A_444 : i32 to vector<16xi32>
      %select_n3A_447 = arith.select %ge3A_442, %broadcast_in_dim3A_445, %broadcast_in_dim3A_446 : vector<16xi1>, vector<16xi32>
      %add3A_448 = arith.addi %add3A_439, %select_n3A_447 : vector<16xi32>
      %ge3A_449 = arith.constant 64 : i32
      %ge3A_450 = vector.broadcast %ge3A_449 : i32 to vector<16xi32>
      %ge3A_451 = arith.cmpi sge, %abs3A_393, %ge3A_450 : vector<16xi32>
      %jit3A_452 = arith.constant 1 : i32
      %jit3A_453 = arith.constant 0 : i32
      %broadcast_in_dim3A_454 = vector.broadcast %jit3A_452 : i32 to vector<16xi32>
      %broadcast_in_dim3A_455 = vector.broadcast %jit3A_453 : i32 to vector<16xi32>
      %select_n3A_456 = arith.select %ge3A_451, %broadcast_in_dim3A_454, %broadcast_in_dim3A_455 : vector<16xi1>, vector<16xi32>
      %add3A_457 = arith.addi %add3A_448, %select_n3A_456 : vector<16xi32>
      %ge3A_458 = arith.constant 91 : i32
      %ge3A_459 = vector.broadcast %ge3A_458 : i32 to vector<16xi32>
      %ge3A_460 = arith.cmpi sge, %abs3A_393, %ge3A_459 : vector<16xi32>
      %jit3A_461 = arith.constant 1 : i32
      %jit3A_462 = arith.constant 0 : i32
      %broadcast_in_dim3A_463 = vector.broadcast %jit3A_461 : i32 to vector<16xi32>
      %broadcast_in_dim3A_464 = vector.broadcast %jit3A_462 : i32 to vector<16xi32>
      %select_n3A_465 = arith.select %ge3A_460, %broadcast_in_dim3A_463, %broadcast_in_dim3A_464 : vector<16xi1>, vector<16xi32>
      %add3A_466 = arith.addi %add3A_457, %select_n3A_465 : vector<16xi32>
      %lt3A_467 = arith.constant 8 : i32
      %lt3A_468 = vector.broadcast %lt3A_467 : i32 to vector<16xi32>
      %lt3A_469 = arith.cmpi slt, %abs3A_393, %lt3A_468 : vector<16xi32>
      %select_n3A_470 = arith.select %lt3A_469, %abs3A_393, %add3A_466 : vector<16xi1>, vector<16xi32>
      %add3A_471 = arith.addi %select_n3A_401, %select_n3A_470 : vector<16xi32>
      %and3A_472 = arith.constant 15 : i32
      %and3A_473 = vector.broadcast %and3A_472 : i32 to vector<16xi32>
      %and3A_474 = arith.andi %add3A_471, %and3A_473 : vector<16xi32>
      %lt3A_475 = arith.constant 16 : i32
      %lt3A_476 = vector.broadcast %lt3A_475 : i32 to vector<16xi32>
      %lt3A_477 = arith.cmpi slt, %add3A_471, %lt3A_476 : vector<16xi32>
      %broadcast_in_dim3A_478 = vector.shape_cast %and3A_474 : vector<16xi32> to vector<16x1xi32>
      %gather3A_479 = vector.shape_cast %broadcast_in_dim3A_478 : vector<16x1xi32> to vector<16xi32>
      %gather3A_480 = tpu.dynamic_gather %get3A_4[%gather3A_479] in [0] : vector<16xf32>, vector<16xi32> -> vector<16xf32>
      %broadcast_in_dim3A_481 = vector.shape_cast %and3A_474 : vector<16xi32> to vector<16x1xi32>
      %gather3A_482 = vector.shape_cast %broadcast_in_dim3A_481 : vector<16x1xi32> to vector<16xi32>
      %gather3A_483 = tpu.dynamic_gather %get3A_8[%gather3A_482] in [0] : vector<16xf32>, vector<16xi32> -> vector<16xf32>
      %select_n3A_484 = arith.select %lt3A_477, %gather3A_480, %gather3A_483 : vector<16xi1>, vector<16xf32>
      %mul3A_485 = arith.constant 16 : i32
      %mul3A_486 = arith.muli %scan3A_385, %mul3A_485 : i32
      %swap3A_487 = arith.index_cast %mul3A_486 : i32 to index
      %swap3A_488 = tpu.vector_load %arg5[%swap3A_487] {strides = array<i32>} : memref<4112xf32, #tpu.memory_space<vmem>>, vector<16xf32>,
      %swap3A_489 = vector.shape_cast %swap3A_488 : vector<16xf32> to vector<16xf32>
      %swap3A_490 = vector.shape_cast %select_n3A_484 : vector<16xf32> to vector<16xf32>
      tpu.vector_store %arg5[%swap3A_487], %swap3A_490 {strides = array<i32>} : memref<4112xf32, #tpu.memory_space<vmem>>, vector<16xf32>,
      %scan3A_491 = arith.constant 3 : i32
      %scan3A_492 = arith.addi %scan3A_171, %scan3A_491 : i32
      %mul3A_493 = arith.constant 16 : i32
      %mul3A_494 = arith.muli %scan3A_492, %mul3A_493 : i32
      %add3A_495 = vector.broadcast %mul3A_494 : i32 to vector<16xi32>
      %add3A_496 = arith.addi %add3A_495, %iota3A : vector<16xi32>
      %sub3A_497 = arith.constant 2047 : i32
      %sub3A_498 = vector.broadcast %sub3A_497 : i32 to vector<16xi32>
      %sub3A_499 = arith.subi %add3A_496, %sub3A_498 : vector<16xi32>
      %abs3A_500 = math.absi %sub3A_499 : vector<16xi32>
      %gt3A_501 = arith.constant 0 : i32
      %gt3A_502 = vector.broadcast %gt3A_501 : i32 to vector<16xi32>
      %gt3A_503 = arith.cmpi sgt, %sub3A_499, %gt3A_502 : vector<16xi32>
      %jit3A_504 = arith.constant 16 : i32
      %jit3A_505 = arith.constant 0 : i32
      %broadcast_in_dim3A_506 = vector.broadcast %jit3A_504 : i32 to vector<16xi32>
      %broadcast_in_dim3A_507 = vector.broadcast %jit3A_505 : i32 to vector<16xi32>
      %select_n3A_508 = arith.select %gt3A_503, %broadcast_in_dim3A_506, %broadcast_in_dim3A_507 : vector<16xi1>, vector<16xi32>
      %broadcast_in_dim3A_509 = arith.constant 8 : i32
      %broadcast_in_dim3A_510 = vector.broadcast %broadcast_in_dim3A_509 : i32 to vector<16xi32>
      %ge3A_511 = arith.constant 12 : i32
      %ge3A_512 = vector.broadcast %ge3A_511 : i32 to vector<16xi32>
      %ge3A_513 = arith.cmpi sge, %abs3A_500, %ge3A_512 : vector<16xi32>
      %jit3A_514 = arith.constant 1 : i32
      %jit3A_515 = arith.constant 0 : i32
      %broadcast_in_dim3A_516 = vector.broadcast %jit3A_514 : i32 to vector<16xi32>
      %broadcast_in_dim3A_517 = vector.broadcast %jit3A_515 : i32 to vector<16xi32>
      %select_n3A_518 = arith.select %ge3A_513, %broadcast_in_dim3A_516, %broadcast_in_dim3A_517 : vector<16xi1>, vector<16xi32>
      %add3A_519 = arith.addi %broadcast_in_dim3A_510, %select_n3A_518 : vector<16xi32>
      %ge3A_520 = arith.constant 16 : i32
      %ge3A_521 = vector.broadcast %ge3A_520 : i32 to vector<16xi32>
      %ge3A_522 = arith.cmpi sge, %abs3A_500, %ge3A_521 : vector<16xi32>
      %jit3A_523 = arith.constant 1 : i32
      %jit3A_524 = arith.constant 0 : i32
      %broadcast_in_dim3A_525 = vector.broadcast %jit3A_523 : i32 to vector<16xi32>
      %broadcast_in_dim3A_526 = vector.broadcast %jit3A_524 : i32 to vector<16xi32>
      %select_n3A_527 = arith.select %ge3A_522, %broadcast_in_dim3A_525, %broadcast_in_dim3A_526 : vector<16xi1>, vector<16xi32>
      %add3A_528 = arith.addi %add3A_519, %select_n3A_527 : vector<16xi32>
      %ge3A_529 = arith.constant 23 : i32
      %ge3A_530 = vector.broadcast %ge3A_529 : i32 to vector<16xi32>
      %ge3A_531 = arith.cmpi sge, %abs3A_500, %ge3A_530 : vector<16xi32>
      %jit3A_532 = arith.constant 1 : i32
      %jit3A_533 = arith.constant 0 : i32
      %broadcast_in_dim3A_534 = vector.broadcast %jit3A_532 : i32 to vector<16xi32>
      %broadcast_in_dim3A_535 = vector.broadcast %jit3A_533 : i32 to vector<16xi32>
      %select_n3A_536 = arith.select %ge3A_531, %broadcast_in_dim3A_534, %broadcast_in_dim3A_535 : vector<16xi1>, vector<16xi32>
      %add3A_537 = arith.addi %add3A_528, %select_n3A_536 : vector<16xi32>
      %ge3A_538 = arith.constant 32 : i32
      %ge3A_539 = vector.broadcast %ge3A_538 : i32 to vector<16xi32>
      %ge3A_540 = arith.cmpi sge, %abs3A_500, %ge3A_539 : vector<16xi32>
      %jit3A_541 = arith.constant 1 : i32
      %jit3A_542 = arith.constant 0 : i32
      %broadcast_in_dim3A_543 = vector.broadcast %jit3A_541 : i32 to vector<16xi32>
      %broadcast_in_dim3A_544 = vector.broadcast %jit3A_542 : i32 to vector<16xi32>
      %select_n3A_545 = arith.select %ge3A_540, %broadcast_in_dim3A_543, %broadcast_in_dim3A_544 : vector<16xi1>, vector<16xi32>
      %add3A_546 = arith.addi %add3A_537, %select_n3A_545 : vector<16xi32>
      %ge3A_547 = arith.constant 46 : i32
      %ge3A_548 = vector.broadcast %ge3A_547 : i32 to vector<16xi32>
      %ge3A_549 = arith.cmpi sge, %abs3A_500, %ge3A_548 : vector<16xi32>
      %jit3A_550 = arith.constant 1 : i32
      %jit3A_551 = arith.constant 0 : i32
      %broadcast_in_dim3A_552 = vector.broadcast %jit3A_550 : i32 to vector<16xi32>
      %broadcast_in_dim3A_553 = vector.broadcast %jit3A_551 : i32 to vector<16xi32>
      %select_n3A_554 = arith.select %ge3A_549, %broadcast_in_dim3A_552, %broadcast_in_dim3A_553 : vector<16xi1>, vector<16xi32>
      %add3A_555 = arith.addi %add3A_546, %select_n3A_554 : vector<16xi32>
      %ge3A_556 = arith.constant 64 : i32
      %ge3A_557 = vector.broadcast %ge3A_556 : i32 to vector<16xi32>
      %ge3A_558 = arith.cmpi sge, %abs3A_500, %ge3A_557 : vector<16xi32>
      %jit3A_559 = arith.constant 1 : i32
      %jit3A_560 = arith.constant 0 : i32
      %broadcast_in_dim3A_561 = vector.broadcast %jit3A_559 : i32 to vector<16xi32>
      %broadcast_in_dim3A_562 = vector.broadcast %jit3A_560 : i32 to vector<16xi32>
      %select_n3A_563 = arith.select %ge3A_558, %broadcast_in_dim3A_561, %broadcast_in_dim3A_562 : vector<16xi1>, vector<16xi32>
      %add3A_564 = arith.addi %add3A_555, %select_n3A_563 : vector<16xi32>
      %ge3A_565 = arith.constant 91 : i32
      %ge3A_566 = vector.broadcast %ge3A_565 : i32 to vector<16xi32>
      %ge3A_567 = arith.cmpi sge, %abs3A_500, %ge3A_566 : vector<16xi32>
      %jit3A_568 = arith.constant 1 : i32
      %jit3A_569 = arith.constant 0 : i32
      %broadcast_in_dim3A_570 = vector.broadcast %jit3A_568 : i32 to vector<16xi32>
      %broadcast_in_dim3A_571 = vector.broadcast %jit3A_569 : i32 to vector<16xi32>
      %select_n3A_572 = arith.select %ge3A_567, %broadcast_in_dim3A_570, %broadcast_in_dim3A_571 : vector<16xi1>, vector<16xi32>
      %add3A_573 = arith.addi %add3A_564, %select_n3A_572 : vector<16xi32>
      %lt3A_574 = arith.constant 8 : i32
      %lt3A_575 = vector.broadcast %lt3A_574 : i32 to vector<16xi32>
      %lt3A_576 = arith.cmpi slt, %abs3A_500, %lt3A_575 : vector<16xi32>
      %select_n3A_577 = arith.select %lt3A_576, %abs3A_500, %add3A_573 : vector<16xi1>, vector<16xi32>
      %add3A_578 = arith.addi %select_n3A_508, %select_n3A_577 : vector<16xi32>
      %and3A_579 = arith.constant 15 : i32
      %and3A_580 = vector.broadcast %and3A_579 : i32 to vector<16xi32>
      %and3A_581 = arith.andi %add3A_578, %and3A_580 : vector<16xi32>
      %lt3A_582 = arith.constant 16 : i32
      %lt3A_583 = vector.broadcast %lt3A_582 : i32 to vector<16xi32>
      %lt3A_584 = arith.cmpi slt, %add3A_578, %lt3A_583 : vector<16xi32>
      %broadcast_in_dim3A_585 = vector.shape_cast %and3A_581 : vector<16xi32> to vector<16x1xi32>
      %gather3A_586 = vector.shape_cast %broadcast_in_dim3A_585 : vector<16x1xi32> to vector<16xi32>
      %gather3A_587 = tpu.dynamic_gather %get3A_4[%gather3A_586] in [0] : vector<16xf32>, vector<16xi32> -> vector<16xf32>
      %broadcast_in_dim3A_588 = vector.shape_cast %and3A_581 : vector<16xi32> to vector<16x1xi32>
      %gather3A_589 = vector.shape_cast %broadcast_in_dim3A_588 : vector<16x1xi32> to vector<16xi32>
      %gather3A_590 = tpu.dynamic_gather %get3A_8[%gather3A_589] in [0] : vector<16xf32>, vector<16xi32> -> vector<16xf32>
      %select_n3A_591 = arith.select %lt3A_584, %gather3A_587, %gather3A_590 : vector<16xi1>, vector<16xf32>
      %mul3A_592 = arith.constant 16 : i32
      %mul3A_593 = arith.muli %scan3A_492, %mul3A_592 : i32
      %swap3A_594 = arith.index_cast %mul3A_593 : i32 to index
      %swap3A_595 = tpu.vector_load %arg5[%swap3A_594] {strides = array<i32>} : memref<4112xf32, #tpu.memory_space<vmem>>, vector<16xf32>,
      %swap3A_596 = vector.shape_cast %swap3A_595 : vector<16xf32> to vector<16xf32>
      %swap3A_597 = vector.shape_cast %select_n3A_591 : vector<16xf32> to vector<16xf32>
      tpu.vector_store %arg5[%swap3A_594], %swap3A_597 {strides = array<i32>} : memref<4112xf32, #tpu.memory_space<vmem>>, vector<16xf32>,
    }
    %scan3A_12 = arith.constant 256 : i32
    %scan3A_13 = arith.addi %scan3A, %scan3A_12 : i32
    %mul3A_14 = arith.constant 16 : i32
    %mul3A_15 = arith.muli %scan3A_13, %mul3A_14 : i32
    %add3A_16 = vector.broadcast %mul3A_15 : i32 to vector<16xi32>
    %add3A_17 = arith.addi %add3A_16, %iota3A : vector<16xi32>
    %sub3A = arith.constant 2047 : i32
    %sub3A_18 = vector.broadcast %sub3A : i32 to vector<16xi32>
    %sub3A_19 = arith.subi %add3A_17, %sub3A_18 : vector<16xi32>
    %abs3A = math.absi %sub3A_19 : vector<16xi32>
    %gt3A = arith.constant 0 : i32
    %gt3A_20 = vector.broadcast %gt3A : i32 to vector<16xi32>
    %gt3A_21 = arith.cmpi sgt, %sub3A_19, %gt3A_20 : vector<16xi32>
    %jit3A = arith.constant 16 : i32
    %jit3A_22 = arith.constant 0 : i32
    %broadcast_in_dim3A = vector.broadcast %jit3A : i32 to vector<16xi32>
    %broadcast_in_dim3A_23 = vector.broadcast %jit3A_22 : i32 to vector<16xi32>
    %select_n3A = arith.select %gt3A_21, %broadcast_in_dim3A, %broadcast_in_dim3A_23 : vector<16xi1>, vector<16xi32>
    %broadcast_in_dim3A_24 = arith.constant 8 : i32
    %broadcast_in_dim3A_25 = vector.broadcast %broadcast_in_dim3A_24 : i32 to vector<16xi32>
    %ge3A = arith.constant 12 : i32
    %ge3A_26 = vector.broadcast %ge3A : i32 to vector<16xi32>
    %ge3A_27 = arith.cmpi sge, %abs3A, %ge3A_26 : vector<16xi32>
    %jit3A_28 = arith.constant 1 : i32
    %jit3A_29 = arith.constant 0 : i32
    %broadcast_in_dim3A_30 = vector.broadcast %jit3A_28 : i32 to vector<16xi32>
    %broadcast_in_dim3A_31 = vector.broadcast %jit3A_29 : i32 to vector<16xi32>
    %select_n3A_32 = arith.select %ge3A_27, %broadcast_in_dim3A_30, %broadcast_in_dim3A_31 : vector<16xi1>, vector<16xi32>
    %add3A_33 = arith.addi %broadcast_in_dim3A_25, %select_n3A_32 : vector<16xi32>
    %ge3A_34 = arith.constant 16 : i32
    %ge3A_35 = vector.broadcast %ge3A_34 : i32 to vector<16xi32>
    %ge3A_36 = arith.cmpi sge, %abs3A, %ge3A_35 : vector<16xi32>
    %jit3A_37 = arith.constant 1 : i32
    %jit3A_38 = arith.constant 0 : i32
    %broadcast_in_dim3A_39 = vector.broadcast %jit3A_37 : i32 to vector<16xi32>
    %broadcast_in_dim3A_40 = vector.broadcast %jit3A_38 : i32 to vector<16xi32>
    %select_n3A_41 = arith.select %ge3A_36, %broadcast_in_dim3A_39, %broadcast_in_dim3A_40 : vector<16xi1>, vector<16xi32>
    %add3A_42 = arith.addi %add3A_33, %select_n3A_41 : vector<16xi32>
    %ge3A_43 = arith.constant 23 : i32
    %ge3A_44 = vector.broadcast %ge3A_43 : i32 to vector<16xi32>
    %ge3A_45 = arith.cmpi sge, %abs3A, %ge3A_44 : vector<16xi32>
    %jit3A_46 = arith.constant 1 : i32
    %jit3A_47 = arith.constant 0 : i32
    %broadcast_in_dim3A_48 = vector.broadcast %jit3A_46 : i32 to vector<16xi32>
    %broadcast_in_dim3A_49 = vector.broadcast %jit3A_47 : i32 to vector<16xi32>
    %select_n3A_50 = arith.select %ge3A_45, %broadcast_in_dim3A_48, %broadcast_in_dim3A_49 : vector<16xi1>, vector<16xi32>
    %add3A_51 = arith.addi %add3A_42, %select_n3A_50 : vector<16xi32>
    %ge3A_52 = arith.constant 32 : i32
    %ge3A_53 = vector.broadcast %ge3A_52 : i32 to vector<16xi32>
    %ge3A_54 = arith.cmpi sge, %abs3A, %ge3A_53 : vector<16xi32>
    %jit3A_55 = arith.constant 1 : i32
    %jit3A_56 = arith.constant 0 : i32
    %broadcast_in_dim3A_57 = vector.broadcast %jit3A_55 : i32 to vector<16xi32>
    %broadcast_in_dim3A_58 = vector.broadcast %jit3A_56 : i32 to vector<16xi32>
    %select_n3A_59 = arith.select %ge3A_54, %broadcast_in_dim3A_57, %broadcast_in_dim3A_58 : vector<16xi1>, vector<16xi32>
    %add3A_60 = arith.addi %add3A_51, %select_n3A_59 : vector<16xi32>
    %ge3A_61 = arith.constant 46 : i32
    %ge3A_62 = vector.broadcast %ge3A_61 : i32 to vector<16xi32>
    %ge3A_63 = arith.cmpi sge, %abs3A, %ge3A_62 : vector<16xi32>
    %jit3A_64 = arith.constant 1 : i32
    %jit3A_65 = arith.constant 0 : i32
    %broadcast_in_dim3A_66 = vector.broadcast %jit3A_64 : i32 to vector<16xi32>
    %broadcast_in_dim3A_67 = vector.broadcast %jit3A_65 : i32 to vector<16xi32>
    %select_n3A_68 = arith.select %ge3A_63, %broadcast_in_dim3A_66, %broadcast_in_dim3A_67 : vector<16xi1>, vector<16xi32>
    %add3A_69 = arith.addi %add3A_60, %select_n3A_68 : vector<16xi32>
    %ge3A_70 = arith.constant 64 : i32
    %ge3A_71 = vector.broadcast %ge3A_70 : i32 to vector<16xi32>
    %ge3A_72 = arith.cmpi sge, %abs3A, %ge3A_71 : vector<16xi32>
    %jit3A_73 = arith.constant 1 : i32
    %jit3A_74 = arith.constant 0 : i32
    %broadcast_in_dim3A_75 = vector.broadcast %jit3A_73 : i32 to vector<16xi32>
    %broadcast_in_dim3A_76 = vector.broadcast %jit3A_74 : i32 to vector<16xi32>
    %select_n3A_77 = arith.select %ge3A_72, %broadcast_in_dim3A_75, %broadcast_in_dim3A_76 : vector<16xi1>, vector<16xi32>
    %add3A_78 = arith.addi %add3A_69, %select_n3A_77 : vector<16xi32>
    %ge3A_79 = arith.constant 91 : i32
    %ge3A_80 = vector.broadcast %ge3A_79 : i32 to vector<16xi32>
    %ge3A_81 = arith.cmpi sge, %abs3A, %ge3A_80 : vector<16xi32>
    %jit3A_82 = arith.constant 1 : i32
    %jit3A_83 = arith.constant 0 : i32
    %broadcast_in_dim3A_84 = vector.broadcast %jit3A_82 : i32 to vector<16xi32>
    %broadcast_in_dim3A_85 = vector.broadcast %jit3A_83 : i32 to vector<16xi32>
    %select_n3A_86 = arith.select %ge3A_81, %broadcast_in_dim3A_84, %broadcast_in_dim3A_85 : vector<16xi1>, vector<16xi32>
    %add3A_87 = arith.addi %add3A_78, %select_n3A_86 : vector<16xi32>
    %lt3A = arith.constant 8 : i32
    %lt3A_88 = vector.broadcast %lt3A : i32 to vector<16xi32>
    %lt3A_89 = arith.cmpi slt, %abs3A, %lt3A_88 : vector<16xi32>
    %select_n3A_90 = arith.select %lt3A_89, %abs3A, %add3A_87 : vector<16xi1>, vector<16xi32>
    %add3A_91 = arith.addi %select_n3A, %select_n3A_90 : vector<16xi32>
    %and3A = arith.constant 15 : i32
    %and3A_92 = vector.broadcast %and3A : i32 to vector<16xi32>
    %and3A_93 = arith.andi %add3A_91, %and3A_92 : vector<16xi32>
    %lt3A_94 = arith.constant 16 : i32
    %lt3A_95 = vector.broadcast %lt3A_94 : i32 to vector<16xi32>
    %lt3A_96 = arith.cmpi slt, %add3A_91, %lt3A_95 : vector<16xi32>
    %broadcast_in_dim3A_97 = vector.shape_cast %and3A_93 : vector<16xi32> to vector<16x1xi32>
    %gather3A = vector.shape_cast %broadcast_in_dim3A_97 : vector<16x1xi32> to vector<16xi32>
    %gather3A_98 = tpu.dynamic_gather %get3A_4[%gather3A] in [0] : vector<16xf32>, vector<16xi32> -> vector<16xf32>
    %broadcast_in_dim3A_99 = vector.shape_cast %and3A_93 : vector<16xi32> to vector<16x1xi32>
    %gather3A_100 = vector.shape_cast %broadcast_in_dim3A_99 : vector<16x1xi32> to vector<16xi32>
    %gather3A_101 = tpu.dynamic_gather %get3A_8[%gather3A_100] in [0] : vector<16xf32>, vector<16xi32> -> vector<16xf32>
    %select_n3A_102 = arith.select %lt3A_96, %gather3A_98, %gather3A_101 : vector<16xi1>, vector<16xf32>
    %mul3A_103 = arith.constant 16 : i32
    %mul3A_104 = arith.muli %scan3A_13, %mul3A_103 : i32
    %swap3A = arith.index_cast %mul3A_104 : i32 to index
    %swap3A_105 = tpu.vector_load %arg5[%swap3A] {strides = array<i32>} : memref<4112xf32, #tpu.memory_space<vmem>>, vector<16xf32>,
    %swap3A_106 = vector.shape_cast %swap3A_105 : vector<16xf32> to vector<16xf32>
    %swap3A_107 = vector.shape_cast %select_n3A_102 : vector<16xf32> to vector<16xf32>
    tpu.vector_store %arg5[%swap3A], %swap3A_107 {strides = array<i32>} : memref<4112xf32, #tpu.memory_space<vmem>>, vector<16xf32>,
    %scan3A_108 = arith.constant 257 : i32
    %scan3A_109 = arith.constant 0 : i32
    %scan3A_110 = arith.constant 256 : i32
    %scan3A_111 = arith.addi %scan3A_109, %scan3A_110 : i32
    %scan3A_112 = arith.constant 8 : i32
    scf.for %scan3A_171 = %scan3A_109 to %scan3A_111 step %scan3A_112  : i32 {
      %mul3A_172 = arith.constant 16 : i32
      %mul3A_173 = arith.muli %scan3A_171, %mul3A_172 : i32
      %add3A_174 = arith.constant 0 : i32
      %add3A_175 = arith.addi %mul3A_173, %add3A_174 : i32
      %get3A_176 = arith.index_cast %add3A_175 : i32 to index
      %get3A_177 = tpu.vector_load %arg5[%get3A_176] {strides = array<i32>} : memref<4112xf32, #tpu.memory_space<vmem>>, vector<16xf32>,
      %get3A_178 = vector.shape_cast %get3A_177 : vector<16xf32> to vector<16xf32>
      %mul3A_179 = arith.constant 16 : i32
      %mul3A_180 = arith.muli %scan3A_171, %mul3A_179 : i32
      %add3A_181 = arith.constant 0 : i32
      %add3A_182 = arith.addi %add3A_181, %mul3A_180 : i32
      %swap3A_183 = arith.index_cast %add3A_182 : i32 to index
      %swap3A_184 = tpu.vector_load %arg6[%swap3A_183] {strides = array<i32>} : memref<32768xf32, #tpu.memory_space<vmem>>, vector<16xf32>,
      %swap3A_185 = vector.shape_cast %swap3A_184 : vector<16xf32> to vector<16xf32>
      %swap3A_186 = vector.shape_cast %get3A_178 : vector<16xf32> to vector<16xf32>
      tpu.vector_store %arg6[%swap3A_183], %swap3A_186 {strides = array<i32>} : memref<32768xf32, #tpu.memory_space<vmem>>, vector<16xf32>,
      %scan3A_187 = arith.constant 1 : i32
      %scan3A_188 = arith.addi %scan3A_171, %scan3A_187 : i32
      %mul3A_189 = arith.constant 16 : i32
      %mul3A_190 = arith.muli %scan3A_188, %mul3A_189 : i32
      %add3A_191 = arith.constant 0 : i32
      %add3A_192 = arith.addi %mul3A_190, %add3A_191 : i32
      %get3A_193 = arith.index_cast %add3A_192 : i32 to index
      %get3A_194 = tpu.vector_load %arg5[%get3A_193] {strides = array<i32>} : memref<4112xf32, #tpu.memory_space<vmem>>, vector<16xf32>,
      %get3A_195 = vector.shape_cast %get3A_194 : vector<16xf32> to vector<16xf32>
      %mul3A_196 = arith.constant 16 : i32
      %mul3A_197 = arith.muli %scan3A_188, %mul3A_196 : i32
      %add3A_198 = arith.constant 0 : i32
      %add3A_199 = arith.addi %add3A_198, %mul3A_197 : i32
      %swap3A_200 = arith.index_cast %add3A_199 : i32 to index
      %swap3A_201 = tpu.vector_load %arg6[%swap3A_200] {strides = array<i32>} : memref<32768xf32, #tpu.memory_space<vmem>>, vector<16xf32>,
      %swap3A_202 = vector.shape_cast %swap3A_201 : vector<16xf32> to vector<16xf32>
      %swap3A_203 = vector.shape_cast %get3A_195 : vector<16xf32> to vector<16xf32>
      tpu.vector_store %arg6[%swap3A_200], %swap3A_203 {strides = array<i32>} : memref<32768xf32, #tpu.memory_space<vmem>>, vector<16xf32>,
      %scan3A_204 = arith.constant 2 : i32
      %scan3A_205 = arith.addi %scan3A_171, %scan3A_204 : i32
      %mul3A_206 = arith.constant 16 : i32
      %mul3A_207 = arith.muli %scan3A_205, %mul3A_206 : i32
      %add3A_208 = arith.constant 0 : i32
      %add3A_209 = arith.addi %mul3A_207, %add3A_208 : i32
      %get3A_210 = arith.index_cast %add3A_209 : i32 to index
      %get3A_211 = tpu.vector_load %arg5[%get3A_210] {strides = array<i32>} : memref<4112xf32, #tpu.memory_space<vmem>>, vector<16xf32>,
      %get3A_212 = vector.shape_cast %get3A_211 : vector<16xf32> to vector<16xf32>
      %mul3A_213 = arith.constant 16 : i32
      %mul3A_214 = arith.muli %scan3A_205, %mul3A_213 : i32
      %add3A_215 = arith.constant 0 : i32
      %add3A_216 = arith.addi %add3A_215, %mul3A_214 : i32
      %swap3A_217 = arith.index_cast %add3A_216 : i32 to index
      %swap3A_218 = tpu.vector_load %arg6[%swap3A_217] {strides = array<i32>} : memref<32768xf32, #tpu.memory_space<vmem>>, vector<16xf32>,
      %swap3A_219 = vector.shape_cast %swap3A_218 : vector<16xf32> to vector<16xf32>
      %swap3A_220 = vector.shape_cast %get3A_212 : vector<16xf32> to vector<16xf32>
      tpu.vector_store %arg6[%swap3A_217], %swap3A_220 {strides = array<i32>} : memref<32768xf32, #tpu.memory_space<vmem>>, vector<16xf32>,
      %scan3A_221 = arith.constant 3 : i32
      %scan3A_222 = arith.addi %scan3A_171, %scan3A_221 : i32
      %mul3A_223 = arith.constant 16 : i32
      %mul3A_224 = arith.muli %scan3A_222, %mul3A_223 : i32
      %add3A_225 = arith.constant 0 : i32
      %add3A_226 = arith.addi %mul3A_224, %add3A_225 : i32
      %get3A_227 = arith.index_cast %add3A_226 : i32 to index
      %get3A_228 = tpu.vector_load %arg5[%get3A_227] {strides = array<i32>} : memref<4112xf32, #tpu.memory_space<vmem>>, vector<16xf32>,
      %get3A_229 = vector.shape_cast %get3A_228 : vector<16xf32> to vector<16xf32>
      %mul3A_230 = arith.constant 16 : i32
      %mul3A_231 = arith.muli %scan3A_222, %mul3A_230 : i32
      %add3A_232 = arith.constant 0 : i32
      %add3A_233 = arith.addi %add3A_232, %mul3A_231 : i32
      %swap3A_234 = arith.index_cast %add3A_233 : i32 to index
      %swap3A_235 = tpu.vector_load %arg6[%swap3A_234] {strides = array<i32>} : memref<32768xf32, #tpu.memory_space<vmem>>, vector<16xf32>,
      %swap3A_236 = vector.shape_cast %swap3A_235 : vector<16xf32> to vector<16xf32>
      %swap3A_237 = vector.shape_cast %get3A_229 : vector<16xf32> to vector<16xf32>
      tpu.vector_store %arg6[%swap3A_234], %swap3A_237 {strides = array<i32>} : memref<32768xf32, #tpu.memory_space<vmem>>, vector<16xf32>,
      %scan3A_238 = arith.constant 4 : i32
      %scan3A_239 = arith.addi %scan3A_171, %scan3A_238 : i32
      %mul3A_240 = arith.constant 16 : i32
      %mul3A_241 = arith.muli %scan3A_239, %mul3A_240 : i32
      %add3A_242 = arith.constant 0 : i32
      %add3A_243 = arith.addi %mul3A_241, %add3A_242 : i32
      %get3A_244 = arith.index_cast %add3A_243 : i32 to index
      %get3A_245 = tpu.vector_load %arg5[%get3A_244] {strides = array<i32>} : memref<4112xf32, #tpu.memory_space<vmem>>, vector<16xf32>,
      %get3A_246 = vector.shape_cast %get3A_245 : vector<16xf32> to vector<16xf32>
      %mul3A_247 = arith.constant 16 : i32
      %mul3A_248 = arith.muli %scan3A_239, %mul3A_247 : i32
      %add3A_249 = arith.constant 0 : i32
      %add3A_250 = arith.addi %add3A_249, %mul3A_248 : i32
      %swap3A_251 = arith.index_cast %add3A_250 : i32 to index
      %swap3A_252 = tpu.vector_load %arg6[%swap3A_251] {strides = array<i32>} : memref<32768xf32, #tpu.memory_space<vmem>>, vector<16xf32>,
      %swap3A_253 = vector.shape_cast %swap3A_252 : vector<16xf32> to vector<16xf32>
      %swap3A_254 = vector.shape_cast %get3A_246 : vector<16xf32> to vector<16xf32>
      tpu.vector_store %arg6[%swap3A_251], %swap3A_254 {strides = array<i32>} : memref<32768xf32, #tpu.memory_space<vmem>>, vector<16xf32>,
      %scan3A_255 = arith.constant 5 : i32
      %scan3A_256 = arith.addi %scan3A_171, %scan3A_255 : i32
      %mul3A_257 = arith.constant 16 : i32
      %mul3A_258 = arith.muli %scan3A_256, %mul3A_257 : i32
      %add3A_259 = arith.constant 0 : i32
      %add3A_260 = arith.addi %mul3A_258, %add3A_259 : i32
      %get3A_261 = arith.index_cast %add3A_260 : i32 to index
      %get3A_262 = tpu.vector_load %arg5[%get3A_261] {strides = array<i32>} : memref<4112xf32, #tpu.memory_space<vmem>>, vector<16xf32>,
      %get3A_263 = vector.shape_cast %get3A_262 : vector<16xf32> to vector<16xf32>
      %mul3A_264 = arith.constant 16 : i32
      %mul3A_265 = arith.muli %scan3A_256, %mul3A_264 : i32
      %add3A_266 = arith.constant 0 : i32
      %add3A_267 = arith.addi %add3A_266, %mul3A_265 : i32
      %swap3A_268 = arith.index_cast %add3A_267 : i32 to index
      %swap3A_269 = tpu.vector_load %arg6[%swap3A_268] {strides = array<i32>} : memref<32768xf32, #tpu.memory_space<vmem>>, vector<16xf32>,
      %swap3A_270 = vector.shape_cast %swap3A_269 : vector<16xf32> to vector<16xf32>
      %swap3A_271 = vector.shape_cast %get3A_263 : vector<16xf32> to vector<16xf32>
      tpu.vector_store %arg6[%swap3A_268], %swap3A_271 {strides = array<i32>} : memref<32768xf32, #tpu.memory_space<vmem>>, vector<16xf32>,
      %scan3A_272 = arith.constant 6 : i32
      %scan3A_273 = arith.addi %scan3A_171, %scan3A_272 : i32
      %mul3A_274 = arith.constant 16 : i32
      %mul3A_275 = arith.muli %scan3A_273, %mul3A_274 : i32
      %add3A_276 = arith.constant 0 : i32
      %add3A_277 = arith.addi %mul3A_275, %add3A_276 : i32
      %get3A_278 = arith.index_cast %add3A_277 : i32 to index
      %get3A_279 = tpu.vector_load %arg5[%get3A_278] {strides = array<i32>} : memref<4112xf32, #tpu.memory_space<vmem>>, vector<16xf32>,
      %get3A_280 = vector.shape_cast %get3A_279 : vector<16xf32> to vector<16xf32>
      %mul3A_281 = arith.constant 16 : i32
      %mul3A_282 = arith.muli %scan3A_273, %mul3A_281 : i32
      %add3A_283 = arith.constant 0 : i32
      %add3A_284 = arith.addi %add3A_283, %mul3A_282 : i32
      %swap3A_285 = arith.index_cast %add3A_284 : i32 to index
      %swap3A_286 = tpu.vector_load %arg6[%swap3A_285] {strides = array<i32>} : memref<32768xf32, #tpu.memory_space<vmem>>, vector<16xf32>,
      %swap3A_287 = vector.shape_cast %swap3A_286 : vector<16xf32> to vector<16xf32>
      %swap3A_288 = vector.shape_cast %get3A_280 : vector<16xf32> to vector<16xf32>
      tpu.vector_store %arg6[%swap3A_285], %swap3A_288 {strides = array<i32>} : memref<32768xf32, #tpu.memory_space<vmem>>, vector<16xf32>,
      %scan3A_289 = arith.constant 7 : i32
      %scan3A_290 = arith.addi %scan3A_171, %scan3A_289 : i32
      %mul3A_291 = arith.constant 16 : i32
      %mul3A_292 = arith.muli %scan3A_290, %mul3A_291 : i32
      %add3A_293 = arith.constant 0 : i32
      %add3A_294 = arith.addi %mul3A_292, %add3A_293 : i32
      %get3A_295 = arith.index_cast %add3A_294 : i32 to index
      %get3A_296 = tpu.vector_load %arg5[%get3A_295] {strides = array<i32>} : memref<4112xf32, #tpu.memory_space<vmem>>, vector<16xf32>,
      %get3A_297 = vector.shape_cast %get3A_296 : vector<16xf32> to vector<16xf32>
      %mul3A_298 = arith.constant 16 : i32
      %mul3A_299 = arith.muli %scan3A_290, %mul3A_298 : i32
      %add3A_300 = arith.constant 0 : i32
      %add3A_301 = arith.addi %add3A_300, %mul3A_299 : i32
      %swap3A_302 = arith.index_cast %add3A_301 : i32 to index
      %swap3A_303 = tpu.vector_load %arg6[%swap3A_302] {strides = array<i32>} : memref<32768xf32, #tpu.memory_space<vmem>>, vector<16xf32>,
      %swap3A_304 = vector.shape_cast %swap3A_303 : vector<16xf32> to vector<16xf32>
      %swap3A_305 = vector.shape_cast %get3A_297 : vector<16xf32> to vector<16xf32>
      tpu.vector_store %arg6[%swap3A_302], %swap3A_305 {strides = array<i32>} : memref<32768xf32, #tpu.memory_space<vmem>>, vector<16xf32>,
    }
    %scan3A_113 = arith.constant 256 : i32
    %scan3A_114 = arith.constant 0 : i32
    %scan3A_115 = arith.constant 256 : i32
    %scan3A_116 = arith.addi %scan3A_114, %scan3A_115 : i32
    %scan3A_117 = arith.constant 8 : i32
    scf.for %scan3A_171 = %scan3A_114 to %scan3A_116 step %scan3A_117  : i32 {
      %mul3A_172 = arith.constant 16 : i32
      %mul3A_173 = arith.muli %scan3A_171, %mul3A_172 : i32
      %add3A_174 = arith.constant 1 : i32
      %add3A_175 = arith.addi %mul3A_173, %add3A_174 : i32
      %get3A_176 = arith.index_cast %add3A_175 : i32 to index
      %get3A_177 = tpu.vector_load %arg5[%get3A_176] {strides = array<i32>} : memref<4112xf32, #tpu.memory_space<vmem>>, vector<16xf32>,
      %get3A_178 = vector.shape_cast %get3A_177 : vector<16xf32> to vector<16xf32>
      %mul3A_179 = arith.constant 16 : i32
      %mul3A_180 = arith.muli %scan3A_171, %mul3A_179 : i32
      %add3A_181 = arith.constant 4096 : i32
      %add3A_182 = arith.addi %add3A_181, %mul3A_180 : i32
      %swap3A_183 = arith.index_cast %add3A_182 : i32 to index
      %swap3A_184 = tpu.vector_load %arg6[%swap3A_183] {strides = array<i32>} : memref<32768xf32, #tpu.memory_space<vmem>>, vector<16xf32>,
      %swap3A_185 = vector.shape_cast %swap3A_184 : vector<16xf32> to vector<16xf32>
      %swap3A_186 = vector.shape_cast %get3A_178 : vector<16xf32> to vector<16xf32>
      tpu.vector_store %arg6[%swap3A_183], %swap3A_186 {strides = array<i32>} : memref<32768xf32, #tpu.memory_space<vmem>>, vector<16xf32>,
      %scan3A_187 = arith.constant 1 : i32
      %scan3A_188 = arith.addi %scan3A_171, %scan3A_187 : i32
      %mul3A_189 = arith.constant 16 : i32
      %mul3A_190 = arith.muli %scan3A_188, %mul3A_189 : i32
      %add3A_191 = arith.constant 1 : i32
      %add3A_192 = arith.addi %mul3A_190, %add3A_191 : i32
      %get3A_193 = arith.index_cast %add3A_192 : i32 to index
      %get3A_194 = tpu.vector_load %arg5[%get3A_193] {strides = array<i32>} : memref<4112xf32, #tpu.memory_space<vmem>>, vector<16xf32>,
      %get3A_195 = vector.shape_cast %get3A_194 : vector<16xf32> to vector<16xf32>
      %mul3A_196 = arith.constant 16 : i32
      %mul3A_197 = arith.muli %scan3A_188, %mul3A_196 : i32
      %add3A_198 = arith.constant 4096 : i32
      %add3A_199 = arith.addi %add3A_198, %mul3A_197 : i32
      %swap3A_200 = arith.index_cast %add3A_199 : i32 to index
      %swap3A_201 = tpu.vector_load %arg6[%swap3A_200] {strides = array<i32>} : memref<32768xf32, #tpu.memory_space<vmem>>, vector<16xf32>,
      %swap3A_202 = vector.shape_cast %swap3A_201 : vector<16xf32> to vector<16xf32>
      %swap3A_203 = vector.shape_cast %get3A_195 : vector<16xf32> to vector<16xf32>
      tpu.vector_store %arg6[%swap3A_200], %swap3A_203 {strides = array<i32>} : memref<32768xf32, #tpu.memory_space<vmem>>, vector<16xf32>,
      %scan3A_204 = arith.constant 2 : i32
      %scan3A_205 = arith.addi %scan3A_171, %scan3A_204 : i32
      %mul3A_206 = arith.constant 16 : i32
      %mul3A_207 = arith.muli %scan3A_205, %mul3A_206 : i32
      %add3A_208 = arith.constant 1 : i32
      %add3A_209 = arith.addi %mul3A_207, %add3A_208 : i32
      %get3A_210 = arith.index_cast %add3A_209 : i32 to index
      %get3A_211 = tpu.vector_load %arg5[%get3A_210] {strides = array<i32>} : memref<4112xf32, #tpu.memory_space<vmem>>, vector<16xf32>,
      %get3A_212 = vector.shape_cast %get3A_211 : vector<16xf32> to vector<16xf32>
      %mul3A_213 = arith.constant 16 : i32
      %mul3A_214 = arith.muli %scan3A_205, %mul3A_213 : i32
      %add3A_215 = arith.constant 4096 : i32
      %add3A_216 = arith.addi %add3A_215, %mul3A_214 : i32
      %swap3A_217 = arith.index_cast %add3A_216 : i32 to index
      %swap3A_218 = tpu.vector_load %arg6[%swap3A_217] {strides = array<i32>} : memref<32768xf32, #tpu.memory_space<vmem>>, vector<16xf32>,
      %swap3A_219 = vector.shape_cast %swap3A_218 : vector<16xf32> to vector<16xf32>
      %swap3A_220 = vector.shape_cast %get3A_212 : vector<16xf32> to vector<16xf32>
      tpu.vector_store %arg6[%swap3A_217], %swap3A_220 {strides = array<i32>} : memref<32768xf32, #tpu.memory_space<vmem>>, vector<16xf32>,
      %scan3A_221 = arith.constant 3 : i32
      %scan3A_222 = arith.addi %scan3A_171, %scan3A_221 : i32
      %mul3A_223 = arith.constant 16 : i32
      %mul3A_224 = arith.muli %scan3A_222, %mul3A_223 : i32
      %add3A_225 = arith.constant 1 : i32
      %add3A_226 = arith.addi %mul3A_224, %add3A_225 : i32
      %get3A_227 = arith.index_cast %add3A_226 : i32 to index
      %get3A_228 = tpu.vector_load %arg5[%get3A_227] {strides = array<i32>} : memref<4112xf32, #tpu.memory_space<vmem>>, vector<16xf32>,
      %get3A_229 = vector.shape_cast %get3A_228 : vector<16xf32> to vector<16xf32>
      %mul3A_230 = arith.constant 16 : i32
      %mul3A_231 = arith.muli %scan3A_222, %mul3A_230 : i32
      %add3A_232 = arith.constant 4096 : i32
      %add3A_233 = arith.addi %add3A_232, %mul3A_231 : i32
      %swap3A_234 = arith.index_cast %add3A_233 : i32 to index
      %swap3A_235 = tpu.vector_load %arg6[%swap3A_234] {strides = array<i32>} : memref<32768xf32, #tpu.memory_space<vmem>>, vector<16xf32>,
      %swap3A_236 = vector.shape_cast %swap3A_235 : vector<16xf32> to vector<16xf32>
      %swap3A_237 = vector.shape_cast %get3A_229 : vector<16xf32> to vector<16xf32>
      tpu.vector_store %arg6[%swap3A_234], %swap3A_237 {strides = array<i32>} : memref<32768xf32, #tpu.memory_space<vmem>>, vector<16xf32>,
      %scan3A_238 = arith.constant 4 : i32
      %scan3A_239 = arith.addi %scan3A_171, %scan3A_238 : i32
      %mul3A_240 = arith.constant 16 : i32
      %mul3A_241 = arith.muli %scan3A_239, %mul3A_240 : i32
      %add3A_242 = arith.constant 1 : i32
      %add3A_243 = arith.addi %mul3A_241, %add3A_242 : i32
      %get3A_244 = arith.index_cast %add3A_243 : i32 to index
      %get3A_245 = tpu.vector_load %arg5[%get3A_244] {strides = array<i32>} : memref<4112xf32, #tpu.memory_space<vmem>>, vector<16xf32>,
      %get3A_246 = vector.shape_cast %get3A_245 : vector<16xf32> to vector<16xf32>
      %mul3A_247 = arith.constant 16 : i32
      %mul3A_248 = arith.muli %scan3A_239, %mul3A_247 : i32
      %add3A_249 = arith.constant 4096 : i32
      %add3A_250 = arith.addi %add3A_249, %mul3A_248 : i32
      %swap3A_251 = arith.index_cast %add3A_250 : i32 to index
      %swap3A_252 = tpu.vector_load %arg6[%swap3A_251] {strides = array<i32>} : memref<32768xf32, #tpu.memory_space<vmem>>, vector<16xf32>,
      %swap3A_253 = vector.shape_cast %swap3A_252 : vector<16xf32> to vector<16xf32>
      %swap3A_254 = vector.shape_cast %get3A_246 : vector<16xf32> to vector<16xf32>
      tpu.vector_store %arg6[%swap3A_251], %swap3A_254 {strides = array<i32>} : memref<32768xf32, #tpu.memory_space<vmem>>, vector<16xf32>,
      %scan3A_255 = arith.constant 5 : i32
      %scan3A_256 = arith.addi %scan3A_171, %scan3A_255 : i32
      %mul3A_257 = arith.constant 16 : i32
      %mul3A_258 = arith.muli %scan3A_256, %mul3A_257 : i32
      %add3A_259 = arith.constant 1 : i32
      %add3A_260 = arith.addi %mul3A_258, %add3A_259 : i32
      %get3A_261 = arith.index_cast %add3A_260 : i32 to index
      %get3A_262 = tpu.vector_load %arg5[%get3A_261] {strides = array<i32>} : memref<4112xf32, #tpu.memory_space<vmem>>, vector<16xf32>,
      %get3A_263 = vector.shape_cast %get3A_262 : vector<16xf32> to vector<16xf32>
      %mul3A_264 = arith.constant 16 : i32
      %mul3A_265 = arith.muli %scan3A_256, %mul3A_264 : i32
      %add3A_266 = arith.constant 4096 : i32
      %add3A_267 = arith.addi %add3A_266, %mul3A_265 : i32
      %swap3A_268 = arith.index_cast %add3A_267 : i32 to index
      %swap3A_269 = tpu.vector_load %arg6[%swap3A_268] {strides = array<i32>} : memref<32768xf32, #tpu.memory_space<vmem>>, vector<16xf32>,
      %swap3A_270 = vector.shape_cast %swap3A_269 : vector<16xf32> to vector<16xf32>
      %swap3A_271 = vector.shape_cast %get3A_263 : vector<16xf32> to vector<16xf32>
      tpu.vector_store %arg6[%swap3A_268], %swap3A_271 {strides = array<i32>} : memref<32768xf32, #tpu.memory_space<vmem>>, vector<16xf32>,
      %scan3A_272 = arith.constant 6 : i32
      %scan3A_273 = arith.addi %scan3A_171, %scan3A_272 : i32
      %mul3A_274 = arith.constant 16 : i32
      %mul3A_275 = arith.muli %scan3A_273, %mul3A_274 : i32
      %add3A_276 = arith.constant 1 : i32
      %add3A_277 = arith.addi %mul3A_275, %add3A_276 : i32
      %get3A_278 = arith.index_cast %add3A_277 : i32 to index
      %get3A_279 = tpu.vector_load %arg5[%get3A_278] {strides = array<i32>} : memref<4112xf32, #tpu.memory_space<vmem>>, vector<16xf32>,
      %get3A_280 = vector.shape_cast %get3A_279 : vector<16xf32> to vector<16xf32>
      %mul3A_281 = arith.constant 16 : i32
      %mul3A_282 = arith.muli %scan3A_273, %mul3A_281 : i32
      %add3A_283 = arith.constant 4096 : i32
      %add3A_284 = arith.addi %add3A_283, %mul3A_282 : i32
      %swap3A_285 = arith.index_cast %add3A_284 : i32 to index
      %swap3A_286 = tpu.vector_load %arg6[%swap3A_285] {strides = array<i32>} : memref<32768xf32, #tpu.memory_space<vmem>>, vector<16xf32>,
      %swap3A_287 = vector.shape_cast %swap3A_286 : vector<16xf32> to vector<16xf32>
      %swap3A_288 = vector.shape_cast %get3A_280 : vector<16xf32> to vector<16xf32>
      tpu.vector_store %arg6[%swap3A_285], %swap3A_288 {strides = array<i32>} : memref<32768xf32, #tpu.memory_space<vmem>>, vector<16xf32>,
      %scan3A_289 = arith.constant 7 : i32
      %scan3A_290 = arith.addi %scan3A_171, %scan3A_289 : i32
      %mul3A_291 = arith.constant 16 : i32
      %mul3A_292 = arith.muli %scan3A_290, %mul3A_291 : i32
      %add3A_293 = arith.constant 1 : i32
      %add3A_294 = arith.addi %mul3A_292, %add3A_293 : i32
      %get3A_295 = arith.index_cast %add3A_294 : i32 to index
      %get3A_296 = tpu.vector_load %arg5[%get3A_295] {strides = array<i32>} : memref<4112xf32, #tpu.memory_space<vmem>>, vector<16xf32>,
      %get3A_297 = vector.shape_cast %get3A_296 : vector<16xf32> to vector<16xf32>
      %mul3A_298 = arith.constant 16 : i32
      %mul3A_299 = arith.muli %scan3A_290, %mul3A_298 : i32
      %add3A_300 = arith.constant 4096 : i32
      %add3A_301 = arith.addi %add3A_300, %mul3A_299 : i32
      %swap3A_302 = arith.index_cast %add3A_301 : i32 to index
      %swap3A_303 = tpu.vector_load %arg6[%swap3A_302] {strides = array<i32>} : memref<32768xf32, #tpu.memory_space<vmem>>, vector<16xf32>,
      %swap3A_304 = vector.shape_cast %swap3A_303 : vector<16xf32> to vector<16xf32>
      %swap3A_305 = vector.shape_cast %get3A_297 : vector<16xf32> to vector<16xf32>
      tpu.vector_store %arg6[%swap3A_302], %swap3A_305 {strides = array<i32>} : memref<32768xf32, #tpu.memory_space<vmem>>, vector<16xf32>,
    }
    %scan3A_118 = arith.constant 256 : i32
    %scan3A_119 = arith.constant 0 : i32
    %scan3A_120 = arith.constant 256 : i32
    %scan3A_121 = arith.addi %scan3A_119, %scan3A_120 : i32
    %scan3A_122 = arith.constant 8 : i32
    scf.for %scan3A_171 = %scan3A_119 to %scan3A_121 step %scan3A_122  : i32 {
      %mul3A_172 = arith.constant 16 : i32
      %mul3A_173 = arith.muli %scan3A_171, %mul3A_172 : i32
      %add3A_174 = arith.constant 2 : i32
      %add3A_175 = arith.addi %mul3A_173, %add3A_174 : i32
      %get3A_176 = arith.index_cast %add3A_175 : i32 to index
      %get3A_177 = tpu.vector_load %arg5[%get3A_176] {strides = array<i32>} : memref<4112xf32, #tpu.memory_space<vmem>>, vector<16xf32>,
      %get3A_178 = vector.shape_cast %get3A_177 : vector<16xf32> to vector<16xf32>
      %mul3A_179 = arith.constant 16 : i32
      %mul3A_180 = arith.muli %scan3A_171, %mul3A_179 : i32
      %add3A_181 = arith.constant 8192 : i32
      %add3A_182 = arith.addi %add3A_181, %mul3A_180 : i32
      %swap3A_183 = arith.index_cast %add3A_182 : i32 to index
      %swap3A_184 = tpu.vector_load %arg6[%swap3A_183] {strides = array<i32>} : memref<32768xf32, #tpu.memory_space<vmem>>, vector<16xf32>,
      %swap3A_185 = vector.shape_cast %swap3A_184 : vector<16xf32> to vector<16xf32>
      %swap3A_186 = vector.shape_cast %get3A_178 : vector<16xf32> to vector<16xf32>
      tpu.vector_store %arg6[%swap3A_183], %swap3A_186 {strides = array<i32>} : memref<32768xf32, #tpu.memory_space<vmem>>, vector<16xf32>,
      %scan3A_187 = arith.constant 1 : i32
      %scan3A_188 = arith.addi %scan3A_171, %scan3A_187 : i32
      %mul3A_189 = arith.constant 16 : i32
      %mul3A_190 = arith.muli %scan3A_188, %mul3A_189 : i32
      %add3A_191 = arith.constant 2 : i32
      %add3A_192 = arith.addi %mul3A_190, %add3A_191 : i32
      %get3A_193 = arith.index_cast %add3A_192 : i32 to index
      %get3A_194 = tpu.vector_load %arg5[%get3A_193] {strides = array<i32>} : memref<4112xf32, #tpu.memory_space<vmem>>, vector<16xf32>,
      %get3A_195 = vector.shape_cast %get3A_194 : vector<16xf32> to vector<16xf32>
      %mul3A_196 = arith.constant 16 : i32
      %mul3A_197 = arith.muli %scan3A_188, %mul3A_196 : i32
      %add3A_198 = arith.constant 8192 : i32
      %add3A_199 = arith.addi %add3A_198, %mul3A_197 : i32
      %swap3A_200 = arith.index_cast %add3A_199 : i32 to index
      %swap3A_201 = tpu.vector_load %arg6[%swap3A_200] {strides = array<i32>} : memref<32768xf32, #tpu.memory_space<vmem>>, vector<16xf32>,
      %swap3A_202 = vector.shape_cast %swap3A_201 : vector<16xf32> to vector<16xf32>
      %swap3A_203 = vector.shape_cast %get3A_195 : vector<16xf32> to vector<16xf32>
      tpu.vector_store %arg6[%swap3A_200], %swap3A_203 {strides = array<i32>} : memref<32768xf32, #tpu.memory_space<vmem>>, vector<16xf32>,
      %scan3A_204 = arith.constant 2 : i32
      %scan3A_205 = arith.addi %scan3A_171, %scan3A_204 : i32
      %mul3A_206 = arith.constant 16 : i32
      %mul3A_207 = arith.muli %scan3A_205, %mul3A_206 : i32
      %add3A_208 = arith.constant 2 : i32
      %add3A_209 = arith.addi %mul3A_207, %add3A_208 : i32
      %get3A_210 = arith.index_cast %add3A_209 : i32 to index
      %get3A_211 = tpu.vector_load %arg5[%get3A_210] {strides = array<i32>} : memref<4112xf32, #tpu.memory_space<vmem>>, vector<16xf32>,
      %get3A_212 = vector.shape_cast %get3A_211 : vector<16xf32> to vector<16xf32>
      %mul3A_213 = arith.constant 16 : i32
      %mul3A_214 = arith.muli %scan3A_205, %mul3A_213 : i32
      %add3A_215 = arith.constant 8192 : i32
      %add3A_216 = arith.addi %add3A_215, %mul3A_214 : i32
      %swap3A_217 = arith.index_cast %add3A_216 : i32 to index
      %swap3A_218 = tpu.vector_load %arg6[%swap3A_217] {strides = array<i32>} : memref<32768xf32, #tpu.memory_space<vmem>>, vector<16xf32>,
      %swap3A_219 = vector.shape_cast %swap3A_218 : vector<16xf32> to vector<16xf32>
      %swap3A_220 = vector.shape_cast %get3A_212 : vector<16xf32> to vector<16xf32>
      tpu.vector_store %arg6[%swap3A_217], %swap3A_220 {strides = array<i32>} : memref<32768xf32, #tpu.memory_space<vmem>>, vector<16xf32>,
      %scan3A_221 = arith.constant 3 : i32
      %scan3A_222 = arith.addi %scan3A_171, %scan3A_221 : i32
      %mul3A_223 = arith.constant 16 : i32
      %mul3A_224 = arith.muli %scan3A_222, %mul3A_223 : i32
      %add3A_225 = arith.constant 2 : i32
      %add3A_226 = arith.addi %mul3A_224, %add3A_225 : i32
      %get3A_227 = arith.index_cast %add3A_226 : i32 to index
      %get3A_228 = tpu.vector_load %arg5[%get3A_227] {strides = array<i32>} : memref<4112xf32, #tpu.memory_space<vmem>>, vector<16xf32>,
      %get3A_229 = vector.shape_cast %get3A_228 : vector<16xf32> to vector<16xf32>
      %mul3A_230 = arith.constant 16 : i32
      %mul3A_231 = arith.muli %scan3A_222, %mul3A_230 : i32
      %add3A_232 = arith.constant 8192 : i32
      %add3A_233 = arith.addi %add3A_232, %mul3A_231 : i32
      %swap3A_234 = arith.index_cast %add3A_233 : i32 to index
      %swap3A_235 = tpu.vector_load %arg6[%swap3A_234] {strides = array<i32>} : memref<32768xf32, #tpu.memory_space<vmem>>, vector<16xf32>,
      %swap3A_236 = vector.shape_cast %swap3A_235 : vector<16xf32> to vector<16xf32>
      %swap3A_237 = vector.shape_cast %get3A_229 : vector<16xf32> to vector<16xf32>
      tpu.vector_store %arg6[%swap3A_234], %swap3A_237 {strides = array<i32>} : memref<32768xf32, #tpu.memory_space<vmem>>, vector<16xf32>,
      %scan3A_238 = arith.constant 4 : i32
      %scan3A_239 = arith.addi %scan3A_171, %scan3A_238 : i32
      %mul3A_240 = arith.constant 16 : i32
      %mul3A_241 = arith.muli %scan3A_239, %mul3A_240 : i32
      %add3A_242 = arith.constant 2 : i32
      %add3A_243 = arith.addi %mul3A_241, %add3A_242 : i32
      %get3A_244 = arith.index_cast %add3A_243 : i32 to index
      %get3A_245 = tpu.vector_load %arg5[%get3A_244] {strides = array<i32>} : memref<4112xf32, #tpu.memory_space<vmem>>, vector<16xf32>,
      %get3A_246 = vector.shape_cast %get3A_245 : vector<16xf32> to vector<16xf32>
      %mul3A_247 = arith.constant 16 : i32
      %mul3A_248 = arith.muli %scan3A_239, %mul3A_247 : i32
      %add3A_249 = arith.constant 8192 : i32
      %add3A_250 = arith.addi %add3A_249, %mul3A_248 : i32
      %swap3A_251 = arith.index_cast %add3A_250 : i32 to index
      %swap3A_252 = tpu.vector_load %arg6[%swap3A_251] {strides = array<i32>} : memref<32768xf32, #tpu.memory_space<vmem>>, vector<16xf32>,
      %swap3A_253 = vector.shape_cast %swap3A_252 : vector<16xf32> to vector<16xf32>
      %swap3A_254 = vector.shape_cast %get3A_246 : vector<16xf32> to vector<16xf32>
      tpu.vector_store %arg6[%swap3A_251], %swap3A_254 {strides = array<i32>} : memref<32768xf32, #tpu.memory_space<vmem>>, vector<16xf32>,
      %scan3A_255 = arith.constant 5 : i32
      %scan3A_256 = arith.addi %scan3A_171, %scan3A_255 : i32
      %mul3A_257 = arith.constant 16 : i32
      %mul3A_258 = arith.muli %scan3A_256, %mul3A_257 : i32
      %add3A_259 = arith.constant 2 : i32
      %add3A_260 = arith.addi %mul3A_258, %add3A_259 : i32
      %get3A_261 = arith.index_cast %add3A_260 : i32 to index
      %get3A_262 = tpu.vector_load %arg5[%get3A_261] {strides = array<i32>} : memref<4112xf32, #tpu.memory_space<vmem>>, vector<16xf32>,
      %get3A_263 = vector.shape_cast %get3A_262 : vector<16xf32> to vector<16xf32>
      %mul3A_264 = arith.constant 16 : i32
      %mul3A_265 = arith.muli %scan3A_256, %mul3A_264 : i32
      %add3A_266 = arith.constant 8192 : i32
      %add3A_267 = arith.addi %add3A_266, %mul3A_265 : i32
      %swap3A_268 = arith.index_cast %add3A_267 : i32 to index
      %swap3A_269 = tpu.vector_load %arg6[%swap3A_268] {strides = array<i32>} : memref<32768xf32, #tpu.memory_space<vmem>>, vector<16xf32>,
      %swap3A_270 = vector.shape_cast %swap3A_269 : vector<16xf32> to vector<16xf32>
      %swap3A_271 = vector.shape_cast %get3A_263 : vector<16xf32> to vector<16xf32>
      tpu.vector_store %arg6[%swap3A_268], %swap3A_271 {strides = array<i32>} : memref<32768xf32, #tpu.memory_space<vmem>>, vector<16xf32>,
      %scan3A_272 = arith.constant 6 : i32
      %scan3A_273 = arith.addi %scan3A_171, %scan3A_272 : i32
      %mul3A_274 = arith.constant 16 : i32
      %mul3A_275 = arith.muli %scan3A_273, %mul3A_274 : i32
      %add3A_276 = arith.constant 2 : i32
      %add3A_277 = arith.addi %mul3A_275, %add3A_276 : i32
      %get3A_278 = arith.index_cast %add3A_277 : i32 to index
      %get3A_279 = tpu.vector_load %arg5[%get3A_278] {strides = array<i32>} : memref<4112xf32, #tpu.memory_space<vmem>>, vector<16xf32>,
      %get3A_280 = vector.shape_cast %get3A_279 : vector<16xf32> to vector<16xf32>
      %mul3A_281 = arith.constant 16 : i32
      %mul3A_282 = arith.muli %scan3A_273, %mul3A_281 : i32
      %add3A_283 = arith.constant 8192 : i32
      %add3A_284 = arith.addi %add3A_283, %mul3A_282 : i32
      %swap3A_285 = arith.index_cast %add3A_284 : i32 to index
      %swap3A_286 = tpu.vector_load %arg6[%swap3A_285] {strides = array<i32>} : memref<32768xf32, #tpu.memory_space<vmem>>, vector<16xf32>,
      %swap3A_287 = vector.shape_cast %swap3A_286 : vector<16xf32> to vector<16xf32>
      %swap3A_288 = vector.shape_cast %get3A_280 : vector<16xf32> to vector<16xf32>
      tpu.vector_store %arg6[%swap3A_285], %swap3A_288 {strides = array<i32>} : memref<32768xf32, #tpu.memory_space<vmem>>, vector<16xf32>,
      %scan3A_289 = arith.constant 7 : i32
      %scan3A_290 = arith.addi %scan3A_171, %scan3A_289 : i32
      %mul3A_291 = arith.constant 16 : i32
      %mul3A_292 = arith.muli %scan3A_290, %mul3A_291 : i32
      %add3A_293 = arith.constant 2 : i32
      %add3A_294 = arith.addi %mul3A_292, %add3A_293 : i32
      %get3A_295 = arith.index_cast %add3A_294 : i32 to index
      %get3A_296 = tpu.vector_load %arg5[%get3A_295] {strides = array<i32>} : memref<4112xf32, #tpu.memory_space<vmem>>, vector<16xf32>,
      %get3A_297 = vector.shape_cast %get3A_296 : vector<16xf32> to vector<16xf32>
      %mul3A_298 = arith.constant 16 : i32
      %mul3A_299 = arith.muli %scan3A_290, %mul3A_298 : i32
      %add3A_300 = arith.constant 8192 : i32
      %add3A_301 = arith.addi %add3A_300, %mul3A_299 : i32
      %swap3A_302 = arith.index_cast %add3A_301 : i32 to index
      %swap3A_303 = tpu.vector_load %arg6[%swap3A_302] {strides = array<i32>} : memref<32768xf32, #tpu.memory_space<vmem>>, vector<16xf32>,
      %swap3A_304 = vector.shape_cast %swap3A_303 : vector<16xf32> to vector<16xf32>
      %swap3A_305 = vector.shape_cast %get3A_297 : vector<16xf32> to vector<16xf32>
      tpu.vector_store %arg6[%swap3A_302], %swap3A_305 {strides = array<i32>} : memref<32768xf32, #tpu.memory_space<vmem>>, vector<16xf32>,
    }
    %scan3A_123 = arith.constant 256 : i32
    %scan3A_124 = arith.constant 0 : i32
    %scan3A_125 = arith.constant 256 : i32
    %scan3A_126 = arith.addi %scan3A_124, %scan3A_125 : i32
    %scan3A_127 = arith.constant 8 : i32
    scf.for %scan3A_171 = %scan3A_124 to %scan3A_126 step %scan3A_127  : i32 {
      %mul3A_172 = arith.constant 16 : i32
      %mul3A_173 = arith.muli %scan3A_171, %mul3A_172 : i32
      %add3A_174 = arith.constant 3 : i32
      %add3A_175 = arith.addi %mul3A_173, %add3A_174 : i32
      %get3A_176 = arith.index_cast %add3A_175 : i32 to index
      %get3A_177 = tpu.vector_load %arg5[%get3A_176] {strides = array<i32>} : memref<4112xf32, #tpu.memory_space<vmem>>, vector<16xf32>,
      %get3A_178 = vector.shape_cast %get3A_177 : vector<16xf32> to vector<16xf32>
      %mul3A_179 = arith.constant 16 : i32
      %mul3A_180 = arith.muli %scan3A_171, %mul3A_179 : i32
      %add3A_181 = arith.constant 12288 : i32
      %add3A_182 = arith.addi %add3A_181, %mul3A_180 : i32
      %swap3A_183 = arith.index_cast %add3A_182 : i32 to index
      %swap3A_184 = tpu.vector_load %arg6[%swap3A_183] {strides = array<i32>} : memref<32768xf32, #tpu.memory_space<vmem>>, vector<16xf32>,
      %swap3A_185 = vector.shape_cast %swap3A_184 : vector<16xf32> to vector<16xf32>
      %swap3A_186 = vector.shape_cast %get3A_178 : vector<16xf32> to vector<16xf32>
      tpu.vector_store %arg6[%swap3A_183], %swap3A_186 {strides = array<i32>} : memref<32768xf32, #tpu.memory_space<vmem>>, vector<16xf32>,
      %scan3A_187 = arith.constant 1 : i32
      %scan3A_188 = arith.addi %scan3A_171, %scan3A_187 : i32
      %mul3A_189 = arith.constant 16 : i32
      %mul3A_190 = arith.muli %scan3A_188, %mul3A_189 : i32
      %add3A_191 = arith.constant 3 : i32
      %add3A_192 = arith.addi %mul3A_190, %add3A_191 : i32
      %get3A_193 = arith.index_cast %add3A_192 : i32 to index
      %get3A_194 = tpu.vector_load %arg5[%get3A_193] {strides = array<i32>} : memref<4112xf32, #tpu.memory_space<vmem>>, vector<16xf32>,
      %get3A_195 = vector.shape_cast %get3A_194 : vector<16xf32> to vector<16xf32>
      %mul3A_196 = arith.constant 16 : i32
      %mul3A_197 = arith.muli %scan3A_188, %mul3A_196 : i32
      %add3A_198 = arith.constant 12288 : i32
      %add3A_199 = arith.addi %add3A_198, %mul3A_197 : i32
      %swap3A_200 = arith.index_cast %add3A_199 : i32 to index
      %swap3A_201 = tpu.vector_load %arg6[%swap3A_200] {strides = array<i32>} : memref<32768xf32, #tpu.memory_space<vmem>>, vector<16xf32>,
      %swap3A_202 = vector.shape_cast %swap3A_201 : vector<16xf32> to vector<16xf32>
      %swap3A_203 = vector.shape_cast %get3A_195 : vector<16xf32> to vector<16xf32>
      tpu.vector_store %arg6[%swap3A_200], %swap3A_203 {strides = array<i32>} : memref<32768xf32, #tpu.memory_space<vmem>>, vector<16xf32>,
      %scan3A_204 = arith.constant 2 : i32
      %scan3A_205 = arith.addi %scan3A_171, %scan3A_204 : i32
      %mul3A_206 = arith.constant 16 : i32
      %mul3A_207 = arith.muli %scan3A_205, %mul3A_206 : i32
      %add3A_208 = arith.constant 3 : i32
      %add3A_209 = arith.addi %mul3A_207, %add3A_208 : i32
      %get3A_210 = arith.index_cast %add3A_209 : i32 to index
      %get3A_211 = tpu.vector_load %arg5[%get3A_210] {strides = array<i32>} : memref<4112xf32, #tpu.memory_space<vmem>>, vector<16xf32>,
      %get3A_212 = vector.shape_cast %get3A_211 : vector<16xf32> to vector<16xf32>
      %mul3A_213 = arith.constant 16 : i32
      %mul3A_214 = arith.muli %scan3A_205, %mul3A_213 : i32
      %add3A_215 = arith.constant 12288 : i32
      %add3A_216 = arith.addi %add3A_215, %mul3A_214 : i32
      %swap3A_217 = arith.index_cast %add3A_216 : i32 to index
      %swap3A_218 = tpu.vector_load %arg6[%swap3A_217] {strides = array<i32>} : memref<32768xf32, #tpu.memory_space<vmem>>, vector<16xf32>,
      %swap3A_219 = vector.shape_cast %swap3A_218 : vector<16xf32> to vector<16xf32>
      %swap3A_220 = vector.shape_cast %get3A_212 : vector<16xf32> to vector<16xf32>
      tpu.vector_store %arg6[%swap3A_217], %swap3A_220 {strides = array<i32>} : memref<32768xf32, #tpu.memory_space<vmem>>, vector<16xf32>,
      %scan3A_221 = arith.constant 3 : i32
      %scan3A_222 = arith.addi %scan3A_171, %scan3A_221 : i32
      %mul3A_223 = arith.constant 16 : i32
      %mul3A_224 = arith.muli %scan3A_222, %mul3A_223 : i32
      %add3A_225 = arith.constant 3 : i32
      %add3A_226 = arith.addi %mul3A_224, %add3A_225 : i32
      %get3A_227 = arith.index_cast %add3A_226 : i32 to index
      %get3A_228 = tpu.vector_load %arg5[%get3A_227] {strides = array<i32>} : memref<4112xf32, #tpu.memory_space<vmem>>, vector<16xf32>,
      %get3A_229 = vector.shape_cast %get3A_228 : vector<16xf32> to vector<16xf32>
      %mul3A_230 = arith.constant 16 : i32
      %mul3A_231 = arith.muli %scan3A_222, %mul3A_230 : i32
      %add3A_232 = arith.constant 12288 : i32
      %add3A_233 = arith.addi %add3A_232, %mul3A_231 : i32
      %swap3A_234 = arith.index_cast %add3A_233 : i32 to index
      %swap3A_235 = tpu.vector_load %arg6[%swap3A_234] {strides = array<i32>} : memref<32768xf32, #tpu.memory_space<vmem>>, vector<16xf32>,
      %swap3A_236 = vector.shape_cast %swap3A_235 : vector<16xf32> to vector<16xf32>
      %swap3A_237 = vector.shape_cast %get3A_229 : vector<16xf32> to vector<16xf32>
      tpu.vector_store %arg6[%swap3A_234], %swap3A_237 {strides = array<i32>} : memref<32768xf32, #tpu.memory_space<vmem>>, vector<16xf32>,
      %scan3A_238 = arith.constant 4 : i32
      %scan3A_239 = arith.addi %scan3A_171, %scan3A_238 : i32
      %mul3A_240 = arith.constant 16 : i32
      %mul3A_241 = arith.muli %scan3A_239, %mul3A_240 : i32
      %add3A_242 = arith.constant 3 : i32
      %add3A_243 = arith.addi %mul3A_241, %add3A_242 : i32
      %get3A_244 = arith.index_cast %add3A_243 : i32 to index
      %get3A_245 = tpu.vector_load %arg5[%get3A_244] {strides = array<i32>} : memref<4112xf32, #tpu.memory_space<vmem>>, vector<16xf32>,
      %get3A_246 = vector.shape_cast %get3A_245 : vector<16xf32> to vector<16xf32>
      %mul3A_247 = arith.constant 16 : i32
      %mul3A_248 = arith.muli %scan3A_239, %mul3A_247 : i32
      %add3A_249 = arith.constant 12288 : i32
      %add3A_250 = arith.addi %add3A_249, %mul3A_248 : i32
      %swap3A_251 = arith.index_cast %add3A_250 : i32 to index
      %swap3A_252 = tpu.vector_load %arg6[%swap3A_251] {strides = array<i32>} : memref<32768xf32, #tpu.memory_space<vmem>>, vector<16xf32>,
      %swap3A_253 = vector.shape_cast %swap3A_252 : vector<16xf32> to vector<16xf32>
      %swap3A_254 = vector.shape_cast %get3A_246 : vector<16xf32> to vector<16xf32>
      tpu.vector_store %arg6[%swap3A_251], %swap3A_254 {strides = array<i32>} : memref<32768xf32, #tpu.memory_space<vmem>>, vector<16xf32>,
      %scan3A_255 = arith.constant 5 : i32
      %scan3A_256 = arith.addi %scan3A_171, %scan3A_255 : i32
      %mul3A_257 = arith.constant 16 : i32
      %mul3A_258 = arith.muli %scan3A_256, %mul3A_257 : i32
      %add3A_259 = arith.constant 3 : i32
      %add3A_260 = arith.addi %mul3A_258, %add3A_259 : i32
      %get3A_261 = arith.index_cast %add3A_260 : i32 to index
      %get3A_262 = tpu.vector_load %arg5[%get3A_261] {strides = array<i32>} : memref<4112xf32, #tpu.memory_space<vmem>>, vector<16xf32>,
      %get3A_263 = vector.shape_cast %get3A_262 : vector<16xf32> to vector<16xf32>
      %mul3A_264 = arith.constant 16 : i32
      %mul3A_265 = arith.muli %scan3A_256, %mul3A_264 : i32
      %add3A_266 = arith.constant 12288 : i32
      %add3A_267 = arith.addi %add3A_266, %mul3A_265 : i32
      %swap3A_268 = arith.index_cast %add3A_267 : i32 to index
      %swap3A_269 = tpu.vector_load %arg6[%swap3A_268] {strides = array<i32>} : memref<32768xf32, #tpu.memory_space<vmem>>, vector<16xf32>,
      %swap3A_270 = vector.shape_cast %swap3A_269 : vector<16xf32> to vector<16xf32>
      %swap3A_271 = vector.shape_cast %get3A_263 : vector<16xf32> to vector<16xf32>
      tpu.vector_store %arg6[%swap3A_268], %swap3A_271 {strides = array<i32>} : memref<32768xf32, #tpu.memory_space<vmem>>, vector<16xf32>,
      %scan3A_272 = arith.constant 6 : i32
      %scan3A_273 = arith.addi %scan3A_171, %scan3A_272 : i32
      %mul3A_274 = arith.constant 16 : i32
      %mul3A_275 = arith.muli %scan3A_273, %mul3A_274 : i32
      %add3A_276 = arith.constant 3 : i32
      %add3A_277 = arith.addi %mul3A_275, %add3A_276 : i32
      %get3A_278 = arith.index_cast %add3A_277 : i32 to index
      %get3A_279 = tpu.vector_load %arg5[%get3A_278] {strides = array<i32>} : memref<4112xf32, #tpu.memory_space<vmem>>, vector<16xf32>,
      %get3A_280 = vector.shape_cast %get3A_279 : vector<16xf32> to vector<16xf32>
      %mul3A_281 = arith.constant 16 : i32
      %mul3A_282 = arith.muli %scan3A_273, %mul3A_281 : i32
      %add3A_283 = arith.constant 12288 : i32
      %add3A_284 = arith.addi %add3A_283, %mul3A_282 : i32
      %swap3A_285 = arith.index_cast %add3A_284 : i32 to index
      %swap3A_286 = tpu.vector_load %arg6[%swap3A_285] {strides = array<i32>} : memref<32768xf32, #tpu.memory_space<vmem>>, vector<16xf32>,
      %swap3A_287 = vector.shape_cast %swap3A_286 : vector<16xf32> to vector<16xf32>
      %swap3A_288 = vector.shape_cast %get3A_280 : vector<16xf32> to vector<16xf32>
      tpu.vector_store %arg6[%swap3A_285], %swap3A_288 {strides = array<i32>} : memref<32768xf32, #tpu.memory_space<vmem>>, vector<16xf32>,
      %scan3A_289 = arith.constant 7 : i32
      %scan3A_290 = arith.addi %scan3A_171, %scan3A_289 : i32
      %mul3A_291 = arith.constant 16 : i32
      %mul3A_292 = arith.muli %scan3A_290, %mul3A_291 : i32
      %add3A_293 = arith.constant 3 : i32
      %add3A_294 = arith.addi %mul3A_292, %add3A_293 : i32
      %get3A_295 = arith.index_cast %add3A_294 : i32 to index
      %get3A_296 = tpu.vector_load %arg5[%get3A_295] {strides = array<i32>} : memref<4112xf32, #tpu.memory_space<vmem>>, vector<16xf32>,
      %get3A_297 = vector.shape_cast %get3A_296 : vector<16xf32> to vector<16xf32>
      %mul3A_298 = arith.constant 16 : i32
      %mul3A_299 = arith.muli %scan3A_290, %mul3A_298 : i32
      %add3A_300 = arith.constant 12288 : i32
      %add3A_301 = arith.addi %add3A_300, %mul3A_299 : i32
      %swap3A_302 = arith.index_cast %add3A_301 : i32 to index
      %swap3A_303 = tpu.vector_load %arg6[%swap3A_302] {strides = array<i32>} : memref<32768xf32, #tpu.memory_space<vmem>>, vector<16xf32>,
      %swap3A_304 = vector.shape_cast %swap3A_303 : vector<16xf32> to vector<16xf32>
      %swap3A_305 = vector.shape_cast %get3A_297 : vector<16xf32> to vector<16xf32>
      tpu.vector_store %arg6[%swap3A_302], %swap3A_305 {strides = array<i32>} : memref<32768xf32, #tpu.memory_space<vmem>>, vector<16xf32>,
    }
    %scan3A_128 = arith.constant 256 : i32
    %scan3A_129 = arith.constant 0 : i32
    %scan3A_130 = arith.constant 256 : i32
    %scan3A_131 = arith.addi %scan3A_129, %scan3A_130 : i32
    %scan3A_132 = arith.constant 8 : i32
    scf.for %scan3A_171 = %scan3A_129 to %scan3A_131 step %scan3A_132  : i32 {
      %mul3A_172 = arith.constant 16 : i32
      %mul3A_173 = arith.muli %scan3A_171, %mul3A_172 : i32
      %add3A_174 = arith.constant 4 : i32
      %add3A_175 = arith.addi %mul3A_173, %add3A_174 : i32
      %get3A_176 = arith.index_cast %add3A_175 : i32 to index
      %get3A_177 = tpu.vector_load %arg5[%get3A_176] {strides = array<i32>} : memref<4112xf32, #tpu.memory_space<vmem>>, vector<16xf32>,
      %get3A_178 = vector.shape_cast %get3A_177 : vector<16xf32> to vector<16xf32>
      %mul3A_179 = arith.constant 16 : i32
      %mul3A_180 = arith.muli %scan3A_171, %mul3A_179 : i32
      %add3A_181 = arith.constant 16384 : i32
      %add3A_182 = arith.addi %add3A_181, %mul3A_180 : i32
      %swap3A_183 = arith.index_cast %add3A_182 : i32 to index
      %swap3A_184 = tpu.vector_load %arg6[%swap3A_183] {strides = array<i32>} : memref<32768xf32, #tpu.memory_space<vmem>>, vector<16xf32>,
      %swap3A_185 = vector.shape_cast %swap3A_184 : vector<16xf32> to vector<16xf32>
      %swap3A_186 = vector.shape_cast %get3A_178 : vector<16xf32> to vector<16xf32>
      tpu.vector_store %arg6[%swap3A_183], %swap3A_186 {strides = array<i32>} : memref<32768xf32, #tpu.memory_space<vmem>>, vector<16xf32>,
      %scan3A_187 = arith.constant 1 : i32
      %scan3A_188 = arith.addi %scan3A_171, %scan3A_187 : i32
      %mul3A_189 = arith.constant 16 : i32
      %mul3A_190 = arith.muli %scan3A_188, %mul3A_189 : i32
      %add3A_191 = arith.constant 4 : i32
      %add3A_192 = arith.addi %mul3A_190, %add3A_191 : i32
      %get3A_193 = arith.index_cast %add3A_192 : i32 to index
      %get3A_194 = tpu.vector_load %arg5[%get3A_193] {strides = array<i32>} : memref<4112xf32, #tpu.memory_space<vmem>>, vector<16xf32>,
      %get3A_195 = vector.shape_cast %get3A_194 : vector<16xf32> to vector<16xf32>
      %mul3A_196 = arith.constant 16 : i32
      %mul3A_197 = arith.muli %scan3A_188, %mul3A_196 : i32
      %add3A_198 = arith.constant 16384 : i32
      %add3A_199 = arith.addi %add3A_198, %mul3A_197 : i32
      %swap3A_200 = arith.index_cast %add3A_199 : i32 to index
      %swap3A_201 = tpu.vector_load %arg6[%swap3A_200] {strides = array<i32>} : memref<32768xf32, #tpu.memory_space<vmem>>, vector<16xf32>,
      %swap3A_202 = vector.shape_cast %swap3A_201 : vector<16xf32> to vector<16xf32>
      %swap3A_203 = vector.shape_cast %get3A_195 : vector<16xf32> to vector<16xf32>
      tpu.vector_store %arg6[%swap3A_200], %swap3A_203 {strides = array<i32>} : memref<32768xf32, #tpu.memory_space<vmem>>, vector<16xf32>,
      %scan3A_204 = arith.constant 2 : i32
      %scan3A_205 = arith.addi %scan3A_171, %scan3A_204 : i32
      %mul3A_206 = arith.constant 16 : i32
      %mul3A_207 = arith.muli %scan3A_205, %mul3A_206 : i32
      %add3A_208 = arith.constant 4 : i32
      %add3A_209 = arith.addi %mul3A_207, %add3A_208 : i32
      %get3A_210 = arith.index_cast %add3A_209 : i32 to index
      %get3A_211 = tpu.vector_load %arg5[%get3A_210] {strides = array<i32>} : memref<4112xf32, #tpu.memory_space<vmem>>, vector<16xf32>,
      %get3A_212 = vector.shape_cast %get3A_211 : vector<16xf32> to vector<16xf32>
      %mul3A_213 = arith.constant 16 : i32
      %mul3A_214 = arith.muli %scan3A_205, %mul3A_213 : i32
      %add3A_215 = arith.constant 16384 : i32
      %add3A_216 = arith.addi %add3A_215, %mul3A_214 : i32
      %swap3A_217 = arith.index_cast %add3A_216 : i32 to index
      %swap3A_218 = tpu.vector_load %arg6[%swap3A_217] {strides = array<i32>} : memref<32768xf32, #tpu.memory_space<vmem>>, vector<16xf32>,
      %swap3A_219 = vector.shape_cast %swap3A_218 : vector<16xf32> to vector<16xf32>
      %swap3A_220 = vector.shape_cast %get3A_212 : vector<16xf32> to vector<16xf32>
      tpu.vector_store %arg6[%swap3A_217], %swap3A_220 {strides = array<i32>} : memref<32768xf32, #tpu.memory_space<vmem>>, vector<16xf32>,
      %scan3A_221 = arith.constant 3 : i32
      %scan3A_222 = arith.addi %scan3A_171, %scan3A_221 : i32
      %mul3A_223 = arith.constant 16 : i32
      %mul3A_224 = arith.muli %scan3A_222, %mul3A_223 : i32
      %add3A_225 = arith.constant 4 : i32
      %add3A_226 = arith.addi %mul3A_224, %add3A_225 : i32
      %get3A_227 = arith.index_cast %add3A_226 : i32 to index
      %get3A_228 = tpu.vector_load %arg5[%get3A_227] {strides = array<i32>} : memref<4112xf32, #tpu.memory_space<vmem>>, vector<16xf32>,
      %get3A_229 = vector.shape_cast %get3A_228 : vector<16xf32> to vector<16xf32>
      %mul3A_230 = arith.constant 16 : i32
      %mul3A_231 = arith.muli %scan3A_222, %mul3A_230 : i32
      %add3A_232 = arith.constant 16384 : i32
      %add3A_233 = arith.addi %add3A_232, %mul3A_231 : i32
      %swap3A_234 = arith.index_cast %add3A_233 : i32 to index
      %swap3A_235 = tpu.vector_load %arg6[%swap3A_234] {strides = array<i32>} : memref<32768xf32, #tpu.memory_space<vmem>>, vector<16xf32>,
      %swap3A_236 = vector.shape_cast %swap3A_235 : vector<16xf32> to vector<16xf32>
      %swap3A_237 = vector.shape_cast %get3A_229 : vector<16xf32> to vector<16xf32>
      tpu.vector_store %arg6[%swap3A_234], %swap3A_237 {strides = array<i32>} : memref<32768xf32, #tpu.memory_space<vmem>>, vector<16xf32>,
      %scan3A_238 = arith.constant 4 : i32
      %scan3A_239 = arith.addi %scan3A_171, %scan3A_238 : i32
      %mul3A_240 = arith.constant 16 : i32
      %mul3A_241 = arith.muli %scan3A_239, %mul3A_240 : i32
      %add3A_242 = arith.constant 4 : i32
      %add3A_243 = arith.addi %mul3A_241, %add3A_242 : i32
      %get3A_244 = arith.index_cast %add3A_243 : i32 to index
      %get3A_245 = tpu.vector_load %arg5[%get3A_244] {strides = array<i32>} : memref<4112xf32, #tpu.memory_space<vmem>>, vector<16xf32>,
      %get3A_246 = vector.shape_cast %get3A_245 : vector<16xf32> to vector<16xf32>
      %mul3A_247 = arith.constant 16 : i32
      %mul3A_248 = arith.muli %scan3A_239, %mul3A_247 : i32
      %add3A_249 = arith.constant 16384 : i32
      %add3A_250 = arith.addi %add3A_249, %mul3A_248 : i32
      %swap3A_251 = arith.index_cast %add3A_250 : i32 to index
      %swap3A_252 = tpu.vector_load %arg6[%swap3A_251] {strides = array<i32>} : memref<32768xf32, #tpu.memory_space<vmem>>, vector<16xf32>,
      %swap3A_253 = vector.shape_cast %swap3A_252 : vector<16xf32> to vector<16xf32>
      %swap3A_254 = vector.shape_cast %get3A_246 : vector<16xf32> to vector<16xf32>
      tpu.vector_store %arg6[%swap3A_251], %swap3A_254 {strides = array<i32>} : memref<32768xf32, #tpu.memory_space<vmem>>, vector<16xf32>,
      %scan3A_255 = arith.constant 5 : i32
      %scan3A_256 = arith.addi %scan3A_171, %scan3A_255 : i32
      %mul3A_257 = arith.constant 16 : i32
      %mul3A_258 = arith.muli %scan3A_256, %mul3A_257 : i32
      %add3A_259 = arith.constant 4 : i32
      %add3A_260 = arith.addi %mul3A_258, %add3A_259 : i32
      %get3A_261 = arith.index_cast %add3A_260 : i32 to index
      %get3A_262 = tpu.vector_load %arg5[%get3A_261] {strides = array<i32>} : memref<4112xf32, #tpu.memory_space<vmem>>, vector<16xf32>,
      %get3A_263 = vector.shape_cast %get3A_262 : vector<16xf32> to vector<16xf32>
      %mul3A_264 = arith.constant 16 : i32
      %mul3A_265 = arith.muli %scan3A_256, %mul3A_264 : i32
      %add3A_266 = arith.constant 16384 : i32
      %add3A_267 = arith.addi %add3A_266, %mul3A_265 : i32
      %swap3A_268 = arith.index_cast %add3A_267 : i32 to index
      %swap3A_269 = tpu.vector_load %arg6[%swap3A_268] {strides = array<i32>} : memref<32768xf32, #tpu.memory_space<vmem>>, vector<16xf32>,
      %swap3A_270 = vector.shape_cast %swap3A_269 : vector<16xf32> to vector<16xf32>
      %swap3A_271 = vector.shape_cast %get3A_263 : vector<16xf32> to vector<16xf32>
      tpu.vector_store %arg6[%swap3A_268], %swap3A_271 {strides = array<i32>} : memref<32768xf32, #tpu.memory_space<vmem>>, vector<16xf32>,
      %scan3A_272 = arith.constant 6 : i32
      %scan3A_273 = arith.addi %scan3A_171, %scan3A_272 : i32
      %mul3A_274 = arith.constant 16 : i32
      %mul3A_275 = arith.muli %scan3A_273, %mul3A_274 : i32
      %add3A_276 = arith.constant 4 : i32
      %add3A_277 = arith.addi %mul3A_275, %add3A_276 : i32
      %get3A_278 = arith.index_cast %add3A_277 : i32 to index
      %get3A_279 = tpu.vector_load %arg5[%get3A_278] {strides = array<i32>} : memref<4112xf32, #tpu.memory_space<vmem>>, vector<16xf32>,
      %get3A_280 = vector.shape_cast %get3A_279 : vector<16xf32> to vector<16xf32>
      %mul3A_281 = arith.constant 16 : i32
      %mul3A_282 = arith.muli %scan3A_273, %mul3A_281 : i32
      %add3A_283 = arith.constant 16384 : i32
      %add3A_284 = arith.addi %add3A_283, %mul3A_282 : i32
      %swap3A_285 = arith.index_cast %add3A_284 : i32 to index
      %swap3A_286 = tpu.vector_load %arg6[%swap3A_285] {strides = array<i32>} : memref<32768xf32, #tpu.memory_space<vmem>>, vector<16xf32>,
      %swap3A_287 = vector.shape_cast %swap3A_286 : vector<16xf32> to vector<16xf32>
      %swap3A_288 = vector.shape_cast %get3A_280 : vector<16xf32> to vector<16xf32>
      tpu.vector_store %arg6[%swap3A_285], %swap3A_288 {strides = array<i32>} : memref<32768xf32, #tpu.memory_space<vmem>>, vector<16xf32>,
      %scan3A_289 = arith.constant 7 : i32
      %scan3A_290 = arith.addi %scan3A_171, %scan3A_289 : i32
      %mul3A_291 = arith.constant 16 : i32
      %mul3A_292 = arith.muli %scan3A_290, %mul3A_291 : i32
      %add3A_293 = arith.constant 4 : i32
      %add3A_294 = arith.addi %mul3A_292, %add3A_293 : i32
      %get3A_295 = arith.index_cast %add3A_294 : i32 to index
      %get3A_296 = tpu.vector_load %arg5[%get3A_295] {strides = array<i32>} : memref<4112xf32, #tpu.memory_space<vmem>>, vector<16xf32>,
      %get3A_297 = vector.shape_cast %get3A_296 : vector<16xf32> to vector<16xf32>
      %mul3A_298 = arith.constant 16 : i32
      %mul3A_299 = arith.muli %scan3A_290, %mul3A_298 : i32
      %add3A_300 = arith.constant 16384 : i32
      %add3A_301 = arith.addi %add3A_300, %mul3A_299 : i32
      %swap3A_302 = arith.index_cast %add3A_301 : i32 to index
      %swap3A_303 = tpu.vector_load %arg6[%swap3A_302] {strides = array<i32>} : memref<32768xf32, #tpu.memory_space<vmem>>, vector<16xf32>,
      %swap3A_304 = vector.shape_cast %swap3A_303 : vector<16xf32> to vector<16xf32>
      %swap3A_305 = vector.shape_cast %get3A_297 : vector<16xf32> to vector<16xf32>
      tpu.vector_store %arg6[%swap3A_302], %swap3A_305 {strides = array<i32>} : memref<32768xf32, #tpu.memory_space<vmem>>, vector<16xf32>,
    }
    %scan3A_133 = arith.constant 256 : i32
    %scan3A_134 = arith.constant 0 : i32
    %scan3A_135 = arith.constant 256 : i32
    %scan3A_136 = arith.addi %scan3A_134, %scan3A_135 : i32
    %scan3A_137 = arith.constant 8 : i32
    scf.for %scan3A_171 = %scan3A_134 to %scan3A_136 step %scan3A_137  : i32 {
      %mul3A_172 = arith.constant 16 : i32
      %mul3A_173 = arith.muli %scan3A_171, %mul3A_172 : i32
      %add3A_174 = arith.constant 5 : i32
      %add3A_175 = arith.addi %mul3A_173, %add3A_174 : i32
      %get3A_176 = arith.index_cast %add3A_175 : i32 to index
      %get3A_177 = tpu.vector_load %arg5[%get3A_176] {strides = array<i32>} : memref<4112xf32, #tpu.memory_space<vmem>>, vector<16xf32>,
      %get3A_178 = vector.shape_cast %get3A_177 : vector<16xf32> to vector<16xf32>
      %mul3A_179 = arith.constant 16 : i32
      %mul3A_180 = arith.muli %scan3A_171, %mul3A_179 : i32
      %add3A_181 = arith.constant 20480 : i32
      %add3A_182 = arith.addi %add3A_181, %mul3A_180 : i32
      %swap3A_183 = arith.index_cast %add3A_182 : i32 to index
      %swap3A_184 = tpu.vector_load %arg6[%swap3A_183] {strides = array<i32>} : memref<32768xf32, #tpu.memory_space<vmem>>, vector<16xf32>,
      %swap3A_185 = vector.shape_cast %swap3A_184 : vector<16xf32> to vector<16xf32>
      %swap3A_186 = vector.shape_cast %get3A_178 : vector<16xf32> to vector<16xf32>
      tpu.vector_store %arg6[%swap3A_183], %swap3A_186 {strides = array<i32>} : memref<32768xf32, #tpu.memory_space<vmem>>, vector<16xf32>,
      %scan3A_187 = arith.constant 1 : i32
      %scan3A_188 = arith.addi %scan3A_171, %scan3A_187 : i32
      %mul3A_189 = arith.constant 16 : i32
      %mul3A_190 = arith.muli %scan3A_188, %mul3A_189 : i32
      %add3A_191 = arith.constant 5 : i32
      %add3A_192 = arith.addi %mul3A_190, %add3A_191 : i32
      %get3A_193 = arith.index_cast %add3A_192 : i32 to index
      %get3A_194 = tpu.vector_load %arg5[%get3A_193] {strides = array<i32>} : memref<4112xf32, #tpu.memory_space<vmem>>, vector<16xf32>,
      %get3A_195 = vector.shape_cast %get3A_194 : vector<16xf32> to vector<16xf32>
      %mul3A_196 = arith.constant 16 : i32
      %mul3A_197 = arith.muli %scan3A_188, %mul3A_196 : i32
      %add3A_198 = arith.constant 20480 : i32
      %add3A_199 = arith.addi %add3A_198, %mul3A_197 : i32
      %swap3A_200 = arith.index_cast %add3A_199 : i32 to index
      %swap3A_201 = tpu.vector_load %arg6[%swap3A_200] {strides = array<i32>} : memref<32768xf32, #tpu.memory_space<vmem>>, vector<16xf32>,
      %swap3A_202 = vector.shape_cast %swap3A_201 : vector<16xf32> to vector<16xf32>
      %swap3A_203 = vector.shape_cast %get3A_195 : vector<16xf32> to vector<16xf32>
      tpu.vector_store %arg6[%swap3A_200], %swap3A_203 {strides = array<i32>} : memref<32768xf32, #tpu.memory_space<vmem>>, vector<16xf32>,
      %scan3A_204 = arith.constant 2 : i32
      %scan3A_205 = arith.addi %scan3A_171, %scan3A_204 : i32
      %mul3A_206 = arith.constant 16 : i32
      %mul3A_207 = arith.muli %scan3A_205, %mul3A_206 : i32
      %add3A_208 = arith.constant 5 : i32
      %add3A_209 = arith.addi %mul3A_207, %add3A_208 : i32
      %get3A_210 = arith.index_cast %add3A_209 : i32 to index
      %get3A_211 = tpu.vector_load %arg5[%get3A_210] {strides = array<i32>} : memref<4112xf32, #tpu.memory_space<vmem>>, vector<16xf32>,
      %get3A_212 = vector.shape_cast %get3A_211 : vector<16xf32> to vector<16xf32>
      %mul3A_213 = arith.constant 16 : i32
      %mul3A_214 = arith.muli %scan3A_205, %mul3A_213 : i32
      %add3A_215 = arith.constant 20480 : i32
      %add3A_216 = arith.addi %add3A_215, %mul3A_214 : i32
      %swap3A_217 = arith.index_cast %add3A_216 : i32 to index
      %swap3A_218 = tpu.vector_load %arg6[%swap3A_217] {strides = array<i32>} : memref<32768xf32, #tpu.memory_space<vmem>>, vector<16xf32>,
      %swap3A_219 = vector.shape_cast %swap3A_218 : vector<16xf32> to vector<16xf32>
      %swap3A_220 = vector.shape_cast %get3A_212 : vector<16xf32> to vector<16xf32>
      tpu.vector_store %arg6[%swap3A_217], %swap3A_220 {strides = array<i32>} : memref<32768xf32, #tpu.memory_space<vmem>>, vector<16xf32>,
      %scan3A_221 = arith.constant 3 : i32
      %scan3A_222 = arith.addi %scan3A_171, %scan3A_221 : i32
      %mul3A_223 = arith.constant 16 : i32
      %mul3A_224 = arith.muli %scan3A_222, %mul3A_223 : i32
      %add3A_225 = arith.constant 5 : i32
      %add3A_226 = arith.addi %mul3A_224, %add3A_225 : i32
      %get3A_227 = arith.index_cast %add3A_226 : i32 to index
      %get3A_228 = tpu.vector_load %arg5[%get3A_227] {strides = array<i32>} : memref<4112xf32, #tpu.memory_space<vmem>>, vector<16xf32>,
      %get3A_229 = vector.shape_cast %get3A_228 : vector<16xf32> to vector<16xf32>
      %mul3A_230 = arith.constant 16 : i32
      %mul3A_231 = arith.muli %scan3A_222, %mul3A_230 : i32
      %add3A_232 = arith.constant 20480 : i32
      %add3A_233 = arith.addi %add3A_232, %mul3A_231 : i32
      %swap3A_234 = arith.index_cast %add3A_233 : i32 to index
      %swap3A_235 = tpu.vector_load %arg6[%swap3A_234] {strides = array<i32>} : memref<32768xf32, #tpu.memory_space<vmem>>, vector<16xf32>,
      %swap3A_236 = vector.shape_cast %swap3A_235 : vector<16xf32> to vector<16xf32>
      %swap3A_237 = vector.shape_cast %get3A_229 : vector<16xf32> to vector<16xf32>
      tpu.vector_store %arg6[%swap3A_234], %swap3A_237 {strides = array<i32>} : memref<32768xf32, #tpu.memory_space<vmem>>, vector<16xf32>,
      %scan3A_238 = arith.constant 4 : i32
      %scan3A_239 = arith.addi %scan3A_171, %scan3A_238 : i32
      %mul3A_240 = arith.constant 16 : i32
      %mul3A_241 = arith.muli %scan3A_239, %mul3A_240 : i32
      %add3A_242 = arith.constant 5 : i32
      %add3A_243 = arith.addi %mul3A_241, %add3A_242 : i32
      %get3A_244 = arith.index_cast %add3A_243 : i32 to index
      %get3A_245 = tpu.vector_load %arg5[%get3A_244] {strides = array<i32>} : memref<4112xf32, #tpu.memory_space<vmem>>, vector<16xf32>,
      %get3A_246 = vector.shape_cast %get3A_245 : vector<16xf32> to vector<16xf32>
      %mul3A_247 = arith.constant 16 : i32
      %mul3A_248 = arith.muli %scan3A_239, %mul3A_247 : i32
      %add3A_249 = arith.constant 20480 : i32
      %add3A_250 = arith.addi %add3A_249, %mul3A_248 : i32
      %swap3A_251 = arith.index_cast %add3A_250 : i32 to index
      %swap3A_252 = tpu.vector_load %arg6[%swap3A_251] {strides = array<i32>} : memref<32768xf32, #tpu.memory_space<vmem>>, vector<16xf32>,
      %swap3A_253 = vector.shape_cast %swap3A_252 : vector<16xf32> to vector<16xf32>
      %swap3A_254 = vector.shape_cast %get3A_246 : vector<16xf32> to vector<16xf32>
      tpu.vector_store %arg6[%swap3A_251], %swap3A_254 {strides = array<i32>} : memref<32768xf32, #tpu.memory_space<vmem>>, vector<16xf32>,
      %scan3A_255 = arith.constant 5 : i32
      %scan3A_256 = arith.addi %scan3A_171, %scan3A_255 : i32
      %mul3A_257 = arith.constant 16 : i32
      %mul3A_258 = arith.muli %scan3A_256, %mul3A_257 : i32
      %add3A_259 = arith.constant 5 : i32
      %add3A_260 = arith.addi %mul3A_258, %add3A_259 : i32
      %get3A_261 = arith.index_cast %add3A_260 : i32 to index
      %get3A_262 = tpu.vector_load %arg5[%get3A_261] {strides = array<i32>} : memref<4112xf32, #tpu.memory_space<vmem>>, vector<16xf32>,
      %get3A_263 = vector.shape_cast %get3A_262 : vector<16xf32> to vector<16xf32>
      %mul3A_264 = arith.constant 16 : i32
      %mul3A_265 = arith.muli %scan3A_256, %mul3A_264 : i32
      %add3A_266 = arith.constant 20480 : i32
      %add3A_267 = arith.addi %add3A_266, %mul3A_265 : i32
      %swap3A_268 = arith.index_cast %add3A_267 : i32 to index
      %swap3A_269 = tpu.vector_load %arg6[%swap3A_268] {strides = array<i32>} : memref<32768xf32, #tpu.memory_space<vmem>>, vector<16xf32>,
      %swap3A_270 = vector.shape_cast %swap3A_269 : vector<16xf32> to vector<16xf32>
      %swap3A_271 = vector.shape_cast %get3A_263 : vector<16xf32> to vector<16xf32>
      tpu.vector_store %arg6[%swap3A_268], %swap3A_271 {strides = array<i32>} : memref<32768xf32, #tpu.memory_space<vmem>>, vector<16xf32>,
      %scan3A_272 = arith.constant 6 : i32
      %scan3A_273 = arith.addi %scan3A_171, %scan3A_272 : i32
      %mul3A_274 = arith.constant 16 : i32
      %mul3A_275 = arith.muli %scan3A_273, %mul3A_274 : i32
      %add3A_276 = arith.constant 5 : i32
      %add3A_277 = arith.addi %mul3A_275, %add3A_276 : i32
      %get3A_278 = arith.index_cast %add3A_277 : i32 to index
      %get3A_279 = tpu.vector_load %arg5[%get3A_278] {strides = array<i32>} : memref<4112xf32, #tpu.memory_space<vmem>>, vector<16xf32>,
      %get3A_280 = vector.shape_cast %get3A_279 : vector<16xf32> to vector<16xf32>
      %mul3A_281 = arith.constant 16 : i32
      %mul3A_282 = arith.muli %scan3A_273, %mul3A_281 : i32
      %add3A_283 = arith.constant 20480 : i32
      %add3A_284 = arith.addi %add3A_283, %mul3A_282 : i32
      %swap3A_285 = arith.index_cast %add3A_284 : i32 to index
      %swap3A_286 = tpu.vector_load %arg6[%swap3A_285] {strides = array<i32>} : memref<32768xf32, #tpu.memory_space<vmem>>, vector<16xf32>,
      %swap3A_287 = vector.shape_cast %swap3A_286 : vector<16xf32> to vector<16xf32>
      %swap3A_288 = vector.shape_cast %get3A_280 : vector<16xf32> to vector<16xf32>
      tpu.vector_store %arg6[%swap3A_285], %swap3A_288 {strides = array<i32>} : memref<32768xf32, #tpu.memory_space<vmem>>, vector<16xf32>,
      %scan3A_289 = arith.constant 7 : i32
      %scan3A_290 = arith.addi %scan3A_171, %scan3A_289 : i32
      %mul3A_291 = arith.constant 16 : i32
      %mul3A_292 = arith.muli %scan3A_290, %mul3A_291 : i32
      %add3A_293 = arith.constant 5 : i32
      %add3A_294 = arith.addi %mul3A_292, %add3A_293 : i32
      %get3A_295 = arith.index_cast %add3A_294 : i32 to index
      %get3A_296 = tpu.vector_load %arg5[%get3A_295] {strides = array<i32>} : memref<4112xf32, #tpu.memory_space<vmem>>, vector<16xf32>,
      %get3A_297 = vector.shape_cast %get3A_296 : vector<16xf32> to vector<16xf32>
      %mul3A_298 = arith.constant 16 : i32
      %mul3A_299 = arith.muli %scan3A_290, %mul3A_298 : i32
      %add3A_300 = arith.constant 20480 : i32
      %add3A_301 = arith.addi %add3A_300, %mul3A_299 : i32
      %swap3A_302 = arith.index_cast %add3A_301 : i32 to index
      %swap3A_303 = tpu.vector_load %arg6[%swap3A_302] {strides = array<i32>} : memref<32768xf32, #tpu.memory_space<vmem>>, vector<16xf32>,
      %swap3A_304 = vector.shape_cast %swap3A_303 : vector<16xf32> to vector<16xf32>
      %swap3A_305 = vector.shape_cast %get3A_297 : vector<16xf32> to vector<16xf32>
      tpu.vector_store %arg6[%swap3A_302], %swap3A_305 {strides = array<i32>} : memref<32768xf32, #tpu.memory_space<vmem>>, vector<16xf32>,
    }
    %scan3A_138 = arith.constant 256 : i32
    %scan3A_139 = arith.constant 0 : i32
    %scan3A_140 = arith.constant 256 : i32
    %scan3A_141 = arith.addi %scan3A_139, %scan3A_140 : i32
    %scan3A_142 = arith.constant 8 : i32
    scf.for %scan3A_171 = %scan3A_139 to %scan3A_141 step %scan3A_142  : i32 {
      %mul3A_172 = arith.constant 16 : i32
      %mul3A_173 = arith.muli %scan3A_171, %mul3A_172 : i32
      %add3A_174 = arith.constant 6 : i32
      %add3A_175 = arith.addi %mul3A_173, %add3A_174 : i32
      %get3A_176 = arith.index_cast %add3A_175 : i32 to index
      %get3A_177 = tpu.vector_load %arg5[%get3A_176] {strides = array<i32>} : memref<4112xf32, #tpu.memory_space<vmem>>, vector<16xf32>,
      %get3A_178 = vector.shape_cast %get3A_177 : vector<16xf32> to vector<16xf32>
      %mul3A_179 = arith.constant 16 : i32
      %mul3A_180 = arith.muli %scan3A_171, %mul3A_179 : i32
      %add3A_181 = arith.constant 24576 : i32
      %add3A_182 = arith.addi %add3A_181, %mul3A_180 : i32
      %swap3A_183 = arith.index_cast %add3A_182 : i32 to index
      %swap3A_184 = tpu.vector_load %arg6[%swap3A_183] {strides = array<i32>} : memref<32768xf32, #tpu.memory_space<vmem>>, vector<16xf32>,
      %swap3A_185 = vector.shape_cast %swap3A_184 : vector<16xf32> to vector<16xf32>
      %swap3A_186 = vector.shape_cast %get3A_178 : vector<16xf32> to vector<16xf32>
      tpu.vector_store %arg6[%swap3A_183], %swap3A_186 {strides = array<i32>} : memref<32768xf32, #tpu.memory_space<vmem>>, vector<16xf32>,
      %scan3A_187 = arith.constant 1 : i32
      %scan3A_188 = arith.addi %scan3A_171, %scan3A_187 : i32
      %mul3A_189 = arith.constant 16 : i32
      %mul3A_190 = arith.muli %scan3A_188, %mul3A_189 : i32
      %add3A_191 = arith.constant 6 : i32
      %add3A_192 = arith.addi %mul3A_190, %add3A_191 : i32
      %get3A_193 = arith.index_cast %add3A_192 : i32 to index
      %get3A_194 = tpu.vector_load %arg5[%get3A_193] {strides = array<i32>} : memref<4112xf32, #tpu.memory_space<vmem>>, vector<16xf32>,
      %get3A_195 = vector.shape_cast %get3A_194 : vector<16xf32> to vector<16xf32>
      %mul3A_196 = arith.constant 16 : i32
      %mul3A_197 = arith.muli %scan3A_188, %mul3A_196 : i32
      %add3A_198 = arith.constant 24576 : i32
      %add3A_199 = arith.addi %add3A_198, %mul3A_197 : i32
      %swap3A_200 = arith.index_cast %add3A_199 : i32 to index
      %swap3A_201 = tpu.vector_load %arg6[%swap3A_200] {strides = array<i32>} : memref<32768xf32, #tpu.memory_space<vmem>>, vector<16xf32>,
      %swap3A_202 = vector.shape_cast %swap3A_201 : vector<16xf32> to vector<16xf32>
      %swap3A_203 = vector.shape_cast %get3A_195 : vector<16xf32> to vector<16xf32>
      tpu.vector_store %arg6[%swap3A_200], %swap3A_203 {strides = array<i32>} : memref<32768xf32, #tpu.memory_space<vmem>>, vector<16xf32>,
      %scan3A_204 = arith.constant 2 : i32
      %scan3A_205 = arith.addi %scan3A_171, %scan3A_204 : i32
      %mul3A_206 = arith.constant 16 : i32
      %mul3A_207 = arith.muli %scan3A_205, %mul3A_206 : i32
      %add3A_208 = arith.constant 6 : i32
      %add3A_209 = arith.addi %mul3A_207, %add3A_208 : i32
      %get3A_210 = arith.index_cast %add3A_209 : i32 to index
      %get3A_211 = tpu.vector_load %arg5[%get3A_210] {strides = array<i32>} : memref<4112xf32, #tpu.memory_space<vmem>>, vector<16xf32>,
      %get3A_212 = vector.shape_cast %get3A_211 : vector<16xf32> to vector<16xf32>
      %mul3A_213 = arith.constant 16 : i32
      %mul3A_214 = arith.muli %scan3A_205, %mul3A_213 : i32
      %add3A_215 = arith.constant 24576 : i32
      %add3A_216 = arith.addi %add3A_215, %mul3A_214 : i32
      %swap3A_217 = arith.index_cast %add3A_216 : i32 to index
      %swap3A_218 = tpu.vector_load %arg6[%swap3A_217] {strides = array<i32>} : memref<32768xf32, #tpu.memory_space<vmem>>, vector<16xf32>,
      %swap3A_219 = vector.shape_cast %swap3A_218 : vector<16xf32> to vector<16xf32>
      %swap3A_220 = vector.shape_cast %get3A_212 : vector<16xf32> to vector<16xf32>
      tpu.vector_store %arg6[%swap3A_217], %swap3A_220 {strides = array<i32>} : memref<32768xf32, #tpu.memory_space<vmem>>, vector<16xf32>,
      %scan3A_221 = arith.constant 3 : i32
      %scan3A_222 = arith.addi %scan3A_171, %scan3A_221 : i32
      %mul3A_223 = arith.constant 16 : i32
      %mul3A_224 = arith.muli %scan3A_222, %mul3A_223 : i32
      %add3A_225 = arith.constant 6 : i32
      %add3A_226 = arith.addi %mul3A_224, %add3A_225 : i32
      %get3A_227 = arith.index_cast %add3A_226 : i32 to index
      %get3A_228 = tpu.vector_load %arg5[%get3A_227] {strides = array<i32>} : memref<4112xf32, #tpu.memory_space<vmem>>, vector<16xf32>,
      %get3A_229 = vector.shape_cast %get3A_228 : vector<16xf32> to vector<16xf32>
      %mul3A_230 = arith.constant 16 : i32
      %mul3A_231 = arith.muli %scan3A_222, %mul3A_230 : i32
      %add3A_232 = arith.constant 24576 : i32
      %add3A_233 = arith.addi %add3A_232, %mul3A_231 : i32
      %swap3A_234 = arith.index_cast %add3A_233 : i32 to index
      %swap3A_235 = tpu.vector_load %arg6[%swap3A_234] {strides = array<i32>} : memref<32768xf32, #tpu.memory_space<vmem>>, vector<16xf32>,
      %swap3A_236 = vector.shape_cast %swap3A_235 : vector<16xf32> to vector<16xf32>
      %swap3A_237 = vector.shape_cast %get3A_229 : vector<16xf32> to vector<16xf32>
      tpu.vector_store %arg6[%swap3A_234], %swap3A_237 {strides = array<i32>} : memref<32768xf32, #tpu.memory_space<vmem>>, vector<16xf32>,
      %scan3A_238 = arith.constant 4 : i32
      %scan3A_239 = arith.addi %scan3A_171, %scan3A_238 : i32
      %mul3A_240 = arith.constant 16 : i32
      %mul3A_241 = arith.muli %scan3A_239, %mul3A_240 : i32
      %add3A_242 = arith.constant 6 : i32
      %add3A_243 = arith.addi %mul3A_241, %add3A_242 : i32
      %get3A_244 = arith.index_cast %add3A_243 : i32 to index
      %get3A_245 = tpu.vector_load %arg5[%get3A_244] {strides = array<i32>} : memref<4112xf32, #tpu.memory_space<vmem>>, vector<16xf32>,
      %get3A_246 = vector.shape_cast %get3A_245 : vector<16xf32> to vector<16xf32>
      %mul3A_247 = arith.constant 16 : i32
      %mul3A_248 = arith.muli %scan3A_239, %mul3A_247 : i32
      %add3A_249 = arith.constant 24576 : i32
      %add3A_250 = arith.addi %add3A_249, %mul3A_248 : i32
      %swap3A_251 = arith.index_cast %add3A_250 : i32 to index
      %swap3A_252 = tpu.vector_load %arg6[%swap3A_251] {strides = array<i32>} : memref<32768xf32, #tpu.memory_space<vmem>>, vector<16xf32>,
      %swap3A_253 = vector.shape_cast %swap3A_252 : vector<16xf32> to vector<16xf32>
      %swap3A_254 = vector.shape_cast %get3A_246 : vector<16xf32> to vector<16xf32>
      tpu.vector_store %arg6[%swap3A_251], %swap3A_254 {strides = array<i32>} : memref<32768xf32, #tpu.memory_space<vmem>>, vector<16xf32>,
      %scan3A_255 = arith.constant 5 : i32
      %scan3A_256 = arith.addi %scan3A_171, %scan3A_255 : i32
      %mul3A_257 = arith.constant 16 : i32
      %mul3A_258 = arith.muli %scan3A_256, %mul3A_257 : i32
      %add3A_259 = arith.constant 6 : i32
      %add3A_260 = arith.addi %mul3A_258, %add3A_259 : i32
      %get3A_261 = arith.index_cast %add3A_260 : i32 to index
      %get3A_262 = tpu.vector_load %arg5[%get3A_261] {strides = array<i32>} : memref<4112xf32, #tpu.memory_space<vmem>>, vector<16xf32>,
      %get3A_263 = vector.shape_cast %get3A_262 : vector<16xf32> to vector<16xf32>
      %mul3A_264 = arith.constant 16 : i32
      %mul3A_265 = arith.muli %scan3A_256, %mul3A_264 : i32
      %add3A_266 = arith.constant 24576 : i32
      %add3A_267 = arith.addi %add3A_266, %mul3A_265 : i32
      %swap3A_268 = arith.index_cast %add3A_267 : i32 to index
      %swap3A_269 = tpu.vector_load %arg6[%swap3A_268] {strides = array<i32>} : memref<32768xf32, #tpu.memory_space<vmem>>, vector<16xf32>,
      %swap3A_270 = vector.shape_cast %swap3A_269 : vector<16xf32> to vector<16xf32>
      %swap3A_271 = vector.shape_cast %get3A_263 : vector<16xf32> to vector<16xf32>
      tpu.vector_store %arg6[%swap3A_268], %swap3A_271 {strides = array<i32>} : memref<32768xf32, #tpu.memory_space<vmem>>, vector<16xf32>,
      %scan3A_272 = arith.constant 6 : i32
      %scan3A_273 = arith.addi %scan3A_171, %scan3A_272 : i32
      %mul3A_274 = arith.constant 16 : i32
      %mul3A_275 = arith.muli %scan3A_273, %mul3A_274 : i32
      %add3A_276 = arith.constant 6 : i32
      %add3A_277 = arith.addi %mul3A_275, %add3A_276 : i32
      %get3A_278 = arith.index_cast %add3A_277 : i32 to index
      %get3A_279 = tpu.vector_load %arg5[%get3A_278] {strides = array<i32>} : memref<4112xf32, #tpu.memory_space<vmem>>, vector<16xf32>,
      %get3A_280 = vector.shape_cast %get3A_279 : vector<16xf32> to vector<16xf32>
      %mul3A_281 = arith.constant 16 : i32
      %mul3A_282 = arith.muli %scan3A_273, %mul3A_281 : i32
      %add3A_283 = arith.constant 24576 : i32
      %add3A_284 = arith.addi %add3A_283, %mul3A_282 : i32
      %swap3A_285 = arith.index_cast %add3A_284 : i32 to index
      %swap3A_286 = tpu.vector_load %arg6[%swap3A_285] {strides = array<i32>} : memref<32768xf32, #tpu.memory_space<vmem>>, vector<16xf32>,
      %swap3A_287 = vector.shape_cast %swap3A_286 : vector<16xf32> to vector<16xf32>
      %swap3A_288 = vector.shape_cast %get3A_280 : vector<16xf32> to vector<16xf32>
      tpu.vector_store %arg6[%swap3A_285], %swap3A_288 {strides = array<i32>} : memref<32768xf32, #tpu.memory_space<vmem>>, vector<16xf32>,
      %scan3A_289 = arith.constant 7 : i32
      %scan3A_290 = arith.addi %scan3A_171, %scan3A_289 : i32
      %mul3A_291 = arith.constant 16 : i32
      %mul3A_292 = arith.muli %scan3A_290, %mul3A_291 : i32
      %add3A_293 = arith.constant 6 : i32
      %add3A_294 = arith.addi %mul3A_292, %add3A_293 : i32
      %get3A_295 = arith.index_cast %add3A_294 : i32 to index
      %get3A_296 = tpu.vector_load %arg5[%get3A_295] {strides = array<i32>} : memref<4112xf32, #tpu.memory_space<vmem>>, vector<16xf32>,
      %get3A_297 = vector.shape_cast %get3A_296 : vector<16xf32> to vector<16xf32>
      %mul3A_298 = arith.constant 16 : i32
      %mul3A_299 = arith.muli %scan3A_290, %mul3A_298 : i32
      %add3A_300 = arith.constant 24576 : i32
      %add3A_301 = arith.addi %add3A_300, %mul3A_299 : i32
      %swap3A_302 = arith.index_cast %add3A_301 : i32 to index
      %swap3A_303 = tpu.vector_load %arg6[%swap3A_302] {strides = array<i32>} : memref<32768xf32, #tpu.memory_space<vmem>>, vector<16xf32>,
      %swap3A_304 = vector.shape_cast %swap3A_303 : vector<16xf32> to vector<16xf32>
      %swap3A_305 = vector.shape_cast %get3A_297 : vector<16xf32> to vector<16xf32>
      tpu.vector_store %arg6[%swap3A_302], %swap3A_305 {strides = array<i32>} : memref<32768xf32, #tpu.memory_space<vmem>>, vector<16xf32>,
    }
    %scan3A_143 = arith.constant 256 : i32
    %scan3A_144 = arith.constant 0 : i32
    %scan3A_145 = arith.constant 256 : i32
    %scan3A_146 = arith.addi %scan3A_144, %scan3A_145 : i32
    %scan3A_147 = arith.constant 8 : i32
    scf.for %scan3A_171 = %scan3A_144 to %scan3A_146 step %scan3A_147  : i32 {
      %mul3A_172 = arith.constant 16 : i32
      %mul3A_173 = arith.muli %scan3A_171, %mul3A_172 : i32
      %add3A_174 = arith.constant 7 : i32
      %add3A_175 = arith.addi %mul3A_173, %add3A_174 : i32
      %get3A_176 = arith.index_cast %add3A_175 : i32 to index
      %get3A_177 = tpu.vector_load %arg5[%get3A_176] {strides = array<i32>} : memref<4112xf32, #tpu.memory_space<vmem>>, vector<16xf32>,
      %get3A_178 = vector.shape_cast %get3A_177 : vector<16xf32> to vector<16xf32>
      %mul3A_179 = arith.constant 16 : i32
      %mul3A_180 = arith.muli %scan3A_171, %mul3A_179 : i32
      %add3A_181 = arith.constant 28672 : i32
      %add3A_182 = arith.addi %add3A_181, %mul3A_180 : i32
      %swap3A_183 = arith.index_cast %add3A_182 : i32 to index
      %swap3A_184 = tpu.vector_load %arg6[%swap3A_183] {strides = array<i32>} : memref<32768xf32, #tpu.memory_space<vmem>>, vector<16xf32>,
      %swap3A_185 = vector.shape_cast %swap3A_184 : vector<16xf32> to vector<16xf32>
      %swap3A_186 = vector.shape_cast %get3A_178 : vector<16xf32> to vector<16xf32>
      tpu.vector_store %arg6[%swap3A_183], %swap3A_186 {strides = array<i32>} : memref<32768xf32, #tpu.memory_space<vmem>>, vector<16xf32>,
      %scan3A_187 = arith.constant 1 : i32
      %scan3A_188 = arith.addi %scan3A_171, %scan3A_187 : i32
      %mul3A_189 = arith.constant 16 : i32
      %mul3A_190 = arith.muli %scan3A_188, %mul3A_189 : i32
      %add3A_191 = arith.constant 7 : i32
      %add3A_192 = arith.addi %mul3A_190, %add3A_191 : i32
      %get3A_193 = arith.index_cast %add3A_192 : i32 to index
      %get3A_194 = tpu.vector_load %arg5[%get3A_193] {strides = array<i32>} : memref<4112xf32, #tpu.memory_space<vmem>>, vector<16xf32>,
      %get3A_195 = vector.shape_cast %get3A_194 : vector<16xf32> to vector<16xf32>
      %mul3A_196 = arith.constant 16 : i32
      %mul3A_197 = arith.muli %scan3A_188, %mul3A_196 : i32
      %add3A_198 = arith.constant 28672 : i32
      %add3A_199 = arith.addi %add3A_198, %mul3A_197 : i32
      %swap3A_200 = arith.index_cast %add3A_199 : i32 to index
      %swap3A_201 = tpu.vector_load %arg6[%swap3A_200] {strides = array<i32>} : memref<32768xf32, #tpu.memory_space<vmem>>, vector<16xf32>,
      %swap3A_202 = vector.shape_cast %swap3A_201 : vector<16xf32> to vector<16xf32>
      %swap3A_203 = vector.shape_cast %get3A_195 : vector<16xf32> to vector<16xf32>
      tpu.vector_store %arg6[%swap3A_200], %swap3A_203 {strides = array<i32>} : memref<32768xf32, #tpu.memory_space<vmem>>, vector<16xf32>,
      %scan3A_204 = arith.constant 2 : i32
      %scan3A_205 = arith.addi %scan3A_171, %scan3A_204 : i32
      %mul3A_206 = arith.constant 16 : i32
      %mul3A_207 = arith.muli %scan3A_205, %mul3A_206 : i32
      %add3A_208 = arith.constant 7 : i32
      %add3A_209 = arith.addi %mul3A_207, %add3A_208 : i32
      %get3A_210 = arith.index_cast %add3A_209 : i32 to index
      %get3A_211 = tpu.vector_load %arg5[%get3A_210] {strides = array<i32>} : memref<4112xf32, #tpu.memory_space<vmem>>, vector<16xf32>,
      %get3A_212 = vector.shape_cast %get3A_211 : vector<16xf32> to vector<16xf32>
      %mul3A_213 = arith.constant 16 : i32
      %mul3A_214 = arith.muli %scan3A_205, %mul3A_213 : i32
      %add3A_215 = arith.constant 28672 : i32
      %add3A_216 = arith.addi %add3A_215, %mul3A_214 : i32
      %swap3A_217 = arith.index_cast %add3A_216 : i32 to index
      %swap3A_218 = tpu.vector_load %arg6[%swap3A_217] {strides = array<i32>} : memref<32768xf32, #tpu.memory_space<vmem>>, vector<16xf32>,
      %swap3A_219 = vector.shape_cast %swap3A_218 : vector<16xf32> to vector<16xf32>
      %swap3A_220 = vector.shape_cast %get3A_212 : vector<16xf32> to vector<16xf32>
      tpu.vector_store %arg6[%swap3A_217], %swap3A_220 {strides = array<i32>} : memref<32768xf32, #tpu.memory_space<vmem>>, vector<16xf32>,
      %scan3A_221 = arith.constant 3 : i32
      %scan3A_222 = arith.addi %scan3A_171, %scan3A_221 : i32
      %mul3A_223 = arith.constant 16 : i32
      %mul3A_224 = arith.muli %scan3A_222, %mul3A_223 : i32
      %add3A_225 = arith.constant 7 : i32
      %add3A_226 = arith.addi %mul3A_224, %add3A_225 : i32
      %get3A_227 = arith.index_cast %add3A_226 : i32 to index
      %get3A_228 = tpu.vector_load %arg5[%get3A_227] {strides = array<i32>} : memref<4112xf32, #tpu.memory_space<vmem>>, vector<16xf32>,
      %get3A_229 = vector.shape_cast %get3A_228 : vector<16xf32> to vector<16xf32>
      %mul3A_230 = arith.constant 16 : i32
      %mul3A_231 = arith.muli %scan3A_222, %mul3A_230 : i32
      %add3A_232 = arith.constant 28672 : i32
      %add3A_233 = arith.addi %add3A_232, %mul3A_231 : i32
      %swap3A_234 = arith.index_cast %add3A_233 : i32 to index
      %swap3A_235 = tpu.vector_load %arg6[%swap3A_234] {strides = array<i32>} : memref<32768xf32, #tpu.memory_space<vmem>>, vector<16xf32>,
      %swap3A_236 = vector.shape_cast %swap3A_235 : vector<16xf32> to vector<16xf32>
      %swap3A_237 = vector.shape_cast %get3A_229 : vector<16xf32> to vector<16xf32>
      tpu.vector_store %arg6[%swap3A_234], %swap3A_237 {strides = array<i32>} : memref<32768xf32, #tpu.memory_space<vmem>>, vector<16xf32>,
      %scan3A_238 = arith.constant 4 : i32
      %scan3A_239 = arith.addi %scan3A_171, %scan3A_238 : i32
      %mul3A_240 = arith.constant 16 : i32
      %mul3A_241 = arith.muli %scan3A_239, %mul3A_240 : i32
      %add3A_242 = arith.constant 7 : i32
      %add3A_243 = arith.addi %mul3A_241, %add3A_242 : i32
      %get3A_244 = arith.index_cast %add3A_243 : i32 to index
      %get3A_245 = tpu.vector_load %arg5[%get3A_244] {strides = array<i32>} : memref<4112xf32, #tpu.memory_space<vmem>>, vector<16xf32>,
      %get3A_246 = vector.shape_cast %get3A_245 : vector<16xf32> to vector<16xf32>
      %mul3A_247 = arith.constant 16 : i32
      %mul3A_248 = arith.muli %scan3A_239, %mul3A_247 : i32
      %add3A_249 = arith.constant 28672 : i32
      %add3A_250 = arith.addi %add3A_249, %mul3A_248 : i32
      %swap3A_251 = arith.index_cast %add3A_250 : i32 to index
      %swap3A_252 = tpu.vector_load %arg6[%swap3A_251] {strides = array<i32>} : memref<32768xf32, #tpu.memory_space<vmem>>, vector<16xf32>,
      %swap3A_253 = vector.shape_cast %swap3A_252 : vector<16xf32> to vector<16xf32>
      %swap3A_254 = vector.shape_cast %get3A_246 : vector<16xf32> to vector<16xf32>
      tpu.vector_store %arg6[%swap3A_251], %swap3A_254 {strides = array<i32>} : memref<32768xf32, #tpu.memory_space<vmem>>, vector<16xf32>,
      %scan3A_255 = arith.constant 5 : i32
      %scan3A_256 = arith.addi %scan3A_171, %scan3A_255 : i32
      %mul3A_257 = arith.constant 16 : i32
      %mul3A_258 = arith.muli %scan3A_256, %mul3A_257 : i32
      %add3A_259 = arith.constant 7 : i32
      %add3A_260 = arith.addi %mul3A_258, %add3A_259 : i32
      %get3A_261 = arith.index_cast %add3A_260 : i32 to index
      %get3A_262 = tpu.vector_load %arg5[%get3A_261] {strides = array<i32>} : memref<4112xf32, #tpu.memory_space<vmem>>, vector<16xf32>,
      %get3A_263 = vector.shape_cast %get3A_262 : vector<16xf32> to vector<16xf32>
      %mul3A_264 = arith.constant 16 : i32
      %mul3A_265 = arith.muli %scan3A_256, %mul3A_264 : i32
      %add3A_266 = arith.constant 28672 : i32
      %add3A_267 = arith.addi %add3A_266, %mul3A_265 : i32
      %swap3A_268 = arith.index_cast %add3A_267 : i32 to index
      %swap3A_269 = tpu.vector_load %arg6[%swap3A_268] {strides = array<i32>} : memref<32768xf32, #tpu.memory_space<vmem>>, vector<16xf32>,
      %swap3A_270 = vector.shape_cast %swap3A_269 : vector<16xf32> to vector<16xf32>
      %swap3A_271 = vector.shape_cast %get3A_263 : vector<16xf32> to vector<16xf32>
      tpu.vector_store %arg6[%swap3A_268], %swap3A_271 {strides = array<i32>} : memref<32768xf32, #tpu.memory_space<vmem>>, vector<16xf32>,
      %scan3A_272 = arith.constant 6 : i32
      %scan3A_273 = arith.addi %scan3A_171, %scan3A_272 : i32
      %mul3A_274 = arith.constant 16 : i32
      %mul3A_275 = arith.muli %scan3A_273, %mul3A_274 : i32
      %add3A_276 = arith.constant 7 : i32
      %add3A_277 = arith.addi %mul3A_275, %add3A_276 : i32
      %get3A_278 = arith.index_cast %add3A_277 : i32 to index
      %get3A_279 = tpu.vector_load %arg5[%get3A_278] {strides = array<i32>} : memref<4112xf32, #tpu.memory_space<vmem>>, vector<16xf32>,
      %get3A_280 = vector.shape_cast %get3A_279 : vector<16xf32> to vector<16xf32>
      %mul3A_281 = arith.constant 16 : i32
      %mul3A_282 = arith.muli %scan3A_273, %mul3A_281 : i32
      %add3A_283 = arith.constant 28672 : i32
      %add3A_284 = arith.addi %add3A_283, %mul3A_282 : i32
      %swap3A_285 = arith.index_cast %add3A_284 : i32 to index
      %swap3A_286 = tpu.vector_load %arg6[%swap3A_285] {strides = array<i32>} : memref<32768xf32, #tpu.memory_space<vmem>>, vector<16xf32>,
      %swap3A_287 = vector.shape_cast %swap3A_286 : vector<16xf32> to vector<16xf32>
      %swap3A_288 = vector.shape_cast %get3A_280 : vector<16xf32> to vector<16xf32>
      tpu.vector_store %arg6[%swap3A_285], %swap3A_288 {strides = array<i32>} : memref<32768xf32, #tpu.memory_space<vmem>>, vector<16xf32>,
      %scan3A_289 = arith.constant 7 : i32
      %scan3A_290 = arith.addi %scan3A_171, %scan3A_289 : i32
      %mul3A_291 = arith.constant 16 : i32
      %mul3A_292 = arith.muli %scan3A_290, %mul3A_291 : i32
      %add3A_293 = arith.constant 7 : i32
      %add3A_294 = arith.addi %mul3A_292, %add3A_293 : i32
      %get3A_295 = arith.index_cast %add3A_294 : i32 to index
      %get3A_296 = tpu.vector_load %arg5[%get3A_295] {strides = array<i32>} : memref<4112xf32, #tpu.memory_space<vmem>>, vector<16xf32>,
      %get3A_297 = vector.shape_cast %get3A_296 : vector<16xf32> to vector<16xf32>
      %mul3A_298 = arith.constant 16 : i32
      %mul3A_299 = arith.muli %scan3A_290, %mul3A_298 : i32
      %add3A_300 = arith.constant 28672 : i32
      %add3A_301 = arith.addi %add3A_300, %mul3A_299 : i32
      %swap3A_302 = arith.index_cast %add3A_301 : i32 to index
      %swap3A_303 = tpu.vector_load %arg6[%swap3A_302] {strides = array<i32>} : memref<32768xf32, #tpu.memory_space<vmem>>, vector<16xf32>,
      %swap3A_304 = vector.shape_cast %swap3A_303 : vector<16xf32> to vector<16xf32>
      %swap3A_305 = vector.shape_cast %get3A_297 : vector<16xf32> to vector<16xf32>
      tpu.vector_store %arg6[%swap3A_302], %swap3A_305 {strides = array<i32>} : memref<32768xf32, #tpu.memory_space<vmem>>, vector<16xf32>,
    }
    %scan3A_148 = arith.constant 256 : i32
    %mul3A_149 = arith.constant 4194304 : i32
    %mul3A_150 = arith.muli %arg1, %mul3A_149 : i32
    %scan3A_151 = arith.constant 0 : i32
    %scan3A_152 = arith.constant 128 : i32
    %scan3A_153 = arith.addi %scan3A_151, %scan3A_152 : i32
    %scan3A_154 = arith.constant 1 : i32
    scf.for %scan3A_171 = %scan3A_151 to %scan3A_153 step %scan3A_154  : i32 {
      %mul3A_172 = arith.constant 8 : i32
      %mul3A_173 = arith.muli %scan3A_171, %mul3A_172 : i32
      %add3A_174 = arith.addi %mul3A_0, %mul3A_173 : i32
      %add3A_175 = arith.constant 0 : i32
      %add3A_176 = arith.addi %add3A_174, %add3A_175 : i32
      %sub3A_177 = arith.constant 2047 : i32
      %sub3A_178 = arith.subi %sub3A_177, %add3A_176 : i32
      %and3A_179 = arith.constant 7 : i32
      %and3A_180 = arith.andi %sub3A_178, %and3A_179 : i32
      %sub3A_181 = arith.subi %sub3A_178, %and3A_180 : i32
      %mul3A_182 = arith.constant 4096 : i32
      %mul3A_183 = arith.muli %and3A_180, %mul3A_182 : i32
      %add3A_184 = arith.addi %mul3A_183, %sub3A_181 : i32
      %multiple_of3A_185 = tpu.assume_multiple %add3A_184, 8 : i32
      %shift_right_logical3A = arith.constant 3 : i32
      %shift_right_logical3A_186 = arith.shrui %add3A_176, %shift_right_logical3A : i32
      %and3A_187 = arith.constant 7 : i32
      %and3A_188 = arith.andi %add3A_176, %and3A_187 : i32
      %mul3A_189 = arith.constant 16384 : i32
      %mul3A_190 = arith.muli %shift_right_logical3A_186, %mul3A_189 : i32
      %add3A_191 = arith.addi %mul3A_150, %mul3A_190 : i32
      %mul3A_192 = arith.constant 128 : i32
      %mul3A_193 = arith.muli %and3A_188, %mul3A_192 : i32
      %add3A_194 = arith.addi %add3A_191, %mul3A_193 : i32
      %multiple_of3A_195 = tpu.assume_multiple %add3A_194, 8 : i32
      %add3A_196 = arith.constant 0 : i32
      %add3A_197 = arith.addi %multiple_of3A_185, %add3A_196 : i32
      %add3A_198 = arith.constant 0 : i32
      %add3A_199 = arith.addi %multiple_of3A_195, %add3A_198 : i32
      %dma_start3A = tpu.memref_slice %arg6[%add3A_197] : memref<32768xf32, #tpu.memory_space<vmem>> -> memref<128xf32, #tpu.memory_space<vmem>>
      %dma_start3A_200 = tpu.memref_slice %arg3[%add3A_199] : memref<67108864xf32, #tpu.memory_space<hbm>> -> memref<128xf32, #tpu.memory_space<hbm>>
      %dma_start3A_201 = tpu.memref_slice %arg3[%add3A_199] : memref<67108864xf32, #tpu.memory_space<hbm>> -> memref<128xf32, #tpu.memory_space<hbm>>
      %dma_start3A_202 = tpu.memref_slice %arg6[%add3A_197] : memref<32768xf32, #tpu.memory_space<vmem>> -> memref<128xf32, #tpu.memory_space<vmem>>
      tpu.enqueue_dma source(%dma_start3A_202 : memref<128xf32, #tpu.memory_space<vmem>>) target(%dma_start3A_201 : memref<128xf32, #tpu.memory_space<hbm>>) target_semaphore(%arg7 : memref<!tpu.dma_semaphore, #tpu.memory_space<semaphore_mem>>)
      %add3A_203 = arith.constant 128 : i32
      %add3A_204 = arith.addi %multiple_of3A_185, %add3A_203 : i32
      %add3A_205 = arith.constant 1024 : i32
      %add3A_206 = arith.addi %multiple_of3A_195, %add3A_205 : i32
      %dma_start3A_207 = tpu.memref_slice %arg6[%add3A_204] : memref<32768xf32, #tpu.memory_space<vmem>> -> memref<128xf32, #tpu.memory_space<vmem>>
      %dma_start3A_208 = tpu.memref_slice %arg3[%add3A_206] : memref<67108864xf32, #tpu.memory_space<hbm>> -> memref<128xf32, #tpu.memory_space<hbm>>
      %dma_start3A_209 = tpu.memref_slice %arg3[%add3A_206] : memref<67108864xf32, #tpu.memory_space<hbm>> -> memref<128xf32, #tpu.memory_space<hbm>>
      %dma_start3A_210 = tpu.memref_slice %arg6[%add3A_204] : memref<32768xf32, #tpu.memory_space<vmem>> -> memref<128xf32, #tpu.memory_space<vmem>>
      tpu.enqueue_dma source(%dma_start3A_210 : memref<128xf32, #tpu.memory_space<vmem>>) target(%dma_start3A_209 : memref<128xf32, #tpu.memory_space<hbm>>) target_semaphore(%arg7 : memref<!tpu.dma_semaphore, #tpu.memory_space<semaphore_mem>>)
      %add3A_211 = arith.constant 256 : i32
      %add3A_212 = arith.addi %multiple_of3A_185, %add3A_211 : i32
      %add3A_213 = arith.constant 2048 : i32
      %add3A_214 = arith.addi %multiple_of3A_195, %add3A_213 : i32
      %dma_start3A_215 = tpu.memref_slice %arg6[%add3A_212] : memref<32768xf32, #tpu.memory_space<vmem>> -> memref<128xf32, #tpu.memory_space<vmem>>
      %dma_start3A_216 = tpu.memref_slice %arg3[%add3A_214] : memref<67108864xf32, #tpu.memory_space<hbm>> -> memref<128xf32, #tpu.memory_space<hbm>>
      %dma_start3A_217 = tpu.memref_slice %arg3[%add3A_214] : memref<67108864xf32, #tpu.memory_space<hbm>> -> memref<128xf32, #tpu.memory_space<hbm>>
      %dma_start3A_218 = tpu.memref_slice %arg6[%add3A_212] : memref<32768xf32, #tpu.memory_space<vmem>> -> memref<128xf32, #tpu.memory_space<vmem>>
      tpu.enqueue_dma source(%dma_start3A_218 : memref<128xf32, #tpu.memory_space<vmem>>) target(%dma_start3A_217 : memref<128xf32, #tpu.memory_space<hbm>>) target_semaphore(%arg7 : memref<!tpu.dma_semaphore, #tpu.memory_space<semaphore_mem>>)
      %add3A_219 = arith.constant 384 : i32
      %add3A_220 = arith.addi %multiple_of3A_185, %add3A_219 : i32
      %add3A_221 = arith.constant 3072 : i32
      %add3A_222 = arith.addi %multiple_of3A_195, %add3A_221 : i32
      %dma_start3A_223 = tpu.memref_slice %arg6[%add3A_220] : memref<32768xf32, #tpu.memory_space<vmem>> -> memref<128xf32, #tpu.memory_space<vmem>>
      %dma_start3A_224 = tpu.memref_slice %arg3[%add3A_222] : memref<67108864xf32, #tpu.memory_space<hbm>> -> memref<128xf32, #tpu.memory_space<hbm>>
      %dma_start3A_225 = tpu.memref_slice %arg3[%add3A_222] : memref<67108864xf32, #tpu.memory_space<hbm>> -> memref<128xf32, #tpu.memory_space<hbm>>
      %dma_start3A_226 = tpu.memref_slice %arg6[%add3A_220] : memref<32768xf32, #tpu.memory_space<vmem>> -> memref<128xf32, #tpu.memory_space<vmem>>
      tpu.enqueue_dma source(%dma_start3A_226 : memref<128xf32, #tpu.memory_space<vmem>>) target(%dma_start3A_225 : memref<128xf32, #tpu.memory_space<hbm>>) target_semaphore(%arg7 : memref<!tpu.dma_semaphore, #tpu.memory_space<semaphore_mem>>)
      %add3A_227 = arith.constant 512 : i32
      %add3A_228 = arith.addi %multiple_of3A_185, %add3A_227 : i32
      %add3A_229 = arith.constant 4096 : i32
      %add3A_230 = arith.addi %multiple_of3A_195, %add3A_229 : i32
      %dma_start3A_231 = tpu.memref_slice %arg6[%add3A_228] : memref<32768xf32, #tpu.memory_space<vmem>> -> memref<128xf32, #tpu.memory_space<vmem>>
      %dma_start3A_232 = tpu.memref_slice %arg3[%add3A_230] : memref<67108864xf32, #tpu.memory_space<hbm>> -> memref<128xf32, #tpu.memory_space<hbm>>
      %dma_start3A_233 = tpu.memref_slice %arg3[%add3A_230] : memref<67108864xf32, #tpu.memory_space<hbm>> -> memref<128xf32, #tpu.memory_space<hbm>>
      %dma_start3A_234 = tpu.memref_slice %arg6[%add3A_228] : memref<32768xf32, #tpu.memory_space<vmem>> -> memref<128xf32, #tpu.memory_space<vmem>>
      tpu.enqueue_dma source(%dma_start3A_234 : memref<128xf32, #tpu.memory_space<vmem>>) target(%dma_start3A_233 : memref<128xf32, #tpu.memory_space<hbm>>) target_semaphore(%arg7 : memref<!tpu.dma_semaphore, #tpu.memory_space<semaphore_mem>>)
      %add3A_235 = arith.constant 640 : i32
      %add3A_236 = arith.addi %multiple_of3A_185, %add3A_235 : i32
      %add3A_237 = arith.constant 5120 : i32
      %add3A_238 = arith.addi %multiple_of3A_195, %add3A_237 : i32
      %dma_start3A_239 = tpu.memref_slice %arg6[%add3A_236] : memref<32768xf32, #tpu.memory_space<vmem>> -> memref<128xf32, #tpu.memory_space<vmem>>
      %dma_start3A_240 = tpu.memref_slice %arg3[%add3A_238] : memref<67108864xf32, #tpu.memory_space<hbm>> -> memref<128xf32, #tpu.memory_space<hbm>>
      %dma_start3A_241 = tpu.memref_slice %arg3[%add3A_238] : memref<67108864xf32, #tpu.memory_space<hbm>> -> memref<128xf32, #tpu.memory_space<hbm>>
      %dma_start3A_242 = tpu.memref_slice %arg6[%add3A_236] : memref<32768xf32, #tpu.memory_space<vmem>> -> memref<128xf32, #tpu.memory_space<vmem>>
      tpu.enqueue_dma source(%dma_start3A_242 : memref<128xf32, #tpu.memory_space<vmem>>) target(%dma_start3A_241 : memref<128xf32, #tpu.memory_space<hbm>>) target_semaphore(%arg7 : memref<!tpu.dma_semaphore, #tpu.memory_space<semaphore_mem>>)
      %add3A_243 = arith.constant 768 : i32
      %add3A_244 = arith.addi %multiple_of3A_185, %add3A_243 : i32
      %add3A_245 = arith.constant 6144 : i32
      %add3A_246 = arith.addi %multiple_of3A_195, %add3A_245 : i32
      %dma_start3A_247 = tpu.memref_slice %arg6[%add3A_244] : memref<32768xf32, #tpu.memory_space<vmem>> -> memref<128xf32, #tpu.memory_space<vmem>>
      %dma_start3A_248 = tpu.memref_slice %arg3[%add3A_246] : memref<67108864xf32, #tpu.memory_space<hbm>> -> memref<128xf32, #tpu.memory_space<hbm>>
      %dma_start3A_249 = tpu.memref_slice %arg3[%add3A_246] : memref<67108864xf32, #tpu.memory_space<hbm>> -> memref<128xf32, #tpu.memory_space<hbm>>
      %dma_start3A_250 = tpu.memref_slice %arg6[%add3A_244] : memref<32768xf32, #tpu.memory_space<vmem>> -> memref<128xf32, #tpu.memory_space<vmem>>
      tpu.enqueue_dma source(%dma_start3A_250 : memref<128xf32, #tpu.memory_space<vmem>>) target(%dma_start3A_249 : memref<128xf32, #tpu.memory_space<hbm>>) target_semaphore(%arg7 : memref<!tpu.dma_semaphore, #tpu.memory_space<semaphore_mem>>)
      %add3A_251 = arith.constant 896 : i32
      %add3A_252 = arith.addi %multiple_of3A_185, %add3A_251 : i32
      %add3A_253 = arith.constant 7168 : i32
      %add3A_254 = arith.addi %multiple_of3A_195, %add3A_253 : i32
      %dma_start3A_255 = tpu.memref_slice %arg6[%add3A_252] : memref<32768xf32, #tpu.memory_space<vmem>> -> memref<128xf32, #tpu.memory_space<vmem>>
      %dma_start3A_256 = tpu.memref_slice %arg3[%add3A_254] : memref<67108864xf32, #tpu.memory_space<hbm>> -> memref<128xf32, #tpu.memory_space<hbm>>
      %dma_start3A_257 = tpu.memref_slice %arg3[%add3A_254] : memref<67108864xf32, #tpu.memory_space<hbm>> -> memref<128xf32, #tpu.memory_space<hbm>>
      %dma_start3A_258 = tpu.memref_slice %arg6[%add3A_252] : memref<32768xf32, #tpu.memory_space<vmem>> -> memref<128xf32, #tpu.memory_space<vmem>>
      tpu.enqueue_dma source(%dma_start3A_258 : memref<128xf32, #tpu.memory_space<vmem>>) target(%dma_start3A_257 : memref<128xf32, #tpu.memory_space<hbm>>) target_semaphore(%arg7 : memref<!tpu.dma_semaphore, #tpu.memory_space<semaphore_mem>>)
      %add3A_259 = arith.constant 1024 : i32
      %add3A_260 = arith.addi %multiple_of3A_185, %add3A_259 : i32
      %add3A_261 = arith.constant 8192 : i32
      %add3A_262 = arith.addi %multiple_of3A_195, %add3A_261 : i32
      %dma_start3A_263 = tpu.memref_slice %arg6[%add3A_260] : memref<32768xf32, #tpu.memory_space<vmem>> -> memref<128xf32, #tpu.memory_space<vmem>>
      %dma_start3A_264 = tpu.memref_slice %arg3[%add3A_262] : memref<67108864xf32, #tpu.memory_space<hbm>> -> memref<128xf32, #tpu.memory_space<hbm>>
      %dma_start3A_265 = tpu.memref_slice %arg3[%add3A_262] : memref<67108864xf32, #tpu.memory_space<hbm>> -> memref<128xf32, #tpu.memory_space<hbm>>
      %dma_start3A_266 = tpu.memref_slice %arg6[%add3A_260] : memref<32768xf32, #tpu.memory_space<vmem>> -> memref<128xf32, #tpu.memory_space<vmem>>
      tpu.enqueue_dma source(%dma_start3A_266 : memref<128xf32, #tpu.memory_space<vmem>>) target(%dma_start3A_265 : memref<128xf32, #tpu.memory_space<hbm>>) target_semaphore(%arg7 : memref<!tpu.dma_semaphore, #tpu.memory_space<semaphore_mem>>)
      %add3A_267 = arith.constant 1152 : i32
      %add3A_268 = arith.addi %multiple_of3A_185, %add3A_267 : i32
      %add3A_269 = arith.constant 9216 : i32
      %add3A_270 = arith.addi %multiple_of3A_195, %add3A_269 : i32
      %dma_start3A_271 = tpu.memref_slice %arg6[%add3A_268] : memref<32768xf32, #tpu.memory_space<vmem>> -> memref<128xf32, #tpu.memory_space<vmem>>
      %dma_start3A_272 = tpu.memref_slice %arg3[%add3A_270] : memref<67108864xf32, #tpu.memory_space<hbm>> -> memref<128xf32, #tpu.memory_space<hbm>>
      %dma_start3A_273 = tpu.memref_slice %arg3[%add3A_270] : memref<67108864xf32, #tpu.memory_space<hbm>> -> memref<128xf32, #tpu.memory_space<hbm>>
      %dma_start3A_274 = tpu.memref_slice %arg6[%add3A_268] : memref<32768xf32, #tpu.memory_space<vmem>> -> memref<128xf32, #tpu.memory_space<vmem>>
      tpu.enqueue_dma source(%dma_start3A_274 : memref<128xf32, #tpu.memory_space<vmem>>) target(%dma_start3A_273 : memref<128xf32, #tpu.memory_space<hbm>>) target_semaphore(%arg7 : memref<!tpu.dma_semaphore, #tpu.memory_space<semaphore_mem>>)
      %add3A_275 = arith.constant 1280 : i32
      %add3A_276 = arith.addi %multiple_of3A_185, %add3A_275 : i32
      %add3A_277 = arith.constant 10240 : i32
      %add3A_278 = arith.addi %multiple_of3A_195, %add3A_277 : i32
      %dma_start3A_279 = tpu.memref_slice %arg6[%add3A_276] : memref<32768xf32, #tpu.memory_space<vmem>> -> memref<128xf32, #tpu.memory_space<vmem>>
      %dma_start3A_280 = tpu.memref_slice %arg3[%add3A_278] : memref<67108864xf32, #tpu.memory_space<hbm>> -> memref<128xf32, #tpu.memory_space<hbm>>
      %dma_start3A_281 = tpu.memref_slice %arg3[%add3A_278] : memref<67108864xf32, #tpu.memory_space<hbm>> -> memref<128xf32, #tpu.memory_space<hbm>>
      %dma_start3A_282 = tpu.memref_slice %arg6[%add3A_276] : memref<32768xf32, #tpu.memory_space<vmem>> -> memref<128xf32, #tpu.memory_space<vmem>>
      tpu.enqueue_dma source(%dma_start3A_282 : memref<128xf32, #tpu.memory_space<vmem>>) target(%dma_start3A_281 : memref<128xf32, #tpu.memory_space<hbm>>) target_semaphore(%arg7 : memref<!tpu.dma_semaphore, #tpu.memory_space<semaphore_mem>>)
      %add3A_283 = arith.constant 1408 : i32
      %add3A_284 = arith.addi %multiple_of3A_185, %add3A_283 : i32
      %add3A_285 = arith.constant 11264 : i32
      %add3A_286 = arith.addi %multiple_of3A_195, %add3A_285 : i32
      %dma_start3A_287 = tpu.memref_slice %arg6[%add3A_284] : memref<32768xf32, #tpu.memory_space<vmem>> -> memref<128xf32, #tpu.memory_space<vmem>>
      %dma_start3A_288 = tpu.memref_slice %arg3[%add3A_286] : memref<67108864xf32, #tpu.memory_space<hbm>> -> memref<128xf32, #tpu.memory_space<hbm>>
      %dma_start3A_289 = tpu.memref_slice %arg3[%add3A_286] : memref<67108864xf32, #tpu.memory_space<hbm>> -> memref<128xf32, #tpu.memory_space<hbm>>
      %dma_start3A_290 = tpu.memref_slice %arg6[%add3A_284] : memref<32768xf32, #tpu.memory_space<vmem>> -> memref<128xf32, #tpu.memory_space<vmem>>
      tpu.enqueue_dma source(%dma_start3A_290 : memref<128xf32, #tpu.memory_space<vmem>>) target(%dma_start3A_289 : memref<128xf32, #tpu.memory_space<hbm>>) target_semaphore(%arg7 : memref<!tpu.dma_semaphore, #tpu.memory_space<semaphore_mem>>)
      %add3A_291 = arith.constant 1536 : i32
      %add3A_292 = arith.addi %multiple_of3A_185, %add3A_291 : i32
      %add3A_293 = arith.constant 12288 : i32
      %add3A_294 = arith.addi %multiple_of3A_195, %add3A_293 : i32
      %dma_start3A_295 = tpu.memref_slice %arg6[%add3A_292] : memref<32768xf32, #tpu.memory_space<vmem>> -> memref<128xf32, #tpu.memory_space<vmem>>
      %dma_start3A_296 = tpu.memref_slice %arg3[%add3A_294] : memref<67108864xf32, #tpu.memory_space<hbm>> -> memref<128xf32, #tpu.memory_space<hbm>>
      %dma_start3A_297 = tpu.memref_slice %arg3[%add3A_294] : memref<67108864xf32, #tpu.memory_space<hbm>> -> memref<128xf32, #tpu.memory_space<hbm>>
      %dma_start3A_298 = tpu.memref_slice %arg6[%add3A_292] : memref<32768xf32, #tpu.memory_space<vmem>> -> memref<128xf32, #tpu.memory_space<vmem>>
      tpu.enqueue_dma source(%dma_start3A_298 : memref<128xf32, #tpu.memory_space<vmem>>) target(%dma_start3A_297 : memref<128xf32, #tpu.memory_space<hbm>>) target_semaphore(%arg7 : memref<!tpu.dma_semaphore, #tpu.memory_space<semaphore_mem>>)
      %add3A_299 = arith.constant 1664 : i32
      %add3A_300 = arith.addi %multiple_of3A_185, %add3A_299 : i32
      %add3A_301 = arith.constant 13312 : i32
      %add3A_302 = arith.addi %multiple_of3A_195, %add3A_301 : i32
      %dma_start3A_303 = tpu.memref_slice %arg6[%add3A_300] : memref<32768xf32, #tpu.memory_space<vmem>> -> memref<128xf32, #tpu.memory_space<vmem>>
      %dma_start3A_304 = tpu.memref_slice %arg3[%add3A_302] : memref<67108864xf32, #tpu.memory_space<hbm>> -> memref<128xf32, #tpu.memory_space<hbm>>
      %dma_start3A_305 = tpu.memref_slice %arg3[%add3A_302] : memref<67108864xf32, #tpu.memory_space<hbm>> -> memref<128xf32, #tpu.memory_space<hbm>>
      %dma_start3A_306 = tpu.memref_slice %arg6[%add3A_300] : memref<32768xf32, #tpu.memory_space<vmem>> -> memref<128xf32, #tpu.memory_space<vmem>>
      tpu.enqueue_dma source(%dma_start3A_306 : memref<128xf32, #tpu.memory_space<vmem>>) target(%dma_start3A_305 : memref<128xf32, #tpu.memory_space<hbm>>) target_semaphore(%arg7 : memref<!tpu.dma_semaphore, #tpu.memory_space<semaphore_mem>>)
      %add3A_307 = arith.constant 1792 : i32
      %add3A_308 = arith.addi %multiple_of3A_185, %add3A_307 : i32
      %add3A_309 = arith.constant 14336 : i32
      %add3A_310 = arith.addi %multiple_of3A_195, %add3A_309 : i32
      %dma_start3A_311 = tpu.memref_slice %arg6[%add3A_308] : memref<32768xf32, #tpu.memory_space<vmem>> -> memref<128xf32, #tpu.memory_space<vmem>>
      %dma_start3A_312 = tpu.memref_slice %arg3[%add3A_310] : memref<67108864xf32, #tpu.memory_space<hbm>> -> memref<128xf32, #tpu.memory_space<hbm>>
      %dma_start3A_313 = tpu.memref_slice %arg3[%add3A_310] : memref<67108864xf32, #tpu.memory_space<hbm>> -> memref<128xf32, #tpu.memory_space<hbm>>
      %dma_start3A_314 = tpu.memref_slice %arg6[%add3A_308] : memref<32768xf32, #tpu.memory_space<vmem>> -> memref<128xf32, #tpu.memory_space<vmem>>
      tpu.enqueue_dma source(%dma_start3A_314 : memref<128xf32, #tpu.memory_space<vmem>>) target(%dma_start3A_313 : memref<128xf32, #tpu.memory_space<hbm>>) target_semaphore(%arg7 : memref<!tpu.dma_semaphore, #tpu.memory_space<semaphore_mem>>)
      %add3A_315 = arith.constant 1920 : i32
      %add3A_316 = arith.addi %multiple_of3A_185, %add3A_315 : i32
      %add3A_317 = arith.constant 15360 : i32
      %add3A_318 = arith.addi %multiple_of3A_195, %add3A_317 : i32
      %dma_start3A_319 = tpu.memref_slice %arg6[%add3A_316] : memref<32768xf32, #tpu.memory_space<vmem>> -> memref<128xf32, #tpu.memory_space<vmem>>
      %dma_start3A_320 = tpu.memref_slice %arg3[%add3A_318] : memref<67108864xf32, #tpu.memory_space<hbm>> -> memref<128xf32, #tpu.memory_space<hbm>>
      %dma_start3A_321 = tpu.memref_slice %arg3[%add3A_318] : memref<67108864xf32, #tpu.memory_space<hbm>> -> memref<128xf32, #tpu.memory_space<hbm>>
      %dma_start3A_322 = tpu.memref_slice %arg6[%add3A_316] : memref<32768xf32, #tpu.memory_space<vmem>> -> memref<128xf32, #tpu.memory_space<vmem>>
      tpu.enqueue_dma source(%dma_start3A_322 : memref<128xf32, #tpu.memory_space<vmem>>) target(%dma_start3A_321 : memref<128xf32, #tpu.memory_space<hbm>>) target_semaphore(%arg7 : memref<!tpu.dma_semaphore, #tpu.memory_space<semaphore_mem>>)
      %mul3A_323 = arith.constant 8 : i32
      %mul3A_324 = arith.muli %scan3A_171, %mul3A_323 : i32
      %add3A_325 = arith.addi %mul3A_0, %mul3A_324 : i32
      %add3A_326 = arith.constant 1 : i32
      %add3A_327 = arith.addi %add3A_325, %add3A_326 : i32
      %sub3A_328 = arith.constant 2047 : i32
      %sub3A_329 = arith.subi %sub3A_328, %add3A_327 : i32
      %and3A_330 = arith.constant 7 : i32
      %and3A_331 = arith.andi %sub3A_329, %and3A_330 : i32
      %sub3A_332 = arith.subi %sub3A_329, %and3A_331 : i32
      %mul3A_333 = arith.constant 4096 : i32
      %mul3A_334 = arith.muli %and3A_331, %mul3A_333 : i32
      %add3A_335 = arith.addi %mul3A_334, %sub3A_332 : i32
      %multiple_of3A_336 = tpu.assume_multiple %add3A_335, 8 : i32
      %shift_right_logical3A_337 = arith.constant 3 : i32
      %shift_right_logical3A_338 = arith.shrui %add3A_327, %shift_right_logical3A_337 : i32
      %and3A_339 = arith.constant 7 : i32
      %and3A_340 = arith.andi %add3A_327, %and3A_339 : i32
      %mul3A_341 = arith.constant 16384 : i32
      %mul3A_342 = arith.muli %shift_right_logical3A_338, %mul3A_341 : i32
      %add3A_343 = arith.addi %mul3A_150, %mul3A_342 : i32
      %mul3A_344 = arith.constant 128 : i32
      %mul3A_345 = arith.muli %and3A_340, %mul3A_344 : i32
      %add3A_346 = arith.addi %add3A_343, %mul3A_345 : i32
      %multiple_of3A_347 = tpu.assume_multiple %add3A_346, 8 : i32
      %add3A_348 = arith.constant 0 : i32
      %add3A_349 = arith.addi %multiple_of3A_336, %add3A_348 : i32
      %add3A_350 = arith.constant 0 : i32
      %add3A_351 = arith.addi %multiple_of3A_347, %add3A_350 : i32
      %dma_start3A_352 = tpu.memref_slice %arg6[%add3A_349] : memref<32768xf32, #tpu.memory_space<vmem>> -> memref<128xf32, #tpu.memory_space<vmem>>
      %dma_start3A_353 = tpu.memref_slice %arg3[%add3A_351] : memref<67108864xf32, #tpu.memory_space<hbm>> -> memref<128xf32, #tpu.memory_space<hbm>>
      %dma_start3A_354 = tpu.memref_slice %arg3[%add3A_351] : memref<67108864xf32, #tpu.memory_space<hbm>> -> memref<128xf32, #tpu.memory_space<hbm>>
      %dma_start3A_355 = tpu.memref_slice %arg6[%add3A_349] : memref<32768xf32, #tpu.memory_space<vmem>> -> memref<128xf32, #tpu.memory_space<vmem>>
      tpu.enqueue_dma source(%dma_start3A_355 : memref<128xf32, #tpu.memory_space<vmem>>) target(%dma_start3A_354 : memref<128xf32, #tpu.memory_space<hbm>>) target_semaphore(%arg7 : memref<!tpu.dma_semaphore, #tpu.memory_space<semaphore_mem>>)
      %add3A_356 = arith.constant 128 : i32
      %add3A_357 = arith.addi %multiple_of3A_336, %add3A_356 : i32
      %add3A_358 = arith.constant 1024 : i32
      %add3A_359 = arith.addi %multiple_of3A_347, %add3A_358 : i32
      %dma_start3A_360 = tpu.memref_slice %arg6[%add3A_357] : memref<32768xf32, #tpu.memory_space<vmem>> -> memref<128xf32, #tpu.memory_space<vmem>>
      %dma_start3A_361 = tpu.memref_slice %arg3[%add3A_359] : memref<67108864xf32, #tpu.memory_space<hbm>> -> memref<128xf32, #tpu.memory_space<hbm>>
      %dma_start3A_362 = tpu.memref_slice %arg3[%add3A_359] : memref<67108864xf32, #tpu.memory_space<hbm>> -> memref<128xf32, #tpu.memory_space<hbm>>
      %dma_start3A_363 = tpu.memref_slice %arg6[%add3A_357] : memref<32768xf32, #tpu.memory_space<vmem>> -> memref<128xf32, #tpu.memory_space<vmem>>
      tpu.enqueue_dma source(%dma_start3A_363 : memref<128xf32, #tpu.memory_space<vmem>>) target(%dma_start3A_362 : memref<128xf32, #tpu.memory_space<hbm>>) target_semaphore(%arg7 : memref<!tpu.dma_semaphore, #tpu.memory_space<semaphore_mem>>)
      %add3A_364 = arith.constant 256 : i32
      %add3A_365 = arith.addi %multiple_of3A_336, %add3A_364 : i32
      %add3A_366 = arith.constant 2048 : i32
      %add3A_367 = arith.addi %multiple_of3A_347, %add3A_366 : i32
      %dma_start3A_368 = tpu.memref_slice %arg6[%add3A_365] : memref<32768xf32, #tpu.memory_space<vmem>> -> memref<128xf32, #tpu.memory_space<vmem>>
      %dma_start3A_369 = tpu.memref_slice %arg3[%add3A_367] : memref<67108864xf32, #tpu.memory_space<hbm>> -> memref<128xf32, #tpu.memory_space<hbm>>
      %dma_start3A_370 = tpu.memref_slice %arg3[%add3A_367] : memref<67108864xf32, #tpu.memory_space<hbm>> -> memref<128xf32, #tpu.memory_space<hbm>>
      %dma_start3A_371 = tpu.memref_slice %arg6[%add3A_365] : memref<32768xf32, #tpu.memory_space<vmem>> -> memref<128xf32, #tpu.memory_space<vmem>>
      tpu.enqueue_dma source(%dma_start3A_371 : memref<128xf32, #tpu.memory_space<vmem>>) target(%dma_start3A_370 : memref<128xf32, #tpu.memory_space<hbm>>) target_semaphore(%arg7 : memref<!tpu.dma_semaphore, #tpu.memory_space<semaphore_mem>>)
      %add3A_372 = arith.constant 384 : i32
      %add3A_373 = arith.addi %multiple_of3A_336, %add3A_372 : i32
      %add3A_374 = arith.constant 3072 : i32
      %add3A_375 = arith.addi %multiple_of3A_347, %add3A_374 : i32
      %dma_start3A_376 = tpu.memref_slice %arg6[%add3A_373] : memref<32768xf32, #tpu.memory_space<vmem>> -> memref<128xf32, #tpu.memory_space<vmem>>
      %dma_start3A_377 = tpu.memref_slice %arg3[%add3A_375] : memref<67108864xf32, #tpu.memory_space<hbm>> -> memref<128xf32, #tpu.memory_space<hbm>>
      %dma_start3A_378 = tpu.memref_slice %arg3[%add3A_375] : memref<67108864xf32, #tpu.memory_space<hbm>> -> memref<128xf32, #tpu.memory_space<hbm>>
      %dma_start3A_379 = tpu.memref_slice %arg6[%add3A_373] : memref<32768xf32, #tpu.memory_space<vmem>> -> memref<128xf32, #tpu.memory_space<vmem>>
      tpu.enqueue_dma source(%dma_start3A_379 : memref<128xf32, #tpu.memory_space<vmem>>) target(%dma_start3A_378 : memref<128xf32, #tpu.memory_space<hbm>>) target_semaphore(%arg7 : memref<!tpu.dma_semaphore, #tpu.memory_space<semaphore_mem>>)
      %add3A_380 = arith.constant 512 : i32
      %add3A_381 = arith.addi %multiple_of3A_336, %add3A_380 : i32
      %add3A_382 = arith.constant 4096 : i32
      %add3A_383 = arith.addi %multiple_of3A_347, %add3A_382 : i32
      %dma_start3A_384 = tpu.memref_slice %arg6[%add3A_381] : memref<32768xf32, #tpu.memory_space<vmem>> -> memref<128xf32, #tpu.memory_space<vmem>>
      %dma_start3A_385 = tpu.memref_slice %arg3[%add3A_383] : memref<67108864xf32, #tpu.memory_space<hbm>> -> memref<128xf32, #tpu.memory_space<hbm>>
      %dma_start3A_386 = tpu.memref_slice %arg3[%add3A_383] : memref<67108864xf32, #tpu.memory_space<hbm>> -> memref<128xf32, #tpu.memory_space<hbm>>
      %dma_start3A_387 = tpu.memref_slice %arg6[%add3A_381] : memref<32768xf32, #tpu.memory_space<vmem>> -> memref<128xf32, #tpu.memory_space<vmem>>
      tpu.enqueue_dma source(%dma_start3A_387 : memref<128xf32, #tpu.memory_space<vmem>>) target(%dma_start3A_386 : memref<128xf32, #tpu.memory_space<hbm>>) target_semaphore(%arg7 : memref<!tpu.dma_semaphore, #tpu.memory_space<semaphore_mem>>)
      %add3A_388 = arith.constant 640 : i32
      %add3A_389 = arith.addi %multiple_of3A_336, %add3A_388 : i32
      %add3A_390 = arith.constant 5120 : i32
      %add3A_391 = arith.addi %multiple_of3A_347, %add3A_390 : i32
      %dma_start3A_392 = tpu.memref_slice %arg6[%add3A_389] : memref<32768xf32, #tpu.memory_space<vmem>> -> memref<128xf32, #tpu.memory_space<vmem>>
      %dma_start3A_393 = tpu.memref_slice %arg3[%add3A_391] : memref<67108864xf32, #tpu.memory_space<hbm>> -> memref<128xf32, #tpu.memory_space<hbm>>
      %dma_start3A_394 = tpu.memref_slice %arg3[%add3A_391] : memref<67108864xf32, #tpu.memory_space<hbm>> -> memref<128xf32, #tpu.memory_space<hbm>>
      %dma_start3A_395 = tpu.memref_slice %arg6[%add3A_389] : memref<32768xf32, #tpu.memory_space<vmem>> -> memref<128xf32, #tpu.memory_space<vmem>>
      tpu.enqueue_dma source(%dma_start3A_395 : memref<128xf32, #tpu.memory_space<vmem>>) target(%dma_start3A_394 : memref<128xf32, #tpu.memory_space<hbm>>) target_semaphore(%arg7 : memref<!tpu.dma_semaphore, #tpu.memory_space<semaphore_mem>>)
      %add3A_396 = arith.constant 768 : i32
      %add3A_397 = arith.addi %multiple_of3A_336, %add3A_396 : i32
      %add3A_398 = arith.constant 6144 : i32
      %add3A_399 = arith.addi %multiple_of3A_347, %add3A_398 : i32
      %dma_start3A_400 = tpu.memref_slice %arg6[%add3A_397] : memref<32768xf32, #tpu.memory_space<vmem>> -> memref<128xf32, #tpu.memory_space<vmem>>
      %dma_start3A_401 = tpu.memref_slice %arg3[%add3A_399] : memref<67108864xf32, #tpu.memory_space<hbm>> -> memref<128xf32, #tpu.memory_space<hbm>>
      %dma_start3A_402 = tpu.memref_slice %arg3[%add3A_399] : memref<67108864xf32, #tpu.memory_space<hbm>> -> memref<128xf32, #tpu.memory_space<hbm>>
      %dma_start3A_403 = tpu.memref_slice %arg6[%add3A_397] : memref<32768xf32, #tpu.memory_space<vmem>> -> memref<128xf32, #tpu.memory_space<vmem>>
      tpu.enqueue_dma source(%dma_start3A_403 : memref<128xf32, #tpu.memory_space<vmem>>) target(%dma_start3A_402 : memref<128xf32, #tpu.memory_space<hbm>>) target_semaphore(%arg7 : memref<!tpu.dma_semaphore, #tpu.memory_space<semaphore_mem>>)
      %add3A_404 = arith.constant 896 : i32
      %add3A_405 = arith.addi %multiple_of3A_336, %add3A_404 : i32
      %add3A_406 = arith.constant 7168 : i32
      %add3A_407 = arith.addi %multiple_of3A_347, %add3A_406 : i32
      %dma_start3A_408 = tpu.memref_slice %arg6[%add3A_405] : memref<32768xf32, #tpu.memory_space<vmem>> -> memref<128xf32, #tpu.memory_space<vmem>>
      %dma_start3A_409 = tpu.memref_slice %arg3[%add3A_407] : memref<67108864xf32, #tpu.memory_space<hbm>> -> memref<128xf32, #tpu.memory_space<hbm>>
      %dma_start3A_410 = tpu.memref_slice %arg3[%add3A_407] : memref<67108864xf32, #tpu.memory_space<hbm>> -> memref<128xf32, #tpu.memory_space<hbm>>
      %dma_start3A_411 = tpu.memref_slice %arg6[%add3A_405] : memref<32768xf32, #tpu.memory_space<vmem>> -> memref<128xf32, #tpu.memory_space<vmem>>
      tpu.enqueue_dma source(%dma_start3A_411 : memref<128xf32, #tpu.memory_space<vmem>>) target(%dma_start3A_410 : memref<128xf32, #tpu.memory_space<hbm>>) target_semaphore(%arg7 : memref<!tpu.dma_semaphore, #tpu.memory_space<semaphore_mem>>)
      %add3A_412 = arith.constant 1024 : i32
      %add3A_413 = arith.addi %multiple_of3A_336, %add3A_412 : i32
      %add3A_414 = arith.constant 8192 : i32
      %add3A_415 = arith.addi %multiple_of3A_347, %add3A_414 : i32
      %dma_start3A_416 = tpu.memref_slice %arg6[%add3A_413] : memref<32768xf32, #tpu.memory_space<vmem>> -> memref<128xf32, #tpu.memory_space<vmem>>
      %dma_start3A_417 = tpu.memref_slice %arg3[%add3A_415] : memref<67108864xf32, #tpu.memory_space<hbm>> -> memref<128xf32, #tpu.memory_space<hbm>>
      %dma_start3A_418 = tpu.memref_slice %arg3[%add3A_415] : memref<67108864xf32, #tpu.memory_space<hbm>> -> memref<128xf32, #tpu.memory_space<hbm>>
      %dma_start3A_419 = tpu.memref_slice %arg6[%add3A_413] : memref<32768xf32, #tpu.memory_space<vmem>> -> memref<128xf32, #tpu.memory_space<vmem>>
      tpu.enqueue_dma source(%dma_start3A_419 : memref<128xf32, #tpu.memory_space<vmem>>) target(%dma_start3A_418 : memref<128xf32, #tpu.memory_space<hbm>>) target_semaphore(%arg7 : memref<!tpu.dma_semaphore, #tpu.memory_space<semaphore_mem>>)
      %add3A_420 = arith.constant 1152 : i32
      %add3A_421 = arith.addi %multiple_of3A_336, %add3A_420 : i32
      %add3A_422 = arith.constant 9216 : i32
      %add3A_423 = arith.addi %multiple_of3A_347, %add3A_422 : i32
      %dma_start3A_424 = tpu.memref_slice %arg6[%add3A_421] : memref<32768xf32, #tpu.memory_space<vmem>> -> memref<128xf32, #tpu.memory_space<vmem>>
      %dma_start3A_425 = tpu.memref_slice %arg3[%add3A_423] : memref<67108864xf32, #tpu.memory_space<hbm>> -> memref<128xf32, #tpu.memory_space<hbm>>
      %dma_start3A_426 = tpu.memref_slice %arg3[%add3A_423] : memref<67108864xf32, #tpu.memory_space<hbm>> -> memref<128xf32, #tpu.memory_space<hbm>>
      %dma_start3A_427 = tpu.memref_slice %arg6[%add3A_421] : memref<32768xf32, #tpu.memory_space<vmem>> -> memref<128xf32, #tpu.memory_space<vmem>>
      tpu.enqueue_dma source(%dma_start3A_427 : memref<128xf32, #tpu.memory_space<vmem>>) target(%dma_start3A_426 : memref<128xf32, #tpu.memory_space<hbm>>) target_semaphore(%arg7 : memref<!tpu.dma_semaphore, #tpu.memory_space<semaphore_mem>>)
      %add3A_428 = arith.constant 1280 : i32
      %add3A_429 = arith.addi %multiple_of3A_336, %add3A_428 : i32
      %add3A_430 = arith.constant 10240 : i32
      %add3A_431 = arith.addi %multiple_of3A_347, %add3A_430 : i32
      %dma_start3A_432 = tpu.memref_slice %arg6[%add3A_429] : memref<32768xf32, #tpu.memory_space<vmem>> -> memref<128xf32, #tpu.memory_space<vmem>>
      %dma_start3A_433 = tpu.memref_slice %arg3[%add3A_431] : memref<67108864xf32, #tpu.memory_space<hbm>> -> memref<128xf32, #tpu.memory_space<hbm>>
      %dma_start3A_434 = tpu.memref_slice %arg3[%add3A_431] : memref<67108864xf32, #tpu.memory_space<hbm>> -> memref<128xf32, #tpu.memory_space<hbm>>
      %dma_start3A_435 = tpu.memref_slice %arg6[%add3A_429] : memref<32768xf32, #tpu.memory_space<vmem>> -> memref<128xf32, #tpu.memory_space<vmem>>
      tpu.enqueue_dma source(%dma_start3A_435 : memref<128xf32, #tpu.memory_space<vmem>>) target(%dma_start3A_434 : memref<128xf32, #tpu.memory_space<hbm>>) target_semaphore(%arg7 : memref<!tpu.dma_semaphore, #tpu.memory_space<semaphore_mem>>)
      %add3A_436 = arith.constant 1408 : i32
      %add3A_437 = arith.addi %multiple_of3A_336, %add3A_436 : i32
      %add3A_438 = arith.constant 11264 : i32
      %add3A_439 = arith.addi %multiple_of3A_347, %add3A_438 : i32
      %dma_start3A_440 = tpu.memref_slice %arg6[%add3A_437] : memref<32768xf32, #tpu.memory_space<vmem>> -> memref<128xf32, #tpu.memory_space<vmem>>
      %dma_start3A_441 = tpu.memref_slice %arg3[%add3A_439] : memref<67108864xf32, #tpu.memory_space<hbm>> -> memref<128xf32, #tpu.memory_space<hbm>>
      %dma_start3A_442 = tpu.memref_slice %arg3[%add3A_439] : memref<67108864xf32, #tpu.memory_space<hbm>> -> memref<128xf32, #tpu.memory_space<hbm>>
      %dma_start3A_443 = tpu.memref_slice %arg6[%add3A_437] : memref<32768xf32, #tpu.memory_space<vmem>> -> memref<128xf32, #tpu.memory_space<vmem>>
      tpu.enqueue_dma source(%dma_start3A_443 : memref<128xf32, #tpu.memory_space<vmem>>) target(%dma_start3A_442 : memref<128xf32, #tpu.memory_space<hbm>>) target_semaphore(%arg7 : memref<!tpu.dma_semaphore, #tpu.memory_space<semaphore_mem>>)
      %add3A_444 = arith.constant 1536 : i32
      %add3A_445 = arith.addi %multiple_of3A_336, %add3A_444 : i32
      %add3A_446 = arith.constant 12288 : i32
      %add3A_447 = arith.addi %multiple_of3A_347, %add3A_446 : i32
      %dma_start3A_448 = tpu.memref_slice %arg6[%add3A_445] : memref<32768xf32, #tpu.memory_space<vmem>> -> memref<128xf32, #tpu.memory_space<vmem>>
      %dma_start3A_449 = tpu.memref_slice %arg3[%add3A_447] : memref<67108864xf32, #tpu.memory_space<hbm>> -> memref<128xf32, #tpu.memory_space<hbm>>
      %dma_start3A_450 = tpu.memref_slice %arg3[%add3A_447] : memref<67108864xf32, #tpu.memory_space<hbm>> -> memref<128xf32, #tpu.memory_space<hbm>>
      %dma_start3A_451 = tpu.memref_slice %arg6[%add3A_445] : memref<32768xf32, #tpu.memory_space<vmem>> -> memref<128xf32, #tpu.memory_space<vmem>>
      tpu.enqueue_dma source(%dma_start3A_451 : memref<128xf32, #tpu.memory_space<vmem>>) target(%dma_start3A_450 : memref<128xf32, #tpu.memory_space<hbm>>) target_semaphore(%arg7 : memref<!tpu.dma_semaphore, #tpu.memory_space<semaphore_mem>>)
      %add3A_452 = arith.constant 1664 : i32
      %add3A_453 = arith.addi %multiple_of3A_336, %add3A_452 : i32
      %add3A_454 = arith.constant 13312 : i32
      %add3A_455 = arith.addi %multiple_of3A_347, %add3A_454 : i32
      %dma_start3A_456 = tpu.memref_slice %arg6[%add3A_453] : memref<32768xf32, #tpu.memory_space<vmem>> -> memref<128xf32, #tpu.memory_space<vmem>>
      %dma_start3A_457 = tpu.memref_slice %arg3[%add3A_455] : memref<67108864xf32, #tpu.memory_space<hbm>> -> memref<128xf32, #tpu.memory_space<hbm>>
      %dma_start3A_458 = tpu.memref_slice %arg3[%add3A_455] : memref<67108864xf32, #tpu.memory_space<hbm>> -> memref<128xf32, #tpu.memory_space<hbm>>
      %dma_start3A_459 = tpu.memref_slice %arg6[%add3A_453] : memref<32768xf32, #tpu.memory_space<vmem>> -> memref<128xf32, #tpu.memory_space<vmem>>
      tpu.enqueue_dma source(%dma_start3A_459 : memref<128xf32, #tpu.memory_space<vmem>>) target(%dma_start3A_458 : memref<128xf32, #tpu.memory_space<hbm>>) target_semaphore(%arg7 : memref<!tpu.dma_semaphore, #tpu.memory_space<semaphore_mem>>)
      %add3A_460 = arith.constant 1792 : i32
      %add3A_461 = arith.addi %multiple_of3A_336, %add3A_460 : i32
      %add3A_462 = arith.constant 14336 : i32
      %add3A_463 = arith.addi %multiple_of3A_347, %add3A_462 : i32
      %dma_start3A_464 = tpu.memref_slice %arg6[%add3A_461] : memref<32768xf32, #tpu.memory_space<vmem>> -> memref<128xf32, #tpu.memory_space<vmem>>
      %dma_start3A_465 = tpu.memref_slice %arg3[%add3A_463] : memref<67108864xf32, #tpu.memory_space<hbm>> -> memref<128xf32, #tpu.memory_space<hbm>>
      %dma_start3A_466 = tpu.memref_slice %arg3[%add3A_463] : memref<67108864xf32, #tpu.memory_space<hbm>> -> memref<128xf32, #tpu.memory_space<hbm>>
      %dma_start3A_467 = tpu.memref_slice %arg6[%add3A_461] : memref<32768xf32, #tpu.memory_space<vmem>> -> memref<128xf32, #tpu.memory_space<vmem>>
      tpu.enqueue_dma source(%dma_start3A_467 : memref<128xf32, #tpu.memory_space<vmem>>) target(%dma_start3A_466 : memref<128xf32, #tpu.memory_space<hbm>>) target_semaphore(%arg7 : memref<!tpu.dma_semaphore, #tpu.memory_space<semaphore_mem>>)
      %add3A_468 = arith.constant 1920 : i32
      %add3A_469 = arith.addi %multiple_of3A_336, %add3A_468 : i32
      %add3A_470 = arith.constant 15360 : i32
      %add3A_471 = arith.addi %multiple_of3A_347, %add3A_470 : i32
      %dma_start3A_472 = tpu.memref_slice %arg6[%add3A_469] : memref<32768xf32, #tpu.memory_space<vmem>> -> memref<128xf32, #tpu.memory_space<vmem>>
      %dma_start3A_473 = tpu.memref_slice %arg3[%add3A_471] : memref<67108864xf32, #tpu.memory_space<hbm>> -> memref<128xf32, #tpu.memory_space<hbm>>
      %dma_start3A_474 = tpu.memref_slice %arg3[%add3A_471] : memref<67108864xf32, #tpu.memory_space<hbm>> -> memref<128xf32, #tpu.memory_space<hbm>>
      %dma_start3A_475 = tpu.memref_slice %arg6[%add3A_469] : memref<32768xf32, #tpu.memory_space<vmem>> -> memref<128xf32, #tpu.memory_space<vmem>>
      tpu.enqueue_dma source(%dma_start3A_475 : memref<128xf32, #tpu.memory_space<vmem>>) target(%dma_start3A_474 : memref<128xf32, #tpu.memory_space<hbm>>) target_semaphore(%arg7 : memref<!tpu.dma_semaphore, #tpu.memory_space<semaphore_mem>>)
      %mul3A_476 = arith.constant 8 : i32
      %mul3A_477 = arith.muli %scan3A_171, %mul3A_476 : i32
      %add3A_478 = arith.addi %mul3A_0, %mul3A_477 : i32
      %add3A_479 = arith.constant 2 : i32
      %add3A_480 = arith.addi %add3A_478, %add3A_479 : i32
      %sub3A_481 = arith.constant 2047 : i32
      %sub3A_482 = arith.subi %sub3A_481, %add3A_480 : i32
      %and3A_483 = arith.constant 7 : i32
      %and3A_484 = arith.andi %sub3A_482, %and3A_483 : i32
      %sub3A_485 = arith.subi %sub3A_482, %and3A_484 : i32
      %mul3A_486 = arith.constant 4096 : i32
      %mul3A_487 = arith.muli %and3A_484, %mul3A_486 : i32
      %add3A_488 = arith.addi %mul3A_487, %sub3A_485 : i32
      %multiple_of3A_489 = tpu.assume_multiple %add3A_488, 8 : i32
      %shift_right_logical3A_490 = arith.constant 3 : i32
      %shift_right_logical3A_491 = arith.shrui %add3A_480, %shift_right_logical3A_490 : i32
      %and3A_492 = arith.constant 7 : i32
      %and3A_493 = arith.andi %add3A_480, %and3A_492 : i32
      %mul3A_494 = arith.constant 16384 : i32
      %mul3A_495 = arith.muli %shift_right_logical3A_491, %mul3A_494 : i32
      %add3A_496 = arith.addi %mul3A_150, %mul3A_495 : i32
      %mul3A_497 = arith.constant 128 : i32
      %mul3A_498 = arith.muli %and3A_493, %mul3A_497 : i32
      %add3A_499 = arith.addi %add3A_496, %mul3A_498 : i32
      %multiple_of3A_500 = tpu.assume_multiple %add3A_499, 8 : i32
      %add3A_501 = arith.constant 0 : i32
      %add3A_502 = arith.addi %multiple_of3A_489, %add3A_501 : i32
      %add3A_503 = arith.constant 0 : i32
      %add3A_504 = arith.addi %multiple_of3A_500, %add3A_503 : i32
      %dma_start3A_505 = tpu.memref_slice %arg6[%add3A_502] : memref<32768xf32, #tpu.memory_space<vmem>> -> memref<128xf32, #tpu.memory_space<vmem>>
      %dma_start3A_506 = tpu.memref_slice %arg3[%add3A_504] : memref<67108864xf32, #tpu.memory_space<hbm>> -> memref<128xf32, #tpu.memory_space<hbm>>
      %dma_start3A_507 = tpu.memref_slice %arg3[%add3A_504] : memref<67108864xf32, #tpu.memory_space<hbm>> -> memref<128xf32, #tpu.memory_space<hbm>>
      %dma_start3A_508 = tpu.memref_slice %arg6[%add3A_502] : memref<32768xf32, #tpu.memory_space<vmem>> -> memref<128xf32, #tpu.memory_space<vmem>>
      tpu.enqueue_dma source(%dma_start3A_508 : memref<128xf32, #tpu.memory_space<vmem>>) target(%dma_start3A_507 : memref<128xf32, #tpu.memory_space<hbm>>) target_semaphore(%arg7 : memref<!tpu.dma_semaphore, #tpu.memory_space<semaphore_mem>>)
      %add3A_509 = arith.constant 128 : i32
      %add3A_510 = arith.addi %multiple_of3A_489, %add3A_509 : i32
      %add3A_511 = arith.constant 1024 : i32
      %add3A_512 = arith.addi %multiple_of3A_500, %add3A_511 : i32
      %dma_start3A_513 = tpu.memref_slice %arg6[%add3A_510] : memref<32768xf32, #tpu.memory_space<vmem>> -> memref<128xf32, #tpu.memory_space<vmem>>
      %dma_start3A_514 = tpu.memref_slice %arg3[%add3A_512] : memref<67108864xf32, #tpu.memory_space<hbm>> -> memref<128xf32, #tpu.memory_space<hbm>>
      %dma_start3A_515 = tpu.memref_slice %arg3[%add3A_512] : memref<67108864xf32, #tpu.memory_space<hbm>> -> memref<128xf32, #tpu.memory_space<hbm>>
      %dma_start3A_516 = tpu.memref_slice %arg6[%add3A_510] : memref<32768xf32, #tpu.memory_space<vmem>> -> memref<128xf32, #tpu.memory_space<vmem>>
      tpu.enqueue_dma source(%dma_start3A_516 : memref<128xf32, #tpu.memory_space<vmem>>) target(%dma_start3A_515 : memref<128xf32, #tpu.memory_space<hbm>>) target_semaphore(%arg7 : memref<!tpu.dma_semaphore, #tpu.memory_space<semaphore_mem>>)
      %add3A_517 = arith.constant 256 : i32
      %add3A_518 = arith.addi %multiple_of3A_489, %add3A_517 : i32
      %add3A_519 = arith.constant 2048 : i32
      %add3A_520 = arith.addi %multiple_of3A_500, %add3A_519 : i32
      %dma_start3A_521 = tpu.memref_slice %arg6[%add3A_518] : memref<32768xf32, #tpu.memory_space<vmem>> -> memref<128xf32, #tpu.memory_space<vmem>>
      %dma_start3A_522 = tpu.memref_slice %arg3[%add3A_520] : memref<67108864xf32, #tpu.memory_space<hbm>> -> memref<128xf32, #tpu.memory_space<hbm>>
      %dma_start3A_523 = tpu.memref_slice %arg3[%add3A_520] : memref<67108864xf32, #tpu.memory_space<hbm>> -> memref<128xf32, #tpu.memory_space<hbm>>
      %dma_start3A_524 = tpu.memref_slice %arg6[%add3A_518] : memref<32768xf32, #tpu.memory_space<vmem>> -> memref<128xf32, #tpu.memory_space<vmem>>
      tpu.enqueue_dma source(%dma_start3A_524 : memref<128xf32, #tpu.memory_space<vmem>>) target(%dma_start3A_523 : memref<128xf32, #tpu.memory_space<hbm>>) target_semaphore(%arg7 : memref<!tpu.dma_semaphore, #tpu.memory_space<semaphore_mem>>)
      %add3A_525 = arith.constant 384 : i32
      %add3A_526 = arith.addi %multiple_of3A_489, %add3A_525 : i32
      %add3A_527 = arith.constant 3072 : i32
      %add3A_528 = arith.addi %multiple_of3A_500, %add3A_527 : i32
      %dma_start3A_529 = tpu.memref_slice %arg6[%add3A_526] : memref<32768xf32, #tpu.memory_space<vmem>> -> memref<128xf32, #tpu.memory_space<vmem>>
      %dma_start3A_530 = tpu.memref_slice %arg3[%add3A_528] : memref<67108864xf32, #tpu.memory_space<hbm>> -> memref<128xf32, #tpu.memory_space<hbm>>
      %dma_start3A_531 = tpu.memref_slice %arg3[%add3A_528] : memref<67108864xf32, #tpu.memory_space<hbm>> -> memref<128xf32, #tpu.memory_space<hbm>>
      %dma_start3A_532 = tpu.memref_slice %arg6[%add3A_526] : memref<32768xf32, #tpu.memory_space<vmem>> -> memref<128xf32, #tpu.memory_space<vmem>>
      tpu.enqueue_dma source(%dma_start3A_532 : memref<128xf32, #tpu.memory_space<vmem>>) target(%dma_start3A_531 : memref<128xf32, #tpu.memory_space<hbm>>) target_semaphore(%arg7 : memref<!tpu.dma_semaphore, #tpu.memory_space<semaphore_mem>>)
      %add3A_533 = arith.constant 512 : i32
      %add3A_534 = arith.addi %multiple_of3A_489, %add3A_533 : i32
      %add3A_535 = arith.constant 4096 : i32
      %add3A_536 = arith.addi %multiple_of3A_500, %add3A_535 : i32
      %dma_start3A_537 = tpu.memref_slice %arg6[%add3A_534] : memref<32768xf32, #tpu.memory_space<vmem>> -> memref<128xf32, #tpu.memory_space<vmem>>
      %dma_start3A_538 = tpu.memref_slice %arg3[%add3A_536] : memref<67108864xf32, #tpu.memory_space<hbm>> -> memref<128xf32, #tpu.memory_space<hbm>>
      %dma_start3A_539 = tpu.memref_slice %arg3[%add3A_536] : memref<67108864xf32, #tpu.memory_space<hbm>> -> memref<128xf32, #tpu.memory_space<hbm>>
      %dma_start3A_540 = tpu.memref_slice %arg6[%add3A_534] : memref<32768xf32, #tpu.memory_space<vmem>> -> memref<128xf32, #tpu.memory_space<vmem>>
      tpu.enqueue_dma source(%dma_start3A_540 : memref<128xf32, #tpu.memory_space<vmem>>) target(%dma_start3A_539 : memref<128xf32, #tpu.memory_space<hbm>>) target_semaphore(%arg7 : memref<!tpu.dma_semaphore, #tpu.memory_space<semaphore_mem>>)
      %add3A_541 = arith.constant 640 : i32
      %add3A_542 = arith.addi %multiple_of3A_489, %add3A_541 : i32
      %add3A_543 = arith.constant 5120 : i32
      %add3A_544 = arith.addi %multiple_of3A_500, %add3A_543 : i32
      %dma_start3A_545 = tpu.memref_slice %arg6[%add3A_542] : memref<32768xf32, #tpu.memory_space<vmem>> -> memref<128xf32, #tpu.memory_space<vmem>>
      %dma_start3A_546 = tpu.memref_slice %arg3[%add3A_544] : memref<67108864xf32, #tpu.memory_space<hbm>> -> memref<128xf32, #tpu.memory_space<hbm>>
      %dma_start3A_547 = tpu.memref_slice %arg3[%add3A_544] : memref<67108864xf32, #tpu.memory_space<hbm>> -> memref<128xf32, #tpu.memory_space<hbm>>
      %dma_start3A_548 = tpu.memref_slice %arg6[%add3A_542] : memref<32768xf32, #tpu.memory_space<vmem>> -> memref<128xf32, #tpu.memory_space<vmem>>
      tpu.enqueue_dma source(%dma_start3A_548 : memref<128xf32, #tpu.memory_space<vmem>>) target(%dma_start3A_547 : memref<128xf32, #tpu.memory_space<hbm>>) target_semaphore(%arg7 : memref<!tpu.dma_semaphore, #tpu.memory_space<semaphore_mem>>)
      %add3A_549 = arith.constant 768 : i32
      %add3A_550 = arith.addi %multiple_of3A_489, %add3A_549 : i32
      %add3A_551 = arith.constant 6144 : i32
      %add3A_552 = arith.addi %multiple_of3A_500, %add3A_551 : i32
      %dma_start3A_553 = tpu.memref_slice %arg6[%add3A_550] : memref<32768xf32, #tpu.memory_space<vmem>> -> memref<128xf32, #tpu.memory_space<vmem>>
      %dma_start3A_554 = tpu.memref_slice %arg3[%add3A_552] : memref<67108864xf32, #tpu.memory_space<hbm>> -> memref<128xf32, #tpu.memory_space<hbm>>
      %dma_start3A_555 = tpu.memref_slice %arg3[%add3A_552] : memref<67108864xf32, #tpu.memory_space<hbm>> -> memref<128xf32, #tpu.memory_space<hbm>>
      %dma_start3A_556 = tpu.memref_slice %arg6[%add3A_550] : memref<32768xf32, #tpu.memory_space<vmem>> -> memref<128xf32, #tpu.memory_space<vmem>>
      tpu.enqueue_dma source(%dma_start3A_556 : memref<128xf32, #tpu.memory_space<vmem>>) target(%dma_start3A_555 : memref<128xf32, #tpu.memory_space<hbm>>) target_semaphore(%arg7 : memref<!tpu.dma_semaphore, #tpu.memory_space<semaphore_mem>>)
      %add3A_557 = arith.constant 896 : i32
      %add3A_558 = arith.addi %multiple_of3A_489, %add3A_557 : i32
      %add3A_559 = arith.constant 7168 : i32
      %add3A_560 = arith.addi %multiple_of3A_500, %add3A_559 : i32
      %dma_start3A_561 = tpu.memref_slice %arg6[%add3A_558] : memref<32768xf32, #tpu.memory_space<vmem>> -> memref<128xf32, #tpu.memory_space<vmem>>
      %dma_start3A_562 = tpu.memref_slice %arg3[%add3A_560] : memref<67108864xf32, #tpu.memory_space<hbm>> -> memref<128xf32, #tpu.memory_space<hbm>>
      %dma_start3A_563 = tpu.memref_slice %arg3[%add3A_560] : memref<67108864xf32, #tpu.memory_space<hbm>> -> memref<128xf32, #tpu.memory_space<hbm>>
      %dma_start3A_564 = tpu.memref_slice %arg6[%add3A_558] : memref<32768xf32, #tpu.memory_space<vmem>> -> memref<128xf32, #tpu.memory_space<vmem>>
      tpu.enqueue_dma source(%dma_start3A_564 : memref<128xf32, #tpu.memory_space<vmem>>) target(%dma_start3A_563 : memref<128xf32, #tpu.memory_space<hbm>>) target_semaphore(%arg7 : memref<!tpu.dma_semaphore, #tpu.memory_space<semaphore_mem>>)
      %add3A_565 = arith.constant 1024 : i32
      %add3A_566 = arith.addi %multiple_of3A_489, %add3A_565 : i32
      %add3A_567 = arith.constant 8192 : i32
      %add3A_568 = arith.addi %multiple_of3A_500, %add3A_567 : i32
      %dma_start3A_569 = tpu.memref_slice %arg6[%add3A_566] : memref<32768xf32, #tpu.memory_space<vmem>> -> memref<128xf32, #tpu.memory_space<vmem>>
      %dma_start3A_570 = tpu.memref_slice %arg3[%add3A_568] : memref<67108864xf32, #tpu.memory_space<hbm>> -> memref<128xf32, #tpu.memory_space<hbm>>
      %dma_start3A_571 = tpu.memref_slice %arg3[%add3A_568] : memref<67108864xf32, #tpu.memory_space<hbm>> -> memref<128xf32, #tpu.memory_space<hbm>>
      %dma_start3A_572 = tpu.memref_slice %arg6[%add3A_566] : memref<32768xf32, #tpu.memory_space<vmem>> -> memref<128xf32, #tpu.memory_space<vmem>>
      tpu.enqueue_dma source(%dma_start3A_572 : memref<128xf32, #tpu.memory_space<vmem>>) target(%dma_start3A_571 : memref<128xf32, #tpu.memory_space<hbm>>) target_semaphore(%arg7 : memref<!tpu.dma_semaphore, #tpu.memory_space<semaphore_mem>>)
      %add3A_573 = arith.constant 1152 : i32
      %add3A_574 = arith.addi %multiple_of3A_489, %add3A_573 : i32
      %add3A_575 = arith.constant 9216 : i32
      %add3A_576 = arith.addi %multiple_of3A_500, %add3A_575 : i32
      %dma_start3A_577 = tpu.memref_slice %arg6[%add3A_574] : memref<32768xf32, #tpu.memory_space<vmem>> -> memref<128xf32, #tpu.memory_space<vmem>>
      %dma_start3A_578 = tpu.memref_slice %arg3[%add3A_576] : memref<67108864xf32, #tpu.memory_space<hbm>> -> memref<128xf32, #tpu.memory_space<hbm>>
      %dma_start3A_579 = tpu.memref_slice %arg3[%add3A_576] : memref<67108864xf32, #tpu.memory_space<hbm>> -> memref<128xf32, #tpu.memory_space<hbm>>
      %dma_start3A_580 = tpu.memref_slice %arg6[%add3A_574] : memref<32768xf32, #tpu.memory_space<vmem>> -> memref<128xf32, #tpu.memory_space<vmem>>
      tpu.enqueue_dma source(%dma_start3A_580 : memref<128xf32, #tpu.memory_space<vmem>>) target(%dma_start3A_579 : memref<128xf32, #tpu.memory_space<hbm>>) target_semaphore(%arg7 : memref<!tpu.dma_semaphore, #tpu.memory_space<semaphore_mem>>)
      %add3A_581 = arith.constant 1280 : i32
      %add3A_582 = arith.addi %multiple_of3A_489, %add3A_581 : i32
      %add3A_583 = arith.constant 10240 : i32
      %add3A_584 = arith.addi %multiple_of3A_500, %add3A_583 : i32
      %dma_start3A_585 = tpu.memref_slice %arg6[%add3A_582] : memref<32768xf32, #tpu.memory_space<vmem>> -> memref<128xf32, #tpu.memory_space<vmem>>
      %dma_start3A_586 = tpu.memref_slice %arg3[%add3A_584] : memref<67108864xf32, #tpu.memory_space<hbm>> -> memref<128xf32, #tpu.memory_space<hbm>>
      %dma_start3A_587 = tpu.memref_slice %arg3[%add3A_584] : memref<67108864xf32, #tpu.memory_space<hbm>> -> memref<128xf32, #tpu.memory_space<hbm>>
      %dma_start3A_588 = tpu.memref_slice %arg6[%add3A_582] : memref<32768xf32, #tpu.memory_space<vmem>> -> memref<128xf32, #tpu.memory_space<vmem>>
      tpu.enqueue_dma source(%dma_start3A_588 : memref<128xf32, #tpu.memory_space<vmem>>) target(%dma_start3A_587 : memref<128xf32, #tpu.memory_space<hbm>>) target_semaphore(%arg7 : memref<!tpu.dma_semaphore, #tpu.memory_space<semaphore_mem>>)
      %add3A_589 = arith.constant 1408 : i32
      %add3A_590 = arith.addi %multiple_of3A_489, %add3A_589 : i32
      %add3A_591 = arith.constant 11264 : i32
      %add3A_592 = arith.addi %multiple_of3A_500, %add3A_591 : i32
      %dma_start3A_593 = tpu.memref_slice %arg6[%add3A_590] : memref<32768xf32, #tpu.memory_space<vmem>> -> memref<128xf32, #tpu.memory_space<vmem>>
      %dma_start3A_594 = tpu.memref_slice %arg3[%add3A_592] : memref<67108864xf32, #tpu.memory_space<hbm>> -> memref<128xf32, #tpu.memory_space<hbm>>
      %dma_start3A_595 = tpu.memref_slice %arg3[%add3A_592] : memref<67108864xf32, #tpu.memory_space<hbm>> -> memref<128xf32, #tpu.memory_space<hbm>>
      %dma_start3A_596 = tpu.memref_slice %arg6[%add3A_590] : memref<32768xf32, #tpu.memory_space<vmem>> -> memref<128xf32, #tpu.memory_space<vmem>>
      tpu.enqueue_dma source(%dma_start3A_596 : memref<128xf32, #tpu.memory_space<vmem>>) target(%dma_start3A_595 : memref<128xf32, #tpu.memory_space<hbm>>) target_semaphore(%arg7 : memref<!tpu.dma_semaphore, #tpu.memory_space<semaphore_mem>>)
      %add3A_597 = arith.constant 1536 : i32
      %add3A_598 = arith.addi %multiple_of3A_489, %add3A_597 : i32
      %add3A_599 = arith.constant 12288 : i32
      %add3A_600 = arith.addi %multiple_of3A_500, %add3A_599 : i32
      %dma_start3A_601 = tpu.memref_slice %arg6[%add3A_598] : memref<32768xf32, #tpu.memory_space<vmem>> -> memref<128xf32, #tpu.memory_space<vmem>>
      %dma_start3A_602 = tpu.memref_slice %arg3[%add3A_600] : memref<67108864xf32, #tpu.memory_space<hbm>> -> memref<128xf32, #tpu.memory_space<hbm>>
      %dma_start3A_603 = tpu.memref_slice %arg3[%add3A_600] : memref<67108864xf32, #tpu.memory_space<hbm>> -> memref<128xf32, #tpu.memory_space<hbm>>
      %dma_start3A_604 = tpu.memref_slice %arg6[%add3A_598] : memref<32768xf32, #tpu.memory_space<vmem>> -> memref<128xf32, #tpu.memory_space<vmem>>
      tpu.enqueue_dma source(%dma_start3A_604 : memref<128xf32, #tpu.memory_space<vmem>>) target(%dma_start3A_603 : memref<128xf32, #tpu.memory_space<hbm>>) target_semaphore(%arg7 : memref<!tpu.dma_semaphore, #tpu.memory_space<semaphore_mem>>)
      %add3A_605 = arith.constant 1664 : i32
      %add3A_606 = arith.addi %multiple_of3A_489, %add3A_605 : i32
      %add3A_607 = arith.constant 13312 : i32
      %add3A_608 = arith.addi %multiple_of3A_500, %add3A_607 : i32
      %dma_start3A_609 = tpu.memref_slice %arg6[%add3A_606] : memref<32768xf32, #tpu.memory_space<vmem>> -> memref<128xf32, #tpu.memory_space<vmem>>
      %dma_start3A_610 = tpu.memref_slice %arg3[%add3A_608] : memref<67108864xf32, #tpu.memory_space<hbm>> -> memref<128xf32, #tpu.memory_space<hbm>>
      %dma_start3A_611 = tpu.memref_slice %arg3[%add3A_608] : memref<67108864xf32, #tpu.memory_space<hbm>> -> memref<128xf32, #tpu.memory_space<hbm>>
      %dma_start3A_612 = tpu.memref_slice %arg6[%add3A_606] : memref<32768xf32, #tpu.memory_space<vmem>> -> memref<128xf32, #tpu.memory_space<vmem>>
      tpu.enqueue_dma source(%dma_start3A_612 : memref<128xf32, #tpu.memory_space<vmem>>) target(%dma_start3A_611 : memref<128xf32, #tpu.memory_space<hbm>>) target_semaphore(%arg7 : memref<!tpu.dma_semaphore, #tpu.memory_space<semaphore_mem>>)
      %add3A_613 = arith.constant 1792 : i32
      %add3A_614 = arith.addi %multiple_of3A_489, %add3A_613 : i32
      %add3A_615 = arith.constant 14336 : i32
      %add3A_616 = arith.addi %multiple_of3A_500, %add3A_615 : i32
      %dma_start3A_617 = tpu.memref_slice %arg6[%add3A_614] : memref<32768xf32, #tpu.memory_space<vmem>> -> memref<128xf32, #tpu.memory_space<vmem>>
      %dma_start3A_618 = tpu.memref_slice %arg3[%add3A_616] : memref<67108864xf32, #tpu.memory_space<hbm>> -> memref<128xf32, #tpu.memory_space<hbm>>
      %dma_start3A_619 = tpu.memref_slice %arg3[%add3A_616] : memref<67108864xf32, #tpu.memory_space<hbm>> -> memref<128xf32, #tpu.memory_space<hbm>>
      %dma_start3A_620 = tpu.memref_slice %arg6[%add3A_614] : memref<32768xf32, #tpu.memory_space<vmem>> -> memref<128xf32, #tpu.memory_space<vmem>>
      tpu.enqueue_dma source(%dma_start3A_620 : memref<128xf32, #tpu.memory_space<vmem>>) target(%dma_start3A_619 : memref<128xf32, #tpu.memory_space<hbm>>) target_semaphore(%arg7 : memref<!tpu.dma_semaphore, #tpu.memory_space<semaphore_mem>>)
      %add3A_621 = arith.constant 1920 : i32
      %add3A_622 = arith.addi %multiple_of3A_489, %add3A_621 : i32
      %add3A_623 = arith.constant 15360 : i32
      %add3A_624 = arith.addi %multiple_of3A_500, %add3A_623 : i32
      %dma_start3A_625 = tpu.memref_slice %arg6[%add3A_622] : memref<32768xf32, #tpu.memory_space<vmem>> -> memref<128xf32, #tpu.memory_space<vmem>>
      %dma_start3A_626 = tpu.memref_slice %arg3[%add3A_624] : memref<67108864xf32, #tpu.memory_space<hbm>> -> memref<128xf32, #tpu.memory_space<hbm>>
      %dma_start3A_627 = tpu.memref_slice %arg3[%add3A_624] : memref<67108864xf32, #tpu.memory_space<hbm>> -> memref<128xf32, #tpu.memory_space<hbm>>
      %dma_start3A_628 = tpu.memref_slice %arg6[%add3A_622] : memref<32768xf32, #tpu.memory_space<vmem>> -> memref<128xf32, #tpu.memory_space<vmem>>
      tpu.enqueue_dma source(%dma_start3A_628 : memref<128xf32, #tpu.memory_space<vmem>>) target(%dma_start3A_627 : memref<128xf32, #tpu.memory_space<hbm>>) target_semaphore(%arg7 : memref<!tpu.dma_semaphore, #tpu.memory_space<semaphore_mem>>)
      %mul3A_629 = arith.constant 8 : i32
      %mul3A_630 = arith.muli %scan3A_171, %mul3A_629 : i32
      %add3A_631 = arith.addi %mul3A_0, %mul3A_630 : i32
      %add3A_632 = arith.constant 3 : i32
      %add3A_633 = arith.addi %add3A_631, %add3A_632 : i32
      %sub3A_634 = arith.constant 2047 : i32
      %sub3A_635 = arith.subi %sub3A_634, %add3A_633 : i32
      %and3A_636 = arith.constant 7 : i32
      %and3A_637 = arith.andi %sub3A_635, %and3A_636 : i32
      %sub3A_638 = arith.subi %sub3A_635, %and3A_637 : i32
      %mul3A_639 = arith.constant 4096 : i32
      %mul3A_640 = arith.muli %and3A_637, %mul3A_639 : i32
      %add3A_641 = arith.addi %mul3A_640, %sub3A_638 : i32
      %multiple_of3A_642 = tpu.assume_multiple %add3A_641, 8 : i32
      %shift_right_logical3A_643 = arith.constant 3 : i32
      %shift_right_logical3A_644 = arith.shrui %add3A_633, %shift_right_logical3A_643 : i32
      %and3A_645 = arith.constant 7 : i32
      %and3A_646 = arith.andi %add3A_633, %and3A_645 : i32
      %mul3A_647 = arith.constant 16384 : i32
      %mul3A_648 = arith.muli %shift_right_logical3A_644, %mul3A_647 : i32
      %add3A_649 = arith.addi %mul3A_150, %mul3A_648 : i32
      %mul3A_650 = arith.constant 128 : i32
      %mul3A_651 = arith.muli %and3A_646, %mul3A_650 : i32
      %add3A_652 = arith.addi %add3A_649, %mul3A_651 : i32
      %multiple_of3A_653 = tpu.assume_multiple %add3A_652, 8 : i32
      %add3A_654 = arith.constant 0 : i32
      %add3A_655 = arith.addi %multiple_of3A_642, %add3A_654 : i32
      %add3A_656 = arith.constant 0 : i32
      %add3A_657 = arith.addi %multiple_of3A_653, %add3A_656 : i32
      %dma_start3A_658 = tpu.memref_slice %arg6[%add3A_655] : memref<32768xf32, #tpu.memory_space<vmem>> -> memref<128xf32, #tpu.memory_space<vmem>>
      %dma_start3A_659 = tpu.memref_slice %arg3[%add3A_657] : memref<67108864xf32, #tpu.memory_space<hbm>> -> memref<128xf32, #tpu.memory_space<hbm>>
      %dma_start3A_660 = tpu.memref_slice %arg3[%add3A_657] : memref<67108864xf32, #tpu.memory_space<hbm>> -> memref<128xf32, #tpu.memory_space<hbm>>
      %dma_start3A_661 = tpu.memref_slice %arg6[%add3A_655] : memref<32768xf32, #tpu.memory_space<vmem>> -> memref<128xf32, #tpu.memory_space<vmem>>
      tpu.enqueue_dma source(%dma_start3A_661 : memref<128xf32, #tpu.memory_space<vmem>>) target(%dma_start3A_660 : memref<128xf32, #tpu.memory_space<hbm>>) target_semaphore(%arg7 : memref<!tpu.dma_semaphore, #tpu.memory_space<semaphore_mem>>)
      %add3A_662 = arith.constant 128 : i32
      %add3A_663 = arith.addi %multiple_of3A_642, %add3A_662 : i32
      %add3A_664 = arith.constant 1024 : i32
      %add3A_665 = arith.addi %multiple_of3A_653, %add3A_664 : i32
      %dma_start3A_666 = tpu.memref_slice %arg6[%add3A_663] : memref<32768xf32, #tpu.memory_space<vmem>> -> memref<128xf32, #tpu.memory_space<vmem>>
      %dma_start3A_667 = tpu.memref_slice %arg3[%add3A_665] : memref<67108864xf32, #tpu.memory_space<hbm>> -> memref<128xf32, #tpu.memory_space<hbm>>
      %dma_start3A_668 = tpu.memref_slice %arg3[%add3A_665] : memref<67108864xf32, #tpu.memory_space<hbm>> -> memref<128xf32, #tpu.memory_space<hbm>>
      %dma_start3A_669 = tpu.memref_slice %arg6[%add3A_663] : memref<32768xf32, #tpu.memory_space<vmem>> -> memref<128xf32, #tpu.memory_space<vmem>>
      tpu.enqueue_dma source(%dma_start3A_669 : memref<128xf32, #tpu.memory_space<vmem>>) target(%dma_start3A_668 : memref<128xf32, #tpu.memory_space<hbm>>) target_semaphore(%arg7 : memref<!tpu.dma_semaphore, #tpu.memory_space<semaphore_mem>>)
      %add3A_670 = arith.constant 256 : i32
      %add3A_671 = arith.addi %multiple_of3A_642, %add3A_670 : i32
      %add3A_672 = arith.constant 2048 : i32
      %add3A_673 = arith.addi %multiple_of3A_653, %add3A_672 : i32
      %dma_start3A_674 = tpu.memref_slice %arg6[%add3A_671] : memref<32768xf32, #tpu.memory_space<vmem>> -> memref<128xf32, #tpu.memory_space<vmem>>
      %dma_start3A_675 = tpu.memref_slice %arg3[%add3A_673] : memref<67108864xf32, #tpu.memory_space<hbm>> -> memref<128xf32, #tpu.memory_space<hbm>>
      %dma_start3A_676 = tpu.memref_slice %arg3[%add3A_673] : memref<67108864xf32, #tpu.memory_space<hbm>> -> memref<128xf32, #tpu.memory_space<hbm>>
      %dma_start3A_677 = tpu.memref_slice %arg6[%add3A_671] : memref<32768xf32, #tpu.memory_space<vmem>> -> memref<128xf32, #tpu.memory_space<vmem>>
      tpu.enqueue_dma source(%dma_start3A_677 : memref<128xf32, #tpu.memory_space<vmem>>) target(%dma_start3A_676 : memref<128xf32, #tpu.memory_space<hbm>>) target_semaphore(%arg7 : memref<!tpu.dma_semaphore, #tpu.memory_space<semaphore_mem>>)
      %add3A_678 = arith.constant 384 : i32
      %add3A_679 = arith.addi %multiple_of3A_642, %add3A_678 : i32
      %add3A_680 = arith.constant 3072 : i32
      %add3A_681 = arith.addi %multiple_of3A_653, %add3A_680 : i32
      %dma_start3A_682 = tpu.memref_slice %arg6[%add3A_679] : memref<32768xf32, #tpu.memory_space<vmem>> -> memref<128xf32, #tpu.memory_space<vmem>>
      %dma_start3A_683 = tpu.memref_slice %arg3[%add3A_681] : memref<67108864xf32, #tpu.memory_space<hbm>> -> memref<128xf32, #tpu.memory_space<hbm>>
      %dma_start3A_684 = tpu.memref_slice %arg3[%add3A_681] : memref<67108864xf32, #tpu.memory_space<hbm>> -> memref<128xf32, #tpu.memory_space<hbm>>
      %dma_start3A_685 = tpu.memref_slice %arg6[%add3A_679] : memref<32768xf32, #tpu.memory_space<vmem>> -> memref<128xf32, #tpu.memory_space<vmem>>
      tpu.enqueue_dma source(%dma_start3A_685 : memref<128xf32, #tpu.memory_space<vmem>>) target(%dma_start3A_684 : memref<128xf32, #tpu.memory_space<hbm>>) target_semaphore(%arg7 : memref<!tpu.dma_semaphore, #tpu.memory_space<semaphore_mem>>)
      %add3A_686 = arith.constant 512 : i32
      %add3A_687 = arith.addi %multiple_of3A_642, %add3A_686 : i32
      %add3A_688 = arith.constant 4096 : i32
      %add3A_689 = arith.addi %multiple_of3A_653, %add3A_688 : i32
      %dma_start3A_690 = tpu.memref_slice %arg6[%add3A_687] : memref<32768xf32, #tpu.memory_space<vmem>> -> memref<128xf32, #tpu.memory_space<vmem>>
      %dma_start3A_691 = tpu.memref_slice %arg3[%add3A_689] : memref<67108864xf32, #tpu.memory_space<hbm>> -> memref<128xf32, #tpu.memory_space<hbm>>
      %dma_start3A_692 = tpu.memref_slice %arg3[%add3A_689] : memref<67108864xf32, #tpu.memory_space<hbm>> -> memref<128xf32, #tpu.memory_space<hbm>>
      %dma_start3A_693 = tpu.memref_slice %arg6[%add3A_687] : memref<32768xf32, #tpu.memory_space<vmem>> -> memref<128xf32, #tpu.memory_space<vmem>>
      tpu.enqueue_dma source(%dma_start3A_693 : memref<128xf32, #tpu.memory_space<vmem>>) target(%dma_start3A_692 : memref<128xf32, #tpu.memory_space<hbm>>) target_semaphore(%arg7 : memref<!tpu.dma_semaphore, #tpu.memory_space<semaphore_mem>>)
      %add3A_694 = arith.constant 640 : i32
      %add3A_695 = arith.addi %multiple_of3A_642, %add3A_694 : i32
      %add3A_696 = arith.constant 5120 : i32
      %add3A_697 = arith.addi %multiple_of3A_653, %add3A_696 : i32
      %dma_start3A_698 = tpu.memref_slice %arg6[%add3A_695] : memref<32768xf32, #tpu.memory_space<vmem>> -> memref<128xf32, #tpu.memory_space<vmem>>
      %dma_start3A_699 = tpu.memref_slice %arg3[%add3A_697] : memref<67108864xf32, #tpu.memory_space<hbm>> -> memref<128xf32, #tpu.memory_space<hbm>>
      %dma_start3A_700 = tpu.memref_slice %arg3[%add3A_697] : memref<67108864xf32, #tpu.memory_space<hbm>> -> memref<128xf32, #tpu.memory_space<hbm>>
      %dma_start3A_701 = tpu.memref_slice %arg6[%add3A_695] : memref<32768xf32, #tpu.memory_space<vmem>> -> memref<128xf32, #tpu.memory_space<vmem>>
      tpu.enqueue_dma source(%dma_start3A_701 : memref<128xf32, #tpu.memory_space<vmem>>) target(%dma_start3A_700 : memref<128xf32, #tpu.memory_space<hbm>>) target_semaphore(%arg7 : memref<!tpu.dma_semaphore, #tpu.memory_space<semaphore_mem>>)
      %add3A_702 = arith.constant 768 : i32
      %add3A_703 = arith.addi %multiple_of3A_642, %add3A_702 : i32
      %add3A_704 = arith.constant 6144 : i32
      %add3A_705 = arith.addi %multiple_of3A_653, %add3A_704 : i32
      %dma_start3A_706 = tpu.memref_slice %arg6[%add3A_703] : memref<32768xf32, #tpu.memory_space<vmem>> -> memref<128xf32, #tpu.memory_space<vmem>>
      %dma_start3A_707 = tpu.memref_slice %arg3[%add3A_705] : memref<67108864xf32, #tpu.memory_space<hbm>> -> memref<128xf32, #tpu.memory_space<hbm>>
      %dma_start3A_708 = tpu.memref_slice %arg3[%add3A_705] : memref<67108864xf32, #tpu.memory_space<hbm>> -> memref<128xf32, #tpu.memory_space<hbm>>
      %dma_start3A_709 = tpu.memref_slice %arg6[%add3A_703] : memref<32768xf32, #tpu.memory_space<vmem>> -> memref<128xf32, #tpu.memory_space<vmem>>
      tpu.enqueue_dma source(%dma_start3A_709 : memref<128xf32, #tpu.memory_space<vmem>>) target(%dma_start3A_708 : memref<128xf32, #tpu.memory_space<hbm>>) target_semaphore(%arg7 : memref<!tpu.dma_semaphore, #tpu.memory_space<semaphore_mem>>)
      %add3A_710 = arith.constant 896 : i32
      %add3A_711 = arith.addi %multiple_of3A_642, %add3A_710 : i32
      %add3A_712 = arith.constant 7168 : i32
      %add3A_713 = arith.addi %multiple_of3A_653, %add3A_712 : i32
      %dma_start3A_714 = tpu.memref_slice %arg6[%add3A_711] : memref<32768xf32, #tpu.memory_space<vmem>> -> memref<128xf32, #tpu.memory_space<vmem>>
      %dma_start3A_715 = tpu.memref_slice %arg3[%add3A_713] : memref<67108864xf32, #tpu.memory_space<hbm>> -> memref<128xf32, #tpu.memory_space<hbm>>
      %dma_start3A_716 = tpu.memref_slice %arg3[%add3A_713] : memref<67108864xf32, #tpu.memory_space<hbm>> -> memref<128xf32, #tpu.memory_space<hbm>>
      %dma_start3A_717 = tpu.memref_slice %arg6[%add3A_711] : memref<32768xf32, #tpu.memory_space<vmem>> -> memref<128xf32, #tpu.memory_space<vmem>>
      tpu.enqueue_dma source(%dma_start3A_717 : memref<128xf32, #tpu.memory_space<vmem>>) target(%dma_start3A_716 : memref<128xf32, #tpu.memory_space<hbm>>) target_semaphore(%arg7 : memref<!tpu.dma_semaphore, #tpu.memory_space<semaphore_mem>>)
      %add3A_718 = arith.constant 1024 : i32
      %add3A_719 = arith.addi %multiple_of3A_642, %add3A_718 : i32
      %add3A_720 = arith.constant 8192 : i32
      %add3A_721 = arith.addi %multiple_of3A_653, %add3A_720 : i32
      %dma_start3A_722 = tpu.memref_slice %arg6[%add3A_719] : memref<32768xf32, #tpu.memory_space<vmem>> -> memref<128xf32, #tpu.memory_space<vmem>>
      %dma_start3A_723 = tpu.memref_slice %arg3[%add3A_721] : memref<67108864xf32, #tpu.memory_space<hbm>> -> memref<128xf32, #tpu.memory_space<hbm>>
      %dma_start3A_724 = tpu.memref_slice %arg3[%add3A_721] : memref<67108864xf32, #tpu.memory_space<hbm>> -> memref<128xf32, #tpu.memory_space<hbm>>
      %dma_start3A_725 = tpu.memref_slice %arg6[%add3A_719] : memref<32768xf32, #tpu.memory_space<vmem>> -> memref<128xf32, #tpu.memory_space<vmem>>
      tpu.enqueue_dma source(%dma_start3A_725 : memref<128xf32, #tpu.memory_space<vmem>>) target(%dma_start3A_724 : memref<128xf32, #tpu.memory_space<hbm>>) target_semaphore(%arg7 : memref<!tpu.dma_semaphore, #tpu.memory_space<semaphore_mem>>)
      %add3A_726 = arith.constant 1152 : i32
      %add3A_727 = arith.addi %multiple_of3A_642, %add3A_726 : i32
      %add3A_728 = arith.constant 9216 : i32
      %add3A_729 = arith.addi %multiple_of3A_653, %add3A_728 : i32
      %dma_start3A_730 = tpu.memref_slice %arg6[%add3A_727] : memref<32768xf32, #tpu.memory_space<vmem>> -> memref<128xf32, #tpu.memory_space<vmem>>
      %dma_start3A_731 = tpu.memref_slice %arg3[%add3A_729] : memref<67108864xf32, #tpu.memory_space<hbm>> -> memref<128xf32, #tpu.memory_space<hbm>>
      %dma_start3A_732 = tpu.memref_slice %arg3[%add3A_729] : memref<67108864xf32, #tpu.memory_space<hbm>> -> memref<128xf32, #tpu.memory_space<hbm>>
      %dma_start3A_733 = tpu.memref_slice %arg6[%add3A_727] : memref<32768xf32, #tpu.memory_space<vmem>> -> memref<128xf32, #tpu.memory_space<vmem>>
      tpu.enqueue_dma source(%dma_start3A_733 : memref<128xf32, #tpu.memory_space<vmem>>) target(%dma_start3A_732 : memref<128xf32, #tpu.memory_space<hbm>>) target_semaphore(%arg7 : memref<!tpu.dma_semaphore, #tpu.memory_space<semaphore_mem>>)
      %add3A_734 = arith.constant 1280 : i32
      %add3A_735 = arith.addi %multiple_of3A_642, %add3A_734 : i32
      %add3A_736 = arith.constant 10240 : i32
      %add3A_737 = arith.addi %multiple_of3A_653, %add3A_736 : i32
      %dma_start3A_738 = tpu.memref_slice %arg6[%add3A_735] : memref<32768xf32, #tpu.memory_space<vmem>> -> memref<128xf32, #tpu.memory_space<vmem>>
      %dma_start3A_739 = tpu.memref_slice %arg3[%add3A_737] : memref<67108864xf32, #tpu.memory_space<hbm>> -> memref<128xf32, #tpu.memory_space<hbm>>
      %dma_start3A_740 = tpu.memref_slice %arg3[%add3A_737] : memref<67108864xf32, #tpu.memory_space<hbm>> -> memref<128xf32, #tpu.memory_space<hbm>>
      %dma_start3A_741 = tpu.memref_slice %arg6[%add3A_735] : memref<32768xf32, #tpu.memory_space<vmem>> -> memref<128xf32, #tpu.memory_space<vmem>>
      tpu.enqueue_dma source(%dma_start3A_741 : memref<128xf32, #tpu.memory_space<vmem>>) target(%dma_start3A_740 : memref<128xf32, #tpu.memory_space<hbm>>) target_semaphore(%arg7 : memref<!tpu.dma_semaphore, #tpu.memory_space<semaphore_mem>>)
      %add3A_742 = arith.constant 1408 : i32
      %add3A_743 = arith.addi %multiple_of3A_642, %add3A_742 : i32
      %add3A_744 = arith.constant 11264 : i32
      %add3A_745 = arith.addi %multiple_of3A_653, %add3A_744 : i32
      %dma_start3A_746 = tpu.memref_slice %arg6[%add3A_743] : memref<32768xf32, #tpu.memory_space<vmem>> -> memref<128xf32, #tpu.memory_space<vmem>>
      %dma_start3A_747 = tpu.memref_slice %arg3[%add3A_745] : memref<67108864xf32, #tpu.memory_space<hbm>> -> memref<128xf32, #tpu.memory_space<hbm>>
      %dma_start3A_748 = tpu.memref_slice %arg3[%add3A_745] : memref<67108864xf32, #tpu.memory_space<hbm>> -> memref<128xf32, #tpu.memory_space<hbm>>
      %dma_start3A_749 = tpu.memref_slice %arg6[%add3A_743] : memref<32768xf32, #tpu.memory_space<vmem>> -> memref<128xf32, #tpu.memory_space<vmem>>
      tpu.enqueue_dma source(%dma_start3A_749 : memref<128xf32, #tpu.memory_space<vmem>>) target(%dma_start3A_748 : memref<128xf32, #tpu.memory_space<hbm>>) target_semaphore(%arg7 : memref<!tpu.dma_semaphore, #tpu.memory_space<semaphore_mem>>)
      %add3A_750 = arith.constant 1536 : i32
      %add3A_751 = arith.addi %multiple_of3A_642, %add3A_750 : i32
      %add3A_752 = arith.constant 12288 : i32
      %add3A_753 = arith.addi %multiple_of3A_653, %add3A_752 : i32
      %dma_start3A_754 = tpu.memref_slice %arg6[%add3A_751] : memref<32768xf32, #tpu.memory_space<vmem>> -> memref<128xf32, #tpu.memory_space<vmem>>
      %dma_start3A_755 = tpu.memref_slice %arg3[%add3A_753] : memref<67108864xf32, #tpu.memory_space<hbm>> -> memref<128xf32, #tpu.memory_space<hbm>>
      %dma_start3A_756 = tpu.memref_slice %arg3[%add3A_753] : memref<67108864xf32, #tpu.memory_space<hbm>> -> memref<128xf32, #tpu.memory_space<hbm>>
      %dma_start3A_757 = tpu.memref_slice %arg6[%add3A_751] : memref<32768xf32, #tpu.memory_space<vmem>> -> memref<128xf32, #tpu.memory_space<vmem>>
      tpu.enqueue_dma source(%dma_start3A_757 : memref<128xf32, #tpu.memory_space<vmem>>) target(%dma_start3A_756 : memref<128xf32, #tpu.memory_space<hbm>>) target_semaphore(%arg7 : memref<!tpu.dma_semaphore, #tpu.memory_space<semaphore_mem>>)
      %add3A_758 = arith.constant 1664 : i32
      %add3A_759 = arith.addi %multiple_of3A_642, %add3A_758 : i32
      %add3A_760 = arith.constant 13312 : i32
      %add3A_761 = arith.addi %multiple_of3A_653, %add3A_760 : i32
      %dma_start3A_762 = tpu.memref_slice %arg6[%add3A_759] : memref<32768xf32, #tpu.memory_space<vmem>> -> memref<128xf32, #tpu.memory_space<vmem>>
      %dma_start3A_763 = tpu.memref_slice %arg3[%add3A_761] : memref<67108864xf32, #tpu.memory_space<hbm>> -> memref<128xf32, #tpu.memory_space<hbm>>
      %dma_start3A_764 = tpu.memref_slice %arg3[%add3A_761] : memref<67108864xf32, #tpu.memory_space<hbm>> -> memref<128xf32, #tpu.memory_space<hbm>>
      %dma_start3A_765 = tpu.memref_slice %arg6[%add3A_759] : memref<32768xf32, #tpu.memory_space<vmem>> -> memref<128xf32, #tpu.memory_space<vmem>>
      tpu.enqueue_dma source(%dma_start3A_765 : memref<128xf32, #tpu.memory_space<vmem>>) target(%dma_start3A_764 : memref<128xf32, #tpu.memory_space<hbm>>) target_semaphore(%arg7 : memref<!tpu.dma_semaphore, #tpu.memory_space<semaphore_mem>>)
      %add3A_766 = arith.constant 1792 : i32
      %add3A_767 = arith.addi %multiple_of3A_642, %add3A_766 : i32
      %add3A_768 = arith.constant 14336 : i32
      %add3A_769 = arith.addi %multiple_of3A_653, %add3A_768 : i32
      %dma_start3A_770 = tpu.memref_slice %arg6[%add3A_767] : memref<32768xf32, #tpu.memory_space<vmem>> -> memref<128xf32, #tpu.memory_space<vmem>>
      %dma_start3A_771 = tpu.memref_slice %arg3[%add3A_769] : memref<67108864xf32, #tpu.memory_space<hbm>> -> memref<128xf32, #tpu.memory_space<hbm>>
      %dma_start3A_772 = tpu.memref_slice %arg3[%add3A_769] : memref<67108864xf32, #tpu.memory_space<hbm>> -> memref<128xf32, #tpu.memory_space<hbm>>
      %dma_start3A_773 = tpu.memref_slice %arg6[%add3A_767] : memref<32768xf32, #tpu.memory_space<vmem>> -> memref<128xf32, #tpu.memory_space<vmem>>
      tpu.enqueue_dma source(%dma_start3A_773 : memref<128xf32, #tpu.memory_space<vmem>>) target(%dma_start3A_772 : memref<128xf32, #tpu.memory_space<hbm>>) target_semaphore(%arg7 : memref<!tpu.dma_semaphore, #tpu.memory_space<semaphore_mem>>)
      %add3A_774 = arith.constant 1920 : i32
      %add3A_775 = arith.addi %multiple_of3A_642, %add3A_774 : i32
      %add3A_776 = arith.constant 15360 : i32
      %add3A_777 = arith.addi %multiple_of3A_653, %add3A_776 : i32
      %dma_start3A_778 = tpu.memref_slice %arg6[%add3A_775] : memref<32768xf32, #tpu.memory_space<vmem>> -> memref<128xf32, #tpu.memory_space<vmem>>
      %dma_start3A_779 = tpu.memref_slice %arg3[%add3A_777] : memref<67108864xf32, #tpu.memory_space<hbm>> -> memref<128xf32, #tpu.memory_space<hbm>>
      %dma_start3A_780 = tpu.memref_slice %arg3[%add3A_777] : memref<67108864xf32, #tpu.memory_space<hbm>> -> memref<128xf32, #tpu.memory_space<hbm>>
      %dma_start3A_781 = tpu.memref_slice %arg6[%add3A_775] : memref<32768xf32, #tpu.memory_space<vmem>> -> memref<128xf32, #tpu.memory_space<vmem>>
      tpu.enqueue_dma source(%dma_start3A_781 : memref<128xf32, #tpu.memory_space<vmem>>) target(%dma_start3A_780 : memref<128xf32, #tpu.memory_space<hbm>>) target_semaphore(%arg7 : memref<!tpu.dma_semaphore, #tpu.memory_space<semaphore_mem>>)
      %mul3A_782 = arith.constant 8 : i32
      %mul3A_783 = arith.muli %scan3A_171, %mul3A_782 : i32
      %add3A_784 = arith.addi %mul3A_0, %mul3A_783 : i32
      %add3A_785 = arith.constant 4 : i32
      %add3A_786 = arith.addi %add3A_784, %add3A_785 : i32
      %sub3A_787 = arith.constant 2047 : i32
      %sub3A_788 = arith.subi %sub3A_787, %add3A_786 : i32
      %and3A_789 = arith.constant 7 : i32
      %and3A_790 = arith.andi %sub3A_788, %and3A_789 : i32
      %sub3A_791 = arith.subi %sub3A_788, %and3A_790 : i32
      %mul3A_792 = arith.constant 4096 : i32
      %mul3A_793 = arith.muli %and3A_790, %mul3A_792 : i32
      %add3A_794 = arith.addi %mul3A_793, %sub3A_791 : i32
      %multiple_of3A_795 = tpu.assume_multiple %add3A_794, 8 : i32
      %shift_right_logical3A_796 = arith.constant 3 : i32
      %shift_right_logical3A_797 = arith.shrui %add3A_786, %shift_right_logical3A_796 : i32
      %and3A_798 = arith.constant 7 : i32
      %and3A_799 = arith.andi %add3A_786, %and3A_798 : i32
      %mul3A_800 = arith.constant 16384 : i32
      %mul3A_801 = arith.muli %shift_right_logical3A_797, %mul3A_800 : i32
      %add3A_802 = arith.addi %mul3A_150, %mul3A_801 : i32
      %mul3A_803 = arith.constant 128 : i32
      %mul3A_804 = arith.muli %and3A_799, %mul3A_803 : i32
      %add3A_805 = arith.addi %add3A_802, %mul3A_804 : i32
      %multiple_of3A_806 = tpu.assume_multiple %add3A_805, 8 : i32
      %add3A_807 = arith.constant 0 : i32
      %add3A_808 = arith.addi %multiple_of3A_795, %add3A_807 : i32
      %add3A_809 = arith.constant 0 : i32
      %add3A_810 = arith.addi %multiple_of3A_806, %add3A_809 : i32
      %dma_start3A_811 = tpu.memref_slice %arg6[%add3A_808] : memref<32768xf32, #tpu.memory_space<vmem>> -> memref<128xf32, #tpu.memory_space<vmem>>
      %dma_start3A_812 = tpu.memref_slice %arg3[%add3A_810] : memref<67108864xf32, #tpu.memory_space<hbm>> -> memref<128xf32, #tpu.memory_space<hbm>>
      %dma_start3A_813 = tpu.memref_slice %arg3[%add3A_810] : memref<67108864xf32, #tpu.memory_space<hbm>> -> memref<128xf32, #tpu.memory_space<hbm>>
      %dma_start3A_814 = tpu.memref_slice %arg6[%add3A_808] : memref<32768xf32, #tpu.memory_space<vmem>> -> memref<128xf32, #tpu.memory_space<vmem>>
      tpu.enqueue_dma source(%dma_start3A_814 : memref<128xf32, #tpu.memory_space<vmem>>) target(%dma_start3A_813 : memref<128xf32, #tpu.memory_space<hbm>>) target_semaphore(%arg7 : memref<!tpu.dma_semaphore, #tpu.memory_space<semaphore_mem>>)
      %add3A_815 = arith.constant 128 : i32
      %add3A_816 = arith.addi %multiple_of3A_795, %add3A_815 : i32
      %add3A_817 = arith.constant 1024 : i32
      %add3A_818 = arith.addi %multiple_of3A_806, %add3A_817 : i32
      %dma_start3A_819 = tpu.memref_slice %arg6[%add3A_816] : memref<32768xf32, #tpu.memory_space<vmem>> -> memref<128xf32, #tpu.memory_space<vmem>>
      %dma_start3A_820 = tpu.memref_slice %arg3[%add3A_818] : memref<67108864xf32, #tpu.memory_space<hbm>> -> memref<128xf32, #tpu.memory_space<hbm>>
      %dma_start3A_821 = tpu.memref_slice %arg3[%add3A_818] : memref<67108864xf32, #tpu.memory_space<hbm>> -> memref<128xf32, #tpu.memory_space<hbm>>
      %dma_start3A_822 = tpu.memref_slice %arg6[%add3A_816] : memref<32768xf32, #tpu.memory_space<vmem>> -> memref<128xf32, #tpu.memory_space<vmem>>
      tpu.enqueue_dma source(%dma_start3A_822 : memref<128xf32, #tpu.memory_space<vmem>>) target(%dma_start3A_821 : memref<128xf32, #tpu.memory_space<hbm>>) target_semaphore(%arg7 : memref<!tpu.dma_semaphore, #tpu.memory_space<semaphore_mem>>)
      %add3A_823 = arith.constant 256 : i32
      %add3A_824 = arith.addi %multiple_of3A_795, %add3A_823 : i32
      %add3A_825 = arith.constant 2048 : i32
      %add3A_826 = arith.addi %multiple_of3A_806, %add3A_825 : i32
      %dma_start3A_827 = tpu.memref_slice %arg6[%add3A_824] : memref<32768xf32, #tpu.memory_space<vmem>> -> memref<128xf32, #tpu.memory_space<vmem>>
      %dma_start3A_828 = tpu.memref_slice %arg3[%add3A_826] : memref<67108864xf32, #tpu.memory_space<hbm>> -> memref<128xf32, #tpu.memory_space<hbm>>
      %dma_start3A_829 = tpu.memref_slice %arg3[%add3A_826] : memref<67108864xf32, #tpu.memory_space<hbm>> -> memref<128xf32, #tpu.memory_space<hbm>>
      %dma_start3A_830 = tpu.memref_slice %arg6[%add3A_824] : memref<32768xf32, #tpu.memory_space<vmem>> -> memref<128xf32, #tpu.memory_space<vmem>>
      tpu.enqueue_dma source(%dma_start3A_830 : memref<128xf32, #tpu.memory_space<vmem>>) target(%dma_start3A_829 : memref<128xf32, #tpu.memory_space<hbm>>) target_semaphore(%arg7 : memref<!tpu.dma_semaphore, #tpu.memory_space<semaphore_mem>>)
      %add3A_831 = arith.constant 384 : i32
      %add3A_832 = arith.addi %multiple_of3A_795, %add3A_831 : i32
      %add3A_833 = arith.constant 3072 : i32
      %add3A_834 = arith.addi %multiple_of3A_806, %add3A_833 : i32
      %dma_start3A_835 = tpu.memref_slice %arg6[%add3A_832] : memref<32768xf32, #tpu.memory_space<vmem>> -> memref<128xf32, #tpu.memory_space<vmem>>
      %dma_start3A_836 = tpu.memref_slice %arg3[%add3A_834] : memref<67108864xf32, #tpu.memory_space<hbm>> -> memref<128xf32, #tpu.memory_space<hbm>>
      %dma_start3A_837 = tpu.memref_slice %arg3[%add3A_834] : memref<67108864xf32, #tpu.memory_space<hbm>> -> memref<128xf32, #tpu.memory_space<hbm>>
      %dma_start3A_838 = tpu.memref_slice %arg6[%add3A_832] : memref<32768xf32, #tpu.memory_space<vmem>> -> memref<128xf32, #tpu.memory_space<vmem>>
      tpu.enqueue_dma source(%dma_start3A_838 : memref<128xf32, #tpu.memory_space<vmem>>) target(%dma_start3A_837 : memref<128xf32, #tpu.memory_space<hbm>>) target_semaphore(%arg7 : memref<!tpu.dma_semaphore, #tpu.memory_space<semaphore_mem>>)
      %add3A_839 = arith.constant 512 : i32
      %add3A_840 = arith.addi %multiple_of3A_795, %add3A_839 : i32
      %add3A_841 = arith.constant 4096 : i32
      %add3A_842 = arith.addi %multiple_of3A_806, %add3A_841 : i32
      %dma_start3A_843 = tpu.memref_slice %arg6[%add3A_840] : memref<32768xf32, #tpu.memory_space<vmem>> -> memref<128xf32, #tpu.memory_space<vmem>>
      %dma_start3A_844 = tpu.memref_slice %arg3[%add3A_842] : memref<67108864xf32, #tpu.memory_space<hbm>> -> memref<128xf32, #tpu.memory_space<hbm>>
      %dma_start3A_845 = tpu.memref_slice %arg3[%add3A_842] : memref<67108864xf32, #tpu.memory_space<hbm>> -> memref<128xf32, #tpu.memory_space<hbm>>
      %dma_start3A_846 = tpu.memref_slice %arg6[%add3A_840] : memref<32768xf32, #tpu.memory_space<vmem>> -> memref<128xf32, #tpu.memory_space<vmem>>
      tpu.enqueue_dma source(%dma_start3A_846 : memref<128xf32, #tpu.memory_space<vmem>>) target(%dma_start3A_845 : memref<128xf32, #tpu.memory_space<hbm>>) target_semaphore(%arg7 : memref<!tpu.dma_semaphore, #tpu.memory_space<semaphore_mem>>)
      %add3A_847 = arith.constant 640 : i32
      %add3A_848 = arith.addi %multiple_of3A_795, %add3A_847 : i32
      %add3A_849 = arith.constant 5120 : i32
      %add3A_850 = arith.addi %multiple_of3A_806, %add3A_849 : i32
      %dma_start3A_851 = tpu.memref_slice %arg6[%add3A_848] : memref<32768xf32, #tpu.memory_space<vmem>> -> memref<128xf32, #tpu.memory_space<vmem>>
      %dma_start3A_852 = tpu.memref_slice %arg3[%add3A_850] : memref<67108864xf32, #tpu.memory_space<hbm>> -> memref<128xf32, #tpu.memory_space<hbm>>
      %dma_start3A_853 = tpu.memref_slice %arg3[%add3A_850] : memref<67108864xf32, #tpu.memory_space<hbm>> -> memref<128xf32, #tpu.memory_space<hbm>>
      %dma_start3A_854 = tpu.memref_slice %arg6[%add3A_848] : memref<32768xf32, #tpu.memory_space<vmem>> -> memref<128xf32, #tpu.memory_space<vmem>>
      tpu.enqueue_dma source(%dma_start3A_854 : memref<128xf32, #tpu.memory_space<vmem>>) target(%dma_start3A_853 : memref<128xf32, #tpu.memory_space<hbm>>) target_semaphore(%arg7 : memref<!tpu.dma_semaphore, #tpu.memory_space<semaphore_mem>>)
      %add3A_855 = arith.constant 768 : i32
      %add3A_856 = arith.addi %multiple_of3A_795, %add3A_855 : i32
      %add3A_857 = arith.constant 6144 : i32
      %add3A_858 = arith.addi %multiple_of3A_806, %add3A_857 : i32
      %dma_start3A_859 = tpu.memref_slice %arg6[%add3A_856] : memref<32768xf32, #tpu.memory_space<vmem>> -> memref<128xf32, #tpu.memory_space<vmem>>
      %dma_start3A_860 = tpu.memref_slice %arg3[%add3A_858] : memref<67108864xf32, #tpu.memory_space<hbm>> -> memref<128xf32, #tpu.memory_space<hbm>>
      %dma_start3A_861 = tpu.memref_slice %arg3[%add3A_858] : memref<67108864xf32, #tpu.memory_space<hbm>> -> memref<128xf32, #tpu.memory_space<hbm>>
      %dma_start3A_862 = tpu.memref_slice %arg6[%add3A_856] : memref<32768xf32, #tpu.memory_space<vmem>> -> memref<128xf32, #tpu.memory_space<vmem>>
      tpu.enqueue_dma source(%dma_start3A_862 : memref<128xf32, #tpu.memory_space<vmem>>) target(%dma_start3A_861 : memref<128xf32, #tpu.memory_space<hbm>>) target_semaphore(%arg7 : memref<!tpu.dma_semaphore, #tpu.memory_space<semaphore_mem>>)
      %add3A_863 = arith.constant 896 : i32
      %add3A_864 = arith.addi %multiple_of3A_795, %add3A_863 : i32
      %add3A_865 = arith.constant 7168 : i32
      %add3A_866 = arith.addi %multiple_of3A_806, %add3A_865 : i32
      %dma_start3A_867 = tpu.memref_slice %arg6[%add3A_864] : memref<32768xf32, #tpu.memory_space<vmem>> -> memref<128xf32, #tpu.memory_space<vmem>>
      %dma_start3A_868 = tpu.memref_slice %arg3[%add3A_866] : memref<67108864xf32, #tpu.memory_space<hbm>> -> memref<128xf32, #tpu.memory_space<hbm>>
      %dma_start3A_869 = tpu.memref_slice %arg3[%add3A_866] : memref<67108864xf32, #tpu.memory_space<hbm>> -> memref<128xf32, #tpu.memory_space<hbm>>
      %dma_start3A_870 = tpu.memref_slice %arg6[%add3A_864] : memref<32768xf32, #tpu.memory_space<vmem>> -> memref<128xf32, #tpu.memory_space<vmem>>
      tpu.enqueue_dma source(%dma_start3A_870 : memref<128xf32, #tpu.memory_space<vmem>>) target(%dma_start3A_869 : memref<128xf32, #tpu.memory_space<hbm>>) target_semaphore(%arg7 : memref<!tpu.dma_semaphore, #tpu.memory_space<semaphore_mem>>)
      %add3A_871 = arith.constant 1024 : i32
      %add3A_872 = arith.addi %multiple_of3A_795, %add3A_871 : i32
      %add3A_873 = arith.constant 8192 : i32
      %add3A_874 = arith.addi %multiple_of3A_806, %add3A_873 : i32
      %dma_start3A_875 = tpu.memref_slice %arg6[%add3A_872] : memref<32768xf32, #tpu.memory_space<vmem>> -> memref<128xf32, #tpu.memory_space<vmem>>
      %dma_start3A_876 = tpu.memref_slice %arg3[%add3A_874] : memref<67108864xf32, #tpu.memory_space<hbm>> -> memref<128xf32, #tpu.memory_space<hbm>>
      %dma_start3A_877 = tpu.memref_slice %arg3[%add3A_874] : memref<67108864xf32, #tpu.memory_space<hbm>> -> memref<128xf32, #tpu.memory_space<hbm>>
      %dma_start3A_878 = tpu.memref_slice %arg6[%add3A_872] : memref<32768xf32, #tpu.memory_space<vmem>> -> memref<128xf32, #tpu.memory_space<vmem>>
      tpu.enqueue_dma source(%dma_start3A_878 : memref<128xf32, #tpu.memory_space<vmem>>) target(%dma_start3A_877 : memref<128xf32, #tpu.memory_space<hbm>>) target_semaphore(%arg7 : memref<!tpu.dma_semaphore, #tpu.memory_space<semaphore_mem>>)
      %add3A_879 = arith.constant 1152 : i32
      %add3A_880 = arith.addi %multiple_of3A_795, %add3A_879 : i32
      %add3A_881 = arith.constant 9216 : i32
      %add3A_882 = arith.addi %multiple_of3A_806, %add3A_881 : i32
      %dma_start3A_883 = tpu.memref_slice %arg6[%add3A_880] : memref<32768xf32, #tpu.memory_space<vmem>> -> memref<128xf32, #tpu.memory_space<vmem>>
      %dma_start3A_884 = tpu.memref_slice %arg3[%add3A_882] : memref<67108864xf32, #tpu.memory_space<hbm>> -> memref<128xf32, #tpu.memory_space<hbm>>
      %dma_start3A_885 = tpu.memref_slice %arg3[%add3A_882] : memref<67108864xf32, #tpu.memory_space<hbm>> -> memref<128xf32, #tpu.memory_space<hbm>>
      %dma_start3A_886 = tpu.memref_slice %arg6[%add3A_880] : memref<32768xf32, #tpu.memory_space<vmem>> -> memref<128xf32, #tpu.memory_space<vmem>>
      tpu.enqueue_dma source(%dma_start3A_886 : memref<128xf32, #tpu.memory_space<vmem>>) target(%dma_start3A_885 : memref<128xf32, #tpu.memory_space<hbm>>) target_semaphore(%arg7 : memref<!tpu.dma_semaphore, #tpu.memory_space<semaphore_mem>>)
      %add3A_887 = arith.constant 1280 : i32
      %add3A_888 = arith.addi %multiple_of3A_795, %add3A_887 : i32
      %add3A_889 = arith.constant 10240 : i32
      %add3A_890 = arith.addi %multiple_of3A_806, %add3A_889 : i32
      %dma_start3A_891 = tpu.memref_slice %arg6[%add3A_888] : memref<32768xf32, #tpu.memory_space<vmem>> -> memref<128xf32, #tpu.memory_space<vmem>>
      %dma_start3A_892 = tpu.memref_slice %arg3[%add3A_890] : memref<67108864xf32, #tpu.memory_space<hbm>> -> memref<128xf32, #tpu.memory_space<hbm>>
      %dma_start3A_893 = tpu.memref_slice %arg3[%add3A_890] : memref<67108864xf32, #tpu.memory_space<hbm>> -> memref<128xf32, #tpu.memory_space<hbm>>
      %dma_start3A_894 = tpu.memref_slice %arg6[%add3A_888] : memref<32768xf32, #tpu.memory_space<vmem>> -> memref<128xf32, #tpu.memory_space<vmem>>
      tpu.enqueue_dma source(%dma_start3A_894 : memref<128xf32, #tpu.memory_space<vmem>>) target(%dma_start3A_893 : memref<128xf32, #tpu.memory_space<hbm>>) target_semaphore(%arg7 : memref<!tpu.dma_semaphore, #tpu.memory_space<semaphore_mem>>)
      %add3A_895 = arith.constant 1408 : i32
      %add3A_896 = arith.addi %multiple_of3A_795, %add3A_895 : i32
      %add3A_897 = arith.constant 11264 : i32
      %add3A_898 = arith.addi %multiple_of3A_806, %add3A_897 : i32
      %dma_start3A_899 = tpu.memref_slice %arg6[%add3A_896] : memref<32768xf32, #tpu.memory_space<vmem>> -> memref<128xf32, #tpu.memory_space<vmem>>
      %dma_start3A_900 = tpu.memref_slice %arg3[%add3A_898] : memref<67108864xf32, #tpu.memory_space<hbm>> -> memref<128xf32, #tpu.memory_space<hbm>>
      %dma_start3A_901 = tpu.memref_slice %arg3[%add3A_898] : memref<67108864xf32, #tpu.memory_space<hbm>> -> memref<128xf32, #tpu.memory_space<hbm>>
      %dma_start3A_902 = tpu.memref_slice %arg6[%add3A_896] : memref<32768xf32, #tpu.memory_space<vmem>> -> memref<128xf32, #tpu.memory_space<vmem>>
      tpu.enqueue_dma source(%dma_start3A_902 : memref<128xf32, #tpu.memory_space<vmem>>) target(%dma_start3A_901 : memref<128xf32, #tpu.memory_space<hbm>>) target_semaphore(%arg7 : memref<!tpu.dma_semaphore, #tpu.memory_space<semaphore_mem>>)
      %add3A_903 = arith.constant 1536 : i32
      %add3A_904 = arith.addi %multiple_of3A_795, %add3A_903 : i32
      %add3A_905 = arith.constant 12288 : i32
      %add3A_906 = arith.addi %multiple_of3A_806, %add3A_905 : i32
      %dma_start3A_907 = tpu.memref_slice %arg6[%add3A_904] : memref<32768xf32, #tpu.memory_space<vmem>> -> memref<128xf32, #tpu.memory_space<vmem>>
      %dma_start3A_908 = tpu.memref_slice %arg3[%add3A_906] : memref<67108864xf32, #tpu.memory_space<hbm>> -> memref<128xf32, #tpu.memory_space<hbm>>
      %dma_start3A_909 = tpu.memref_slice %arg3[%add3A_906] : memref<67108864xf32, #tpu.memory_space<hbm>> -> memref<128xf32, #tpu.memory_space<hbm>>
      %dma_start3A_910 = tpu.memref_slice %arg6[%add3A_904] : memref<32768xf32, #tpu.memory_space<vmem>> -> memref<128xf32, #tpu.memory_space<vmem>>
      tpu.enqueue_dma source(%dma_start3A_910 : memref<128xf32, #tpu.memory_space<vmem>>) target(%dma_start3A_909 : memref<128xf32, #tpu.memory_space<hbm>>) target_semaphore(%arg7 : memref<!tpu.dma_semaphore, #tpu.memory_space<semaphore_mem>>)
      %add3A_911 = arith.constant 1664 : i32
      %add3A_912 = arith.addi %multiple_of3A_795, %add3A_911 : i32
      %add3A_913 = arith.constant 13312 : i32
      %add3A_914 = arith.addi %multiple_of3A_806, %add3A_913 : i32
      %dma_start3A_915 = tpu.memref_slice %arg6[%add3A_912] : memref<32768xf32, #tpu.memory_space<vmem>> -> memref<128xf32, #tpu.memory_space<vmem>>
      %dma_start3A_916 = tpu.memref_slice %arg3[%add3A_914] : memref<67108864xf32, #tpu.memory_space<hbm>> -> memref<128xf32, #tpu.memory_space<hbm>>
      %dma_start3A_917 = tpu.memref_slice %arg3[%add3A_914] : memref<67108864xf32, #tpu.memory_space<hbm>> -> memref<128xf32, #tpu.memory_space<hbm>>
      %dma_start3A_918 = tpu.memref_slice %arg6[%add3A_912] : memref<32768xf32, #tpu.memory_space<vmem>> -> memref<128xf32, #tpu.memory_space<vmem>>
      tpu.enqueue_dma source(%dma_start3A_918 : memref<128xf32, #tpu.memory_space<vmem>>) target(%dma_start3A_917 : memref<128xf32, #tpu.memory_space<hbm>>) target_semaphore(%arg7 : memref<!tpu.dma_semaphore, #tpu.memory_space<semaphore_mem>>)
      %add3A_919 = arith.constant 1792 : i32
      %add3A_920 = arith.addi %multiple_of3A_795, %add3A_919 : i32
      %add3A_921 = arith.constant 14336 : i32
      %add3A_922 = arith.addi %multiple_of3A_806, %add3A_921 : i32
      %dma_start3A_923 = tpu.memref_slice %arg6[%add3A_920] : memref<32768xf32, #tpu.memory_space<vmem>> -> memref<128xf32, #tpu.memory_space<vmem>>
      %dma_start3A_924 = tpu.memref_slice %arg3[%add3A_922] : memref<67108864xf32, #tpu.memory_space<hbm>> -> memref<128xf32, #tpu.memory_space<hbm>>
      %dma_start3A_925 = tpu.memref_slice %arg3[%add3A_922] : memref<67108864xf32, #tpu.memory_space<hbm>> -> memref<128xf32, #tpu.memory_space<hbm>>
      %dma_start3A_926 = tpu.memref_slice %arg6[%add3A_920] : memref<32768xf32, #tpu.memory_space<vmem>> -> memref<128xf32, #tpu.memory_space<vmem>>
      tpu.enqueue_dma source(%dma_start3A_926 : memref<128xf32, #tpu.memory_space<vmem>>) target(%dma_start3A_925 : memref<128xf32, #tpu.memory_space<hbm>>) target_semaphore(%arg7 : memref<!tpu.dma_semaphore, #tpu.memory_space<semaphore_mem>>)
      %add3A_927 = arith.constant 1920 : i32
      %add3A_928 = arith.addi %multiple_of3A_795, %add3A_927 : i32
      %add3A_929 = arith.constant 15360 : i32
      %add3A_930 = arith.addi %multiple_of3A_806, %add3A_929 : i32
      %dma_start3A_931 = tpu.memref_slice %arg6[%add3A_928] : memref<32768xf32, #tpu.memory_space<vmem>> -> memref<128xf32, #tpu.memory_space<vmem>>
      %dma_start3A_932 = tpu.memref_slice %arg3[%add3A_930] : memref<67108864xf32, #tpu.memory_space<hbm>> -> memref<128xf32, #tpu.memory_space<hbm>>
      %dma_start3A_933 = tpu.memref_slice %arg3[%add3A_930] : memref<67108864xf32, #tpu.memory_space<hbm>> -> memref<128xf32, #tpu.memory_space<hbm>>
      %dma_start3A_934 = tpu.memref_slice %arg6[%add3A_928] : memref<32768xf32, #tpu.memory_space<vmem>> -> memref<128xf32, #tpu.memory_space<vmem>>
      tpu.enqueue_dma source(%dma_start3A_934 : memref<128xf32, #tpu.memory_space<vmem>>) target(%dma_start3A_933 : memref<128xf32, #tpu.memory_space<hbm>>) target_semaphore(%arg7 : memref<!tpu.dma_semaphore, #tpu.memory_space<semaphore_mem>>)
      %mul3A_935 = arith.constant 8 : i32
      %mul3A_936 = arith.muli %scan3A_171, %mul3A_935 : i32
      %add3A_937 = arith.addi %mul3A_0, %mul3A_936 : i32
      %add3A_938 = arith.constant 5 : i32
      %add3A_939 = arith.addi %add3A_937, %add3A_938 : i32
      %sub3A_940 = arith.constant 2047 : i32
      %sub3A_941 = arith.subi %sub3A_940, %add3A_939 : i32
      %and3A_942 = arith.constant 7 : i32
      %and3A_943 = arith.andi %sub3A_941, %and3A_942 : i32
      %sub3A_944 = arith.subi %sub3A_941, %and3A_943 : i32
      %mul3A_945 = arith.constant 4096 : i32
      %mul3A_946 = arith.muli %and3A_943, %mul3A_945 : i32
      %add3A_947 = arith.addi %mul3A_946, %sub3A_944 : i32
      %multiple_of3A_948 = tpu.assume_multiple %add3A_947, 8 : i32
      %shift_right_logical3A_949 = arith.constant 3 : i32
      %shift_right_logical3A_950 = arith.shrui %add3A_939, %shift_right_logical3A_949 : i32
      %and3A_951 = arith.constant 7 : i32
      %and3A_952 = arith.andi %add3A_939, %and3A_951 : i32
      %mul3A_953 = arith.constant 16384 : i32
      %mul3A_954 = arith.muli %shift_right_logical3A_950, %mul3A_953 : i32
      %add3A_955 = arith.addi %mul3A_150, %mul3A_954 : i32
      %mul3A_956 = arith.constant 128 : i32
      %mul3A_957 = arith.muli %and3A_952, %mul3A_956 : i32
      %add3A_958 = arith.addi %add3A_955, %mul3A_957 : i32
      %multiple_of3A_959 = tpu.assume_multiple %add3A_958, 8 : i32
      %add3A_960 = arith.constant 0 : i32
      %add3A_961 = arith.addi %multiple_of3A_948, %add3A_960 : i32
      %add3A_962 = arith.constant 0 : i32
      %add3A_963 = arith.addi %multiple_of3A_959, %add3A_962 : i32
      %dma_start3A_964 = tpu.memref_slice %arg6[%add3A_961] : memref<32768xf32, #tpu.memory_space<vmem>> -> memref<128xf32, #tpu.memory_space<vmem>>
      %dma_start3A_965 = tpu.memref_slice %arg3[%add3A_963] : memref<67108864xf32, #tpu.memory_space<hbm>> -> memref<128xf32, #tpu.memory_space<hbm>>
      %dma_start3A_966 = tpu.memref_slice %arg3[%add3A_963] : memref<67108864xf32, #tpu.memory_space<hbm>> -> memref<128xf32, #tpu.memory_space<hbm>>
      %dma_start3A_967 = tpu.memref_slice %arg6[%add3A_961] : memref<32768xf32, #tpu.memory_space<vmem>> -> memref<128xf32, #tpu.memory_space<vmem>>
      tpu.enqueue_dma source(%dma_start3A_967 : memref<128xf32, #tpu.memory_space<vmem>>) target(%dma_start3A_966 : memref<128xf32, #tpu.memory_space<hbm>>) target_semaphore(%arg7 : memref<!tpu.dma_semaphore, #tpu.memory_space<semaphore_mem>>)
      %add3A_968 = arith.constant 128 : i32
      %add3A_969 = arith.addi %multiple_of3A_948, %add3A_968 : i32
      %add3A_970 = arith.constant 1024 : i32
      %add3A_971 = arith.addi %multiple_of3A_959, %add3A_970 : i32
      %dma_start3A_972 = tpu.memref_slice %arg6[%add3A_969] : memref<32768xf32, #tpu.memory_space<vmem>> -> memref<128xf32, #tpu.memory_space<vmem>>
      %dma_start3A_973 = tpu.memref_slice %arg3[%add3A_971] : memref<67108864xf32, #tpu.memory_space<hbm>> -> memref<128xf32, #tpu.memory_space<hbm>>
      %dma_start3A_974 = tpu.memref_slice %arg3[%add3A_971] : memref<67108864xf32, #tpu.memory_space<hbm>> -> memref<128xf32, #tpu.memory_space<hbm>>
      %dma_start3A_975 = tpu.memref_slice %arg6[%add3A_969] : memref<32768xf32, #tpu.memory_space<vmem>> -> memref<128xf32, #tpu.memory_space<vmem>>
      tpu.enqueue_dma source(%dma_start3A_975 : memref<128xf32, #tpu.memory_space<vmem>>) target(%dma_start3A_974 : memref<128xf32, #tpu.memory_space<hbm>>) target_semaphore(%arg7 : memref<!tpu.dma_semaphore, #tpu.memory_space<semaphore_mem>>)
      %add3A_976 = arith.constant 256 : i32
      %add3A_977 = arith.addi %multiple_of3A_948, %add3A_976 : i32
      %add3A_978 = arith.constant 2048 : i32
      %add3A_979 = arith.addi %multiple_of3A_959, %add3A_978 : i32
      %dma_start3A_980 = tpu.memref_slice %arg6[%add3A_977] : memref<32768xf32, #tpu.memory_space<vmem>> -> memref<128xf32, #tpu.memory_space<vmem>>
      %dma_start3A_981 = tpu.memref_slice %arg3[%add3A_979] : memref<67108864xf32, #tpu.memory_space<hbm>> -> memref<128xf32, #tpu.memory_space<hbm>>
      %dma_start3A_982 = tpu.memref_slice %arg3[%add3A_979] : memref<67108864xf32, #tpu.memory_space<hbm>> -> memref<128xf32, #tpu.memory_space<hbm>>
      %dma_start3A_983 = tpu.memref_slice %arg6[%add3A_977] : memref<32768xf32, #tpu.memory_space<vmem>> -> memref<128xf32, #tpu.memory_space<vmem>>
      tpu.enqueue_dma source(%dma_start3A_983 : memref<128xf32, #tpu.memory_space<vmem>>) target(%dma_start3A_982 : memref<128xf32, #tpu.memory_space<hbm>>) target_semaphore(%arg7 : memref<!tpu.dma_semaphore, #tpu.memory_space<semaphore_mem>>)
      %add3A_984 = arith.constant 384 : i32
      %add3A_985 = arith.addi %multiple_of3A_948, %add3A_984 : i32
      %add3A_986 = arith.constant 3072 : i32
      %add3A_987 = arith.addi %multiple_of3A_959, %add3A_986 : i32
      %dma_start3A_988 = tpu.memref_slice %arg6[%add3A_985] : memref<32768xf32, #tpu.memory_space<vmem>> -> memref<128xf32, #tpu.memory_space<vmem>>
      %dma_start3A_989 = tpu.memref_slice %arg3[%add3A_987] : memref<67108864xf32, #tpu.memory_space<hbm>> -> memref<128xf32, #tpu.memory_space<hbm>>
      %dma_start3A_990 = tpu.memref_slice %arg3[%add3A_987] : memref<67108864xf32, #tpu.memory_space<hbm>> -> memref<128xf32, #tpu.memory_space<hbm>>
      %dma_start3A_991 = tpu.memref_slice %arg6[%add3A_985] : memref<32768xf32, #tpu.memory_space<vmem>> -> memref<128xf32, #tpu.memory_space<vmem>>
      tpu.enqueue_dma source(%dma_start3A_991 : memref<128xf32, #tpu.memory_space<vmem>>) target(%dma_start3A_990 : memref<128xf32, #tpu.memory_space<hbm>>) target_semaphore(%arg7 : memref<!tpu.dma_semaphore, #tpu.memory_space<semaphore_mem>>)
      %add3A_992 = arith.constant 512 : i32
      %add3A_993 = arith.addi %multiple_of3A_948, %add3A_992 : i32
      %add3A_994 = arith.constant 4096 : i32
      %add3A_995 = arith.addi %multiple_of3A_959, %add3A_994 : i32
      %dma_start3A_996 = tpu.memref_slice %arg6[%add3A_993] : memref<32768xf32, #tpu.memory_space<vmem>> -> memref<128xf32, #tpu.memory_space<vmem>>
      %dma_start3A_997 = tpu.memref_slice %arg3[%add3A_995] : memref<67108864xf32, #tpu.memory_space<hbm>> -> memref<128xf32, #tpu.memory_space<hbm>>
      %dma_start3A_998 = tpu.memref_slice %arg3[%add3A_995] : memref<67108864xf32, #tpu.memory_space<hbm>> -> memref<128xf32, #tpu.memory_space<hbm>>
      %dma_start3A_999 = tpu.memref_slice %arg6[%add3A_993] : memref<32768xf32, #tpu.memory_space<vmem>> -> memref<128xf32, #tpu.memory_space<vmem>>
      tpu.enqueue_dma source(%dma_start3A_999 : memref<128xf32, #tpu.memory_space<vmem>>) target(%dma_start3A_998 : memref<128xf32, #tpu.memory_space<hbm>>) target_semaphore(%arg7 : memref<!tpu.dma_semaphore, #tpu.memory_space<semaphore_mem>>)
      %add3A_1000 = arith.constant 640 : i32
      %add3A_1001 = arith.addi %multiple_of3A_948, %add3A_1000 : i32
      %add3A_1002 = arith.constant 5120 : i32
      %add3A_1003 = arith.addi %multiple_of3A_959, %add3A_1002 : i32
      %dma_start3A_1004 = tpu.memref_slice %arg6[%add3A_1001] : memref<32768xf32, #tpu.memory_space<vmem>> -> memref<128xf32, #tpu.memory_space<vmem>>
      %dma_start3A_1005 = tpu.memref_slice %arg3[%add3A_1003] : memref<67108864xf32, #tpu.memory_space<hbm>> -> memref<128xf32, #tpu.memory_space<hbm>>
      %dma_start3A_1006 = tpu.memref_slice %arg3[%add3A_1003] : memref<67108864xf32, #tpu.memory_space<hbm>> -> memref<128xf32, #tpu.memory_space<hbm>>
      %dma_start3A_1007 = tpu.memref_slice %arg6[%add3A_1001] : memref<32768xf32, #tpu.memory_space<vmem>> -> memref<128xf32, #tpu.memory_space<vmem>>
      tpu.enqueue_dma source(%dma_start3A_1007 : memref<128xf32, #tpu.memory_space<vmem>>) target(%dma_start3A_1006 : memref<128xf32, #tpu.memory_space<hbm>>) target_semaphore(%arg7 : memref<!tpu.dma_semaphore, #tpu.memory_space<semaphore_mem>>)
      %add3A_1008 = arith.constant 768 : i32
      %add3A_1009 = arith.addi %multiple_of3A_948, %add3A_1008 : i32
      %add3A_1010 = arith.constant 6144 : i32
      %add3A_1011 = arith.addi %multiple_of3A_959, %add3A_1010 : i32
      %dma_start3A_1012 = tpu.memref_slice %arg6[%add3A_1009] : memref<32768xf32, #tpu.memory_space<vmem>> -> memref<128xf32, #tpu.memory_space<vmem>>
      %dma_start3A_1013 = tpu.memref_slice %arg3[%add3A_1011] : memref<67108864xf32, #tpu.memory_space<hbm>> -> memref<128xf32, #tpu.memory_space<hbm>>
      %dma_start3A_1014 = tpu.memref_slice %arg3[%add3A_1011] : memref<67108864xf32, #tpu.memory_space<hbm>> -> memref<128xf32, #tpu.memory_space<hbm>>
      %dma_start3A_1015 = tpu.memref_slice %arg6[%add3A_1009] : memref<32768xf32, #tpu.memory_space<vmem>> -> memref<128xf32, #tpu.memory_space<vmem>>
      tpu.enqueue_dma source(%dma_start3A_1015 : memref<128xf32, #tpu.memory_space<vmem>>) target(%dma_start3A_1014 : memref<128xf32, #tpu.memory_space<hbm>>) target_semaphore(%arg7 : memref<!tpu.dma_semaphore, #tpu.memory_space<semaphore_mem>>)
      %add3A_1016 = arith.constant 896 : i32
      %add3A_1017 = arith.addi %multiple_of3A_948, %add3A_1016 : i32
      %add3A_1018 = arith.constant 7168 : i32
      %add3A_1019 = arith.addi %multiple_of3A_959, %add3A_1018 : i32
      %dma_start3A_1020 = tpu.memref_slice %arg6[%add3A_1017] : memref<32768xf32, #tpu.memory_space<vmem>> -> memref<128xf32, #tpu.memory_space<vmem>>
      %dma_start3A_1021 = tpu.memref_slice %arg3[%add3A_1019] : memref<67108864xf32, #tpu.memory_space<hbm>> -> memref<128xf32, #tpu.memory_space<hbm>>
      %dma_start3A_1022 = tpu.memref_slice %arg3[%add3A_1019] : memref<67108864xf32, #tpu.memory_space<hbm>> -> memref<128xf32, #tpu.memory_space<hbm>>
      %dma_start3A_1023 = tpu.memref_slice %arg6[%add3A_1017] : memref<32768xf32, #tpu.memory_space<vmem>> -> memref<128xf32, #tpu.memory_space<vmem>>
      tpu.enqueue_dma source(%dma_start3A_1023 : memref<128xf32, #tpu.memory_space<vmem>>) target(%dma_start3A_1022 : memref<128xf32, #tpu.memory_space<hbm>>) target_semaphore(%arg7 : memref<!tpu.dma_semaphore, #tpu.memory_space<semaphore_mem>>)
      %add3A_1024 = arith.constant 1024 : i32
      %add3A_1025 = arith.addi %multiple_of3A_948, %add3A_1024 : i32
      %add3A_1026 = arith.constant 8192 : i32
      %add3A_1027 = arith.addi %multiple_of3A_959, %add3A_1026 : i32
      %dma_start3A_1028 = tpu.memref_slice %arg6[%add3A_1025] : memref<32768xf32, #tpu.memory_space<vmem>> -> memref<128xf32, #tpu.memory_space<vmem>>
      %dma_start3A_1029 = tpu.memref_slice %arg3[%add3A_1027] : memref<67108864xf32, #tpu.memory_space<hbm>> -> memref<128xf32, #tpu.memory_space<hbm>>
      %dma_start3A_1030 = tpu.memref_slice %arg3[%add3A_1027] : memref<67108864xf32, #tpu.memory_space<hbm>> -> memref<128xf32, #tpu.memory_space<hbm>>
      %dma_start3A_1031 = tpu.memref_slice %arg6[%add3A_1025] : memref<32768xf32, #tpu.memory_space<vmem>> -> memref<128xf32, #tpu.memory_space<vmem>>
      tpu.enqueue_dma source(%dma_start3A_1031 : memref<128xf32, #tpu.memory_space<vmem>>) target(%dma_start3A_1030 : memref<128xf32, #tpu.memory_space<hbm>>) target_semaphore(%arg7 : memref<!tpu.dma_semaphore, #tpu.memory_space<semaphore_mem>>)
      %add3A_1032 = arith.constant 1152 : i32
      %add3A_1033 = arith.addi %multiple_of3A_948, %add3A_1032 : i32
      %add3A_1034 = arith.constant 9216 : i32
      %add3A_1035 = arith.addi %multiple_of3A_959, %add3A_1034 : i32
      %dma_start3A_1036 = tpu.memref_slice %arg6[%add3A_1033] : memref<32768xf32, #tpu.memory_space<vmem>> -> memref<128xf32, #tpu.memory_space<vmem>>
      %dma_start3A_1037 = tpu.memref_slice %arg3[%add3A_1035] : memref<67108864xf32, #tpu.memory_space<hbm>> -> memref<128xf32, #tpu.memory_space<hbm>>
      %dma_start3A_1038 = tpu.memref_slice %arg3[%add3A_1035] : memref<67108864xf32, #tpu.memory_space<hbm>> -> memref<128xf32, #tpu.memory_space<hbm>>
      %dma_start3A_1039 = tpu.memref_slice %arg6[%add3A_1033] : memref<32768xf32, #tpu.memory_space<vmem>> -> memref<128xf32, #tpu.memory_space<vmem>>
      tpu.enqueue_dma source(%dma_start3A_1039 : memref<128xf32, #tpu.memory_space<vmem>>) target(%dma_start3A_1038 : memref<128xf32, #tpu.memory_space<hbm>>) target_semaphore(%arg7 : memref<!tpu.dma_semaphore, #tpu.memory_space<semaphore_mem>>)
      %add3A_1040 = arith.constant 1280 : i32
      %add3A_1041 = arith.addi %multiple_of3A_948, %add3A_1040 : i32
      %add3A_1042 = arith.constant 10240 : i32
      %add3A_1043 = arith.addi %multiple_of3A_959, %add3A_1042 : i32
      %dma_start3A_1044 = tpu.memref_slice %arg6[%add3A_1041] : memref<32768xf32, #tpu.memory_space<vmem>> -> memref<128xf32, #tpu.memory_space<vmem>>
      %dma_start3A_1045 = tpu.memref_slice %arg3[%add3A_1043] : memref<67108864xf32, #tpu.memory_space<hbm>> -> memref<128xf32, #tpu.memory_space<hbm>>
      %dma_start3A_1046 = tpu.memref_slice %arg3[%add3A_1043] : memref<67108864xf32, #tpu.memory_space<hbm>> -> memref<128xf32, #tpu.memory_space<hbm>>
      %dma_start3A_1047 = tpu.memref_slice %arg6[%add3A_1041] : memref<32768xf32, #tpu.memory_space<vmem>> -> memref<128xf32, #tpu.memory_space<vmem>>
      tpu.enqueue_dma source(%dma_start3A_1047 : memref<128xf32, #tpu.memory_space<vmem>>) target(%dma_start3A_1046 : memref<128xf32, #tpu.memory_space<hbm>>) target_semaphore(%arg7 : memref<!tpu.dma_semaphore, #tpu.memory_space<semaphore_mem>>)
      %add3A_1048 = arith.constant 1408 : i32
      %add3A_1049 = arith.addi %multiple_of3A_948, %add3A_1048 : i32
      %add3A_1050 = arith.constant 11264 : i32
      %add3A_1051 = arith.addi %multiple_of3A_959, %add3A_1050 : i32
      %dma_start3A_1052 = tpu.memref_slice %arg6[%add3A_1049] : memref<32768xf32, #tpu.memory_space<vmem>> -> memref<128xf32, #tpu.memory_space<vmem>>
      %dma_start3A_1053 = tpu.memref_slice %arg3[%add3A_1051] : memref<67108864xf32, #tpu.memory_space<hbm>> -> memref<128xf32, #tpu.memory_space<hbm>>
      %dma_start3A_1054 = tpu.memref_slice %arg3[%add3A_1051] : memref<67108864xf32, #tpu.memory_space<hbm>> -> memref<128xf32, #tpu.memory_space<hbm>>
      %dma_start3A_1055 = tpu.memref_slice %arg6[%add3A_1049] : memref<32768xf32, #tpu.memory_space<vmem>> -> memref<128xf32, #tpu.memory_space<vmem>>
      tpu.enqueue_dma source(%dma_start3A_1055 : memref<128xf32, #tpu.memory_space<vmem>>) target(%dma_start3A_1054 : memref<128xf32, #tpu.memory_space<hbm>>) target_semaphore(%arg7 : memref<!tpu.dma_semaphore, #tpu.memory_space<semaphore_mem>>)
      %add3A_1056 = arith.constant 1536 : i32
      %add3A_1057 = arith.addi %multiple_of3A_948, %add3A_1056 : i32
      %add3A_1058 = arith.constant 12288 : i32
      %add3A_1059 = arith.addi %multiple_of3A_959, %add3A_1058 : i32
      %dma_start3A_1060 = tpu.memref_slice %arg6[%add3A_1057] : memref<32768xf32, #tpu.memory_space<vmem>> -> memref<128xf32, #tpu.memory_space<vmem>>
      %dma_start3A_1061 = tpu.memref_slice %arg3[%add3A_1059] : memref<67108864xf32, #tpu.memory_space<hbm>> -> memref<128xf32, #tpu.memory_space<hbm>>
      %dma_start3A_1062 = tpu.memref_slice %arg3[%add3A_1059] : memref<67108864xf32, #tpu.memory_space<hbm>> -> memref<128xf32, #tpu.memory_space<hbm>>
      %dma_start3A_1063 = tpu.memref_slice %arg6[%add3A_1057] : memref<32768xf32, #tpu.memory_space<vmem>> -> memref<128xf32, #tpu.memory_space<vmem>>
      tpu.enqueue_dma source(%dma_start3A_1063 : memref<128xf32, #tpu.memory_space<vmem>>) target(%dma_start3A_1062 : memref<128xf32, #tpu.memory_space<hbm>>) target_semaphore(%arg7 : memref<!tpu.dma_semaphore, #tpu.memory_space<semaphore_mem>>)
      %add3A_1064 = arith.constant 1664 : i32
      %add3A_1065 = arith.addi %multiple_of3A_948, %add3A_1064 : i32
      %add3A_1066 = arith.constant 13312 : i32
      %add3A_1067 = arith.addi %multiple_of3A_959, %add3A_1066 : i32
      %dma_start3A_1068 = tpu.memref_slice %arg6[%add3A_1065] : memref<32768xf32, #tpu.memory_space<vmem>> -> memref<128xf32, #tpu.memory_space<vmem>>
      %dma_start3A_1069 = tpu.memref_slice %arg3[%add3A_1067] : memref<67108864xf32, #tpu.memory_space<hbm>> -> memref<128xf32, #tpu.memory_space<hbm>>
      %dma_start3A_1070 = tpu.memref_slice %arg3[%add3A_1067] : memref<67108864xf32, #tpu.memory_space<hbm>> -> memref<128xf32, #tpu.memory_space<hbm>>
      %dma_start3A_1071 = tpu.memref_slice %arg6[%add3A_1065] : memref<32768xf32, #tpu.memory_space<vmem>> -> memref<128xf32, #tpu.memory_space<vmem>>
      tpu.enqueue_dma source(%dma_start3A_1071 : memref<128xf32, #tpu.memory_space<vmem>>) target(%dma_start3A_1070 : memref<128xf32, #tpu.memory_space<hbm>>) target_semaphore(%arg7 : memref<!tpu.dma_semaphore, #tpu.memory_space<semaphore_mem>>)
      %add3A_1072 = arith.constant 1792 : i32
      %add3A_1073 = arith.addi %multiple_of3A_948, %add3A_1072 : i32
      %add3A_1074 = arith.constant 14336 : i32
      %add3A_1075 = arith.addi %multiple_of3A_959, %add3A_1074 : i32
      %dma_start3A_1076 = tpu.memref_slice %arg6[%add3A_1073] : memref<32768xf32, #tpu.memory_space<vmem>> -> memref<128xf32, #tpu.memory_space<vmem>>
      %dma_start3A_1077 = tpu.memref_slice %arg3[%add3A_1075] : memref<67108864xf32, #tpu.memory_space<hbm>> -> memref<128xf32, #tpu.memory_space<hbm>>
      %dma_start3A_1078 = tpu.memref_slice %arg3[%add3A_1075] : memref<67108864xf32, #tpu.memory_space<hbm>> -> memref<128xf32, #tpu.memory_space<hbm>>
      %dma_start3A_1079 = tpu.memref_slice %arg6[%add3A_1073] : memref<32768xf32, #tpu.memory_space<vmem>> -> memref<128xf32, #tpu.memory_space<vmem>>
      tpu.enqueue_dma source(%dma_start3A_1079 : memref<128xf32, #tpu.memory_space<vmem>>) target(%dma_start3A_1078 : memref<128xf32, #tpu.memory_space<hbm>>) target_semaphore(%arg7 : memref<!tpu.dma_semaphore, #tpu.memory_space<semaphore_mem>>)
      %add3A_1080 = arith.constant 1920 : i32
      %add3A_1081 = arith.addi %multiple_of3A_948, %add3A_1080 : i32
      %add3A_1082 = arith.constant 15360 : i32
      %add3A_1083 = arith.addi %multiple_of3A_959, %add3A_1082 : i32
      %dma_start3A_1084 = tpu.memref_slice %arg6[%add3A_1081] : memref<32768xf32, #tpu.memory_space<vmem>> -> memref<128xf32, #tpu.memory_space<vmem>>
      %dma_start3A_1085 = tpu.memref_slice %arg3[%add3A_1083] : memref<67108864xf32, #tpu.memory_space<hbm>> -> memref<128xf32, #tpu.memory_space<hbm>>
      %dma_start3A_1086 = tpu.memref_slice %arg3[%add3A_1083] : memref<67108864xf32, #tpu.memory_space<hbm>> -> memref<128xf32, #tpu.memory_space<hbm>>
      %dma_start3A_1087 = tpu.memref_slice %arg6[%add3A_1081] : memref<32768xf32, #tpu.memory_space<vmem>> -> memref<128xf32, #tpu.memory_space<vmem>>
      tpu.enqueue_dma source(%dma_start3A_1087 : memref<128xf32, #tpu.memory_space<vmem>>) target(%dma_start3A_1086 : memref<128xf32, #tpu.memory_space<hbm>>) target_semaphore(%arg7 : memref<!tpu.dma_semaphore, #tpu.memory_space<semaphore_mem>>)
      %mul3A_1088 = arith.constant 8 : i32
      %mul3A_1089 = arith.muli %scan3A_171, %mul3A_1088 : i32
      %add3A_1090 = arith.addi %mul3A_0, %mul3A_1089 : i32
      %add3A_1091 = arith.constant 6 : i32
      %add3A_1092 = arith.addi %add3A_1090, %add3A_1091 : i32
      %sub3A_1093 = arith.constant 2047 : i32
      %sub3A_1094 = arith.subi %sub3A_1093, %add3A_1092 : i32
      %and3A_1095 = arith.constant 7 : i32
      %and3A_1096 = arith.andi %sub3A_1094, %and3A_1095 : i32
      %sub3A_1097 = arith.subi %sub3A_1094, %and3A_1096 : i32
      %mul3A_1098 = arith.constant 4096 : i32
      %mul3A_1099 = arith.muli %and3A_1096, %mul3A_1098 : i32
      %add3A_1100 = arith.addi %mul3A_1099, %sub3A_1097 : i32
      %multiple_of3A_1101 = tpu.assume_multiple %add3A_1100, 8 : i32
      %shift_right_logical3A_1102 = arith.constant 3 : i32
      %shift_right_logical3A_1103 = arith.shrui %add3A_1092, %shift_right_logical3A_1102 : i32
      %and3A_1104 = arith.constant 7 : i32
      %and3A_1105 = arith.andi %add3A_1092, %and3A_1104 : i32
      %mul3A_1106 = arith.constant 16384 : i32
      %mul3A_1107 = arith.muli %shift_right_logical3A_1103, %mul3A_1106 : i32
      %add3A_1108 = arith.addi %mul3A_150, %mul3A_1107 : i32
      %mul3A_1109 = arith.constant 128 : i32
      %mul3A_1110 = arith.muli %and3A_1105, %mul3A_1109 : i32
      %add3A_1111 = arith.addi %add3A_1108, %mul3A_1110 : i32
      %multiple_of3A_1112 = tpu.assume_multiple %add3A_1111, 8 : i32
      %add3A_1113 = arith.constant 0 : i32
      %add3A_1114 = arith.addi %multiple_of3A_1101, %add3A_1113 : i32
      %add3A_1115 = arith.constant 0 : i32
      %add3A_1116 = arith.addi %multiple_of3A_1112, %add3A_1115 : i32
      %dma_start3A_1117 = tpu.memref_slice %arg6[%add3A_1114] : memref<32768xf32, #tpu.memory_space<vmem>> -> memref<128xf32, #tpu.memory_space<vmem>>
      %dma_start3A_1118 = tpu.memref_slice %arg3[%add3A_1116] : memref<67108864xf32, #tpu.memory_space<hbm>> -> memref<128xf32, #tpu.memory_space<hbm>>
      %dma_start3A_1119 = tpu.memref_slice %arg3[%add3A_1116] : memref<67108864xf32, #tpu.memory_space<hbm>> -> memref<128xf32, #tpu.memory_space<hbm>>
      %dma_start3A_1120 = tpu.memref_slice %arg6[%add3A_1114] : memref<32768xf32, #tpu.memory_space<vmem>> -> memref<128xf32, #tpu.memory_space<vmem>>
      tpu.enqueue_dma source(%dma_start3A_1120 : memref<128xf32, #tpu.memory_space<vmem>>) target(%dma_start3A_1119 : memref<128xf32, #tpu.memory_space<hbm>>) target_semaphore(%arg7 : memref<!tpu.dma_semaphore, #tpu.memory_space<semaphore_mem>>)
      %add3A_1121 = arith.constant 128 : i32
      %add3A_1122 = arith.addi %multiple_of3A_1101, %add3A_1121 : i32
      %add3A_1123 = arith.constant 1024 : i32
      %add3A_1124 = arith.addi %multiple_of3A_1112, %add3A_1123 : i32
      %dma_start3A_1125 = tpu.memref_slice %arg6[%add3A_1122] : memref<32768xf32, #tpu.memory_space<vmem>> -> memref<128xf32, #tpu.memory_space<vmem>>
      %dma_start3A_1126 = tpu.memref_slice %arg3[%add3A_1124] : memref<67108864xf32, #tpu.memory_space<hbm>> -> memref<128xf32, #tpu.memory_space<hbm>>
      %dma_start3A_1127 = tpu.memref_slice %arg3[%add3A_1124] : memref<67108864xf32, #tpu.memory_space<hbm>> -> memref<128xf32, #tpu.memory_space<hbm>>
      %dma_start3A_1128 = tpu.memref_slice %arg6[%add3A_1122] : memref<32768xf32, #tpu.memory_space<vmem>> -> memref<128xf32, #tpu.memory_space<vmem>>
      tpu.enqueue_dma source(%dma_start3A_1128 : memref<128xf32, #tpu.memory_space<vmem>>) target(%dma_start3A_1127 : memref<128xf32, #tpu.memory_space<hbm>>) target_semaphore(%arg7 : memref<!tpu.dma_semaphore, #tpu.memory_space<semaphore_mem>>)
      %add3A_1129 = arith.constant 256 : i32
      %add3A_1130 = arith.addi %multiple_of3A_1101, %add3A_1129 : i32
      %add3A_1131 = arith.constant 2048 : i32
      %add3A_1132 = arith.addi %multiple_of3A_1112, %add3A_1131 : i32
      %dma_start3A_1133 = tpu.memref_slice %arg6[%add3A_1130] : memref<32768xf32, #tpu.memory_space<vmem>> -> memref<128xf32, #tpu.memory_space<vmem>>
      %dma_start3A_1134 = tpu.memref_slice %arg3[%add3A_1132] : memref<67108864xf32, #tpu.memory_space<hbm>> -> memref<128xf32, #tpu.memory_space<hbm>>
      %dma_start3A_1135 = tpu.memref_slice %arg3[%add3A_1132] : memref<67108864xf32, #tpu.memory_space<hbm>> -> memref<128xf32, #tpu.memory_space<hbm>>
      %dma_start3A_1136 = tpu.memref_slice %arg6[%add3A_1130] : memref<32768xf32, #tpu.memory_space<vmem>> -> memref<128xf32, #tpu.memory_space<vmem>>
      tpu.enqueue_dma source(%dma_start3A_1136 : memref<128xf32, #tpu.memory_space<vmem>>) target(%dma_start3A_1135 : memref<128xf32, #tpu.memory_space<hbm>>) target_semaphore(%arg7 : memref<!tpu.dma_semaphore, #tpu.memory_space<semaphore_mem>>)
      %add3A_1137 = arith.constant 384 : i32
      %add3A_1138 = arith.addi %multiple_of3A_1101, %add3A_1137 : i32
      %add3A_1139 = arith.constant 3072 : i32
      %add3A_1140 = arith.addi %multiple_of3A_1112, %add3A_1139 : i32
      %dma_start3A_1141 = tpu.memref_slice %arg6[%add3A_1138] : memref<32768xf32, #tpu.memory_space<vmem>> -> memref<128xf32, #tpu.memory_space<vmem>>
      %dma_start3A_1142 = tpu.memref_slice %arg3[%add3A_1140] : memref<67108864xf32, #tpu.memory_space<hbm>> -> memref<128xf32, #tpu.memory_space<hbm>>
      %dma_start3A_1143 = tpu.memref_slice %arg3[%add3A_1140] : memref<67108864xf32, #tpu.memory_space<hbm>> -> memref<128xf32, #tpu.memory_space<hbm>>
      %dma_start3A_1144 = tpu.memref_slice %arg6[%add3A_1138] : memref<32768xf32, #tpu.memory_space<vmem>> -> memref<128xf32, #tpu.memory_space<vmem>>
      tpu.enqueue_dma source(%dma_start3A_1144 : memref<128xf32, #tpu.memory_space<vmem>>) target(%dma_start3A_1143 : memref<128xf32, #tpu.memory_space<hbm>>) target_semaphore(%arg7 : memref<!tpu.dma_semaphore, #tpu.memory_space<semaphore_mem>>)
      %add3A_1145 = arith.constant 512 : i32
      %add3A_1146 = arith.addi %multiple_of3A_1101, %add3A_1145 : i32
      %add3A_1147 = arith.constant 4096 : i32
      %add3A_1148 = arith.addi %multiple_of3A_1112, %add3A_1147 : i32
      %dma_start3A_1149 = tpu.memref_slice %arg6[%add3A_1146] : memref<32768xf32, #tpu.memory_space<vmem>> -> memref<128xf32, #tpu.memory_space<vmem>>
      %dma_start3A_1150 = tpu.memref_slice %arg3[%add3A_1148] : memref<67108864xf32, #tpu.memory_space<hbm>> -> memref<128xf32, #tpu.memory_space<hbm>>
      %dma_start3A_1151 = tpu.memref_slice %arg3[%add3A_1148] : memref<67108864xf32, #tpu.memory_space<hbm>> -> memref<128xf32, #tpu.memory_space<hbm>>
      %dma_start3A_1152 = tpu.memref_slice %arg6[%add3A_1146] : memref<32768xf32, #tpu.memory_space<vmem>> -> memref<128xf32, #tpu.memory_space<vmem>>
      tpu.enqueue_dma source(%dma_start3A_1152 : memref<128xf32, #tpu.memory_space<vmem>>) target(%dma_start3A_1151 : memref<128xf32, #tpu.memory_space<hbm>>) target_semaphore(%arg7 : memref<!tpu.dma_semaphore, #tpu.memory_space<semaphore_mem>>)
      %add3A_1153 = arith.constant 640 : i32
      %add3A_1154 = arith.addi %multiple_of3A_1101, %add3A_1153 : i32
      %add3A_1155 = arith.constant 5120 : i32
      %add3A_1156 = arith.addi %multiple_of3A_1112, %add3A_1155 : i32
      %dma_start3A_1157 = tpu.memref_slice %arg6[%add3A_1154] : memref<32768xf32, #tpu.memory_space<vmem>> -> memref<128xf32, #tpu.memory_space<vmem>>
      %dma_start3A_1158 = tpu.memref_slice %arg3[%add3A_1156] : memref<67108864xf32, #tpu.memory_space<hbm>> -> memref<128xf32, #tpu.memory_space<hbm>>
      %dma_start3A_1159 = tpu.memref_slice %arg3[%add3A_1156] : memref<67108864xf32, #tpu.memory_space<hbm>> -> memref<128xf32, #tpu.memory_space<hbm>>
      %dma_start3A_1160 = tpu.memref_slice %arg6[%add3A_1154] : memref<32768xf32, #tpu.memory_space<vmem>> -> memref<128xf32, #tpu.memory_space<vmem>>
      tpu.enqueue_dma source(%dma_start3A_1160 : memref<128xf32, #tpu.memory_space<vmem>>) target(%dma_start3A_1159 : memref<128xf32, #tpu.memory_space<hbm>>) target_semaphore(%arg7 : memref<!tpu.dma_semaphore, #tpu.memory_space<semaphore_mem>>)
      %add3A_1161 = arith.constant 768 : i32
      %add3A_1162 = arith.addi %multiple_of3A_1101, %add3A_1161 : i32
      %add3A_1163 = arith.constant 6144 : i32
      %add3A_1164 = arith.addi %multiple_of3A_1112, %add3A_1163 : i32
      %dma_start3A_1165 = tpu.memref_slice %arg6[%add3A_1162] : memref<32768xf32, #tpu.memory_space<vmem>> -> memref<128xf32, #tpu.memory_space<vmem>>
      %dma_start3A_1166 = tpu.memref_slice %arg3[%add3A_1164] : memref<67108864xf32, #tpu.memory_space<hbm>> -> memref<128xf32, #tpu.memory_space<hbm>>
      %dma_start3A_1167 = tpu.memref_slice %arg3[%add3A_1164] : memref<67108864xf32, #tpu.memory_space<hbm>> -> memref<128xf32, #tpu.memory_space<hbm>>
      %dma_start3A_1168 = tpu.memref_slice %arg6[%add3A_1162] : memref<32768xf32, #tpu.memory_space<vmem>> -> memref<128xf32, #tpu.memory_space<vmem>>
      tpu.enqueue_dma source(%dma_start3A_1168 : memref<128xf32, #tpu.memory_space<vmem>>) target(%dma_start3A_1167 : memref<128xf32, #tpu.memory_space<hbm>>) target_semaphore(%arg7 : memref<!tpu.dma_semaphore, #tpu.memory_space<semaphore_mem>>)
      %add3A_1169 = arith.constant 896 : i32
      %add3A_1170 = arith.addi %multiple_of3A_1101, %add3A_1169 : i32
      %add3A_1171 = arith.constant 7168 : i32
      %add3A_1172 = arith.addi %multiple_of3A_1112, %add3A_1171 : i32
      %dma_start3A_1173 = tpu.memref_slice %arg6[%add3A_1170] : memref<32768xf32, #tpu.memory_space<vmem>> -> memref<128xf32, #tpu.memory_space<vmem>>
      %dma_start3A_1174 = tpu.memref_slice %arg3[%add3A_1172] : memref<67108864xf32, #tpu.memory_space<hbm>> -> memref<128xf32, #tpu.memory_space<hbm>>
      %dma_start3A_1175 = tpu.memref_slice %arg3[%add3A_1172] : memref<67108864xf32, #tpu.memory_space<hbm>> -> memref<128xf32, #tpu.memory_space<hbm>>
      %dma_start3A_1176 = tpu.memref_slice %arg6[%add3A_1170] : memref<32768xf32, #tpu.memory_space<vmem>> -> memref<128xf32, #tpu.memory_space<vmem>>
      tpu.enqueue_dma source(%dma_start3A_1176 : memref<128xf32, #tpu.memory_space<vmem>>) target(%dma_start3A_1175 : memref<128xf32, #tpu.memory_space<hbm>>) target_semaphore(%arg7 : memref<!tpu.dma_semaphore, #tpu.memory_space<semaphore_mem>>)
      %add3A_1177 = arith.constant 1024 : i32
      %add3A_1178 = arith.addi %multiple_of3A_1101, %add3A_1177 : i32
      %add3A_1179 = arith.constant 8192 : i32
      %add3A_1180 = arith.addi %multiple_of3A_1112, %add3A_1179 : i32
      %dma_start3A_1181 = tpu.memref_slice %arg6[%add3A_1178] : memref<32768xf32, #tpu.memory_space<vmem>> -> memref<128xf32, #tpu.memory_space<vmem>>
      %dma_start3A_1182 = tpu.memref_slice %arg3[%add3A_1180] : memref<67108864xf32, #tpu.memory_space<hbm>> -> memref<128xf32, #tpu.memory_space<hbm>>
      %dma_start3A_1183 = tpu.memref_slice %arg3[%add3A_1180] : memref<67108864xf32, #tpu.memory_space<hbm>> -> memref<128xf32, #tpu.memory_space<hbm>>
      %dma_start3A_1184 = tpu.memref_slice %arg6[%add3A_1178] : memref<32768xf32, #tpu.memory_space<vmem>> -> memref<128xf32, #tpu.memory_space<vmem>>
      tpu.enqueue_dma source(%dma_start3A_1184 : memref<128xf32, #tpu.memory_space<vmem>>) target(%dma_start3A_1183 : memref<128xf32, #tpu.memory_space<hbm>>) target_semaphore(%arg7 : memref<!tpu.dma_semaphore, #tpu.memory_space<semaphore_mem>>)
      %add3A_1185 = arith.constant 1152 : i32
      %add3A_1186 = arith.addi %multiple_of3A_1101, %add3A_1185 : i32
      %add3A_1187 = arith.constant 9216 : i32
      %add3A_1188 = arith.addi %multiple_of3A_1112, %add3A_1187 : i32
      %dma_start3A_1189 = tpu.memref_slice %arg6[%add3A_1186] : memref<32768xf32, #tpu.memory_space<vmem>> -> memref<128xf32, #tpu.memory_space<vmem>>
      %dma_start3A_1190 = tpu.memref_slice %arg3[%add3A_1188] : memref<67108864xf32, #tpu.memory_space<hbm>> -> memref<128xf32, #tpu.memory_space<hbm>>
      %dma_start3A_1191 = tpu.memref_slice %arg3[%add3A_1188] : memref<67108864xf32, #tpu.memory_space<hbm>> -> memref<128xf32, #tpu.memory_space<hbm>>
      %dma_start3A_1192 = tpu.memref_slice %arg6[%add3A_1186] : memref<32768xf32, #tpu.memory_space<vmem>> -> memref<128xf32, #tpu.memory_space<vmem>>
      tpu.enqueue_dma source(%dma_start3A_1192 : memref<128xf32, #tpu.memory_space<vmem>>) target(%dma_start3A_1191 : memref<128xf32, #tpu.memory_space<hbm>>) target_semaphore(%arg7 : memref<!tpu.dma_semaphore, #tpu.memory_space<semaphore_mem>>)
      %add3A_1193 = arith.constant 1280 : i32
      %add3A_1194 = arith.addi %multiple_of3A_1101, %add3A_1193 : i32
      %add3A_1195 = arith.constant 10240 : i32
      %add3A_1196 = arith.addi %multiple_of3A_1112, %add3A_1195 : i32
      %dma_start3A_1197 = tpu.memref_slice %arg6[%add3A_1194] : memref<32768xf32, #tpu.memory_space<vmem>> -> memref<128xf32, #tpu.memory_space<vmem>>
      %dma_start3A_1198 = tpu.memref_slice %arg3[%add3A_1196] : memref<67108864xf32, #tpu.memory_space<hbm>> -> memref<128xf32, #tpu.memory_space<hbm>>
      %dma_start3A_1199 = tpu.memref_slice %arg3[%add3A_1196] : memref<67108864xf32, #tpu.memory_space<hbm>> -> memref<128xf32, #tpu.memory_space<hbm>>
      %dma_start3A_1200 = tpu.memref_slice %arg6[%add3A_1194] : memref<32768xf32, #tpu.memory_space<vmem>> -> memref<128xf32, #tpu.memory_space<vmem>>
      tpu.enqueue_dma source(%dma_start3A_1200 : memref<128xf32, #tpu.memory_space<vmem>>) target(%dma_start3A_1199 : memref<128xf32, #tpu.memory_space<hbm>>) target_semaphore(%arg7 : memref<!tpu.dma_semaphore, #tpu.memory_space<semaphore_mem>>)
      %add3A_1201 = arith.constant 1408 : i32
      %add3A_1202 = arith.addi %multiple_of3A_1101, %add3A_1201 : i32
      %add3A_1203 = arith.constant 11264 : i32
      %add3A_1204 = arith.addi %multiple_of3A_1112, %add3A_1203 : i32
      %dma_start3A_1205 = tpu.memref_slice %arg6[%add3A_1202] : memref<32768xf32, #tpu.memory_space<vmem>> -> memref<128xf32, #tpu.memory_space<vmem>>
      %dma_start3A_1206 = tpu.memref_slice %arg3[%add3A_1204] : memref<67108864xf32, #tpu.memory_space<hbm>> -> memref<128xf32, #tpu.memory_space<hbm>>
      %dma_start3A_1207 = tpu.memref_slice %arg3[%add3A_1204] : memref<67108864xf32, #tpu.memory_space<hbm>> -> memref<128xf32, #tpu.memory_space<hbm>>
      %dma_start3A_1208 = tpu.memref_slice %arg6[%add3A_1202] : memref<32768xf32, #tpu.memory_space<vmem>> -> memref<128xf32, #tpu.memory_space<vmem>>
      tpu.enqueue_dma source(%dma_start3A_1208 : memref<128xf32, #tpu.memory_space<vmem>>) target(%dma_start3A_1207 : memref<128xf32, #tpu.memory_space<hbm>>) target_semaphore(%arg7 : memref<!tpu.dma_semaphore, #tpu.memory_space<semaphore_mem>>)
      %add3A_1209 = arith.constant 1536 : i32
      %add3A_1210 = arith.addi %multiple_of3A_1101, %add3A_1209 : i32
      %add3A_1211 = arith.constant 12288 : i32
      %add3A_1212 = arith.addi %multiple_of3A_1112, %add3A_1211 : i32
      %dma_start3A_1213 = tpu.memref_slice %arg6[%add3A_1210] : memref<32768xf32, #tpu.memory_space<vmem>> -> memref<128xf32, #tpu.memory_space<vmem>>
      %dma_start3A_1214 = tpu.memref_slice %arg3[%add3A_1212] : memref<67108864xf32, #tpu.memory_space<hbm>> -> memref<128xf32, #tpu.memory_space<hbm>>
      %dma_start3A_1215 = tpu.memref_slice %arg3[%add3A_1212] : memref<67108864xf32, #tpu.memory_space<hbm>> -> memref<128xf32, #tpu.memory_space<hbm>>
      %dma_start3A_1216 = tpu.memref_slice %arg6[%add3A_1210] : memref<32768xf32, #tpu.memory_space<vmem>> -> memref<128xf32, #tpu.memory_space<vmem>>
      tpu.enqueue_dma source(%dma_start3A_1216 : memref<128xf32, #tpu.memory_space<vmem>>) target(%dma_start3A_1215 : memref<128xf32, #tpu.memory_space<hbm>>) target_semaphore(%arg7 : memref<!tpu.dma_semaphore, #tpu.memory_space<semaphore_mem>>)
      %add3A_1217 = arith.constant 1664 : i32
      %add3A_1218 = arith.addi %multiple_of3A_1101, %add3A_1217 : i32
      %add3A_1219 = arith.constant 13312 : i32
      %add3A_1220 = arith.addi %multiple_of3A_1112, %add3A_1219 : i32
      %dma_start3A_1221 = tpu.memref_slice %arg6[%add3A_1218] : memref<32768xf32, #tpu.memory_space<vmem>> -> memref<128xf32, #tpu.memory_space<vmem>>
      %dma_start3A_1222 = tpu.memref_slice %arg3[%add3A_1220] : memref<67108864xf32, #tpu.memory_space<hbm>> -> memref<128xf32, #tpu.memory_space<hbm>>
      %dma_start3A_1223 = tpu.memref_slice %arg3[%add3A_1220] : memref<67108864xf32, #tpu.memory_space<hbm>> -> memref<128xf32, #tpu.memory_space<hbm>>
      %dma_start3A_1224 = tpu.memref_slice %arg6[%add3A_1218] : memref<32768xf32, #tpu.memory_space<vmem>> -> memref<128xf32, #tpu.memory_space<vmem>>
      tpu.enqueue_dma source(%dma_start3A_1224 : memref<128xf32, #tpu.memory_space<vmem>>) target(%dma_start3A_1223 : memref<128xf32, #tpu.memory_space<hbm>>) target_semaphore(%arg7 : memref<!tpu.dma_semaphore, #tpu.memory_space<semaphore_mem>>)
      %add3A_1225 = arith.constant 1792 : i32
      %add3A_1226 = arith.addi %multiple_of3A_1101, %add3A_1225 : i32
      %add3A_1227 = arith.constant 14336 : i32
      %add3A_1228 = arith.addi %multiple_of3A_1112, %add3A_1227 : i32
      %dma_start3A_1229 = tpu.memref_slice %arg6[%add3A_1226] : memref<32768xf32, #tpu.memory_space<vmem>> -> memref<128xf32, #tpu.memory_space<vmem>>
      %dma_start3A_1230 = tpu.memref_slice %arg3[%add3A_1228] : memref<67108864xf32, #tpu.memory_space<hbm>> -> memref<128xf32, #tpu.memory_space<hbm>>
      %dma_start3A_1231 = tpu.memref_slice %arg3[%add3A_1228] : memref<67108864xf32, #tpu.memory_space<hbm>> -> memref<128xf32, #tpu.memory_space<hbm>>
      %dma_start3A_1232 = tpu.memref_slice %arg6[%add3A_1226] : memref<32768xf32, #tpu.memory_space<vmem>> -> memref<128xf32, #tpu.memory_space<vmem>>
      tpu.enqueue_dma source(%dma_start3A_1232 : memref<128xf32, #tpu.memory_space<vmem>>) target(%dma_start3A_1231 : memref<128xf32, #tpu.memory_space<hbm>>) target_semaphore(%arg7 : memref<!tpu.dma_semaphore, #tpu.memory_space<semaphore_mem>>)
      %add3A_1233 = arith.constant 1920 : i32
      %add3A_1234 = arith.addi %multiple_of3A_1101, %add3A_1233 : i32
      %add3A_1235 = arith.constant 15360 : i32
      %add3A_1236 = arith.addi %multiple_of3A_1112, %add3A_1235 : i32
      %dma_start3A_1237 = tpu.memref_slice %arg6[%add3A_1234] : memref<32768xf32, #tpu.memory_space<vmem>> -> memref<128xf32, #tpu.memory_space<vmem>>
      %dma_start3A_1238 = tpu.memref_slice %arg3[%add3A_1236] : memref<67108864xf32, #tpu.memory_space<hbm>> -> memref<128xf32, #tpu.memory_space<hbm>>
      %dma_start3A_1239 = tpu.memref_slice %arg3[%add3A_1236] : memref<67108864xf32, #tpu.memory_space<hbm>> -> memref<128xf32, #tpu.memory_space<hbm>>
      %dma_start3A_1240 = tpu.memref_slice %arg6[%add3A_1234] : memref<32768xf32, #tpu.memory_space<vmem>> -> memref<128xf32, #tpu.memory_space<vmem>>
      tpu.enqueue_dma source(%dma_start3A_1240 : memref<128xf32, #tpu.memory_space<vmem>>) target(%dma_start3A_1239 : memref<128xf32, #tpu.memory_space<hbm>>) target_semaphore(%arg7 : memref<!tpu.dma_semaphore, #tpu.memory_space<semaphore_mem>>)
      %mul3A_1241 = arith.constant 8 : i32
      %mul3A_1242 = arith.muli %scan3A_171, %mul3A_1241 : i32
      %add3A_1243 = arith.addi %mul3A_0, %mul3A_1242 : i32
      %add3A_1244 = arith.constant 7 : i32
      %add3A_1245 = arith.addi %add3A_1243, %add3A_1244 : i32
      %sub3A_1246 = arith.constant 2047 : i32
      %sub3A_1247 = arith.subi %sub3A_1246, %add3A_1245 : i32
      %and3A_1248 = arith.constant 7 : i32
      %and3A_1249 = arith.andi %sub3A_1247, %and3A_1248 : i32
      %sub3A_1250 = arith.subi %sub3A_1247, %and3A_1249 : i32
      %mul3A_1251 = arith.constant 4096 : i32
      %mul3A_1252 = arith.muli %and3A_1249, %mul3A_1251 : i32
      %add3A_1253 = arith.addi %mul3A_1252, %sub3A_1250 : i32
      %multiple_of3A_1254 = tpu.assume_multiple %add3A_1253, 8 : i32
      %shift_right_logical3A_1255 = arith.constant 3 : i32
      %shift_right_logical3A_1256 = arith.shrui %add3A_1245, %shift_right_logical3A_1255 : i32
      %and3A_1257 = arith.constant 7 : i32
      %and3A_1258 = arith.andi %add3A_1245, %and3A_1257 : i32
      %mul3A_1259 = arith.constant 16384 : i32
      %mul3A_1260 = arith.muli %shift_right_logical3A_1256, %mul3A_1259 : i32
      %add3A_1261 = arith.addi %mul3A_150, %mul3A_1260 : i32
      %mul3A_1262 = arith.constant 128 : i32
      %mul3A_1263 = arith.muli %and3A_1258, %mul3A_1262 : i32
      %add3A_1264 = arith.addi %add3A_1261, %mul3A_1263 : i32
      %multiple_of3A_1265 = tpu.assume_multiple %add3A_1264, 8 : i32
      %add3A_1266 = arith.constant 0 : i32
      %add3A_1267 = arith.addi %multiple_of3A_1254, %add3A_1266 : i32
      %add3A_1268 = arith.constant 0 : i32
      %add3A_1269 = arith.addi %multiple_of3A_1265, %add3A_1268 : i32
      %dma_start3A_1270 = tpu.memref_slice %arg6[%add3A_1267] : memref<32768xf32, #tpu.memory_space<vmem>> -> memref<128xf32, #tpu.memory_space<vmem>>
      %dma_start3A_1271 = tpu.memref_slice %arg3[%add3A_1269] : memref<67108864xf32, #tpu.memory_space<hbm>> -> memref<128xf32, #tpu.memory_space<hbm>>
      %dma_start3A_1272 = tpu.memref_slice %arg3[%add3A_1269] : memref<67108864xf32, #tpu.memory_space<hbm>> -> memref<128xf32, #tpu.memory_space<hbm>>
      %dma_start3A_1273 = tpu.memref_slice %arg6[%add3A_1267] : memref<32768xf32, #tpu.memory_space<vmem>> -> memref<128xf32, #tpu.memory_space<vmem>>
      tpu.enqueue_dma source(%dma_start3A_1273 : memref<128xf32, #tpu.memory_space<vmem>>) target(%dma_start3A_1272 : memref<128xf32, #tpu.memory_space<hbm>>) target_semaphore(%arg7 : memref<!tpu.dma_semaphore, #tpu.memory_space<semaphore_mem>>)
      %add3A_1274 = arith.constant 128 : i32
      %add3A_1275 = arith.addi %multiple_of3A_1254, %add3A_1274 : i32
      %add3A_1276 = arith.constant 1024 : i32
      %add3A_1277 = arith.addi %multiple_of3A_1265, %add3A_1276 : i32
      %dma_start3A_1278 = tpu.memref_slice %arg6[%add3A_1275] : memref<32768xf32, #tpu.memory_space<vmem>> -> memref<128xf32, #tpu.memory_space<vmem>>
      %dma_start3A_1279 = tpu.memref_slice %arg3[%add3A_1277] : memref<67108864xf32, #tpu.memory_space<hbm>> -> memref<128xf32, #tpu.memory_space<hbm>>
      %dma_start3A_1280 = tpu.memref_slice %arg3[%add3A_1277] : memref<67108864xf32, #tpu.memory_space<hbm>> -> memref<128xf32, #tpu.memory_space<hbm>>
      %dma_start3A_1281 = tpu.memref_slice %arg6[%add3A_1275] : memref<32768xf32, #tpu.memory_space<vmem>> -> memref<128xf32, #tpu.memory_space<vmem>>
      tpu.enqueue_dma source(%dma_start3A_1281 : memref<128xf32, #tpu.memory_space<vmem>>) target(%dma_start3A_1280 : memref<128xf32, #tpu.memory_space<hbm>>) target_semaphore(%arg7 : memref<!tpu.dma_semaphore, #tpu.memory_space<semaphore_mem>>)
      %add3A_1282 = arith.constant 256 : i32
      %add3A_1283 = arith.addi %multiple_of3A_1254, %add3A_1282 : i32
      %add3A_1284 = arith.constant 2048 : i32
      %add3A_1285 = arith.addi %multiple_of3A_1265, %add3A_1284 : i32
      %dma_start3A_1286 = tpu.memref_slice %arg6[%add3A_1283] : memref<32768xf32, #tpu.memory_space<vmem>> -> memref<128xf32, #tpu.memory_space<vmem>>
      %dma_start3A_1287 = tpu.memref_slice %arg3[%add3A_1285] : memref<67108864xf32, #tpu.memory_space<hbm>> -> memref<128xf32, #tpu.memory_space<hbm>>
      %dma_start3A_1288 = tpu.memref_slice %arg3[%add3A_1285] : memref<67108864xf32, #tpu.memory_space<hbm>> -> memref<128xf32, #tpu.memory_space<hbm>>
      %dma_start3A_1289 = tpu.memref_slice %arg6[%add3A_1283] : memref<32768xf32, #tpu.memory_space<vmem>> -> memref<128xf32, #tpu.memory_space<vmem>>
      tpu.enqueue_dma source(%dma_start3A_1289 : memref<128xf32, #tpu.memory_space<vmem>>) target(%dma_start3A_1288 : memref<128xf32, #tpu.memory_space<hbm>>) target_semaphore(%arg7 : memref<!tpu.dma_semaphore, #tpu.memory_space<semaphore_mem>>)
      %add3A_1290 = arith.constant 384 : i32
      %add3A_1291 = arith.addi %multiple_of3A_1254, %add3A_1290 : i32
      %add3A_1292 = arith.constant 3072 : i32
      %add3A_1293 = arith.addi %multiple_of3A_1265, %add3A_1292 : i32
      %dma_start3A_1294 = tpu.memref_slice %arg6[%add3A_1291] : memref<32768xf32, #tpu.memory_space<vmem>> -> memref<128xf32, #tpu.memory_space<vmem>>
      %dma_start3A_1295 = tpu.memref_slice %arg3[%add3A_1293] : memref<67108864xf32, #tpu.memory_space<hbm>> -> memref<128xf32, #tpu.memory_space<hbm>>
      %dma_start3A_1296 = tpu.memref_slice %arg3[%add3A_1293] : memref<67108864xf32, #tpu.memory_space<hbm>> -> memref<128xf32, #tpu.memory_space<hbm>>
      %dma_start3A_1297 = tpu.memref_slice %arg6[%add3A_1291] : memref<32768xf32, #tpu.memory_space<vmem>> -> memref<128xf32, #tpu.memory_space<vmem>>
      tpu.enqueue_dma source(%dma_start3A_1297 : memref<128xf32, #tpu.memory_space<vmem>>) target(%dma_start3A_1296 : memref<128xf32, #tpu.memory_space<hbm>>) target_semaphore(%arg7 : memref<!tpu.dma_semaphore, #tpu.memory_space<semaphore_mem>>)
      %add3A_1298 = arith.constant 512 : i32
      %add3A_1299 = arith.addi %multiple_of3A_1254, %add3A_1298 : i32
      %add3A_1300 = arith.constant 4096 : i32
      %add3A_1301 = arith.addi %multiple_of3A_1265, %add3A_1300 : i32
      %dma_start3A_1302 = tpu.memref_slice %arg6[%add3A_1299] : memref<32768xf32, #tpu.memory_space<vmem>> -> memref<128xf32, #tpu.memory_space<vmem>>
      %dma_start3A_1303 = tpu.memref_slice %arg3[%add3A_1301] : memref<67108864xf32, #tpu.memory_space<hbm>> -> memref<128xf32, #tpu.memory_space<hbm>>
      %dma_start3A_1304 = tpu.memref_slice %arg3[%add3A_1301] : memref<67108864xf32, #tpu.memory_space<hbm>> -> memref<128xf32, #tpu.memory_space<hbm>>
      %dma_start3A_1305 = tpu.memref_slice %arg6[%add3A_1299] : memref<32768xf32, #tpu.memory_space<vmem>> -> memref<128xf32, #tpu.memory_space<vmem>>
      tpu.enqueue_dma source(%dma_start3A_1305 : memref<128xf32, #tpu.memory_space<vmem>>) target(%dma_start3A_1304 : memref<128xf32, #tpu.memory_space<hbm>>) target_semaphore(%arg7 : memref<!tpu.dma_semaphore, #tpu.memory_space<semaphore_mem>>)
      %add3A_1306 = arith.constant 640 : i32
      %add3A_1307 = arith.addi %multiple_of3A_1254, %add3A_1306 : i32
      %add3A_1308 = arith.constant 5120 : i32
      %add3A_1309 = arith.addi %multiple_of3A_1265, %add3A_1308 : i32
      %dma_start3A_1310 = tpu.memref_slice %arg6[%add3A_1307] : memref<32768xf32, #tpu.memory_space<vmem>> -> memref<128xf32, #tpu.memory_space<vmem>>
      %dma_start3A_1311 = tpu.memref_slice %arg3[%add3A_1309] : memref<67108864xf32, #tpu.memory_space<hbm>> -> memref<128xf32, #tpu.memory_space<hbm>>
      %dma_start3A_1312 = tpu.memref_slice %arg3[%add3A_1309] : memref<67108864xf32, #tpu.memory_space<hbm>> -> memref<128xf32, #tpu.memory_space<hbm>>
      %dma_start3A_1313 = tpu.memref_slice %arg6[%add3A_1307] : memref<32768xf32, #tpu.memory_space<vmem>> -> memref<128xf32, #tpu.memory_space<vmem>>
      tpu.enqueue_dma source(%dma_start3A_1313 : memref<128xf32, #tpu.memory_space<vmem>>) target(%dma_start3A_1312 : memref<128xf32, #tpu.memory_space<hbm>>) target_semaphore(%arg7 : memref<!tpu.dma_semaphore, #tpu.memory_space<semaphore_mem>>)
      %add3A_1314 = arith.constant 768 : i32
      %add3A_1315 = arith.addi %multiple_of3A_1254, %add3A_1314 : i32
      %add3A_1316 = arith.constant 6144 : i32
      %add3A_1317 = arith.addi %multiple_of3A_1265, %add3A_1316 : i32
      %dma_start3A_1318 = tpu.memref_slice %arg6[%add3A_1315] : memref<32768xf32, #tpu.memory_space<vmem>> -> memref<128xf32, #tpu.memory_space<vmem>>
      %dma_start3A_1319 = tpu.memref_slice %arg3[%add3A_1317] : memref<67108864xf32, #tpu.memory_space<hbm>> -> memref<128xf32, #tpu.memory_space<hbm>>
      %dma_start3A_1320 = tpu.memref_slice %arg3[%add3A_1317] : memref<67108864xf32, #tpu.memory_space<hbm>> -> memref<128xf32, #tpu.memory_space<hbm>>
      %dma_start3A_1321 = tpu.memref_slice %arg6[%add3A_1315] : memref<32768xf32, #tpu.memory_space<vmem>> -> memref<128xf32, #tpu.memory_space<vmem>>
      tpu.enqueue_dma source(%dma_start3A_1321 : memref<128xf32, #tpu.memory_space<vmem>>) target(%dma_start3A_1320 : memref<128xf32, #tpu.memory_space<hbm>>) target_semaphore(%arg7 : memref<!tpu.dma_semaphore, #tpu.memory_space<semaphore_mem>>)
      %add3A_1322 = arith.constant 896 : i32
      %add3A_1323 = arith.addi %multiple_of3A_1254, %add3A_1322 : i32
      %add3A_1324 = arith.constant 7168 : i32
      %add3A_1325 = arith.addi %multiple_of3A_1265, %add3A_1324 : i32
      %dma_start3A_1326 = tpu.memref_slice %arg6[%add3A_1323] : memref<32768xf32, #tpu.memory_space<vmem>> -> memref<128xf32, #tpu.memory_space<vmem>>
      %dma_start3A_1327 = tpu.memref_slice %arg3[%add3A_1325] : memref<67108864xf32, #tpu.memory_space<hbm>> -> memref<128xf32, #tpu.memory_space<hbm>>
      %dma_start3A_1328 = tpu.memref_slice %arg3[%add3A_1325] : memref<67108864xf32, #tpu.memory_space<hbm>> -> memref<128xf32, #tpu.memory_space<hbm>>
      %dma_start3A_1329 = tpu.memref_slice %arg6[%add3A_1323] : memref<32768xf32, #tpu.memory_space<vmem>> -> memref<128xf32, #tpu.memory_space<vmem>>
      tpu.enqueue_dma source(%dma_start3A_1329 : memref<128xf32, #tpu.memory_space<vmem>>) target(%dma_start3A_1328 : memref<128xf32, #tpu.memory_space<hbm>>) target_semaphore(%arg7 : memref<!tpu.dma_semaphore, #tpu.memory_space<semaphore_mem>>)
      %add3A_1330 = arith.constant 1024 : i32
      %add3A_1331 = arith.addi %multiple_of3A_1254, %add3A_1330 : i32
      %add3A_1332 = arith.constant 8192 : i32
      %add3A_1333 = arith.addi %multiple_of3A_1265, %add3A_1332 : i32
      %dma_start3A_1334 = tpu.memref_slice %arg6[%add3A_1331] : memref<32768xf32, #tpu.memory_space<vmem>> -> memref<128xf32, #tpu.memory_space<vmem>>
      %dma_start3A_1335 = tpu.memref_slice %arg3[%add3A_1333] : memref<67108864xf32, #tpu.memory_space<hbm>> -> memref<128xf32, #tpu.memory_space<hbm>>
      %dma_start3A_1336 = tpu.memref_slice %arg3[%add3A_1333] : memref<67108864xf32, #tpu.memory_space<hbm>> -> memref<128xf32, #tpu.memory_space<hbm>>
      %dma_start3A_1337 = tpu.memref_slice %arg6[%add3A_1331] : memref<32768xf32, #tpu.memory_space<vmem>> -> memref<128xf32, #tpu.memory_space<vmem>>
      tpu.enqueue_dma source(%dma_start3A_1337 : memref<128xf32, #tpu.memory_space<vmem>>) target(%dma_start3A_1336 : memref<128xf32, #tpu.memory_space<hbm>>) target_semaphore(%arg7 : memref<!tpu.dma_semaphore, #tpu.memory_space<semaphore_mem>>)
      %add3A_1338 = arith.constant 1152 : i32
      %add3A_1339 = arith.addi %multiple_of3A_1254, %add3A_1338 : i32
      %add3A_1340 = arith.constant 9216 : i32
      %add3A_1341 = arith.addi %multiple_of3A_1265, %add3A_1340 : i32
      %dma_start3A_1342 = tpu.memref_slice %arg6[%add3A_1339] : memref<32768xf32, #tpu.memory_space<vmem>> -> memref<128xf32, #tpu.memory_space<vmem>>
      %dma_start3A_1343 = tpu.memref_slice %arg3[%add3A_1341] : memref<67108864xf32, #tpu.memory_space<hbm>> -> memref<128xf32, #tpu.memory_space<hbm>>
      %dma_start3A_1344 = tpu.memref_slice %arg3[%add3A_1341] : memref<67108864xf32, #tpu.memory_space<hbm>> -> memref<128xf32, #tpu.memory_space<hbm>>
      %dma_start3A_1345 = tpu.memref_slice %arg6[%add3A_1339] : memref<32768xf32, #tpu.memory_space<vmem>> -> memref<128xf32, #tpu.memory_space<vmem>>
      tpu.enqueue_dma source(%dma_start3A_1345 : memref<128xf32, #tpu.memory_space<vmem>>) target(%dma_start3A_1344 : memref<128xf32, #tpu.memory_space<hbm>>) target_semaphore(%arg7 : memref<!tpu.dma_semaphore, #tpu.memory_space<semaphore_mem>>)
      %add3A_1346 = arith.constant 1280 : i32
      %add3A_1347 = arith.addi %multiple_of3A_1254, %add3A_1346 : i32
      %add3A_1348 = arith.constant 10240 : i32
      %add3A_1349 = arith.addi %multiple_of3A_1265, %add3A_1348 : i32
      %dma_start3A_1350 = tpu.memref_slice %arg6[%add3A_1347] : memref<32768xf32, #tpu.memory_space<vmem>> -> memref<128xf32, #tpu.memory_space<vmem>>
      %dma_start3A_1351 = tpu.memref_slice %arg3[%add3A_1349] : memref<67108864xf32, #tpu.memory_space<hbm>> -> memref<128xf32, #tpu.memory_space<hbm>>
      %dma_start3A_1352 = tpu.memref_slice %arg3[%add3A_1349] : memref<67108864xf32, #tpu.memory_space<hbm>> -> memref<128xf32, #tpu.memory_space<hbm>>
      %dma_start3A_1353 = tpu.memref_slice %arg6[%add3A_1347] : memref<32768xf32, #tpu.memory_space<vmem>> -> memref<128xf32, #tpu.memory_space<vmem>>
      tpu.enqueue_dma source(%dma_start3A_1353 : memref<128xf32, #tpu.memory_space<vmem>>) target(%dma_start3A_1352 : memref<128xf32, #tpu.memory_space<hbm>>) target_semaphore(%arg7 : memref<!tpu.dma_semaphore, #tpu.memory_space<semaphore_mem>>)
      %add3A_1354 = arith.constant 1408 : i32
      %add3A_1355 = arith.addi %multiple_of3A_1254, %add3A_1354 : i32
      %add3A_1356 = arith.constant 11264 : i32
      %add3A_1357 = arith.addi %multiple_of3A_1265, %add3A_1356 : i32
      %dma_start3A_1358 = tpu.memref_slice %arg6[%add3A_1355] : memref<32768xf32, #tpu.memory_space<vmem>> -> memref<128xf32, #tpu.memory_space<vmem>>
      %dma_start3A_1359 = tpu.memref_slice %arg3[%add3A_1357] : memref<67108864xf32, #tpu.memory_space<hbm>> -> memref<128xf32, #tpu.memory_space<hbm>>
      %dma_start3A_1360 = tpu.memref_slice %arg3[%add3A_1357] : memref<67108864xf32, #tpu.memory_space<hbm>> -> memref<128xf32, #tpu.memory_space<hbm>>
      %dma_start3A_1361 = tpu.memref_slice %arg6[%add3A_1355] : memref<32768xf32, #tpu.memory_space<vmem>> -> memref<128xf32, #tpu.memory_space<vmem>>
      tpu.enqueue_dma source(%dma_start3A_1361 : memref<128xf32, #tpu.memory_space<vmem>>) target(%dma_start3A_1360 : memref<128xf32, #tpu.memory_space<hbm>>) target_semaphore(%arg7 : memref<!tpu.dma_semaphore, #tpu.memory_space<semaphore_mem>>)
      %add3A_1362 = arith.constant 1536 : i32
      %add3A_1363 = arith.addi %multiple_of3A_1254, %add3A_1362 : i32
      %add3A_1364 = arith.constant 12288 : i32
      %add3A_1365 = arith.addi %multiple_of3A_1265, %add3A_1364 : i32
      %dma_start3A_1366 = tpu.memref_slice %arg6[%add3A_1363] : memref<32768xf32, #tpu.memory_space<vmem>> -> memref<128xf32, #tpu.memory_space<vmem>>
      %dma_start3A_1367 = tpu.memref_slice %arg3[%add3A_1365] : memref<67108864xf32, #tpu.memory_space<hbm>> -> memref<128xf32, #tpu.memory_space<hbm>>
      %dma_start3A_1368 = tpu.memref_slice %arg3[%add3A_1365] : memref<67108864xf32, #tpu.memory_space<hbm>> -> memref<128xf32, #tpu.memory_space<hbm>>
      %dma_start3A_1369 = tpu.memref_slice %arg6[%add3A_1363] : memref<32768xf32, #tpu.memory_space<vmem>> -> memref<128xf32, #tpu.memory_space<vmem>>
      tpu.enqueue_dma source(%dma_start3A_1369 : memref<128xf32, #tpu.memory_space<vmem>>) target(%dma_start3A_1368 : memref<128xf32, #tpu.memory_space<hbm>>) target_semaphore(%arg7 : memref<!tpu.dma_semaphore, #tpu.memory_space<semaphore_mem>>)
      %add3A_1370 = arith.constant 1664 : i32
      %add3A_1371 = arith.addi %multiple_of3A_1254, %add3A_1370 : i32
      %add3A_1372 = arith.constant 13312 : i32
      %add3A_1373 = arith.addi %multiple_of3A_1265, %add3A_1372 : i32
      %dma_start3A_1374 = tpu.memref_slice %arg6[%add3A_1371] : memref<32768xf32, #tpu.memory_space<vmem>> -> memref<128xf32, #tpu.memory_space<vmem>>
      %dma_start3A_1375 = tpu.memref_slice %arg3[%add3A_1373] : memref<67108864xf32, #tpu.memory_space<hbm>> -> memref<128xf32, #tpu.memory_space<hbm>>
      %dma_start3A_1376 = tpu.memref_slice %arg3[%add3A_1373] : memref<67108864xf32, #tpu.memory_space<hbm>> -> memref<128xf32, #tpu.memory_space<hbm>>
      %dma_start3A_1377 = tpu.memref_slice %arg6[%add3A_1371] : memref<32768xf32, #tpu.memory_space<vmem>> -> memref<128xf32, #tpu.memory_space<vmem>>
      tpu.enqueue_dma source(%dma_start3A_1377 : memref<128xf32, #tpu.memory_space<vmem>>) target(%dma_start3A_1376 : memref<128xf32, #tpu.memory_space<hbm>>) target_semaphore(%arg7 : memref<!tpu.dma_semaphore, #tpu.memory_space<semaphore_mem>>)
      %add3A_1378 = arith.constant 1792 : i32
      %add3A_1379 = arith.addi %multiple_of3A_1254, %add3A_1378 : i32
      %add3A_1380 = arith.constant 14336 : i32
      %add3A_1381 = arith.addi %multiple_of3A_1265, %add3A_1380 : i32
      %dma_start3A_1382 = tpu.memref_slice %arg6[%add3A_1379] : memref<32768xf32, #tpu.memory_space<vmem>> -> memref<128xf32, #tpu.memory_space<vmem>>
      %dma_start3A_1383 = tpu.memref_slice %arg3[%add3A_1381] : memref<67108864xf32, #tpu.memory_space<hbm>> -> memref<128xf32, #tpu.memory_space<hbm>>
      %dma_start3A_1384 = tpu.memref_slice %arg3[%add3A_1381] : memref<67108864xf32, #tpu.memory_space<hbm>> -> memref<128xf32, #tpu.memory_space<hbm>>
      %dma_start3A_1385 = tpu.memref_slice %arg6[%add3A_1379] : memref<32768xf32, #tpu.memory_space<vmem>> -> memref<128xf32, #tpu.memory_space<vmem>>
      tpu.enqueue_dma source(%dma_start3A_1385 : memref<128xf32, #tpu.memory_space<vmem>>) target(%dma_start3A_1384 : memref<128xf32, #tpu.memory_space<hbm>>) target_semaphore(%arg7 : memref<!tpu.dma_semaphore, #tpu.memory_space<semaphore_mem>>)
      %add3A_1386 = arith.constant 1920 : i32
      %add3A_1387 = arith.addi %multiple_of3A_1254, %add3A_1386 : i32
      %add3A_1388 = arith.constant 15360 : i32
      %add3A_1389 = arith.addi %multiple_of3A_1265, %add3A_1388 : i32
      %dma_start3A_1390 = tpu.memref_slice %arg6[%add3A_1387] : memref<32768xf32, #tpu.memory_space<vmem>> -> memref<128xf32, #tpu.memory_space<vmem>>
      %dma_start3A_1391 = tpu.memref_slice %arg3[%add3A_1389] : memref<67108864xf32, #tpu.memory_space<hbm>> -> memref<128xf32, #tpu.memory_space<hbm>>
      %dma_start3A_1392 = tpu.memref_slice %arg3[%add3A_1389] : memref<67108864xf32, #tpu.memory_space<hbm>> -> memref<128xf32, #tpu.memory_space<hbm>>
      %dma_start3A_1393 = tpu.memref_slice %arg6[%add3A_1387] : memref<32768xf32, #tpu.memory_space<vmem>> -> memref<128xf32, #tpu.memory_space<vmem>>
      tpu.enqueue_dma source(%dma_start3A_1393 : memref<128xf32, #tpu.memory_space<vmem>>) target(%dma_start3A_1392 : memref<128xf32, #tpu.memory_space<hbm>>) target_semaphore(%arg7 : memref<!tpu.dma_semaphore, #tpu.memory_space<semaphore_mem>>)
      %gt3A_1394 = arith.constant 1 : i32
      %gt3A_1395 = arith.cmpi sgt, %scan3A_171, %gt3A_1394 : i32
      %convert_element_type3A = arith.extui %gt3A_1395 : i1 to i32
      %cond3A = arith.constant 0 : i32
      %cond3A_1396 = arith.cmpi ne, %convert_element_type3A, %cond3A : i32
      scf.if %cond3A_1396 {
        %dma_wait3A_1397 = arith.constant 0 : i32
        %dma_wait3A_1398 = tpu.memref_slice %arg6[%dma_wait3A_1397] : memref<32768xf32, #tpu.memory_space<vmem>> -> memref<16384xf32, #tpu.memory_space<vmem>>
        %dma_wait3A_1399 = arith.constant 0 : i32
        %dma_wait3A_1400 = tpu.memref_slice %arg3[%dma_wait3A_1399] : memref<67108864xf32, #tpu.memory_space<hbm>> -> memref<16384xf32, #tpu.memory_space<hbm>>
        %dma_wait3A_1401 = arith.constant 0 : i32
        %dma_wait3A_1402 = tpu.memref_slice %arg6[%dma_wait3A_1401] : memref<32768xf32, #tpu.memory_space<vmem>> -> memref<16384xf32, #tpu.memory_space<vmem>>
        %dma_wait3A_1403 = arith.constant 0 : i32
        %dma_wait3A_1404 = tpu.memref_slice %arg3[%dma_wait3A_1403] : memref<67108864xf32, #tpu.memory_space<hbm>> -> memref<16384xf32, #tpu.memory_space<hbm>>
        tpu.wait_dma2 semaphore(%arg7 : memref<!tpu.dma_semaphore, #tpu.memory_space<semaphore_mem>>) src(%dma_wait3A_1404 : memref<16384xf32, #tpu.memory_space<hbm>>) dst(%dma_wait3A_1402 : memref<16384xf32, #tpu.memory_space<vmem>>)
      } else {
      }
    }
    %scan3A_155 = arith.constant 128 : i32
    %dma_wait3A = arith.constant 0 : i32
    %dma_wait3A_156 = tpu.memref_slice %arg6[%dma_wait3A] : memref<32768xf32, #tpu.memory_space<vmem>> -> memref<16384xf32, #tpu.memory_space<vmem>>
    %dma_wait3A_157 = arith.constant 0 : i32
    %dma_wait3A_158 = tpu.memref_slice %arg3[%dma_wait3A_157] : memref<67108864xf32, #tpu.memory_space<hbm>> -> memref<16384xf32, #tpu.memory_space<hbm>>
    %dma_wait3A_159 = arith.constant 0 : i32
    %dma_wait3A_160 = tpu.memref_slice %arg6[%dma_wait3A_159] : memref<32768xf32, #tpu.memory_space<vmem>> -> memref<16384xf32, #tpu.memory_space<vmem>>
    %dma_wait3A_161 = arith.constant 0 : i32
    %dma_wait3A_162 = tpu.memref_slice %arg3[%dma_wait3A_161] : memref<67108864xf32, #tpu.memory_space<hbm>> -> memref<16384xf32, #tpu.memory_space<hbm>>
    tpu.wait_dma2 semaphore(%arg7 : memref<!tpu.dma_semaphore, #tpu.memory_space<semaphore_mem>>) src(%dma_wait3A_162 : memref<16384xf32, #tpu.memory_space<hbm>>) dst(%dma_wait3A_160 : memref<16384xf32, #tpu.memory_space<vmem>>)
    %dma_wait3A_163 = arith.constant 0 : i32
    %dma_wait3A_164 = tpu.memref_slice %arg6[%dma_wait3A_163] : memref<32768xf32, #tpu.memory_space<vmem>> -> memref<16384xf32, #tpu.memory_space<vmem>>
    %dma_wait3A_165 = arith.constant 0 : i32
    %dma_wait3A_166 = tpu.memref_slice %arg3[%dma_wait3A_165] : memref<67108864xf32, #tpu.memory_space<hbm>> -> memref<16384xf32, #tpu.memory_space<hbm>>
    %dma_wait3A_167 = arith.constant 0 : i32
    %dma_wait3A_168 = tpu.memref_slice %arg6[%dma_wait3A_167] : memref<32768xf32, #tpu.memory_space<vmem>> -> memref<16384xf32, #tpu.memory_space<vmem>>
    %dma_wait3A_169 = arith.constant 0 : i32
    %dma_wait3A_170 = tpu.memref_slice %arg3[%dma_wait3A_169] : memref<67108864xf32, #tpu.memory_space<hbm>> -> memref<16384xf32, #tpu.memory_space<hbm>>
    tpu.wait_dma2 semaphore(%arg7 : memref<!tpu.dma_semaphore, #tpu.memory_space<semaphore_mem>>) src(%dma_wait3A_170 : memref<16384xf32, #tpu.memory_space<hbm>>) dst(%dma_wait3A_168 : memref<16384xf32, #tpu.memory_space<vmem>>)
    return
  }
}

</mosaic_0001>

<sc_bundles>
// kernel: _rpb.3.cloned.1.call-start
scs
__scs_entry_jumppad:
0x0: {  	(pc) =	sbr.rel $0x88, $3  }
0x1: {  	(tag) =	ssettag $0x0;
	lr =	simm.s32 $0x1  }
0x2: {  	[smem:$0x3FA0] =	sst lr;
	_ =	strace $0xD0000000  }
0x3: {  	_ = 	snop  }
0x4: {  	_ = 	snop  }
0x5: {  	_ = 	snop  }
0x6: {  	_ = 	snop  }
0x7: {  	_ = 	snop  }
__scs_overlays_trampoline_lowered:
0x8: {  	[smem:$0x3FAF] =	sst s0  }
0x9: {  	[smem:$0x3FB0] =	sst s1  }
0xa: {  	[smem:$0x3FB1] =	sst s2  }
0xb: {  	[smem:$0x3FB2] =	sst s3  }
0xc: {  	[smem:$0x3FB3] =	sst s4  }
0xd: {  	[smem:$0x3FB4] =	sst s5  }
0xe: {  	[smem:$0x3FB5] =	sst s6  }
0xf: {  	[smem:$0x3FB6] =	sst s7  }
0x10: {  	[smem:$0x3FB7] =	sst s8  }
0x11: {  	[smem:$0x3FB8] =	sst s9;
	s0 =	simm.s32 @!p0 $0x0  }
0x12: {  	s1 =	sld [smem:$0x3F9E];
	s0 =	simm.s32 @p0 $0x1  }
0x13: {  	[smem:$0x3FB9] =	sst s0;
	s0 =	simm.s32 @!p1 $0x0  }
0x14: {  	s2 =	sld [smem:$0x3F9D];
	s0 =	simm.s32 @p1 $0x1  }
0x15: {  	[smem:$0x3FBA] =	sst s0;
	s0 =	simm.s32 @!p2 $0x0  }
0x16: {  	s3 =	sld [smem:$0x3FDB];
	s0 =	simm.s32 @p2 $0x1  }
0x17: {  	s4 =	simm.s32 $0x1BF5;
	[smem:$0x3FBC] =	sst s0  }
0x18: {  	s0 =	sld [smem:$0x3F9F];
	_ =	swait.ge [sflag:s4], $0x0  }
0x19: {  	s7 =	sld [smem:$0x3FA0]  }
0x1a: {  	s8 =	sadd.s32 $0xFFFFE003, lr  }
0x1b: {  	s9 =	sadd.s32 $0xFFFFFEF7, lr;
	s5 =	simm.s32 $0xFFFFFFFF;
	p2 =	slt.u32 s8, $0xFFFFF086  }
0x1c: {  	p1 =	slt.u32 s9, $0xF7A;
	s5 =	simm.s32 @!p2 $0x0  }
0x1d: {  	s5 =	simm.s32 @p1 $0x1;
	p0 =	seq.s32 s7, s2  }
0x1e: {  	s7 =	smul.u32 @!p0 $0xF7A, s2;
	p2 =	seq.s32 @!p0 s5, $0x0  }
0x1f: {  	s9 =	smul.u32 $0xF7A, s1;
	s8 =	simm.s32 @!p0 $0x1BF5;
	p2 =	por !p2, p0  }
0x20: {  	[sflag:s8] =	ssyncset.s32 @!p0 $0xFFFFF086;
	s6 =	sadd.s32 @!p0 s3, s7;
	s7 =	simm.s32 @!p0 $0x108  }
0x21: {  	s3 =	sadd.s32 s3, s9;
	s6 =	sadd.s32 @!p0 $0x88, s6;
	s7 =	simm.s32 @p2 $0x1082  }
0x22: {  	[simem:s7], [sflag:s8] =	dma.local @!p0 [hbm:s6], $0xF7A  }
0x23: {  	s9 =	sor.u32 $0xD0000000, s2;
	s6 =	simm.s32 $0x108;
	_ =	swait.ge @!p0 [sflag:s8], $0x0  }
0x24: {  	s3 =	sadd.s32 $0x88, s3;
	s6 =	simm.s32 @!p1 $0x1082;
	[sflag:s4] =	ssyncset.s32 $0xFFFFF086  }
0x25: {  	[simem:s6], [sflag:s4] =	dma.local [hbm:s3], $0xF7A  }
0x26: {  	[smem:$0x3FA0] =	sst s1;
	(tag) =	ssettag s2;
	_ =	strace s9  }
0x27: {  	s1 =	sld [smem:$0x3FB0]  }
0x28: {  	s2 =	sld [smem:$0x3FB1]  }
0x29: {  	s4 =	sld [smem:$0x3FB3]  }
0x2a: {  	p0 =	seq.s32 s5, $0x0;
	s5 =	sld [smem:$0x3FB4]  }
0x2b: {  	s6 =	sld [smem:$0x3FB5]  }
0x2c: {  	s7 =	sld [smem:$0x3FB6]  }
0x2d: {  	s3 =	simm.s32 $0x108;
	s8 =	sld [smem:$0x3FB7]  }
0x2e: {  	s3 =	simm.s32 @!p0 $0x1082;
	s9 =	sld [smem:$0x3FB8]  }
0x2f: {  	lr =	sadd.s32 s0, s3;
	s0 =	sld [smem:$0x3FAF]  }
0x30: {  	s3 =	sld [smem:$0x3FB2]  }
0x31: {  	[smem:$0x3FBB] =	sst s10  }
0x32: {  	s10 =	sld [smem:$0x3FB9];
	_ =	sdelay $0x3  }
0x33: {  	p0 =	seq.s32 s10, $0x1;
	s10 =	sld [smem:$0x3FBB];
	_ =	sdelay $0x3  }
0x34: {  	[smem:$0x3FBB] =	sst s10  }
0x35: {  	s10 =	sld [smem:$0x3FBA];
	_ =	sdelay $0x3  }
0x36: {  	p1 =	seq.s32 s10, $0x1;
	s10 =	sld [smem:$0x3FBB];
	_ =	sdelay $0x3  }
0x37: {  	[smem:$0x3FBB] =	sst s10  }
0x38: {  	s10 =	sld [smem:$0x3FBC]  }
0x39: {  	_ = 	snop;
	(pc) =	sbr.ind lr, $3  }
0x3a: {  	_ = 	snop  }
0x3b: {  	_ = 	snop  }
0x3c: {  	p2 =	seq.s32 s10, $0x1;
	s10 =	sld [smem:$0x3FBB]  }
0x3d: {  	_ =	shalt  }
0x3e: {  	_ =	shalt  }
0x3f: {  	_ =	shalt  }
0x40: {  	_ =	shalt  }
0x41: {  	_ =	shalt  }
0x42: {  	_ =	shalt  }
0x43: {  	_ =	shalt  }
0x44: {  	_ =	shalt  }
0x45: {  	_ =	shalt  }
0x46: {  	_ =	shalt  }
0x47: {  	_ =	shalt  }
0x48: {  	_ =	shalt  }
0x49: {  	_ =	shalt  }
0x4a: {  	_ =	shalt  }
0x4b: {  	_ =	shalt  }
0x4c: {  	_ =	shalt  }
0x4d: {  	_ =	shalt  }
0x4e: {  	_ =	shalt  }
0x4f: {  	_ =	shalt  }
0x50: {  	_ =	shalt  }
0x51: {  	_ =	shalt  }
0x52: {  	_ =	shalt  }
0x53: {  	_ =	shalt  }
0x54: {  	_ =	shalt  }
0x55: {  	_ =	shalt  }
0x56: {  	_ =	shalt  }
0x57: {  	_ =	shalt  }
0x58: {  	_ =	shalt  }
0x59: {  	_ =	shalt  }
0x5a: {  	_ =	shalt  }
0x5b: {  	_ =	shalt  }
0x5c: {  	_ =	shalt  }
0x5d: {  	_ =	shalt  }
0x5e: {  	_ =	shalt  }
0x5f: {  	_ =	shalt  }
0x60: {  	_ =	shalt  }
0x61: {  	_ =	shalt  }
0x62: {  	_ =	shalt  }
0x63: {  	_ =	shalt  }
0x64: {  	_ =	shalt  }
0x65: {  	_ =	shalt  }
0x66: {  	_ =	shalt  }
0x67: {  	_ =	shalt  }
0x68: {  	_ =	shalt  }
0x69: {  	_ =	shalt  }
0x6a: {  	_ =	shalt  }
0x6b: {  	_ =	shalt  }
0x6c: {  	_ =	shalt  }
0x6d: {  	_ =	shalt  }
0x6e: {  	_ =	shalt  }
0x6f: {  	_ =	shalt  }
0x70: {  	_ =	shalt  }
0x71: {  	_ =	shalt  }
0x72: {  	_ =	shalt  }
0x73: {  	_ =	shalt  }
0x74: {  	_ =	shalt  }
0x75: {  	_ =	shalt  }
0x76: {  	_ =	shalt  }
0x77: {  	_ =	shalt  }
0x78: {  	_ =	shalt  }
0x79: {  	_ =	shalt  }
0x7a: {  	_ =	shalt  }
0x7b: {  	_ =	shalt  }
0x7c: {  	_ =	shalt  }
0x7d: {  	_ =	shalt  }
0x7e: {  	_ =	shalt  }
0x7f: {  	_ =	shalt  }
0x80: {  	_ =	shalt  }
0x81: {  	_ =	shalt  }
0x82: {  	_ =	shalt  }
0x83: {  	_ =	shalt  }
0x84: {  	_ =	shalt  }
0x85: {  	_ =	shalt  }
0x86: {  	_ =	shalt  }
0x87: {  	_ =	shalt  }
.Lfunc_end0:
.L_simem_size_0:
called_computation_lowered:
.L_overlay_start_0:
0x88: {  	s2 =	sld [smem:$0x3FD9]  }
0x89: {  	s3 =	sld [smem:$0x3FFE];
	_ =	sdelay $0x1  }
0x8a: {  	s1 =	srdreg.scid  }
0x8b: {  	s0 =	sand.u32 $0x1, s1  }
0x8c: {  	s17 =	sshll.u32 s0, $0xA;
	s2 =	sadd.s32 s3, s2  }
0x8d: {  	s2 =	sadd.s32 s2, s17  }
0x8e: {  	[smem:$0x3FC7] =	sst s2  }
0x8f: {  	_ = 	snop  }
0x90: {  	s2 =	sld [smem:$0x3FD0];
	(tm) =	ssettm $0x1  }
0x91: {  	s18 =	sld [smem:$0x3FFB];
	_ =	sdelay $0x3  }
0x92: {  	_ =	strace s18  }
0x93: {  	s3 =	sld [smem:$0x3FFC];
	_ =	sdelay $0x3  }
0x94: {  	_ =	strace s3  }
0x95: {  	s3 =	sld [smem:$0x3FFD];
	_ =	sdelay $0x3  }
0x96: {  	_ =	strace s3  }
0x97: {  	_ =	strace $0x8FFFFFFF  }
0x98: {  	s19 =	sld [smem:$0x3FDB];
	_ =	sdelay $0x1  }
0x99: {  	s4 =	simm.s32 $_scs_section_size  }
0x9a: {  	s5 =	simm.s32 $_size__tile_overlayer_lowered;
	s6 =	simm.s32 $_tile_overlayer_lowered  }
0x9b: {  	s22 =	simm.s32 $0x1BFF;
	s21 =	sshll.u32 s6, $0x1;
	s3 =	sadd.s32 s4, s19  }
0x9c: {  	s7 =	simm.s32 $0x0;
	s20 =	sshll.u32 s5, $0x1;
	s5 =	sadd.s32 s21, s3  }
0x9d: {  	[timem:s7], [sflag:s22] =	dma.local [hbm:s5], s20  }
0x9e: {  	_ =	swait.ge [sflag:s22], s20  }
0x9f: {  	s4 =	ssub.s32 $0x0, s20;
	[sflag:s22] =	ssyncset.done $0x0  }
0xa0: {  	[sflag:s22] =	ssyncadd.s32 s4;
	_ =	sdelay $0x1  }
0xa1: {  	s23 =	simm.s32 $0x1B8B  }
0xa2: {  	_ =	swait.ge [sflag:s23], $0x1  }
0xa3: {  	[sflag:s23] =	ssyncset.done $0x0  }
0xa4: {  	s25 =	simm.s32 $0x1B8E;
	s24 =	sld [smem:$0x3FFE];
	[sflag:s23] =	ssyncadd.s32 $0xFFFFFFFF  }
0xa5: {  	s26 =	simm.s32 $execute0_lowered;
	[smem:$0x3FD2] =	sst s25  }
0xa6: {  	s5 =	sshll.u32 s26, $0x1;
	_ =	strace $0x80000046;
	[dreg:$0x1] =	wrdreg $0xFFFFFFFF  }
0xa7: {  	s28 =	simm.s32 $_size_execute0_lowered;
	s3 =	sadd.s32 s3, s5;
	[dreg:$0x0] =	wrdreg $0x0  }
0xa8: {  	s5 =	sshll.u32 s28, $0x1;
	[dreg:$0x2] =	wrdreg s3  }
0xa9: {  	[dreg:$0x3] =	wrdreg s5  }
0xaa: {  	[dreg:$0x4] =	wrdreg $0xC0  }
0xab: {  	_ =	task [dreg:s7], $0x5FFFF  }
0xac: {  	[dreg:$0x1] =	wrdreg $0xFFFFFFFF  }
0xad: {  	[dreg:$0x0] =	wrdreg $0x60  }
0xae: {  	[dreg:$0x2] =	wrdreg s24  }
0xaf: {  	[dreg:$0x3] =	wrdreg s2  }
0xb0: {  	[dreg:$0x4] =	wrdreg $0x9  }
0xb1: {  	_ =	task.clear_ibuf [dreg:s7], $0x5FFFF;
	_ =	strace $0x90000046  }
0xb2: {  	s29 =	simm.s32 $0x9;
	_ =	strace $0x80000048  }
0xb3: {  	_ =	swait.ge [sflag:s29], $0x1  }
0xb4: {  	[sflag:s29] =	ssyncadd.s32 $0xFFFFFFFF  }
0xb5: {  	_ =	strace $0x90000048  }
0xb6: {  	_ =	sfence  }
0xb7: {  	s30 =	sld [smem:$0x0];
	_ =	sdelay $0x2  }
0xb8: {  	s31 =	sshll.u32 s1, $0xD;
	s1 =	sshrl.u32 s1, $0x2  }
0xb9: {  	s3 =	sand.u32 $0x4000, s31;
	s1 =	sadd.s32 s1, s30  }
0xba: {  	s0 =	sor.u32 s3, s0;
	s1 =	sshll.u32 s1, $0x11  }
0xbb: {  	s0 =	sor.u32 s1, s0  }
0xbc: {  	s0 =	sadd.s32 $0x8F2B, s0  }
0xbd: {  	[sflag:s0] =	ssyncadd.remote.s32 $0x1  }
0xbe: {  	_ =	sfence.sel $0xFFFF  }
0xbf: {  	[dreg:$0x0] =	wrdreg $0xFFFFFFFF;
	(pc) =	sbr.abs _section_cstart, $3  }
0xc0: {  	[dreg:$0x1] =	wrdreg $0xFFFFFFFF  }
0xc1: {  	_ =	task.clear_ibuf [dreg:s7], $0x2FFFF;
	_ =	strace $0x9FFFFFFF  }
0xc2: {  	(tm) =	ssettm $0x7FFFFFFF  }
0xc3: {  	_ =	shalt  }
tec
execute0_lowered:
.L_overlay_start_1:
0x0: {  	(tag) =	ssettag $0x1  }
0x1: {  	s4 =	rddreg [dreg:$0x0]  }
0x2: {  	s1 =	rddreg [dreg:$0x1]  }
0x3: {  	s0 =	rddreg [dreg:$0x2];
	s2 =	simm.s32 $0x0  }
0x4: {  	[smem:$0x7FF] =	sst s2;
	s24 =	sadd.s32 $0x80, s1  }
0x5: {  	s25 =	sadd.s32 $0x100, s1;
	_ =	strace $0x80000047;
	[dreg:$0x5] =	wrdreg s24  }
0x6: {  	s26 =	sadd.s32 $0x180, s1;
	[dreg:$0x6] =	wrdreg s25  }
0x7: {  	s28 =	sadd.s32 $0x200, s1;
	[dreg:$0x7] =	wrdreg s26  }
0x8: {  	s29 =	sadd.s32 $0x280, s1;
	[dreg:$0x8] =	wrdreg s28  }
0x9: {  	s30 =	sadd.s32 $0x300, s1;
	[dreg:$0x9] =	wrdreg s29  }
0xa: {  	s31 =	sadd.s32 $0x380, s1;
	[dreg:$0xa] =	wrdreg s30  }
0xb: {  	s7 =	sadd.s32 $0x400, s1;
	[dreg:$0xb] =	wrdreg s31  }
0xc: {  	s8 =	sadd.s32 $0x480, s1;
	[dreg:$0xc] =	wrdreg s7  }
0xd: {  	s9 =	sadd.s32 $0x500, s1;
	[dreg:$0xd] =	wrdreg s8  }
0xe: {  	s10 =	sadd.s32 $0x580, s1;
	[dreg:$0xe] =	wrdreg s9  }
0xf: {  	s11 =	sadd.s32 $0x600, s1;
	[dreg:$0xf] =	wrdreg s10  }
0x10: {  	s12 =	sadd.s32 $0x680, s1;
	[dreg:$0x10] =	wrdreg s11  }
0x11: {  	s13 =	sadd.s32 $0x700, s1;
	[dreg:$0x11] =	wrdreg s12  }
0x12: {  	s14 =	sadd.s32 $0x780, s1;
	[dreg:$0x12] =	wrdreg s13  }
0x13: {  	s15 =	sadd.s32 $0x10, s1;
	[dreg:$0x13] =	wrdreg s14  }
0x14: {  	s16 =	sadd.s32 $0x90, s1;
	[dreg:$0x14] =	wrdreg s15  }
0x15: {  	s17 =	sadd.s32 $0x110, s1;
	[dreg:$0x15] =	wrdreg s16  }
0x16: {  	s18 =	sadd.s32 $0x190, s1;
	[dreg:$0x16] =	wrdreg s17  }
0x17: {  	s19 =	sadd.s32 $0x210, s1;
	[dreg:$0x17] =	wrdreg s18  }
0x18: {  	s20 =	sadd.s32 $0x290, s1;
	[dreg:$0x18] =	wrdreg s19  }
0x19: {  	s3 =	srdreg.scid;
	s21 =	sadd.s32 $0x310, s1;
	[dreg:$0x19] =	wrdreg s20  }
0x1a: {  	s5 =	sand.u32 $0x1, s3;
	s22 =	sadd.s32 $0x390, s1;
	[dreg:$0x1a] =	wrdreg s21  }
0x1b: {  	s3 =	stileid.u32;
	s6 =	sshll.u32 s5, $0xA;
	[dreg:$0x1b] =	wrdreg s22  }
0x1c: {  	s23 =	sshll.u32 s3, $0x13;
	[dreg:$0x3] =	wrdreg s6  }
0x1d: {  	s24 =	sadd.s32 $0x490, s1;
	[dreg:$0x4] =	wrdreg s23  }
0x1e: {  	s25 =	sadd.s32 $0x510, s1;
	[dreg:$0x1d] =	wrdreg s24  }
0x1f: {  	s26 =	sadd.s32 $0x590, s1;
	[dreg:$0x1e] =	wrdreg s25  }
0x20: {  	s28 =	sadd.s32 $0x610, s1;
	[dreg:$0x1f] =	wrdreg s26  }
0x21: {  	s29 =	sadd.s32 $0x690, s1;
	[smem:$0x79A] =	sst s28  }
0x22: {  	s30 =	sadd.s32 $0x710, s1;
	[smem:$0x79B] =	sst s29  }
0x23: {  	s31 =	sadd.s32 $0x790, s1;
	[smem:$0x79C] =	sst s30  }
0x24: {  	s7 =	sadd.s32 $0x20, s1;
	[smem:$0x79D] =	sst s31  }
0x25: {  	s8 =	sadd.s32 $0xA0, s1;
	[smem:$0x79E] =	sst s7  }
0x26: {  	s9 =	sadd.s32 $0x120, s1;
	[smem:$0x79F] =	sst s8  }
0x27: {  	s10 =	sadd.s32 $0x1A0, s1;
	[smem:$0x7A0] =	sst s9  }
0x28: {  	s11 =	sadd.s32 $0x220, s1;
	[smem:$0x7A1] =	sst s10  }
0x29: {  	s12 =	sadd.s32 $0x2A0, s1;
	[smem:$0x7A2] =	sst s11  }
0x2a: {  	s13 =	sadd.s32 $0x320, s1;
	[smem:$0x7A3] =	sst s12  }
0x2b: {  	s14 =	sadd.s32 $0x3A0, s1;
	[smem:$0x7A4] =	sst s13  }
0x2c: {  	s15 =	sadd.s32 $0x420, s1;
	[smem:$0x7A5] =	sst s14  }
0x2d: {  	s16 =	sadd.s32 $0x4A0, s1;
	[smem:$0x7A6] =	sst s15  }
0x2e: {  	s17 =	sadd.s32 $0x520, s1;
	[smem:$0x7A7] =	sst s16  }
0x2f: {  	s18 =	sadd.s32 $0x5A0, s1;
	[smem:$0x7A8] =	sst s17  }
0x30: {  	s19 =	sadd.s32 $0x620, s1;
	[smem:$0x7A9] =	sst s18  }
0x31: {  	s20 =	sadd.s32 $0x6A0, s1;
	[smem:$0x7AA] =	sst s19  }
0x32: {  	s21 =	sadd.s32 $0x720, s1;
	[smem:$0x7AB] =	sst s20  }
0x33: {  	s22 =	sadd.s32 $0x7A0, s1;
	[smem:$0x7AC] =	sst s21  }
0x34: {  	s23 =	sadd.s32 $0x410, s1;
	[smem:$0x7AD] =	sst s22  }
0x35: {  	s24 =	sadd.s32 $0xB0, s1;
	[dreg:$0x1c] =	wrdreg s23  }
0x36: {  	s25 =	sadd.s32 $0x130, s1;
	[smem:$0x7AF] =	sst s24  }
0x37: {  	s26 =	sadd.s32 $0x1B0, s1;
	[smem:$0x7B0] =	sst s25  }
0x38: {  	s28 =	sadd.s32 $0x230, s1;
	[smem:$0x7B1] =	sst s26  }
0x39: {  	s29 =	sadd.s32 $0x2B0, s1;
	[smem:$0x7B2] =	sst s28  }
0x3a: {  	s30 =	sadd.s32 $0x330, s1;
	[smem:$0x7B3] =	sst s29  }
0x3b: {  	s31 =	sadd.s32 $0x3B0, s1;
	[smem:$0x7B4] =	sst s30  }
0x3c: {  	s7 =	sadd.s32 $0x430, s1;
	[smem:$0x7B5] =	sst s31  }
0x3d: {  	s8 =	sadd.s32 $0x4B0, s1;
	[smem:$0x7B6] =	sst s7  }
0x3e: {  	s9 =	sadd.s32 $0x530, s1;
	[smem:$0x7B7] =	sst s8  }
0x3f: {  	s10 =	sadd.s32 $0x5B0, s1;
	[smem:$0x7B8] =	sst s9  }
0x40: {  	s11 =	sadd.s32 $0x630, s1;
	[smem:$0x7B9] =	sst s10  }
0x41: {  	s12 =	sadd.s32 $0x6B0, s1;
	[smem:$0x7BA] =	sst s11  }
0x42: {  	s13 =	sadd.s32 $0x730, s1;
	[smem:$0x7BB] =	sst s12  }
0x43: {  	s14 =	sadd.s32 $0x7B0, s1;
	[smem:$0x7BC] =	sst s13  }
0x44: {  	s15 =	sadd.s32 $0x40, s1;
	[smem:$0x7BD] =	sst s14  }
0x45: {  	s16 =	sadd.s32 $0xC0, s1;
	[smem:$0x7BE] =	sst s15  }
0x46: {  	s17 =	sadd.s32 $0x140, s1;
	[smem:$0x7BF] =	sst s16  }
0x47: {  	s18 =	sadd.s32 $0x1C0, s1;
	[smem:$0x7C0] =	sst s17  }
0x48: {  	s19 =	sadd.s32 $0x240, s1;
	[smem:$0x7C1] =	sst s18  }
0x49: {  	s20 =	sadd.s32 $0x2C0, s1;
	[smem:$0x7C2] =	sst s19  }
0x4a: {  	s21 =	sadd.s32 $0x340, s1;
	[smem:$0x7C3] =	sst s20  }
0x4b: {  	s22 =	sadd.s32 $0x3C0, s1;
	[smem:$0x7C4] =	sst s21  }
0x4c: {  	s23 =	sadd.s32 $0x30, s1;
	[smem:$0x7C5] =	sst s22  }
0x4d: {  	s24 =	sadd.s32 $0x4C0, s1;
	[smem:$0x7AE] =	sst s23  }
0x4e: {  	s25 =	sadd.s32 $0x540, s1;
	[smem:$0x7C7] =	sst s24  }
0x4f: {  	s26 =	sadd.s32 $0x5C0, s1;
	[smem:$0x7C8] =	sst s25  }
0x50: {  	s28 =	sadd.s32 $0x640, s1;
	[smem:$0x7C9] =	sst s26  }
0x51: {  	s29 =	sadd.s32 $0x6C0, s1;
	[smem:$0x7CA] =	sst s28  }
0x52: {  	s30 =	sadd.s32 $0x740, s1;
	[smem:$0x7CB] =	sst s29  }
0x53: {  	s31 =	sadd.s32 $0x7C0, s1;
	[smem:$0x7CC] =	sst s30  }
0x54: {  	s7 =	sadd.s32 $0x50, s1;
	[smem:$0x7CD] =	sst s31  }
0x55: {  	s8 =	sadd.s32 $0xD0, s1;
	[smem:$0x7CE] =	sst s7  }
0x56: {  	s9 =	sadd.s32 $0x150, s1;
	[smem:$0x7CF] =	sst s8  }
0x57: {  	s10 =	sadd.s32 $0x1D0, s1;
	[smem:$0x7D0] =	sst s9  }
0x58: {  	s11 =	sadd.s32 $0x250, s1;
	[smem:$0x7D1] =	sst s10  }
0x59: {  	s12 =	sadd.s32 $0x2D0, s1;
	[smem:$0x7D2] =	sst s11  }
0x5a: {  	s13 =	sadd.s32 $0x350, s1;
	[smem:$0x7D3] =	sst s12  }
0x5b: {  	s14 =	sadd.s32 $0x3D0, s1;
	[smem:$0x7D4] =	sst s13  }
0x5c: {  	s15 =	sadd.s32 $0x450, s1;
	[smem:$0x7D5] =	sst s14  }
0x5d: {  	s16 =	sadd.s32 $0x4D0, s1;
	[smem:$0x7D6] =	sst s15  }
0x5e: {  	s17 =	sadd.s32 $0x550, s1;
	[smem:$0x7D7] =	sst s16  }
0x5f: {  	s18 =	sadd.s32 $0x5D0, s1;
	[smem:$0x7D8] =	sst s17  }
0x60: {  	s19 =	sadd.s32 $0x650, s1;
	[smem:$0x7D9] =	sst s18  }
0x61: {  	s20 =	sadd.s32 $0x6D0, s1;
	[smem:$0x7DA] =	sst s19  }
0x62: {  	s21 =	sadd.s32 $0x750, s1;
	[smem:$0x7DB] =	sst s20  }
0x63: {  	s22 =	sadd.s32 $0x7D0, s1;
	[smem:$0x7DC] =	sst s21  }
0x64: {  	s23 =	sadd.s32 $0x440, s1;
	[smem:$0x7DD] =	sst s22  }
0x65: {  	s24 =	sadd.s32 $0xE0, s1;
	[smem:$0x7C6] =	sst s23  }
0x66: {  	s25 =	sadd.s32 $0x160, s1;
	[smem:$0x7DF] =	sst s24  }
0x67: {  	s26 =	sadd.s32 $0x1E0, s1;
	[smem:$0x7E0] =	sst s25  }
0x68: {  	s28 =	sadd.s32 $0x260, s1;
	[smem:$0x7E1] =	sst s26  }
0x69: {  	s29 =	sadd.s32 $0x2E0, s1;
	[smem:$0x7E2] =	sst s28  }
0x6a: {  	s30 =	sadd.s32 $0x360, s1;
	[smem:$0x7E3] =	sst s29  }
0x6b: {  	s31 =	sadd.s32 $0x3E0, s1;
	[smem:$0x7E4] =	sst s30  }
0x6c: {  	s7 =	sadd.s32 $0x460, s1;
	[smem:$0x7E5] =	sst s31  }
0x6d: {  	s8 =	sadd.s32 $0x4E0, s1;
	[smem:$0x7E6] =	sst s7  }
0x6e: {  	s9 =	sadd.s32 $0x560, s1;
	[smem:$0x7E7] =	sst s8  }
0x6f: {  	s10 =	sadd.s32 $0x5E0, s1;
	[smem:$0x7E8] =	sst s9  }
0x70: {  	s11 =	sadd.s32 $0x660, s1;
	[smem:$0x7E9] =	sst s10  }
0x71: {  	s12 =	sadd.s32 $0x6E0, s1;
	[smem:$0x7EA] =	sst s11  }
0x72: {  	s13 =	sadd.s32 $0x760, s1;
	[smem:$0x7EB] =	sst s12  }
0x73: {  	s14 =	sadd.s32 $0x7E0, s1;
	[smem:$0x7EC] =	sst s13  }
0x74: {  	s15 =	sadd.s32 $0x70, s1;
	[smem:$0x7ED] =	sst s14  }
0x75: {  	s16 =	sadd.s32 $0xF0, s1;
	[smem:$0x7EE] =	sst s15  }
0x76: {  	s17 =	sadd.s32 $0x170, s1;
	[smem:$0x7EF] =	sst s16  }
0x77: {  	s18 =	sadd.s32 $0x1F0, s1;
	[smem:$0x7F0] =	sst s17  }
0x78: {  	s19 =	sadd.s32 $0x270, s1;
	[smem:$0x7F1] =	sst s18  }
0x79: {  	s20 =	sadd.s32 $0x2F0, s1;
	[smem:$0x7F2] =	sst s19  }
0x7a: {  	s21 =	sadd.s32 $0x370, s1;
	[smem:$0x7F3] =	sst s20  }
0x7b: {  	s22 =	sadd.s32 $0x3F0, s1;
	[smem:$0x7F4] =	sst s21  }
0x7c: {  	s23 =	sadd.s32 $0x60, s1;
	[smem:$0x7F5] =	sst s22  }
0x7d: {  	s24 =	sadd.s32 $0x4F0, s1;
	[smem:$0x7DE] =	sst s23  }
0x7e: {  	s4 =	sadd.s32 $0x400, s4;
	s25 =	sadd.s32 $0x570, s1;
	[smem:$0x7F7] =	sst s24  }
0x7f: {  	s5 =	ssub.s32 $0x2, s5;
	s26 =	sadd.s32 $0x5F0, s1;
	[smem:$0x7F8] =	sst s25  }
0x80: {  	s28 =	sadd.s32 $0x670, s1;
	s29 =	sadd.s32 $0x6F0, s1;
	[smem:$0x7F9] =	sst s26  }
0x81: {  	s7 =	sshrl.u32 s5, $0x1;
	s30 =	sadd.s32 $0x770, s1;
	[smem:$0x7FA] =	sst s28  }
0x82: {  	s31 =	sadd.s32 $0x7F0, s1;
	s8 =	simm.s32 $0x1;
	[smem:$0x7FB] =	sst s29  }
0x83: {  	s9 =	simm.s32 $0x0;
	s23 =	sadd.s32 $0x470, s1;
	[smem:$0x7FC] =	sst s30  }
0x84: {  	v0 =	vlaneseq.u32;
	v1 =	vimm.s32 $0x0;
	s7 =	ssub.s32 s5, s7;
	s5 =	sshll.u32 s3, $0x5;
	[smem:$0x7FD] =	sst s31  }
0x85: {  	v2 =	vimm.s32 $0x8;
	v3 =	vimm.s32 $0xF;
	v0 =	vadd.s32 $0xFFFFF801, v0;
	[smem:$0x7F6] =	sst s23;
	s6 =	smax.u32 s7, $0x1;
	s7 =	simm.s32 $0x2  }
.LBB2_1:
0x86: {  	v6 =	vadd.s32 s2, v0;
	s10 =	simm.s32 $0x10;
	s11 =	simm.s32 $0x30  }
0x87: {  	s31 =	simm.s32 $0x20;
	v7 =	vsub.s32 $0x0, v6;
	v8 =	vadd.s32 s10, v0;
	v9 =	vadd.s32 s11, v0  }
0x88: {  	v10 =	vadd.s32 s31, v0;
	v4 =	vsub.s32 $0x0, v8;
	v5 =	vsub.s32 $0x0, v9  }
0x89: {  	v7 =	vmin.u32 v6, v7;
	vm3 =	vlt.s32 v1, v9;
	v11 =	vmin.u32 v8, v4  }
0x8a: {  	v4 =	vsub.s32 $0x0, v10;
	v12 =	vmin.u32 v9, v5;
	v40 =	vsel vm3, $0x10, v1  }
0x8b: {  	vm3 =	vgt.s32 v7, $0xB;
	vm6 =	vgt.s32 v7, $0xF;
	v13 =	vmin.u32 v10, v4  }
0x8c: {  	vm0 =	vgt.s32 v12, $0xB;
	vm1 =	vgt.s32 v12, $0xF;
	vm2 =	vgt.s32 v11, $0xF  }
0x8d: {  	v17 =	vsel vm3, $0x9, v2;
	v44 =	vsel vm6, $0x1, v1;
	v4 =	vsel vm0, $0x9, v2  }
0x8e: {  	v5 =	vsel vm1, $0x1, v1;
	vm0 =	vgt.s32 v12, $0x16;
	vm1 =	vlt.s32 v12, $0x8  }
0x8f: {  	vm4 =	vgt.u32 v13, $0xF;
	v42 =	vsel vm2, $0x1, v1;
	vm2 =	vgt.u32 v13, $0x16  }
0x90: {  	v4 =	vadd.s32 v5, v4;
	v5 =	vsel vm0, $0x1, v1;
	vm0 =	vgt.s32 v12, $0x1F  }
0x91: {  	[tilespmem:s2], [sflag:$0x2] =	stream.linear.gather [hbm4b:s4+s2], $0x200, $0x38;
	v16 =	vsel vm4, $0x1, v1;
	v47 =	vsel vm2, $0x1, v1;
	vm2 =	vgt.u32 v13, $0x1F;
	[tilespmem:$0x9280] =	vst v63  }
0x92: {  	_ =	swait.ge [sflag:s7], $0x200;
	v4 =	vadd.s32 v5, v4;
	v14 =	vsel vm0, $0x1, v1;
	vm0 =	vgt.s32 v12, $0x2D  }
0x93: {  	[sflag:s7] =	ssyncset.done $0x0;
	v50 =	vsel vm2, $0x1, v1;
	vm2 =	vgt.u32 v13, $0x2D;
	v14 =	vadd.s32 v14, v4  }
0x94: {  	[sflag:s7] =	ssyncadd.s32 $0xFFFFFE00;
	v15 =	vsel vm0, $0x1, v1;
	vm0 =	vgt.s32 v12, $0x3F;
	v53 =	vsel vm2, $0x1, v1  }
0x95: {  	v5 =	vld [tilespmem:s5+$0x0];
	vm2 =	vgt.u32 v13, $0x3F;
	v14 =	vadd.s32 v15, v14;
	v38 =	vsel vm0, $0x1, v1  }
0x96: {  	v4 =	vld [tilespmem:s5+$0x10];
	vm0 =	vgt.s32 v12, $0x5A;
	v56 =	vsel vm2, $0x1, v1;
	vm2 =	vgt.u32 v13, $0x5A  }
0x97: {  	v14 =	vadd.s32 v38, v14;
	v39 =	vsel vm0, $0x1, v1;
	vm0 =	vgt.s32 v11, $0xB  }
0x98: {  	v59 =	vsel vm2, $0x1, v1;
	vm2 =	vlt.s32 v1, v10;
	v14 =	vadd.s32 v39, v14  }
0x99: {  	v63 =	vsel vm2, $0x10, v1;
	v9 =	vsel vm1, v12, v14;
	vm1 =	vgt.u32 v13, $0xB  }
0x9a: {  	v14 =	vand.u32 $0xF, v9;
	v9 =	vadd.s32 v40, v9;
	v43 =	vsel vm1, $0x9, v2  }
0x9b: {  	vm1 =	vgt.s32 v7, $0x16;
	v41 =	vperm.xlane v5, v14;
	v14 =	vperm.xlane v4, v14  }
0x9c: {  	vm5 =	vlt.s32 v9, $0x10;
	v9 =	vsel vm0, $0x9, v2;
	vm0 =	vgt.s32 v11, $0x16  }
0x9d: {  	v15 =	vadd.s32 v16, v43;
	v46 =	vsel vm1, $0x1, v1;
	vm1 =	vgt.s32 v7, $0x1F  }
0x9e: {  	v9 =	vadd.s32 v42, v9;
	v45 =	vsel vm0, $0x1, v1;
	vm0 =	vgt.s32 v11, $0x1F  }
0x9f: {  	v15 =	vadd.s32 v47, v15;
	v49 =	vsel vm1, $0x1, v1;
	vm1 =	vgt.s32 v7, $0x2D  }
0xa0: {  	v12 =	vsel vm5, v41, v14;
	v14 =	vadd.s32 v44, v17;
	v9 =	vadd.s32 v45, v9  }
0xa1: {  	v48 =	vsel vm0, $0x1, v1;
	vm0 =	vgt.s32 v11, $0x2D;
	v15 =	vadd.s32 v50, v15  }
0xa2: {  	v52 =	vsel vm1, $0x1, v1;
	vm1 =	vgt.s32 v7, $0x3F;
	v14 =	vadd.s32 v46, v14  }
0xa3: {  	v9 =	vadd.s32 v48, v9;
	v51 =	vsel vm0, $0x1, v1;
	vm0 =	vgt.s32 v11, $0x3F  }
0xa4: {  	v15 =	vadd.s32 v53, v15;
	v55 =	vsel vm1, $0x1, v1;
	vm1 =	vgt.s32 v7, $0x5A  }
0xa5: {  	v14 =	vadd.s32 v49, v14;
	v9 =	vadd.s32 v51, v9;
	v54 =	vsel vm0, $0x1, v1  }
0xa6: {  	vm0 =	vgt.s32 v11, $0x5A;
	v15 =	vadd.s32 v56, v15;
	v58 =	vsel vm1, $0x1, v1  }
0xa7: {  	vm1 =	vlt.s32 v7, $0x8;
	v14 =	vadd.s32 v52, v14;
	v9 =	vadd.s32 v54, v9  }
0xa8: {  	v57 =	vsel vm0, $0x1, v1;
	vm0 =	vlt.s32 v11, $0x8;
	v14 =	vadd.s32 v55, v14  }
0xa9: {  	v15 =	vadd.s32 v59, v15;
	v9 =	vadd.s32 v57, v9;
	v14 =	vadd.s32 v58, v14  }
0xaa: {  	v9 =	vsel vm0, v11, v9;
	vm0 =	vlt.u32 v13, $0x8;
	v11 =	vsel vm1, v7, v14  }
0xab: {  	vm1 =	vlt.s32 v1, v8;
	v13 =	vsel vm0, v13, v15;
	vm0 =	vlt.s32 v1, v6  }
0xac: {  	v6 =	vand.u32 $0xF, v9;
	v10 =	vand.u32 $0xF, v11;
	v7 =	vsel vm1, $0x10, v1  }
0xad: {  	v60 =	vand.u32 $0xF, v13;
	v61 =	vsel vm0, $0x10, v1;
	v62 =	vperm.xlane v5, v6  }
0xae: {  	v6 =	vperm.xlane v4, v6;
	v18 =	vadd.s32 v7, v9;
	v7 =	vperm.xlane v5, v60  }
0xaf: {  	v13 =	vadd.s32 v63, v13;
	v8 =	vperm.xlane v5, v10;
	v9 =	vperm.xlane v4, v60  }
0xb0: {  	s10 =	simm.s32 $0x220;
	v11 =	vadd.s32 v61, v11;
	v10 =	vperm.xlane v4, v10;
	vm1 =	vlt.s32 v18, $0x10  }
0xb1: {  	s12 =	simm.s32 $0x40;
	s11 =	simm.s32 $0x0;
	[tilespmem:s10+$0x10] =	vst v12;
	vm0 =	vlt.s32 v11, $0x10;
	v11 =	vsel vm1, v62, v6;
	vm1 =	vlt.s32 v13, $0x10  }
.LBB2_2:
0xb2: {  	v6 =	vadd.s32 s12, v0;
	s13 =	sadd.s32 $0x10, s12;
	s14 =	sadd.s32 $0x30, s12;
	s11 =	sadd.s32 $0x4, s11;
	v10 =	vsel vm0, v8, v10;
	[tilespmem:s10+$0xFFFFFFF0] =	vst v11;
	v8 =	vsel vm1, v7, v9  }
0xb3: {  	v11 =	vsub.s32 $0x0, v6;
	v7 =	vadd.s32 s13, v0;
	s13 =	sadd.s32 $0x20, s12;
	v12 =	vadd.s32 s14, v0;
	p0 =	slt.u32 s11, $0xFC;
	[tilespmem:s10+$0x0] =	vst v8  }
0xb4: {  	v9 =	vsub.s32 $0x0, v7;
	v8 =	vadd.s32 s13, v0;
	v13 =	vsub.s32 $0x0, v12;
	[tilespmem:s10+$0xFFFFFFE0] =	vst v10  }
0xb5: {  	v10 =	vmin.u32 v7, v9;
	v9 =	vsub.s32 $0x0, v8;
	v13 =	vmin.u32 v12, v13  }
0xb6: {  	v9 =	vmin.u32 v8, v9;
	vm0 =	vgt.s32 v13, $0xB;
	vm1 =	vgt.s32 v13, $0xF  }
0xb7: {  	v14 =	vsel vm0, $0x9, v2;
	v15 =	vsel vm1, $0x1, v1;
	vm0 =	vgt.s32 v13, $0x16  }
0xb8: {  	v14 =	vadd.s32 v15, v14;
	v15 =	vsel vm0, $0x1, v1;
	vm0 =	vgt.s32 v13, $0x1F  }
0xb9: {  	v14 =	vadd.s32 v15, v14;
	v15 =	vsel vm0, $0x1, v1;
	vm0 =	vgt.s32 v13, $0x2D  }
0xba: {  	v14 =	vadd.s32 v15, v14;
	v15 =	vsel vm0, $0x1, v1;
	vm0 =	vgt.s32 v13, $0x3F  }
0xbb: {  	v14 =	vadd.s32 v15, v14;
	v15 =	vsel vm0, $0x1, v1;
	vm0 =	vgt.s32 v13, $0x5A  }
0xbc: {  	v11 =	vmin.u32 v6, v11;
	v14 =	vadd.s32 v15, v14;
	v15 =	vsel vm0, $0x1, v1  }
0xbd: {  	vm1 =	vlt.s32 v13, $0x8;
	vm0 =	vgt.s32 v10, $0xB;
	v14 =	vadd.s32 v15, v14  }
0xbe: {  	vm3 =	vlt.s32 v1, v12;
	vm2 =	vgt.s32 v10, $0xF;
	v12 =	vsel vm1, v13, v14  }
0xbf: {  	vm1 =	vgt.u32 v9, $0xB;
	v13 =	vsel vm3, $0x10, v1;
	v14 =	vand.u32 $0xF, v12  }
0xc0: {  	v12 =	vadd.s32 v13, v12;
	v13 =	vperm.xlane v5, v14;
	v14 =	vperm.xlane v4, v14  }
0xc1: {  	vm4 =	vgt.u32 v9, $0xF;
	vm3 =	vgt.s32 v11, $0xB;
	vm5 =	vlt.s32 v12, $0x10  }
0xc2: {  	s10 =	sadd.s32 $0x40, s10;
	vm6 =	vgt.s32 v11, $0xF;
	v12 =	vsel vm0, $0x9, v2;
	v13 =	vsel vm5, v13, v14  }
0xc3: {  	v16 =	vsel vm4, $0x1, v1;
	v15 =	vsel vm1, $0x9, v2;
	v14 =	vsel vm2, $0x1, v1;
	[tilespmem:s10+$0x10] =	vst v13  }
0xc4: {  	v17 =	vsel vm6, $0x1, v1;
	vm0 =	vgt.s32 v10, $0x16;
	v13 =	vsel vm3, $0x9, v2  }
0xc5: {  	vm1 =	vgt.s32 v11, $0x16;
	vm2 =	vgt.u32 v9, $0x16;
	v12 =	vadd.s32 v14, v12  }
0xc6: {  	v15 =	vadd.s32 v16, v15;
	v14 =	vsel vm0, $0x1, v1;
	v13 =	vadd.s32 v17, v13  }
0xc7: {  	v16 =	vsel vm1, $0x1, v1;
	vm0 =	vgt.s32 v10, $0x1F;
	v17 =	vsel vm2, $0x1, v1  }
0xc8: {  	vm1 =	vgt.s32 v11, $0x1F;
	v12 =	vadd.s32 v14, v12;
	vm2 =	vgt.u32 v9, $0x1F  }
0xc9: {  	v14 =	vsel vm0, $0x1, v1;
	v13 =	vadd.s32 v16, v13;
	v15 =	vadd.s32 v17, v15  }
0xca: {  	vm0 =	vgt.s32 v10, $0x2D;
	v16 =	vsel vm1, $0x1, v1;
	v17 =	vsel vm2, $0x1, v1  }
0xcb: {  	vm1 =	vgt.s32 v11, $0x2D;
	v12 =	vadd.s32 v14, v12;
	vm2 =	vgt.u32 v9, $0x2D  }
0xcc: {  	v14 =	vsel vm0, $0x1, v1;
	v13 =	vadd.s32 v16, v13;
	v15 =	vadd.s32 v17, v15  }
0xcd: {  	vm0 =	vgt.s32 v10, $0x3F;
	v16 =	vsel vm1, $0x1, v1;
	v17 =	vsel vm2, $0x1, v1  }
0xce: {  	vm1 =	vgt.s32 v11, $0x3F;
	v12 =	vadd.s32 v14, v12;
	vm2 =	vgt.u32 v9, $0x3F  }
0xcf: {  	v14 =	vsel vm0, $0x1, v1;
	v13 =	vadd.s32 v16, v13;
	v15 =	vadd.s32 v17, v15  }
0xd0: {  	vm0 =	vgt.s32 v10, $0x5A;
	v16 =	vsel vm1, $0x1, v1;
	v17 =	vsel vm2, $0x1, v1  }
0xd1: {  	vm1 =	vgt.s32 v11, $0x5A;
	v12 =	vadd.s32 v14, v12;
	vm2 =	vgt.u32 v9, $0x5A  }
0xd2: {  	v14 =	vsel vm0, $0x1, v1;
	v13 =	vadd.s32 v16, v13;
	v15 =	vadd.s32 v17, v15  }
0xd3: {  	v16 =	vsel vm1, $0x1, v1;
	v12 =	vadd.s32 v14, v12;
	v14 =	vsel vm2, $0x1, v1  }
0xd4: {  	vm0 =	vlt.s32 v10, $0x8;
	v13 =	vadd.s32 v16, v13;
	v14 =	vadd.s32 v14, v15  }
0xd5: {  	vm1 =	vlt.s32 v11, $0x8;
	v10 =	vsel vm0, v10, v12;
	vm0 =	vlt.u32 v9, $0x8  }
0xd6: {  	v11 =	vsel vm1, v11, v13;
	vm1 =	vlt.s32 v1, v7;
	v9 =	vsel vm0, v9, v14  }
0xd7: {  	vm2 =	vlt.s32 v1, v8;
	vm0 =	vlt.s32 v1, v6;
	v6 =	vand.u32 $0xF, v10  }
0xd8: {  	v12 =	vand.u32 $0xF, v11;
	v7 =	vsel vm1, $0x10, v1;
	v13 =	vand.u32 $0xF, v9  }
.Ltmp0:
0xd9: {  	v16 =	vsel vm2, $0x10, v1;
	v14 =	vsel vm0, $0x10, v1;
	v15 =	vperm.xlane v5, v6;
	(pc) =	sbr.rel @p0 .LBB2_2-.Ltmp0, $4  }
0xda: {  	v6 =	vperm.xlane v4, v6;
	v17 =	vadd.s32 v7, v10;
	v7 =	vperm.xlane v5, v13  }
0xdb: {  	v16 =	vadd.s32 v16, v9;
	v8 =	vperm.xlane v5, v12;
	v9 =	vperm.xlane v4, v13  }
0xdc: {  	v11 =	vadd.s32 v14, v11;
	v10 =	vperm.xlane v4, v12;
	vm1 =	vlt.s32 v17, $0x10  }
0xdd: {  	s12 =	sadd.s32 $0x40, s12;
	vm0 =	vlt.s32 v11, $0x10;
	v11 =	vsel vm1, v15, v6;
	vm1 =	vlt.s32 v16, $0x10  }
0xde: {  	[tilespmem:s10+$0xFFFFFFF0] =	vst v11;
	v5 =	vsel vm1, v7, v9  }
0xdf: {  	v6 =	vsel vm0, v8, v10;
	v4 =	vperm.xlane v4, v3;
	[tilespmem:s10+$0x0] =	vst v5  }
0xe0: {  	[tilespmem:s10+$0xFFFFFFE0] =	vst v6  }
0xe1: {  	s11 =	simm.s32 $0x240;
	[tilespmem:$0x1200] =	vst v4  }
0xe2: {  	v4 =	vld [tilespmem:s11+$0xFFFFFFC0];
	_ =	sdelay $0x3  }
0xe3: {  	s10 =	simm.s32 $0x12C0  }
0xe4: {  	[tilespmem:s10+$0xFFFFFFC0] =	vst v4  }
0xe5: {  	v4 =	vld [tilespmem:s11+$0xFFFFFFD0];
	_ =	sdelay $0x4  }
0xe6: {  	[tilespmem:s10+$0xFFFFFFD0] =	vst v4  }
0xe7: {  	v4 =	vld [tilespmem:s11+$0xFFFFFFE0];
	_ =	sdelay $0x4  }
0xe8: {  	[tilespmem:s10+$0xFFFFFFE0] =	vst v4  }
0xe9: {  	v4 =	vld [tilespmem:s11+$0xFFFFFFF0];
	_ =	sdelay $0x4  }
0xea: {  	[tilespmem:s10+$0xFFFFFFF0] =	vst v4  }
0xeb: {  	v4 =	vld [tilespmem:s11+$0x0];
	_ =	sdelay $0x4  }
0xec: {  	[tilespmem:s10+$0x0] =	vst v4  }
0xed: {  	v4 =	vld [tilespmem:s11+$0x10];
	_ =	sdelay $0x4  }
0xee: {  	[tilespmem:s10+$0x10] =	vst v4  }
0xef: {  	v4 =	vld [tilespmem:s11+$0x20];
	_ =	sdelay $0x4  }
0xf0: {  	[tilespmem:s10+$0x20] =	vst v4  }
0xf1: {  	v4 =	vld [tilespmem:s11+$0x30];
	_ =	sdelay $0x3  }
0xf2: {  	s13 =	simm.s32 $0x0  }
0xf3: {  	s14 =	simm.s32 $0x2C0;
	s12 =	simm.s32 $0x241;
	s11 =	simm.s32 $0x22F0;
	[tilespmem:s10+$0x30] =	vst v4  }
.LBB2_4:
0xf4: {  	v4 =	vld [tilespmem:s14+$0xFFFFFFC0];
	s13 =	sadd.s32 $0x8, s13  }
0xf5: {  	p0 =	slt.u32 s13, $0xF8;
	_ =	sdelay $0x2  }
0xf6: {  	s10 =	sadd.s32 $0x80, s10  }
0xf7: {  	[tilespmem:s10+$0xFFFFFFC0] =	vst v4  }
0xf8: {  	v4 =	vld [tilespmem:s14+$0xFFFFFFD0];
	_ =	sdelay $0x4  }
0xf9: {  	[tilespmem:s10+$0xFFFFFFD0] =	vst v4  }
0xfa: {  	v4 =	vld [tilespmem:s14+$0xFFFFFFE0];
	_ =	sdelay $0x4  }
0xfb: {  	[tilespmem:s10+$0xFFFFFFE0] =	vst v4  }
0xfc: {  	v4 =	vld [tilespmem:s14+$0xFFFFFFF0];
	_ =	sdelay $0x4  }
0xfd: {  	[tilespmem:s10+$0xFFFFFFF0] =	vst v4  }
0xfe: {  	v4 =	vld [tilespmem:s14+$0x0];
	_ =	sdelay $0x4  }
0xff: {  	[tilespmem:s10+$0x0] =	vst v4  }
0x100: {  	v4 =	vld [tilespmem:s14+$0x10];
	_ =	sdelay $0x4  }
0x101: {  	[tilespmem:s10+$0x10] =	vst v4  }
0x102: {  	v4 =	vld [tilespmem:s14+$0x20];
	_ =	sdelay $0x4  }
0x103: {  	[tilespmem:s10+$0x20] =	vst v4  }
0x104: {  	v4 =	vld [tilespmem:s14+$0x30]  }
.Ltmp1:
0x105: {  	(pc) =	sbr.rel @p0 .LBB2_4-.Ltmp1, $2  }
0x106: {  	_ =	sdelay $0x2  }
0x107: {  	s14 =	sadd.s32 $0x80, s14;
	[tilespmem:s10+$0x30] =	vst v4  }
0x108: {  	v4 =	vld [tilespmem:s12+$0xFFFFFFC0];
	_ =	sdelay $0x4  }
0x109: {  	[tilespmem:s11+$0xFFFFFF90] =	vst v4  }
0x10a: {  	v4 =	vld [tilespmem:s12+$0xFFFFFFD0];
	_ =	sdelay $0x4  }
0x10b: {  	[tilespmem:s11+$0xFFFFFFA0] =	vst v4  }
0x10c: {  	v4 =	vld [tilespmem:s12+$0xFFFFFFE0];
	_ =	sdelay $0x4  }
0x10d: {  	[tilespmem:s11+$0xFFFFFFB0] =	vst v4  }
0x10e: {  	v4 =	vld [tilespmem:s12+$0xFFFFFFF0];
	_ =	sdelay $0x4  }
0x10f: {  	[tilespmem:s11+$0xFFFFFFC0] =	vst v4  }
0x110: {  	v4 =	vld [tilespmem:s12+$0x0];
	_ =	sdelay $0x4  }
0x111: {  	[tilespmem:s11+$0xFFFFFFD0] =	vst v4  }
0x112: {  	v4 =	vld [tilespmem:s12+$0x10];
	_ =	sdelay $0x4  }
0x113: {  	[tilespmem:s11+$0xFFFFFFE0] =	vst v4  }
0x114: {  	v4 =	vld [tilespmem:s12+$0x20];
	_ =	sdelay $0x4  }
0x115: {  	[tilespmem:s11+$0xFFFFFFF0] =	vst v4  }
0x116: {  	v4 =	vld [tilespmem:s12+$0x30];
	_ =	sdelay $0x3  }
0x117: {  	s13 =	simm.s32 $0x0  }
0x118: {  	s10 =	simm.s32 $0x32F0;
	s14 =	simm.s32 $0x2C1;
	s12 =	simm.s32 $0x242;
	[tilespmem:s11+$0x0] =	vst v4  }
.LBB2_6:
0x119: {  	v4 =	vld [tilespmem:s14+$0xFFFFFFC0];
	s13 =	sadd.s32 $0x8, s13  }
0x11a: {  	p0 =	slt.u32 s13, $0xF8;
	_ =	sdelay $0x2  }
0x11b: {  	s11 =	sadd.s32 $0x80, s11  }
0x11c: {  	[tilespmem:s11+$0xFFFFFF90] =	vst v4  }
0x11d: {  	v4 =	vld [tilespmem:s14+$0xFFFFFFD0];
	_ =	sdelay $0x4  }
0x11e: {  	[tilespmem:s11+$0xFFFFFFA0] =	vst v4  }
0x11f: {  	v4 =	vld [tilespmem:s14+$0xFFFFFFE0];
	_ =	sdelay $0x4  }
0x120: {  	[tilespmem:s11+$0xFFFFFFB0] =	vst v4  }
0x121: {  	v4 =	vld [tilespmem:s14+$0xFFFFFFF0];
	_ =	sdelay $0x4  }
0x122: {  	[tilespmem:s11+$0xFFFFFFC0] =	vst v4  }
0x123: {  	v4 =	vld [tilespmem:s14+$0x0];
	_ =	sdelay $0x4  }
0x124: {  	[tilespmem:s11+$0xFFFFFFD0] =	vst v4  }
0x125: {  	v4 =	vld [tilespmem:s14+$0x10];
	_ =	sdelay $0x4  }
0x126: {  	[tilespmem:s11+$0xFFFFFFE0] =	vst v4  }
0x127: {  	v4 =	vld [tilespmem:s14+$0x20];
	_ =	sdelay $0x4  }
0x128: {  	[tilespmem:s11+$0xFFFFFFF0] =	vst v4  }
0x129: {  	v4 =	vld [tilespmem:s14+$0x30]  }
.Ltmp2:
0x12a: {  	(pc) =	sbr.rel @p0 .LBB2_6-.Ltmp2, $2  }
0x12b: {  	_ =	sdelay $0x2  }
0x12c: {  	s14 =	sadd.s32 $0x80, s14;
	[tilespmem:s11+$0x0] =	vst v4  }
0x12d: {  	v4 =	vld [tilespmem:s12+$0xFFFFFFC0];
	_ =	sdelay $0x4  }
0x12e: {  	[tilespmem:s10+$0xFFFFFF90] =	vst v4  }
0x12f: {  	v4 =	vld [tilespmem:s12+$0xFFFFFFD0];
	_ =	sdelay $0x4  }
0x130: {  	[tilespmem:s10+$0xFFFFFFA0] =	vst v4  }
0x131: {  	v4 =	vld [tilespmem:s12+$0xFFFFFFE0];
	_ =	sdelay $0x4  }
0x132: {  	[tilespmem:s10+$0xFFFFFFB0] =	vst v4  }
0x133: {  	v4 =	vld [tilespmem:s12+$0xFFFFFFF0];
	_ =	sdelay $0x4  }
0x134: {  	[tilespmem:s10+$0xFFFFFFC0] =	vst v4  }
0x135: {  	v4 =	vld [tilespmem:s12+$0x0];
	_ =	sdelay $0x4  }
0x136: {  	[tilespmem:s10+$0xFFFFFFD0] =	vst v4  }
0x137: {  	v4 =	vld [tilespmem:s12+$0x10];
	_ =	sdelay $0x4  }
0x138: {  	[tilespmem:s10+$0xFFFFFFE0] =	vst v4  }
0x139: {  	v4 =	vld [tilespmem:s12+$0x20];
	_ =	sdelay $0x4  }
0x13a: {  	[tilespmem:s10+$0xFFFFFFF0] =	vst v4  }
0x13b: {  	v4 =	vld [tilespmem:s12+$0x30];
	_ =	sdelay $0x3  }
0x13c: {  	s13 =	simm.s32 $0x0  }
0x13d: {  	s14 =	simm.s32 $0x2C2;
	s11 =	simm.s32 $0x42F0;
	s12 =	simm.s32 $0x243;
	[tilespmem:s10+$0x0] =	vst v4  }
.LBB2_8:
0x13e: {  	v4 =	vld [tilespmem:s14+$0xFFFFFFC0];
	s13 =	sadd.s32 $0x8, s13  }
0x13f: {  	p0 =	slt.u32 s13, $0xF8;
	_ =	sdelay $0x2  }
0x140: {  	s10 =	sadd.s32 $0x80, s10  }
0x141: {  	[tilespmem:s10+$0xFFFFFF90] =	vst v4  }
0x142: {  	v4 =	vld [tilespmem:s14+$0xFFFFFFD0];
	_ =	sdelay $0x4  }
0x143: {  	[tilespmem:s10+$0xFFFFFFA0] =	vst v4  }
0x144: {  	v4 =	vld [tilespmem:s14+$0xFFFFFFE0];
	_ =	sdelay $0x4  }
0x145: {  	[tilespmem:s10+$0xFFFFFFB0] =	vst v4  }
0x146: {  	v4 =	vld [tilespmem:s14+$0xFFFFFFF0];
	_ =	sdelay $0x4  }
0x147: {  	[tilespmem:s10+$0xFFFFFFC0] =	vst v4  }
0x148: {  	v4 =	vld [tilespmem:s14+$0x0];
	_ =	sdelay $0x4  }
0x149: {  	[tilespmem:s10+$0xFFFFFFD0] =	vst v4  }
0x14a: {  	v4 =	vld [tilespmem:s14+$0x10];
	_ =	sdelay $0x4  }
0x14b: {  	[tilespmem:s10+$0xFFFFFFE0] =	vst v4  }
0x14c: {  	v4 =	vld [tilespmem:s14+$0x20];
	_ =	sdelay $0x4  }
0x14d: {  	[tilespmem:s10+$0xFFFFFFF0] =	vst v4  }
0x14e: {  	v4 =	vld [tilespmem:s14+$0x30]  }
.Ltmp3:
0x14f: {  	(pc) =	sbr.rel @p0 .LBB2_8-.Ltmp3, $2  }
0x150: {  	_ =	sdelay $0x2  }
0x151: {  	s14 =	sadd.s32 $0x80, s14;
	[tilespmem:s10+$0x0] =	vst v4  }
0x152: {  	v4 =	vld [tilespmem:s12+$0xFFFFFFC0];
	_ =	sdelay $0x4  }
0x153: {  	[tilespmem:s11+$0xFFFFFF90] =	vst v4  }
0x154: {  	v4 =	vld [tilespmem:s12+$0xFFFFFFD0];
	_ =	sdelay $0x4  }
0x155: {  	[tilespmem:s11+$0xFFFFFFA0] =	vst v4  }
0x156: {  	v4 =	vld [tilespmem:s12+$0xFFFFFFE0];
	_ =	sdelay $0x4  }
0x157: {  	[tilespmem:s11+$0xFFFFFFB0] =	vst v4  }
0x158: {  	v4 =	vld [tilespmem:s12+$0xFFFFFFF0];
	_ =	sdelay $0x4  }
0x159: {  	[tilespmem:s11+$0xFFFFFFC0] =	vst v4  }
0x15a: {  	v4 =	vld [tilespmem:s12+$0x0];
	_ =	sdelay $0x4  }
0x15b: {  	[tilespmem:s11+$0xFFFFFFD0] =	vst v4  }
0x15c: {  	v4 =	vld [tilespmem:s12+$0x10];
	_ =	sdelay $0x4  }
0x15d: {  	[tilespmem:s11+$0xFFFFFFE0] =	vst v4  }
0x15e: {  	v4 =	vld [tilespmem:s12+$0x20];
	_ =	sdelay $0x4  }
0x15f: {  	[tilespmem:s11+$0xFFFFFFF0] =	vst v4  }
0x160: {  	v4 =	vld [tilespmem:s12+$0x30];
	_ =	sdelay $0x4  }
0x161: {  	s10 =	simm.s32 $0x0;
	s12 =	simm.s32 $0x2C3;
	[tilespmem:s11+$0x0] =	vst v4  }
.LBB2_10:
0x162: {  	v4 =	vld [tilespmem:s12+$0xFFFFFFC0];
	s10 =	sadd.s32 $0x8, s10  }
0x163: {  	p0 =	slt.u32 s10, $0xF8;
	_ =	sdelay $0x2  }
0x164: {  	s11 =	sadd.s32 $0x80, s11  }
0x165: {  	[tilespmem:s11+$0xFFFFFF90] =	vst v4  }
0x166: {  	v4 =	vld [tilespmem:s12+$0xFFFFFFD0];
	_ =	sdelay $0x4  }
0x167: {  	[tilespmem:s11+$0xFFFFFFA0] =	vst v4  }
0x168: {  	v4 =	vld [tilespmem:s12+$0xFFFFFFE0];
	_ =	sdelay $0x4  }
0x169: {  	[tilespmem:s11+$0xFFFFFFB0] =	vst v4  }
0x16a: {  	v4 =	vld [tilespmem:s12+$0xFFFFFFF0];
	_ =	sdelay $0x4  }
0x16b: {  	[tilespmem:s11+$0xFFFFFFC0] =	vst v4  }
0x16c: {  	v4 =	vld [tilespmem:s12+$0x0];
	_ =	sdelay $0x4  }
0x16d: {  	[tilespmem:s11+$0xFFFFFFD0] =	vst v4  }
0x16e: {  	v4 =	vld [tilespmem:s12+$0x10];
	_ =	sdelay $0x4  }
0x16f: {  	[tilespmem:s11+$0xFFFFFFE0] =	vst v4  }
0x170: {  	v4 =	vld [tilespmem:s12+$0x20];
	_ =	sdelay $0x4  }
0x171: {  	[tilespmem:s11+$0xFFFFFFF0] =	vst v4  }
0x172: {  	v4 =	vld [tilespmem:s12+$0x30]  }
.Ltmp4:
0x173: {  	(pc) =	sbr.rel @p0 .LBB2_10-.Ltmp4, $2  }
0x174: {  	_ =	sdelay $0x2  }
0x175: {  	s12 =	sadd.s32 $0x80, s12;
	[tilespmem:s11+$0x0] =	vst v4  }
0x176: {  	s10 =	simm.s32 $0x0  }
0x177: {  	v8 =	vld [tilespmem:s10+$0x274]  }
0x178: {  	v9 =	vld [tilespmem:s10+$0x204]  }
0x179: {  	v7 =	vld [tilespmem:s10+$0x214]  }
0x17a: {  	v4 =	vld [tilespmem:s10+$0x224]  }
0x17b: {  	v5 =	vld [tilespmem:s10+$0x234]  }
0x17c: {  	v6 =	vld [tilespmem:s10+$0x244];
	[tilespmem:s10+$0x52F0] =	vst v8  }
0x17d: {  	s12 =	simm.s32 $0x0;
	s13 =	simm.s32 $0x200;
	s11 =	simm.s32 $0x0;
	[tilespmem:s10+$0x5280] =	vst v9;
	v8 =	vld [tilespmem:s10+$0x254]  }
.LBB2_12:
0x17e: {  	s14 =	sshra.s32 s13, $0x2;
	s12 =	sadd.s32 $0x8, s12;
	[tilespmem:s11+$0x5290] =	vst v7;
	v9 =	vld [tilespmem:s11+$0x264]  }
0x17f: {  	v10 =	vld [tilespmem:s14+$0x274];
	p0 =	slt.u32 s12, $0xF8;
	[tilespmem:s11+$0x52A0] =	vst v4  }
0x180: {  	v11 =	vld [tilespmem:s14+$0x204];
	[tilespmem:s11+$0x52B0] =	vst v5  }
.Ltmp5:
0x181: {  	v7 =	vld [tilespmem:s14+$0x214];
	[tilespmem:s11+$0x52C0] =	vst v6;
	(pc) =	sbr.rel @p0 .LBB2_12-.Ltmp5, $4  }
0x182: {  	v4 =	vld [tilespmem:s14+$0x224];
	[tilespmem:s11+$0x52D0] =	vst v8  }
0x183: {  	v5 =	vld [tilespmem:s14+$0x234];
	[tilespmem:s11+$0x52E0] =	vst v9;
	s11 =	smov.u32 s14  }
0x184: {  	v6 =	vld [tilespmem:s11+$0x244];
	[tilespmem:s11+$0x52F0] =	vst v10  }
0x185: {  	s13 =	sadd.s32 $0x200, s13;
	[tilespmem:s11+$0x5280] =	vst v11;
	v8 =	vld [tilespmem:s11+$0x254]  }
0x186: {  	[tilespmem:s11+$0x5290] =	vst v7;
	v7 =	vld [tilespmem:s11+$0x264]  }
0x187: {  	[tilespmem:s11+$0x52A0] =	vst v4  }
0x188: {  	[tilespmem:s11+$0x52B0] =	vst v5  }
0x189: {  	[tilespmem:s11+$0x52C0] =	vst v6  }
0x18a: {  	[tilespmem:s11+$0x52D0] =	vst v8  }
0x18b: {  	[tilespmem:s11+$0x52E0] =	vst v7  }
0x18c: {  	v8 =	vld [tilespmem:s10+$0x275]  }
0x18d: {  	v9 =	vld [tilespmem:s10+$0x205]  }
0x18e: {  	v7 =	vld [tilespmem:s10+$0x215]  }
0x18f: {  	v4 =	vld [tilespmem:s10+$0x225]  }
0x190: {  	v5 =	vld [tilespmem:s10+$0x235]  }
0x191: {  	v6 =	vld [tilespmem:s10+$0x245];
	[tilespmem:s10+$0x62F0] =	vst v8  }
0x192: {  	s12 =	simm.s32 $0x200;
	s11 =	simm.s32 $0x0;
	[tilespmem:s10+$0x6280] =	vst v9;
	v8 =	vld [tilespmem:s10+$0x255]  }
.LBB2_14:
0x193: {  	s13 =	sshra.s32 s12, $0x2;
	s11 =	sadd.s32 $0x8, s11;
	[tilespmem:s10+$0x6290] =	vst v7;
	v9 =	vld [tilespmem:s10+$0x265]  }
0x194: {  	v10 =	vld [tilespmem:s13+$0x275];
	p0 =	slt.u32 s11, $0xF8;
	[tilespmem:s10+$0x62A0] =	vst v4  }
0x195: {  	v11 =	vld [tilespmem:s13+$0x205];
	[tilespmem:s10+$0x62B0] =	vst v5  }
.Ltmp6:
0x196: {  	v7 =	vld [tilespmem:s13+$0x215];
	[tilespmem:s10+$0x62C0] =	vst v6;
	(pc) =	sbr.rel @p0 .LBB2_14-.Ltmp6, $4  }
0x197: {  	v4 =	vld [tilespmem:s13+$0x225];
	[tilespmem:s10+$0x62D0] =	vst v8  }
0x198: {  	v5 =	vld [tilespmem:s13+$0x235];
	[tilespmem:s10+$0x62E0] =	vst v9;
	s10 =	smov.u32 s13  }
0x199: {  	v6 =	vld [tilespmem:s10+$0x245];
	[tilespmem:s10+$0x62F0] =	vst v10  }
0x19a: {  	s12 =	sadd.s32 $0x200, s12;
	[tilespmem:s10+$0x6280] =	vst v11;
	v8 =	vld [tilespmem:s10+$0x255]  }
0x19b: {  	[tilespmem:s10+$0x6290] =	vst v7;
	v7 =	vld [tilespmem:s10+$0x265]  }
0x19c: {  	[tilespmem:s10+$0x62A0] =	vst v4  }
0x19d: {  	[tilespmem:s10+$0x62B0] =	vst v5  }
0x19e: {  	[tilespmem:s10+$0x62C0] =	vst v6  }
0x19f: {  	[tilespmem:s10+$0x62D0] =	vst v8  }
0x1a0: {  	s12 =	simm.s32 $0x0;
	[tilespmem:s10+$0x62E0] =	vst v7  }
0x1a1: {  	v8 =	vld [tilespmem:s12+$0x276]  }
0x1a2: {  	v9 =	vld [tilespmem:s12+$0x206]  }
0x1a3: {  	v7 =	vld [tilespmem:s12+$0x216]  }
0x1a4: {  	v4 =	vld [tilespmem:s12+$0x226]  }
0x1a5: {  	v5 =	vld [tilespmem:s12+$0x236]  }
0x1a6: {  	v6 =	vld [tilespmem:s12+$0x246];
	[tilespmem:s12+$0x72F0] =	vst v8  }
0x1a7: {  	s11 =	simm.s32 $0x0;
	s13 =	simm.s32 $0x200;
	s10 =	simm.s32 $0x0;
	[tilespmem:s12+$0x7280] =	vst v9;
	v8 =	vld [tilespmem:s12+$0x256]  }
.LBB2_16:
0x1a8: {  	s14 =	sshra.s32 s13, $0x2;
	s11 =	sadd.s32 $0x8, s11;
	[tilespmem:s10+$0x7290] =	vst v7;
	v9 =	vld [tilespmem:s10+$0x266]  }
0x1a9: {  	v10 =	vld [tilespmem:s14+$0x276];
	p0 =	slt.u32 s11, $0xF8;
	[tilespmem:s10+$0x72A0] =	vst v4  }
0x1aa: {  	v11 =	vld [tilespmem:s14+$0x206];
	[tilespmem:s10+$0x72B0] =	vst v5  }
.Ltmp7:
0x1ab: {  	v7 =	vld [tilespmem:s14+$0x216];
	[tilespmem:s10+$0x72C0] =	vst v6;
	(pc) =	sbr.rel @p0 .LBB2_16-.Ltmp7, $4  }
0x1ac: {  	v4 =	vld [tilespmem:s14+$0x226];
	[tilespmem:s10+$0x72D0] =	vst v8  }
0x1ad: {  	v5 =	vld [tilespmem:s14+$0x236];
	[tilespmem:s10+$0x72E0] =	vst v9;
	s10 =	smov.u32 s14  }
0x1ae: {  	v6 =	vld [tilespmem:s10+$0x246];
	[tilespmem:s10+$0x72F0] =	vst v10  }
0x1af: {  	s13 =	sadd.s32 $0x200, s13;
	[tilespmem:s10+$0x7280] =	vst v11;
	v8 =	vld [tilespmem:s10+$0x256]  }
0x1b0: {  	[tilespmem:s10+$0x7290] =	vst v7;
	v7 =	vld [tilespmem:s10+$0x266]  }
0x1b1: {  	[tilespmem:s10+$0x72A0] =	vst v4  }
0x1b2: {  	[tilespmem:s10+$0x72B0] =	vst v5  }
0x1b3: {  	[tilespmem:s10+$0x72C0] =	vst v6  }
0x1b4: {  	[tilespmem:s10+$0x72D0] =	vst v8  }
0x1b5: {  	[tilespmem:s10+$0x72E0] =	vst v7  }
0x1b6: {  	v7 =	vld [tilespmem:s12+$0x277]  }
0x1b7: {  	v9 =	vld [tilespmem:s12+$0x207]  }
0x1b8: {  	v8 =	vld [tilespmem:s12+$0x217]  }
0x1b9: {  	v6 =	vld [tilespmem:s12+$0x227]  }
0x1ba: {  	v4 =	vld [tilespmem:s12+$0x237]  }
0x1bb: {  	v5 =	vld [tilespmem:s12+$0x247];
	[tilespmem:s12+$0x82F0] =	vst v7  }
0x1bc: {  	s11 =	simm.s32 $0x200;
	s10 =	simm.s32 $0x0;
	[tilespmem:s12+$0x8280] =	vst v9;
	v7 =	vld [tilespmem:s12+$0x257]  }
.LBB2_18:
0x1bd: {  	s13 =	sshra.s32 s11, $0x2;
	s10 =	sadd.s32 $0x8, s10;
	[tilespmem:s12+$0x8290] =	vst v8;
	v9 =	vld [tilespmem:s12+$0x267]  }
0x1be: {  	v10 =	vld [tilespmem:s13+$0x277];
	p0 =	slt.u32 s10, $0xF8;
	[tilespmem:s12+$0x82A0] =	vst v6  }
0x1bf: {  	v11 =	vld [tilespmem:s13+$0x207];
	[tilespmem:s12+$0x82B0] =	vst v4  }
.Ltmp8:
0x1c0: {  	v8 =	vld [tilespmem:s13+$0x217];
	[tilespmem:s12+$0x82C0] =	vst v5;
	(pc) =	sbr.rel @p0 .LBB2_18-.Ltmp8, $4  }
0x1c1: {  	v6 =	vld [tilespmem:s13+$0x227];
	[tilespmem:s12+$0x82D0] =	vst v7  }
0x1c2: {  	v4 =	vld [tilespmem:s13+$0x237];
	[tilespmem:s12+$0x82E0] =	vst v9;
	s12 =	smov.u32 s13  }
0x1c3: {  	v5 =	vld [tilespmem:s12+$0x247];
	[tilespmem:s12+$0x82F0] =	vst v10  }
0x1c4: {  	s11 =	sadd.s32 $0x200, s11;
	[tilespmem:s12+$0x8280] =	vst v11;
	v7 =	vld [tilespmem:s12+$0x257]  }
0x1c5: {  	[tilespmem:s12+$0x8290] =	vst v8;
	v63 =	vld [tilespmem:s12+$0x267]  }
0x1c6: {  	s10 =	rddreg [dreg:$0x3];
	[tilespmem:s12+$0x82A0] =	vst v6  }
0x1c7: {  	s10 =	sadd.s32 $0x0, s10;
	[tilespmem:s12+$0x82B0] =	vst v4  }
0x1c8: {  	s11 =	rddreg [dreg:$0x4];
	s13 =	sshll.u32 s10, $0x8;
	[tilespmem:s12+$0x82C0] =	vst v5  }
0x1c9: {  	s30 =	rddreg [dreg:$0x5];
	s11 =	sadd.s32 s11, s13;
	[tilespmem:s12+$0x82D0] =	vst v7  }
0x1ca: {  	s15 =	rddreg [dreg:$0x6];
	s14 =	ssub.s32 $0x8A78, s10;
	s31 =	sadd.s32 s1, s11;
	[tilespmem:s12+$0x82E0] =	vst v63  }
0x1cb: {  	[hbm4b:s31+s2] =	stream.linear.scatter [tilespmem:s14], [sflag:$0x1], $0x80, $0x38;
	[tilespmem:$0x9280] =	vst v63  }
0x1cc: {  	s18 =	rddreg [dreg:$0x7];
	s17 =	ssub.s32 $0x8AF8, s10;
	s16 =	sadd.s32 s11, s30  }
0x1cd: {  	[hbm4b:s16+s2] =	stream.linear.scatter [tilespmem:s17], [sflag:$0x1], $0x80, $0x38;
	[tilespmem:$0x9280] =	vst v63  }
0x1ce: {  	s21 =	rddreg [dreg:$0x8];
	s20 =	ssub.s32 $0x8B78, s10;
	s19 =	sadd.s32 s11, s15  }
0x1cf: {  	[hbm4b:s19+s2] =	stream.linear.scatter [tilespmem:s20], [sflag:$0x1], $0x80, $0x38;
	[tilespmem:$0x9280] =	vst v63  }
0x1d0: {  	s24 =	rddreg [dreg:$0x9];
	s23 =	ssub.s32 $0x8BF8, s10;
	s22 =	sadd.s32 s11, s18  }
0x1d1: {  	[hbm4b:s22+s2] =	stream.linear.scatter [tilespmem:s23], [sflag:$0x1], $0x80, $0x38;
	[tilespmem:$0x9280] =	vst v63  }
0x1d2: {  	s28 =	rddreg [dreg:$0xa];
	s26 =	ssub.s32 $0x8C78, s10;
	s25 =	sadd.s32 s11, s21  }
0x1d3: {  	[hbm4b:s25+s2] =	stream.linear.scatter [tilespmem:s26], [sflag:$0x1], $0x80, $0x38;
	[tilespmem:$0x9280] =	vst v63  }
0x1d4: {  	s29 =	sadd.s32 s11, s24;
	s30 =	ssub.s32 $0x8CF8, s10;
	s18 =	rddreg [dreg:$0xc]  }
0x1d5: {  	[hbm4b:s29+s2] =	stream.linear.scatter [tilespmem:s30], [sflag:$0x1], $0x80, $0x38;
	[tilespmem:$0x9280] =	vst v63  }
0x1d6: {  	s31 =	rddreg [dreg:$0xb];
	s16 =	sadd.s32 s11, s28;
	s17 =	ssub.s32 $0x8D78, s10  }
0x1d7: {  	[hbm4b:s16+s2] =	stream.linear.scatter [tilespmem:s17], [sflag:$0x1], $0x80, $0x38;
	[tilespmem:$0x9280] =	vst v63  }
0x1d8: {  	s21 =	rddreg [dreg:$0xd];
	s19 =	sadd.s32 s11, s31;
	s20 =	ssub.s32 $0x8DF8, s10  }
0x1d9: {  	[hbm4b:s19+s2] =	stream.linear.scatter [tilespmem:s20], [sflag:$0x1], $0x80, $0x38;
	[tilespmem:$0x9280] =	vst v63  }
0x1da: {  	s24 =	rddreg [dreg:$0xe];
	s22 =	sadd.s32 s11, s18;
	s23 =	ssub.s32 $0x8E78, s10  }
0x1db: {  	[hbm4b:s22+s2] =	stream.linear.scatter [tilespmem:s23], [sflag:$0x1], $0x80, $0x38;
	[tilespmem:$0x9280] =	vst v63  }
0x1dc: {  	s28 =	rddreg [dreg:$0xf];
	s25 =	sadd.s32 s11, s21;
	s26 =	ssub.s32 $0x8EF8, s10  }
0x1dd: {  	[hbm4b:s25+s2] =	stream.linear.scatter [tilespmem:s26], [sflag:$0x1], $0x80, $0x38;
	[tilespmem:$0x9280] =	vst v63  }
0x1de: {  	s31 =	rddreg [dreg:$0x10];
	s29 =	sadd.s32 s11, s24;
	s30 =	ssub.s32 $0x8F78, s10  }
0x1df: {  	[hbm4b:s29+s2] =	stream.linear.scatter [tilespmem:s30], [sflag:$0x1], $0x80, $0x38;
	[tilespmem:$0x9280] =	vst v63  }
0x1e0: {  	s18 =	rddreg [dreg:$0x11];
	s16 =	sadd.s32 s11, s28;
	s17 =	ssub.s32 $0x8FF8, s10  }
0x1e1: {  	[hbm4b:s16+s2] =	stream.linear.scatter [tilespmem:s17], [sflag:$0x1], $0x80, $0x38;
	[tilespmem:$0x9280] =	vst v63  }
0x1e2: {  	s21 =	rddreg [dreg:$0x12];
	s19 =	sadd.s32 s11, s31;
	s20 =	ssub.s32 $0x9078, s10  }
0x1e3: {  	[hbm4b:s19+s2] =	stream.linear.scatter [tilespmem:s20], [sflag:$0x1], $0x80, $0x38;
	[tilespmem:$0x9280] =	vst v63  }
0x1e4: {  	s24 =	rddreg [dreg:$0x13];
	s22 =	sadd.s32 s11, s18;
	s23 =	ssub.s32 $0x90F8, s10  }
0x1e5: {  	[hbm4b:s22+s2] =	stream.linear.scatter [tilespmem:s23], [sflag:$0x1], $0x80, $0x38;
	[tilespmem:$0x9280] =	vst v63  }
0x1e6: {  	s28 =	rddreg [dreg:$0x14];
	s25 =	sadd.s32 s11, s21;
	s26 =	ssub.s32 $0x9178, s10  }
0x1e7: {  	[hbm4b:s25+s2] =	stream.linear.scatter [tilespmem:s26], [sflag:$0x1], $0x80, $0x38;
	[tilespmem:$0x9280] =	vst v63  }
0x1e8: {  	s31 =	rddreg [dreg:$0x15];
	s29 =	sadd.s32 s11, s24;
	s30 =	ssub.s32 $0x91F8, s10  }
0x1e9: {  	[hbm4b:s29+s2] =	stream.linear.scatter [tilespmem:s30], [sflag:$0x1], $0x80, $0x38;
	[tilespmem:$0x9280] =	vst v63  }
0x1ea: {  	s18 =	rddreg [dreg:$0x16];
	s16 =	ssub.s32 $0x7A78, s10;
	s17 =	sadd.s32 s11, s28  }
0x1eb: {  	[hbm4b:s17+s2] =	stream.linear.scatter [tilespmem:s16], [sflag:$0x1], $0x80, $0x38;
	[tilespmem:$0x9280] =	vst v63  }
0x1ec: {  	s21 =	rddreg [dreg:$0x17];
	s19 =	ssub.s32 $0x7AF8, s10;
	s20 =	sadd.s32 s11, s31  }
0x1ed: {  	[hbm4b:s20+s2] =	stream.linear.scatter [tilespmem:s19], [sflag:$0x1], $0x80, $0x38;
	[tilespmem:$0x9280] =	vst v63  }
0x1ee: {  	s24 =	rddreg [dreg:$0x18];
	s22 =	ssub.s32 $0x7B78, s10;
	s23 =	sadd.s32 s11, s18  }
0x1ef: {  	[hbm4b:s23+s2] =	stream.linear.scatter [tilespmem:s22], [sflag:$0x1], $0x80, $0x38;
	[tilespmem:$0x9280] =	vst v63  }
0x1f0: {  	s28 =	rddreg [dreg:$0x19];
	s25 =	ssub.s32 $0x7BF8, s10;
	s26 =	sadd.s32 s11, s21  }
0x1f1: {  	[hbm4b:s26+s2] =	stream.linear.scatter [tilespmem:s25], [sflag:$0x1], $0x80, $0x38;
	[tilespmem:$0x9280] =	vst v63  }
0x1f2: {  	s31 =	rddreg [dreg:$0x1a];
	s29 =	ssub.s32 $0x7C78, s10;
	s30 =	sadd.s32 s11, s24  }
0x1f3: {  	[hbm4b:s30+s2] =	stream.linear.scatter [tilespmem:s29], [sflag:$0x1], $0x80, $0x38;
	[tilespmem:$0x9280] =	vst v63  }
0x1f4: {  	s18 =	rddreg [dreg:$0x1b];
	s16 =	ssub.s32 $0x7CF8, s10;
	s17 =	sadd.s32 s11, s28  }
0x1f5: {  	[hbm4b:s17+s2] =	stream.linear.scatter [tilespmem:s16], [sflag:$0x1], $0x80, $0x38;
	[tilespmem:$0x9280] =	vst v63  }
0x1f6: {  	s21 =	rddreg [dreg:$0x1c];
	s19 =	ssub.s32 $0x7D78, s10;
	s20 =	sadd.s32 s11, s31  }
0x1f7: {  	[hbm4b:s20+s2] =	stream.linear.scatter [tilespmem:s19], [sflag:$0x1], $0x80, $0x38;
	[tilespmem:$0x9280] =	vst v63  }
0x1f8: {  	s24 =	rddreg [dreg:$0x1d];
	s22 =	ssub.s32 $0x7DF8, s10;
	s23 =	sadd.s32 s11, s18  }
0x1f9: {  	[hbm4b:s23+s2] =	stream.linear.scatter [tilespmem:s22], [sflag:$0x1], $0x80, $0x38;
	[tilespmem:$0x9280] =	vst v63  }
0x1fa: {  	s28 =	rddreg [dreg:$0x1e];
	s25 =	ssub.s32 $0x7E78, s10;
	s26 =	sadd.s32 s11, s21  }
0x1fb: {  	[hbm4b:s26+s2] =	stream.linear.scatter [tilespmem:s25], [sflag:$0x1], $0x80, $0x38;
	[tilespmem:$0x9280] =	vst v63  }
0x1fc: {  	s31 =	rddreg [dreg:$0x1f];
	s29 =	ssub.s32 $0x7EF8, s10;
	s30 =	sadd.s32 s11, s24  }
0x1fd: {  	[hbm4b:s30+s2] =	stream.linear.scatter [tilespmem:s29], [sflag:$0x1], $0x80, $0x38;
	[tilespmem:$0x9280] =	vst v63  }
0x1fe: {  	s18 =	sld [smem:$0x79A];
	s16 =	ssub.s32 $0x7F78, s10;
	s17 =	sadd.s32 s11, s28  }
0x1ff: {  	[hbm4b:s17+s2] =	stream.linear.scatter [tilespmem:s16], [sflag:$0x1], $0x80, $0x38;
	[tilespmem:$0x9280] =	vst v63  }
0x200: {  	s21 =	sld [smem:$0x79B];
	s19 =	sadd.s32 s11, s31;
	s20 =	ssub.s32 $0x7FF8, s10  }
0x201: {  	[hbm4b:s19+s2] =	stream.linear.scatter [tilespmem:s20], [sflag:$0x1], $0x80, $0x38;
	[tilespmem:$0x9280] =	vst v63  }
0x202: {  	s24 =	sld [smem:$0x79C];
	s22 =	sadd.s32 s11, s18;
	s23 =	ssub.s32 $0x8078, s10  }
0x203: {  	[hbm4b:s22+s2] =	stream.linear.scatter [tilespmem:s23], [sflag:$0x1], $0x80, $0x38;
	[tilespmem:$0x9280] =	vst v63  }
0x204: {  	s28 =	sld [smem:$0x79D];
	s25 =	sadd.s32 s11, s21;
	s26 =	ssub.s32 $0x80F8, s10  }
0x205: {  	[hbm4b:s25+s2] =	stream.linear.scatter [tilespmem:s26], [sflag:$0x1], $0x80, $0x38;
	[tilespmem:$0x9280] =	vst v63  }
0x206: {  	s31 =	sld [smem:$0x79E];
	s29 =	sadd.s32 s11, s24;
	s30 =	ssub.s32 $0x8178, s10  }
0x207: {  	[hbm4b:s29+s2] =	stream.linear.scatter [tilespmem:s30], [sflag:$0x1], $0x80, $0x38;
	[tilespmem:$0x9280] =	vst v63  }
0x208: {  	s18 =	sld [smem:$0x79F];
	s16 =	sadd.s32 s11, s28;
	s17 =	ssub.s32 $0x81F8, s10  }
0x209: {  	[hbm4b:s16+s2] =	stream.linear.scatter [tilespmem:s17], [sflag:$0x1], $0x80, $0x38;
	[tilespmem:$0x9280] =	vst v63  }
0x20a: {  	s21 =	sld [smem:$0x7A0];
	s19 =	ssub.s32 $0x6A78, s10;
	s20 =	sadd.s32 s11, s31  }
0x20b: {  	[hbm4b:s20+s2] =	stream.linear.scatter [tilespmem:s19], [sflag:$0x1], $0x80, $0x38;
	[tilespmem:$0x9280] =	vst v63  }
0x20c: {  	s24 =	sld [smem:$0x7A1];
	s22 =	ssub.s32 $0x6AF8, s10;
	s23 =	sadd.s32 s11, s18  }
0x20d: {  	[hbm4b:s23+s2] =	stream.linear.scatter [tilespmem:s22], [sflag:$0x1], $0x80, $0x38;
	[tilespmem:$0x9280] =	vst v63  }
0x20e: {  	s28 =	sld [smem:$0x7A2];
	s25 =	ssub.s32 $0x6B78, s10;
	s26 =	sadd.s32 s11, s21  }
0x20f: {  	[hbm4b:s26+s2] =	stream.linear.scatter [tilespmem:s25], [sflag:$0x1], $0x80, $0x38;
	[tilespmem:$0x9280] =	vst v63  }
0x210: {  	s31 =	sld [smem:$0x7A3];
	s29 =	ssub.s32 $0x6BF8, s10;
	s30 =	sadd.s32 s11, s24  }
0x211: {  	[hbm4b:s30+s2] =	stream.linear.scatter [tilespmem:s29], [sflag:$0x1], $0x80, $0x38;
	[tilespmem:$0x9280] =	vst v63  }
0x212: {  	s18 =	sld [smem:$0x7A4];
	s16 =	ssub.s32 $0x6C78, s10;
	s17 =	sadd.s32 s11, s28  }
0x213: {  	[hbm4b:s17+s2] =	stream.linear.scatter [tilespmem:s16], [sflag:$0x1], $0x80, $0x38;
	[tilespmem:$0x9280] =	vst v63  }
0x214: {  	s21 =	sld [smem:$0x7A5];
	s19 =	ssub.s32 $0x6CF8, s10;
	s20 =	sadd.s32 s11, s31  }
0x215: {  	[hbm4b:s20+s2] =	stream.linear.scatter [tilespmem:s19], [sflag:$0x1], $0x80, $0x38;
	[tilespmem:$0x9280] =	vst v63  }
0x216: {  	s24 =	sld [smem:$0x7A6];
	s22 =	ssub.s32 $0x6D78, s10;
	s23 =	sadd.s32 s11, s18  }
0x217: {  	[hbm4b:s23+s2] =	stream.linear.scatter [tilespmem:s22], [sflag:$0x1], $0x80, $0x38;
	[tilespmem:$0x9280] =	vst v63  }
0x218: {  	s28 =	sld [smem:$0x7A7];
	s25 =	ssub.s32 $0x6DF8, s10;
	s26 =	sadd.s32 s11, s21  }
0x219: {  	[hbm4b:s26+s2] =	stream.linear.scatter [tilespmem:s25], [sflag:$0x1], $0x80, $0x38;
	[tilespmem:$0x9280] =	vst v63  }
0x21a: {  	s31 =	sld [smem:$0x7A8];
	s29 =	ssub.s32 $0x6E78, s10;
	s30 =	sadd.s32 s11, s24  }
0x21b: {  	[hbm4b:s30+s2] =	stream.linear.scatter [tilespmem:s29], [sflag:$0x1], $0x80, $0x38;
	[tilespmem:$0x9280] =	vst v63  }
0x21c: {  	s18 =	sld [smem:$0x7A9];
	s16 =	ssub.s32 $0x6EF8, s10;
	s17 =	sadd.s32 s11, s28  }
0x21d: {  	[hbm4b:s17+s2] =	stream.linear.scatter [tilespmem:s16], [sflag:$0x1], $0x80, $0x38;
	[tilespmem:$0x9280] =	vst v63  }
0x21e: {  	s21 =	sld [smem:$0x7AA];
	s19 =	ssub.s32 $0x6F78, s10;
	s20 =	sadd.s32 s11, s31  }
0x21f: {  	[hbm4b:s20+s2] =	stream.linear.scatter [tilespmem:s19], [sflag:$0x1], $0x80, $0x38;
	[tilespmem:$0x9280] =	vst v63  }
0x220: {  	s24 =	sld [smem:$0x7AB];
	s22 =	sadd.s32 s11, s18;
	s23 =	ssub.s32 $0x6FF8, s10  }
0x221: {  	[hbm4b:s22+s2] =	stream.linear.scatter [tilespmem:s23], [sflag:$0x1], $0x80, $0x38;
	[tilespmem:$0x9280] =	vst v63  }
0x222: {  	s28 =	sld [smem:$0x7AC];
	s25 =	sadd.s32 s11, s21;
	s26 =	ssub.s32 $0x7078, s10  }
0x223: {  	[hbm4b:s25+s2] =	stream.linear.scatter [tilespmem:s26], [sflag:$0x1], $0x80, $0x38;
	[tilespmem:$0x9280] =	vst v63  }
0x224: {  	s31 =	sld [smem:$0x7AD];
	s29 =	sadd.s32 s11, s24;
	s30 =	ssub.s32 $0x70F8, s10  }
0x225: {  	[hbm4b:s29+s2] =	stream.linear.scatter [tilespmem:s30], [sflag:$0x1], $0x80, $0x38;
	[tilespmem:$0x9280] =	vst v63  }
0x226: {  	s18 =	sld [smem:$0x7AE];
	s16 =	sadd.s32 s11, s28;
	s17 =	ssub.s32 $0x7178, s10  }
0x227: {  	[hbm4b:s16+s2] =	stream.linear.scatter [tilespmem:s17], [sflag:$0x1], $0x80, $0x38;
	[tilespmem:$0x9280] =	vst v63  }
0x228: {  	s21 =	sld [smem:$0x7AF];
	s19 =	sadd.s32 s11, s31;
	s20 =	ssub.s32 $0x71F8, s10  }
0x229: {  	[hbm4b:s19+s2] =	stream.linear.scatter [tilespmem:s20], [sflag:$0x1], $0x80, $0x38;
	[tilespmem:$0x9280] =	vst v63  }
0x22a: {  	s24 =	sld [smem:$0x7B0];
	s22 =	ssub.s32 $0x5A78, s10;
	s23 =	sadd.s32 s11, s18  }
0x22b: {  	[hbm4b:s23+s2] =	stream.linear.scatter [tilespmem:s22], [sflag:$0x1], $0x80, $0x38;
	[tilespmem:$0x9280] =	vst v63  }
0x22c: {  	s28 =	sld [smem:$0x7B1];
	s25 =	ssub.s32 $0x5AF8, s10;
	s26 =	sadd.s32 s11, s21  }
0x22d: {  	[hbm4b:s26+s2] =	stream.linear.scatter [tilespmem:s25], [sflag:$0x1], $0x80, $0x38;
	[tilespmem:$0x9280] =	vst v63  }
0x22e: {  	s31 =	sld [smem:$0x7B2];
	s29 =	ssub.s32 $0x5B78, s10;
	s30 =	sadd.s32 s11, s24  }
0x22f: {  	[hbm4b:s30+s2] =	stream.linear.scatter [tilespmem:s29], [sflag:$0x1], $0x80, $0x38;
	[tilespmem:$0x9280] =	vst v63  }
0x230: {  	s18 =	sld [smem:$0x7B3];
	s16 =	ssub.s32 $0x5BF8, s10;
	s17 =	sadd.s32 s11, s28  }
0x231: {  	[hbm4b:s17+s2] =	stream.linear.scatter [tilespmem:s16], [sflag:$0x1], $0x80, $0x38;
	[tilespmem:$0x9280] =	vst v63  }
0x232: {  	s21 =	sld [smem:$0x7B4];
	s19 =	ssub.s32 $0x5C78, s10;
	s20 =	sadd.s32 s11, s31  }
0x233: {  	[hbm4b:s20+s2] =	stream.linear.scatter [tilespmem:s19], [sflag:$0x1], $0x80, $0x38;
	[tilespmem:$0x9280] =	vst v63  }
0x234: {  	s24 =	sld [smem:$0x7B5];
	s22 =	ssub.s32 $0x5CF8, s10;
	s23 =	sadd.s32 s11, s18  }
0x235: {  	[hbm4b:s23+s2] =	stream.linear.scatter [tilespmem:s22], [sflag:$0x1], $0x80, $0x38;
	[tilespmem:$0x9280] =	vst v63  }
0x236: {  	s28 =	sld [smem:$0x7B6];
	s25 =	ssub.s32 $0x5D78, s10;
	s26 =	sadd.s32 s11, s21  }
0x237: {  	[hbm4b:s26+s2] =	stream.linear.scatter [tilespmem:s25], [sflag:$0x1], $0x80, $0x38;
	[tilespmem:$0x9280] =	vst v63  }
0x238: {  	s31 =	sld [smem:$0x7B7];
	s29 =	ssub.s32 $0x5DF8, s10;
	s30 =	sadd.s32 s11, s24  }
0x239: {  	[hbm4b:s30+s2] =	stream.linear.scatter [tilespmem:s29], [sflag:$0x1], $0x80, $0x38;
	[tilespmem:$0x9280] =	vst v63  }
0x23a: {  	s18 =	sld [smem:$0x7B8];
	s16 =	ssub.s32 $0x5E78, s10;
	s17 =	sadd.s32 s11, s28  }
0x23b: {  	[hbm4b:s17+s2] =	stream.linear.scatter [tilespmem:s16], [sflag:$0x1], $0x80, $0x38;
	[tilespmem:$0x9280] =	vst v63  }
0x23c: {  	s21 =	sld [smem:$0x7B9];
	s19 =	ssub.s32 $0x5EF8, s10;
	s20 =	sadd.s32 s11, s31  }
0x23d: {  	[hbm4b:s20+s2] =	stream.linear.scatter [tilespmem:s19], [sflag:$0x1], $0x80, $0x38;
	[tilespmem:$0x9280] =	vst v63  }
0x23e: {  	s24 =	sld [smem:$0x7BA];
	s22 =	ssub.s32 $0x5F78, s10;
	s23 =	sadd.s32 s11, s18  }
0x23f: {  	[hbm4b:s23+s2] =	stream.linear.scatter [tilespmem:s22], [sflag:$0x1], $0x80, $0x38;
	[tilespmem:$0x9280] =	vst v63  }
0x240: {  	s28 =	sld [smem:$0x7BB];
	s25 =	sadd.s32 s11, s21;
	s26 =	ssub.s32 $0x5FF8, s10  }
0x241: {  	[hbm4b:s25+s2] =	stream.linear.scatter [tilespmem:s26], [sflag:$0x1], $0x80, $0x38;
	[tilespmem:$0x9280] =	vst v63  }
0x242: {  	s31 =	sld [smem:$0x7BC];
	s29 =	sadd.s32 s11, s24;
	s30 =	ssub.s32 $0x6078, s10  }
0x243: {  	[hbm4b:s29+s2] =	stream.linear.scatter [tilespmem:s30], [sflag:$0x1], $0x80, $0x38;
	[tilespmem:$0x9280] =	vst v63  }
0x244: {  	s18 =	sld [smem:$0x7BD];
	s16 =	sadd.s32 s11, s28;
	s17 =	ssub.s32 $0x60F8, s10  }
0x245: {  	[hbm4b:s16+s2] =	stream.linear.scatter [tilespmem:s17], [sflag:$0x1], $0x80, $0x38;
	[tilespmem:$0x9280] =	vst v63  }
0x246: {  	s21 =	sld [smem:$0x7BE];
	s19 =	sadd.s32 s11, s31;
	s20 =	ssub.s32 $0x6178, s10  }
0x247: {  	[hbm4b:s19+s2] =	stream.linear.scatter [tilespmem:s20], [sflag:$0x1], $0x80, $0x38;
	[tilespmem:$0x9280] =	vst v63  }
0x248: {  	s24 =	sld [smem:$0x7BF];
	s22 =	sadd.s32 s11, s18;
	s23 =	ssub.s32 $0x61F8, s10  }
0x249: {  	[hbm4b:s22+s2] =	stream.linear.scatter [tilespmem:s23], [sflag:$0x1], $0x80, $0x38;
	[tilespmem:$0x9280] =	vst v63  }
0x24a: {  	s28 =	sld [smem:$0x7C0];
	s25 =	ssub.s32 $0x4A78, s10;
	s26 =	sadd.s32 s11, s21  }
0x24b: {  	[hbm4b:s26+s2] =	stream.linear.scatter [tilespmem:s25], [sflag:$0x1], $0x80, $0x38;
	[tilespmem:$0x9280] =	vst v63  }
0x24c: {  	s31 =	sld [smem:$0x7C1];
	s29 =	ssub.s32 $0x4AF8, s10;
	s30 =	sadd.s32 s11, s24  }
0x24d: {  	[hbm4b:s30+s2] =	stream.linear.scatter [tilespmem:s29], [sflag:$0x1], $0x80, $0x38;
	[tilespmem:$0x9280] =	vst v63  }
0x24e: {  	s18 =	sld [smem:$0x7C2];
	s16 =	ssub.s32 $0x4B78, s10;
	s17 =	sadd.s32 s11, s28  }
0x24f: {  	[hbm4b:s17+s2] =	stream.linear.scatter [tilespmem:s16], [sflag:$0x1], $0x80, $0x38;
	[tilespmem:$0x9280] =	vst v63  }
0x250: {  	s21 =	sld [smem:$0x7C3];
	s19 =	ssub.s32 $0x4BF8, s10;
	s20 =	sadd.s32 s11, s31  }
0x251: {  	[hbm4b:s20+s2] =	stream.linear.scatter [tilespmem:s19], [sflag:$0x1], $0x80, $0x38;
	[tilespmem:$0x9280] =	vst v63  }
0x252: {  	s24 =	sld [smem:$0x7C4];
	s22 =	ssub.s32 $0x4C78, s10;
	s23 =	sadd.s32 s11, s18  }
0x253: {  	[hbm4b:s23+s2] =	stream.linear.scatter [tilespmem:s22], [sflag:$0x1], $0x80, $0x38;
	[tilespmem:$0x9280] =	vst v63  }
0x254: {  	s28 =	sld [smem:$0x7C5];
	s25 =	ssub.s32 $0x4CF8, s10;
	s26 =	sadd.s32 s11, s21  }
0x255: {  	[hbm4b:s26+s2] =	stream.linear.scatter [tilespmem:s25], [sflag:$0x1], $0x80, $0x38;
	[tilespmem:$0x9280] =	vst v63  }
0x256: {  	s31 =	sld [smem:$0x7C6];
	s29 =	ssub.s32 $0x4D78, s10;
	s30 =	sadd.s32 s11, s24  }
0x257: {  	[hbm4b:s30+s2] =	stream.linear.scatter [tilespmem:s29], [sflag:$0x1], $0x80, $0x38;
	[tilespmem:$0x9280] =	vst v63  }
0x258: {  	s18 =	sld [smem:$0x7C7];
	s16 =	ssub.s32 $0x4DF8, s10;
	s17 =	sadd.s32 s11, s28  }
0x259: {  	[hbm4b:s17+s2] =	stream.linear.scatter [tilespmem:s16], [sflag:$0x1], $0x80, $0x38;
	[tilespmem:$0x9280] =	vst v63  }
0x25a: {  	s21 =	sld [smem:$0x7C8];
	s19 =	ssub.s32 $0x4E78, s10;
	s20 =	sadd.s32 s11, s31  }
0x25b: {  	[hbm4b:s20+s2] =	stream.linear.scatter [tilespmem:s19], [sflag:$0x1], $0x80, $0x38;
	[tilespmem:$0x9280] =	vst v63  }
0x25c: {  	s24 =	sld [smem:$0x7C9];
	s22 =	ssub.s32 $0x4EF8, s10;
	s23 =	sadd.s32 s11, s18  }
0x25d: {  	[hbm4b:s23+s2] =	stream.linear.scatter [tilespmem:s22], [sflag:$0x1], $0x80, $0x38;
	[tilespmem:$0x9280] =	vst v63  }
0x25e: {  	s28 =	sld [smem:$0x7CA];
	s25 =	ssub.s32 $0x4F78, s10;
	s26 =	sadd.s32 s11, s21  }
0x25f: {  	[hbm4b:s26+s2] =	stream.linear.scatter [tilespmem:s25], [sflag:$0x1], $0x80, $0x38;
	[tilespmem:$0x9280] =	vst v63  }
0x260: {  	s31 =	sld [smem:$0x7CB];
	s29 =	sadd.s32 s11, s24;
	s30 =	ssub.s32 $0x4FF8, s10  }
0x261: {  	[hbm4b:s29+s2] =	stream.linear.scatter [tilespmem:s30], [sflag:$0x1], $0x80, $0x38;
	[tilespmem:$0x9280] =	vst v63  }
0x262: {  	s18 =	sld [smem:$0x7CC];
	s16 =	sadd.s32 s11, s28;
	s17 =	ssub.s32 $0x5078, s10  }
0x263: {  	[hbm4b:s16+s2] =	stream.linear.scatter [tilespmem:s17], [sflag:$0x1], $0x80, $0x38;
	[tilespmem:$0x9280] =	vst v63  }
0x264: {  	s21 =	sld [smem:$0x7CD];
	s19 =	sadd.s32 s11, s31;
	s20 =	ssub.s32 $0x50F8, s10  }
0x265: {  	[hbm4b:s19+s2] =	stream.linear.scatter [tilespmem:s20], [sflag:$0x1], $0x80, $0x38;
	[tilespmem:$0x9280] =	vst v63  }
0x266: {  	s24 =	sld [smem:$0x7CE];
	s22 =	sadd.s32 s11, s18;
	s23 =	ssub.s32 $0x5178, s10  }
0x267: {  	[hbm4b:s22+s2] =	stream.linear.scatter [tilespmem:s23], [sflag:$0x1], $0x80, $0x38;
	[tilespmem:$0x9280] =	vst v63  }
0x268: {  	s28 =	sld [smem:$0x7CF];
	s25 =	sadd.s32 s11, s21;
	s26 =	ssub.s32 $0x51F8, s10  }
0x269: {  	[hbm4b:s25+s2] =	stream.linear.scatter [tilespmem:s26], [sflag:$0x1], $0x80, $0x38;
	[tilespmem:$0x9280] =	vst v63  }
0x26a: {  	s31 =	sld [smem:$0x7D0];
	s29 =	ssub.s32 $0x3A78, s10;
	s30 =	sadd.s32 s11, s24  }
0x26b: {  	[hbm4b:s30+s2] =	stream.linear.scatter [tilespmem:s29], [sflag:$0x1], $0x80, $0x38;
	[tilespmem:$0x9280] =	vst v63  }
0x26c: {  	s18 =	sld [smem:$0x7D1];
	s16 =	ssub.s32 $0x3AF8, s10;
	s17 =	sadd.s32 s11, s28  }
0x26d: {  	[hbm4b:s17+s2] =	stream.linear.scatter [tilespmem:s16], [sflag:$0x1], $0x80, $0x38;
	[tilespmem:$0x9280] =	vst v63  }
0x26e: {  	s21 =	sld [smem:$0x7D2];
	s19 =	ssub.s32 $0x3B78, s10;
	s20 =	sadd.s32 s11, s31  }
0x26f: {  	[hbm4b:s20+s2] =	stream.linear.scatter [tilespmem:s19], [sflag:$0x1], $0x80, $0x38;
	[tilespmem:$0x9280] =	vst v63  }
0x270: {  	s24 =	sld [smem:$0x7D3];
	s22 =	ssub.s32 $0x3BF8, s10;
	s23 =	sadd.s32 s11, s18  }
0x271: {  	[hbm4b:s23+s2] =	stream.linear.scatter [tilespmem:s22], [sflag:$0x1], $0x80, $0x38;
	[tilespmem:$0x9280] =	vst v63  }
0x272: {  	s28 =	sld [smem:$0x7D4];
	s25 =	ssub.s32 $0x3C78, s10;
	s26 =	sadd.s32 s11, s21  }
0x273: {  	[hbm4b:s26+s2] =	stream.linear.scatter [tilespmem:s25], [sflag:$0x1], $0x80, $0x38;
	[tilespmem:$0x9280] =	vst v63  }
0x274: {  	s31 =	sld [smem:$0x7D5];
	s29 =	ssub.s32 $0x3CF8, s10;
	s30 =	sadd.s32 s11, s24  }
0x275: {  	[hbm4b:s30+s2] =	stream.linear.scatter [tilespmem:s29], [sflag:$0x1], $0x80, $0x38;
	[tilespmem:$0x9280] =	vst v63  }
0x276: {  	s18 =	sld [smem:$0x7D6];
	s16 =	ssub.s32 $0x3D78, s10;
	s17 =	sadd.s32 s11, s28  }
0x277: {  	[hbm4b:s17+s2] =	stream.linear.scatter [tilespmem:s16], [sflag:$0x1], $0x80, $0x38;
	[tilespmem:$0x9280] =	vst v63  }
0x278: {  	s21 =	sld [smem:$0x7D7];
	s19 =	ssub.s32 $0x3DF8, s10;
	s20 =	sadd.s32 s11, s31  }
0x279: {  	[hbm4b:s20+s2] =	stream.linear.scatter [tilespmem:s19], [sflag:$0x1], $0x80, $0x38;
	[tilespmem:$0x9280] =	vst v63  }
0x27a: {  	s24 =	sld [smem:$0x7D8];
	s22 =	ssub.s32 $0x3E78, s10;
	s23 =	sadd.s32 s11, s18  }
0x27b: {  	[hbm4b:s23+s2] =	stream.linear.scatter [tilespmem:s22], [sflag:$0x1], $0x80, $0x38;
	[tilespmem:$0x9280] =	vst v63  }
0x27c: {  	s28 =	sld [smem:$0x7D9];
	s25 =	ssub.s32 $0x3EF8, s10;
	s26 =	sadd.s32 s11, s21  }
0x27d: {  	[hbm4b:s26+s2] =	stream.linear.scatter [tilespmem:s25], [sflag:$0x1], $0x80, $0x38;
	[tilespmem:$0x9280] =	vst v63  }
0x27e: {  	s31 =	sld [smem:$0x7DA];
	s29 =	ssub.s32 $0x3F78, s10;
	s30 =	sadd.s32 s11, s24  }
0x27f: {  	[hbm4b:s30+s2] =	stream.linear.scatter [tilespmem:s29], [sflag:$0x1], $0x80, $0x38;
	[tilespmem:$0x9280] =	vst v63  }
0x280: {  	s18 =	sld [smem:$0x7DB];
	s16 =	sadd.s32 s11, s28;
	s17 =	ssub.s32 $0x3FF8, s10  }
0x281: {  	[hbm4b:s16+s2] =	stream.linear.scatter [tilespmem:s17], [sflag:$0x1], $0x80, $0x38;
	[tilespmem:$0x9280] =	vst v63  }
0x282: {  	s21 =	sld [smem:$0x7DC];
	s19 =	sadd.s32 s11, s31;
	s20 =	ssub.s32 $0x4078, s10  }
0x283: {  	[hbm4b:s19+s2] =	stream.linear.scatter [tilespmem:s20], [sflag:$0x1], $0x80, $0x38;
	[tilespmem:$0x9280] =	vst v63  }
0x284: {  	s24 =	sld [smem:$0x7DD];
	s22 =	sadd.s32 s11, s18;
	s23 =	ssub.s32 $0x40F8, s10  }
0x285: {  	[hbm4b:s22+s2] =	stream.linear.scatter [tilespmem:s23], [sflag:$0x1], $0x80, $0x38;
	[tilespmem:$0x9280] =	vst v63  }
0x286: {  	s28 =	sld [smem:$0x7DE];
	s25 =	sadd.s32 s11, s21;
	s26 =	ssub.s32 $0x4178, s10  }
0x287: {  	[hbm4b:s25+s2] =	stream.linear.scatter [tilespmem:s26], [sflag:$0x1], $0x80, $0x38;
	[tilespmem:$0x9280] =	vst v63  }
0x288: {  	s31 =	sld [smem:$0x7DF];
	s29 =	sadd.s32 s11, s24;
	s30 =	ssub.s32 $0x41F8, s10  }
0x289: {  	[hbm4b:s29+s2] =	stream.linear.scatter [tilespmem:s30], [sflag:$0x1], $0x80, $0x38;
	[tilespmem:$0x9280] =	vst v63  }
0x28a: {  	s18 =	sld [smem:$0x7E0];
	s16 =	ssub.s32 $0x2A78, s10;
	s17 =	sadd.s32 s11, s28  }
0x28b: {  	[hbm4b:s17+s2] =	stream.linear.scatter [tilespmem:s16], [sflag:$0x1], $0x80, $0x38;
	[tilespmem:$0x9280] =	vst v63  }
0x28c: {  	s21 =	sld [smem:$0x7E1];
	s19 =	ssub.s32 $0x2AF8, s10;
	s20 =	sadd.s32 s11, s31  }
0x28d: {  	[hbm4b:s20+s2] =	stream.linear.scatter [tilespmem:s19], [sflag:$0x1], $0x80, $0x38;
	[tilespmem:$0x9280] =	vst v63  }
0x28e: {  	s24 =	sld [smem:$0x7E2];
	s22 =	ssub.s32 $0x2B78, s10;
	s23 =	sadd.s32 s11, s18  }
0x28f: {  	[hbm4b:s23+s2] =	stream.linear.scatter [tilespmem:s22], [sflag:$0x1], $0x80, $0x38;
	[tilespmem:$0x9280] =	vst v63  }
0x290: {  	s28 =	sld [smem:$0x7E3];
	s25 =	ssub.s32 $0x2BF8, s10;
	s26 =	sadd.s32 s11, s21  }
0x291: {  	[hbm4b:s26+s2] =	stream.linear.scatter [tilespmem:s25], [sflag:$0x1], $0x80, $0x38;
	[tilespmem:$0x9280] =	vst v63  }
0x292: {  	s31 =	sld [smem:$0x7E4];
	s29 =	ssub.s32 $0x2C78, s10;
	s30 =	sadd.s32 s11, s24  }
0x293: {  	[hbm4b:s30+s2] =	stream.linear.scatter [tilespmem:s29], [sflag:$0x1], $0x80, $0x38;
	[tilespmem:$0x9280] =	vst v63  }
0x294: {  	s18 =	sld [smem:$0x7E5];
	s16 =	ssub.s32 $0x2CF8, s10;
	s17 =	sadd.s32 s11, s28  }
0x295: {  	[hbm4b:s17+s2] =	stream.linear.scatter [tilespmem:s16], [sflag:$0x1], $0x80, $0x38;
	[tilespmem:$0x9280] =	vst v63  }
0x296: {  	s21 =	sld [smem:$0x7E6];
	s19 =	ssub.s32 $0x2D78, s10;
	s20 =	sadd.s32 s11, s31  }
0x297: {  	[hbm4b:s20+s2] =	stream.linear.scatter [tilespmem:s19], [sflag:$0x1], $0x80, $0x38;
	[tilespmem:$0x9280] =	vst v63  }
0x298: {  	s24 =	sld [smem:$0x7E7];
	s22 =	ssub.s32 $0x2DF8, s10;
	s23 =	sadd.s32 s11, s18  }
0x299: {  	[hbm4b:s23+s2] =	stream.linear.scatter [tilespmem:s22], [sflag:$0x1], $0x80, $0x38;
	[tilespmem:$0x9280] =	vst v63  }
0x29a: {  	s28 =	sld [smem:$0x7E8];
	s25 =	ssub.s32 $0x2E78, s10;
	s26 =	sadd.s32 s11, s21  }
0x29b: {  	[hbm4b:s26+s2] =	stream.linear.scatter [tilespmem:s25], [sflag:$0x1], $0x80, $0x38;
	[tilespmem:$0x9280] =	vst v63  }
0x29c: {  	s31 =	sld [smem:$0x7E9];
	s29 =	ssub.s32 $0x2EF8, s10;
	s30 =	sadd.s32 s11, s24  }
0x29d: {  	[hbm4b:s30+s2] =	stream.linear.scatter [tilespmem:s29], [sflag:$0x1], $0x80, $0x38;
	[tilespmem:$0x9280] =	vst v63  }
0x29e: {  	s18 =	sld [smem:$0x7EA];
	s16 =	ssub.s32 $0x2F78, s10;
	s17 =	sadd.s32 s11, s28  }
0x29f: {  	[hbm4b:s17+s2] =	stream.linear.scatter [tilespmem:s16], [sflag:$0x1], $0x80, $0x38;
	[tilespmem:$0x9280] =	vst v63  }
0x2a0: {  	s21 =	sld [smem:$0x7EB];
	s19 =	sadd.s32 s11, s31;
	s20 =	ssub.s32 $0x2FF8, s10  }
0x2a1: {  	[hbm4b:s19+s2] =	stream.linear.scatter [tilespmem:s20], [sflag:$0x1], $0x80, $0x38;
	[tilespmem:$0x9280] =	vst v63  }
0x2a2: {  	s24 =	sld [smem:$0x7EC];
	s22 =	sadd.s32 s11, s18;
	s23 =	ssub.s32 $0x3078, s10  }
0x2a3: {  	[hbm4b:s22+s2] =	stream.linear.scatter [tilespmem:s23], [sflag:$0x1], $0x80, $0x38;
	[tilespmem:$0x9280] =	vst v63  }
0x2a4: {  	s28 =	sld [smem:$0x7ED];
	s25 =	sadd.s32 s11, s21;
	s26 =	ssub.s32 $0x30F8, s10  }
0x2a5: {  	[hbm4b:s25+s2] =	stream.linear.scatter [tilespmem:s26], [sflag:$0x1], $0x80, $0x38;
	[tilespmem:$0x9280] =	vst v63  }
0x2a6: {  	s31 =	sld [smem:$0x7EE];
	s29 =	sadd.s32 s11, s24;
	s30 =	ssub.s32 $0x3178, s10  }
0x2a7: {  	[hbm4b:s29+s2] =	stream.linear.scatter [tilespmem:s30], [sflag:$0x1], $0x80, $0x38;
	[tilespmem:$0x9280] =	vst v63  }
0x2a8: {  	s18 =	sld [smem:$0x7EF];
	s16 =	sadd.s32 s11, s28;
	s17 =	ssub.s32 $0x31F8, s10  }
0x2a9: {  	[hbm4b:s16+s2] =	stream.linear.scatter [tilespmem:s17], [sflag:$0x1], $0x80, $0x38;
	[tilespmem:$0x9280] =	vst v63  }
0x2aa: {  	s21 =	sld [smem:$0x7F0];
	s19 =	ssub.s32 $0x1A78, s10;
	s20 =	sadd.s32 s11, s31  }
0x2ab: {  	[hbm4b:s20+s2] =	stream.linear.scatter [tilespmem:s19], [sflag:$0x1], $0x80, $0x38;
	[tilespmem:$0x9280] =	vst v63  }
0x2ac: {  	s24 =	sld [smem:$0x7F1];
	s22 =	ssub.s32 $0x1AF8, s10;
	s23 =	sadd.s32 s11, s18  }
0x2ad: {  	[hbm4b:s23+s2] =	stream.linear.scatter [tilespmem:s22], [sflag:$0x1], $0x80, $0x38;
	[tilespmem:$0x9280] =	vst v63  }
0x2ae: {  	s28 =	sld [smem:$0x7F2];
	s25 =	ssub.s32 $0x1B78, s10;
	s26 =	sadd.s32 s11, s21  }
0x2af: {  	[hbm4b:s26+s2] =	stream.linear.scatter [tilespmem:s25], [sflag:$0x1], $0x80, $0x38;
	[tilespmem:$0x9280] =	vst v63  }
0x2b0: {  	s31 =	sld [smem:$0x7F3];
	s29 =	ssub.s32 $0x1BF8, s10;
	s30 =	sadd.s32 s11, s24  }
0x2b1: {  	[hbm4b:s30+s2] =	stream.linear.scatter [tilespmem:s29], [sflag:$0x1], $0x80, $0x38;
	[tilespmem:$0x9280] =	vst v63  }
0x2b2: {  	s18 =	sld [smem:$0x7F4];
	s16 =	ssub.s32 $0x1C78, s10;
	s17 =	sadd.s32 s11, s28  }
0x2b3: {  	[hbm4b:s17+s2] =	stream.linear.scatter [tilespmem:s16], [sflag:$0x1], $0x80, $0x38;
	[tilespmem:$0x9280] =	vst v63  }
0x2b4: {  	s21 =	sld [smem:$0x7F5];
	s19 =	ssub.s32 $0x1CF8, s10;
	s20 =	sadd.s32 s11, s31  }
0x2b5: {  	[hbm4b:s20+s2] =	stream.linear.scatter [tilespmem:s19], [sflag:$0x1], $0x80, $0x38;
	[tilespmem:$0x9280] =	vst v63  }
0x2b6: {  	s24 =	sld [smem:$0x7F6];
	s22 =	ssub.s32 $0x1D78, s10;
	s23 =	sadd.s32 s11, s18  }
0x2b7: {  	[hbm4b:s23+s2] =	stream.linear.scatter [tilespmem:s22], [sflag:$0x1], $0x80, $0x38;
	[tilespmem:$0x9280] =	vst v63  }
0x2b8: {  	s28 =	sld [smem:$0x7F7];
	s25 =	ssub.s32 $0x1DF8, s10;
	s26 =	sadd.s32 s11, s21  }
0x2b9: {  	[hbm4b:s26+s2] =	stream.linear.scatter [tilespmem:s25], [sflag:$0x1], $0x80, $0x38;
	[tilespmem:$0x9280] =	vst v63  }
0x2ba: {  	s31 =	sld [smem:$0x7F8];
	s29 =	ssub.s32 $0x1E78, s10;
	s30 =	sadd.s32 s11, s24  }
0x2bb: {  	[hbm4b:s30+s2] =	stream.linear.scatter [tilespmem:s29], [sflag:$0x1], $0x80, $0x38;
	[tilespmem:$0x9280] =	vst v63  }
0x2bc: {  	s13 =	ssub.s32 $0x1EF8, s10;
	s14 =	sadd.s32 s11, s28;
	s16 =	sld [smem:$0x7F9]  }
0x2bd: {  	[hbm4b:s14+s2] =	stream.linear.scatter [tilespmem:s13], [sflag:$0x1], $0x80, $0x38;
	[tilespmem:$0x9280] =	vst v63  }
0x2be: {  	s18 =	sadd.s32 s11, s31;
	s17 =	ssub.s32 $0x1F78, s10;
	s19 =	sld [smem:$0x7FA]  }
0x2bf: {  	[hbm4b:s18+s2] =	stream.linear.scatter [tilespmem:s17], [sflag:$0x1], $0x80, $0x38;
	[tilespmem:$0x9280] =	vst v63  }
0x2c0: {  	s21 =	ssub.s32 $0x1FF8, s10;
	s20 =	sadd.s32 s11, s16;
	s22 =	sld [smem:$0x7FB]  }
0x2c1: {  	[hbm4b:s20+s2] =	stream.linear.scatter [tilespmem:s21], [sflag:$0x1], $0x80, $0x38;
	[tilespmem:$0x9280] =	vst v63  }
0x2c2: {  	s24 =	ssub.s32 $0x2078, s10;
	s23 =	sadd.s32 s11, s19;
	s25 =	sld [smem:$0x7FC]  }
0x2c3: {  	[hbm4b:s23+s2] =	stream.linear.scatter [tilespmem:s24], [sflag:$0x1], $0x80, $0x38;
	[tilespmem:$0x9280] =	vst v63  }
0x2c4: {  	s28 =	ssub.s32 $0x20F8, s10;
	s26 =	sadd.s32 s11, s22;
	s29 =	sld [smem:$0x7FD]  }
0x2c5: {  	[hbm4b:s26+s2] =	stream.linear.scatter [tilespmem:s28], [sflag:$0x1], $0x80, $0x38;
	[tilespmem:$0x9280] =	vst v63  }
0x2c6: {  	p1 =	por $0x1, $0x1;
	s31 =	ssub.s32 $0x2178, s10;
	s30 =	sadd.s32 s11, s25  }
0x2c7: {  	[hbm4b:s30+s2] =	stream.linear.scatter [tilespmem:s31], [sflag:$0x1], $0x80, $0x38;
	[tilespmem:$0x9280] =	vst v63  }
0x2c8: {  	s10 =	ssub.s32 $0x21F8, s10;
	s13 =	simm.s32 @!p1 $0x1;
	s11 =	sadd.s32 s11, s29  }
0x2c9: {  	[hbm4b:s11+s2] =	stream.linear.scatter [tilespmem:s10], [sflag:$0x1], $0x80, $0x38;
	[tilespmem:$0x9280] =	vst v63  }
0x2ca: {  	s10 =	simm.s32 $0x1;
	s11 =	simm.s32 $0x2;
	_ =	swait.ge @!p1 [sflag:s13], $0x4000  }
.LBB2_20:
0x2cb: {  	s14 =	rddreg [dreg:$0x3];
	[sflag:s13] =	ssyncset.done @!p1 $0x0;
	s28 =	sshll.u32 s10, $0x3  }
0x2cc: {  	[sflag:s13] =	ssyncadd.s32 @!p1 $0xFFFFC000;
	s13 =	sadd.s32 s14, s28  }
0x2cd: {  	s12 =	smov.u32 s11;
	s15 =	rddreg [dreg:$0x4];
	s14 =	sshll.u32 s13, $0x8  }
0x2ce: {  	s11 =	sadd.s32 $0x1, s11;
	s29 =	rddreg [dreg:$0x5];
	s14 =	sadd.s32 s15, s14  }
0x2cf: {  	s18 =	rddreg [dreg:$0x6];
	s17 =	ssub.s32 $0x8A78, s13;
	s16 =	sadd.s32 s1, s14  }
0x2d0: {  	[hbm4b:s16+s2] =	stream.linear.scatter [tilespmem:s17], [sflag:$0x1], $0x80, $0x38;
	[tilespmem:$0x9280] =	vst v63  }
0x2d1: {  	s31 =	rddreg [dreg:$0x7];
	s30 =	ssub.s32 $0x8AF8, s13;
	s15 =	sadd.s32 s14, s29  }
0x2d2: {  	[hbm4b:s15+s2] =	stream.linear.scatter [tilespmem:s30], [sflag:$0x1], $0x80, $0x38;
	[tilespmem:$0x9280] =	vst v63  }
0x2d3: {  	s21 =	rddreg [dreg:$0x8];
	s20 =	ssub.s32 $0x8B78, s13;
	s19 =	sadd.s32 s14, s18  }
0x2d4: {  	[hbm4b:s19+s2] =	stream.linear.scatter [tilespmem:s20], [sflag:$0x1], $0x80, $0x38;
	[tilespmem:$0x9280] =	vst v63  }
0x2d5: {  	s24 =	rddreg [dreg:$0x9];
	s23 =	ssub.s32 $0x8BF8, s13;
	s22 =	sadd.s32 s14, s31  }
0x2d6: {  	[hbm4b:s22+s2] =	stream.linear.scatter [tilespmem:s23], [sflag:$0x1], $0x80, $0x38;
	[tilespmem:$0x9280] =	vst v63  }
0x2d7: {  	s28 =	rddreg [dreg:$0xa];
	s26 =	ssub.s32 $0x8C78, s13;
	s25 =	sadd.s32 s14, s21  }
0x2d8: {  	[hbm4b:s25+s2] =	stream.linear.scatter [tilespmem:s26], [sflag:$0x1], $0x80, $0x38;
	[tilespmem:$0x9280] =	vst v63  }
0x2d9: {  	s29 =	sadd.s32 s14, s24;
	s31 =	rddreg [dreg:$0xb];
	s30 =	ssub.s32 $0x8CF8, s13  }
0x2da: {  	[hbm4b:s29+s2] =	stream.linear.scatter [tilespmem:s30], [sflag:$0x1], $0x80, $0x38;
	[tilespmem:$0x9280] =	vst v63  }
0x2db: {  	s21 =	rddreg [dreg:$0xc];
	s19 =	sadd.s32 s14, s28;
	s20 =	ssub.s32 $0x8D78, s13  }
0x2dc: {  	[hbm4b:s19+s2] =	stream.linear.scatter [tilespmem:s20], [sflag:$0x1], $0x80, $0x38;
	[tilespmem:$0x9280] =	vst v63  }
0x2dd: {  	s24 =	rddreg [dreg:$0xd];
	s22 =	sadd.s32 s14, s31;
	s23 =	ssub.s32 $0x8DF8, s13  }
0x2de: {  	[hbm4b:s22+s2] =	stream.linear.scatter [tilespmem:s23], [sflag:$0x1], $0x80, $0x38;
	[tilespmem:$0x9280] =	vst v63  }
0x2df: {  	s28 =	rddreg [dreg:$0xe];
	s25 =	sadd.s32 s14, s21;
	s26 =	ssub.s32 $0x8E78, s13  }
0x2e0: {  	[hbm4b:s25+s2] =	stream.linear.scatter [tilespmem:s26], [sflag:$0x1], $0x80, $0x38;
	[tilespmem:$0x9280] =	vst v63  }
0x2e1: {  	s31 =	rddreg [dreg:$0xf];
	s29 =	sadd.s32 s14, s24;
	s30 =	ssub.s32 $0x8EF8, s13  }
0x2e2: {  	[hbm4b:s29+s2] =	stream.linear.scatter [tilespmem:s30], [sflag:$0x1], $0x80, $0x38;
	[tilespmem:$0x9280] =	vst v63  }
0x2e3: {  	s21 =	rddreg [dreg:$0x10];
	s19 =	sadd.s32 s14, s28;
	s20 =	ssub.s32 $0x8F78, s13  }
0x2e4: {  	[hbm4b:s19+s2] =	stream.linear.scatter [tilespmem:s20], [sflag:$0x1], $0x80, $0x38;
	[tilespmem:$0x9280] =	vst v63  }
0x2e5: {  	s24 =	rddreg [dreg:$0x11];
	s22 =	sadd.s32 s14, s31;
	s23 =	ssub.s32 $0x8FF8, s13  }
0x2e6: {  	[hbm4b:s22+s2] =	stream.linear.scatter [tilespmem:s23], [sflag:$0x1], $0x80, $0x38;
	[tilespmem:$0x9280] =	vst v63  }
0x2e7: {  	s28 =	rddreg [dreg:$0x12];
	s25 =	sadd.s32 s14, s21;
	s26 =	ssub.s32 $0x9078, s13  }
0x2e8: {  	[hbm4b:s25+s2] =	stream.linear.scatter [tilespmem:s26], [sflag:$0x1], $0x80, $0x38;
	[tilespmem:$0x9280] =	vst v63  }
0x2e9: {  	s31 =	rddreg [dreg:$0x13];
	s29 =	sadd.s32 s14, s24;
	s30 =	ssub.s32 $0x90F8, s13  }
0x2ea: {  	[hbm4b:s29+s2] =	stream.linear.scatter [tilespmem:s30], [sflag:$0x1], $0x80, $0x38;
	[tilespmem:$0x9280] =	vst v63  }
0x2eb: {  	s21 =	rddreg [dreg:$0x14];
	s19 =	sadd.s32 s14, s28;
	s20 =	ssub.s32 $0x9178, s13  }
0x2ec: {  	[hbm4b:s19+s2] =	stream.linear.scatter [tilespmem:s20], [sflag:$0x1], $0x80, $0x38;
	[tilespmem:$0x9280] =	vst v63  }
0x2ed: {  	s24 =	rddreg [dreg:$0x15];
	s22 =	sadd.s32 s14, s31;
	s23 =	ssub.s32 $0x91F8, s13  }
0x2ee: {  	[hbm4b:s22+s2] =	stream.linear.scatter [tilespmem:s23], [sflag:$0x1], $0x80, $0x38;
	[tilespmem:$0x9280] =	vst v63  }
0x2ef: {  	s28 =	rddreg [dreg:$0x16];
	s25 =	ssub.s32 $0x7A78, s13;
	s26 =	sadd.s32 s14, s21  }
0x2f0: {  	[hbm4b:s26+s2] =	stream.linear.scatter [tilespmem:s25], [sflag:$0x1], $0x80, $0x38;
	[tilespmem:$0x9280] =	vst v63  }
0x2f1: {  	s31 =	rddreg [dreg:$0x17];
	s29 =	ssub.s32 $0x7AF8, s13;
	s30 =	sadd.s32 s14, s24  }
0x2f2: {  	[hbm4b:s30+s2] =	stream.linear.scatter [tilespmem:s29], [sflag:$0x1], $0x80, $0x38;
	[tilespmem:$0x9280] =	vst v63  }
0x2f3: {  	s21 =	rddreg [dreg:$0x18];
	s19 =	ssub.s32 $0x7B78, s13;
	s20 =	sadd.s32 s14, s28  }
0x2f4: {  	[hbm4b:s20+s2] =	stream.linear.scatter [tilespmem:s19], [sflag:$0x1], $0x80, $0x38;
	[tilespmem:$0x9280] =	vst v63  }
0x2f5: {  	s24 =	rddreg [dreg:$0x19];
	s22 =	ssub.s32 $0x7BF8, s13;
	s23 =	sadd.s32 s14, s31  }
0x2f6: {  	[hbm4b:s23+s2] =	stream.linear.scatter [tilespmem:s22], [sflag:$0x1], $0x80, $0x38;
	[tilespmem:$0x9280] =	vst v63  }
0x2f7: {  	s28 =	rddreg [dreg:$0x1a];
	s25 =	ssub.s32 $0x7C78, s13;
	s26 =	sadd.s32 s14, s21  }
0x2f8: {  	[hbm4b:s26+s2] =	stream.linear.scatter [tilespmem:s25], [sflag:$0x1], $0x80, $0x38;
	[tilespmem:$0x9280] =	vst v63  }
0x2f9: {  	s31 =	rddreg [dreg:$0x1b];
	s29 =	ssub.s32 $0x7CF8, s13;
	s30 =	sadd.s32 s14, s24  }
0x2fa: {  	[hbm4b:s30+s2] =	stream.linear.scatter [tilespmem:s29], [sflag:$0x1], $0x80, $0x38;
	[tilespmem:$0x9280] =	vst v63  }
0x2fb: {  	s21 =	rddreg [dreg:$0x1c];
	s19 =	ssub.s32 $0x7D78, s13;
	s20 =	sadd.s32 s14, s28  }
0x2fc: {  	[hbm4b:s20+s2] =	stream.linear.scatter [tilespmem:s19], [sflag:$0x1], $0x80, $0x38;
	[tilespmem:$0x9280] =	vst v63  }
0x2fd: {  	s24 =	rddreg [dreg:$0x1d];
	s22 =	ssub.s32 $0x7DF8, s13;
	s23 =	sadd.s32 s14, s31  }
0x2fe: {  	[hbm4b:s23+s2] =	stream.linear.scatter [tilespmem:s22], [sflag:$0x1], $0x80, $0x38;
	[tilespmem:$0x9280] =	vst v63  }
0x2ff: {  	s28 =	rddreg [dreg:$0x1e];
	s25 =	ssub.s32 $0x7E78, s13;
	s26 =	sadd.s32 s14, s21  }
0x300: {  	[hbm4b:s26+s2] =	stream.linear.scatter [tilespmem:s25], [sflag:$0x1], $0x80, $0x38;
	[tilespmem:$0x9280] =	vst v63  }
0x301: {  	s31 =	rddreg [dreg:$0x1f];
	s29 =	ssub.s32 $0x7EF8, s13;
	s30 =	sadd.s32 s14, s24  }
0x302: {  	[hbm4b:s30+s2] =	stream.linear.scatter [tilespmem:s29], [sflag:$0x1], $0x80, $0x38;
	[tilespmem:$0x9280] =	vst v63  }
0x303: {  	s21 =	sld [smem:$0x79A];
	s19 =	ssub.s32 $0x7F78, s13;
	s20 =	sadd.s32 s14, s28  }
0x304: {  	[hbm4b:s20+s2] =	stream.linear.scatter [tilespmem:s19], [sflag:$0x1], $0x80, $0x38;
	[tilespmem:$0x9280] =	vst v63  }
0x305: {  	s24 =	sld [smem:$0x79B];
	s22 =	sadd.s32 s14, s31;
	s23 =	ssub.s32 $0x7FF8, s13  }
0x306: {  	[hbm4b:s22+s2] =	stream.linear.scatter [tilespmem:s23], [sflag:$0x1], $0x80, $0x38;
	[tilespmem:$0x9280] =	vst v63  }
0x307: {  	s28 =	sld [smem:$0x79C];
	s25 =	sadd.s32 s14, s21;
	s26 =	ssub.s32 $0x8078, s13  }
0x308: {  	[hbm4b:s25+s2] =	stream.linear.scatter [tilespmem:s26], [sflag:$0x1], $0x80, $0x38;
	[tilespmem:$0x9280] =	vst v63  }
0x309: {  	s31 =	sld [smem:$0x79D];
	s29 =	sadd.s32 s14, s24;
	s30 =	ssub.s32 $0x80F8, s13  }
0x30a: {  	[hbm4b:s29+s2] =	stream.linear.scatter [tilespmem:s30], [sflag:$0x1], $0x80, $0x38;
	[tilespmem:$0x9280] =	vst v63  }
0x30b: {  	s21 =	sld [smem:$0x79E];
	s19 =	sadd.s32 s14, s28;
	s20 =	ssub.s32 $0x8178, s13  }
0x30c: {  	[hbm4b:s19+s2] =	stream.linear.scatter [tilespmem:s20], [sflag:$0x1], $0x80, $0x38;
	[tilespmem:$0x9280] =	vst v63  }
0x30d: {  	s24 =	sld [smem:$0x79F];
	s22 =	sadd.s32 s14, s31;
	s23 =	ssub.s32 $0x81F8, s13  }
0x30e: {  	[hbm4b:s22+s2] =	stream.linear.scatter [tilespmem:s23], [sflag:$0x1], $0x80, $0x38;
	[tilespmem:$0x9280] =	vst v63  }
0x30f: {  	s28 =	sld [smem:$0x7A0];
	s25 =	ssub.s32 $0x6A78, s13;
	s26 =	sadd.s32 s14, s21  }
0x310: {  	[hbm4b:s26+s2] =	stream.linear.scatter [tilespmem:s25], [sflag:$0x1], $0x80, $0x38;
	[tilespmem:$0x9280] =	vst v63  }
0x311: {  	s31 =	sld [smem:$0x7A1];
	s29 =	ssub.s32 $0x6AF8, s13;
	s30 =	sadd.s32 s14, s24  }
0x312: {  	[hbm4b:s30+s2] =	stream.linear.scatter [tilespmem:s29], [sflag:$0x1], $0x80, $0x38;
	[tilespmem:$0x9280] =	vst v63  }
0x313: {  	s21 =	sld [smem:$0x7A2];
	s19 =	ssub.s32 $0x6B78, s13;
	s20 =	sadd.s32 s14, s28  }
0x314: {  	[hbm4b:s20+s2] =	stream.linear.scatter [tilespmem:s19], [sflag:$0x1], $0x80, $0x38;
	[tilespmem:$0x9280] =	vst v63  }
0x315: {  	s24 =	sld [smem:$0x7A3];
	s22 =	ssub.s32 $0x6BF8, s13;
	s23 =	sadd.s32 s14, s31  }
0x316: {  	[hbm4b:s23+s2] =	stream.linear.scatter [tilespmem:s22], [sflag:$0x1], $0x80, $0x38;
	[tilespmem:$0x9280] =	vst v63  }
0x317: {  	s28 =	sld [smem:$0x7A4];
	s25 =	ssub.s32 $0x6C78, s13;
	s26 =	sadd.s32 s14, s21  }
0x318: {  	[hbm4b:s26+s2] =	stream.linear.scatter [tilespmem:s25], [sflag:$0x1], $0x80, $0x38;
	[tilespmem:$0x9280] =	vst v63  }
0x319: {  	s31 =	sld [smem:$0x7A5];
	s29 =	ssub.s32 $0x6CF8, s13;
	s30 =	sadd.s32 s14, s24  }
0x31a: {  	[hbm4b:s30+s2] =	stream.linear.scatter [tilespmem:s29], [sflag:$0x1], $0x80, $0x38;
	[tilespmem:$0x9280] =	vst v63  }
0x31b: {  	s21 =	sld [smem:$0x7A6];
	s19 =	ssub.s32 $0x6D78, s13;
	s20 =	sadd.s32 s14, s28  }
0x31c: {  	[hbm4b:s20+s2] =	stream.linear.scatter [tilespmem:s19], [sflag:$0x1], $0x80, $0x38;
	[tilespmem:$0x9280] =	vst v63  }
0x31d: {  	s24 =	sld [smem:$0x7A7];
	s22 =	ssub.s32 $0x6DF8, s13;
	s23 =	sadd.s32 s14, s31  }
0x31e: {  	[hbm4b:s23+s2] =	stream.linear.scatter [tilespmem:s22], [sflag:$0x1], $0x80, $0x38;
	[tilespmem:$0x9280] =	vst v63  }
0x31f: {  	s28 =	sld [smem:$0x7A8];
	s25 =	ssub.s32 $0x6E78, s13;
	s26 =	sadd.s32 s14, s21  }
0x320: {  	[hbm4b:s26+s2] =	stream.linear.scatter [tilespmem:s25], [sflag:$0x1], $0x80, $0x38;
	[tilespmem:$0x9280] =	vst v63  }
0x321: {  	s31 =	sld [smem:$0x7A9];
	s29 =	ssub.s32 $0x6EF8, s13;
	s30 =	sadd.s32 s14, s24  }
0x322: {  	[hbm4b:s30+s2] =	stream.linear.scatter [tilespmem:s29], [sflag:$0x1], $0x80, $0x38;
	[tilespmem:$0x9280] =	vst v63  }
0x323: {  	s21 =	sld [smem:$0x7AA];
	s19 =	ssub.s32 $0x6F78, s13;
	s20 =	sadd.s32 s14, s28  }
0x324: {  	[hbm4b:s20+s2] =	stream.linear.scatter [tilespmem:s19], [sflag:$0x1], $0x80, $0x38;
	[tilespmem:$0x9280] =	vst v63  }
0x325: {  	s24 =	sld [smem:$0x7AB];
	s22 =	sadd.s32 s14, s31;
	s23 =	ssub.s32 $0x6FF8, s13  }
0x326: {  	[hbm4b:s22+s2] =	stream.linear.scatter [tilespmem:s23], [sflag:$0x1], $0x80, $0x38;
	[tilespmem:$0x9280] =	vst v63  }
0x327: {  	s28 =	sld [smem:$0x7AC];
	s25 =	sadd.s32 s14, s21;
	s26 =	ssub.s32 $0x7078, s13  }
0x328: {  	[hbm4b:s25+s2] =	stream.linear.scatter [tilespmem:s26], [sflag:$0x1], $0x80, $0x38;
	[tilespmem:$0x9280] =	vst v63  }
0x329: {  	s31 =	sld [smem:$0x7AD];
	s29 =	sadd.s32 s14, s24;
	s30 =	ssub.s32 $0x70F8, s13  }
0x32a: {  	[hbm4b:s29+s2] =	stream.linear.scatter [tilespmem:s30], [sflag:$0x1], $0x80, $0x38;
	[tilespmem:$0x9280] =	vst v63  }
0x32b: {  	s21 =	sld [smem:$0x7AE];
	s19 =	sadd.s32 s14, s28;
	s20 =	ssub.s32 $0x7178, s13  }
0x32c: {  	[hbm4b:s19+s2] =	stream.linear.scatter [tilespmem:s20], [sflag:$0x1], $0x80, $0x38;
	[tilespmem:$0x9280] =	vst v63  }
0x32d: {  	s24 =	sld [smem:$0x7AF];
	s22 =	sadd.s32 s14, s31;
	s23 =	ssub.s32 $0x71F8, s13  }
0x32e: {  	[hbm4b:s22+s2] =	stream.linear.scatter [tilespmem:s23], [sflag:$0x1], $0x80, $0x38;
	[tilespmem:$0x9280] =	vst v63  }
0x32f: {  	s28 =	sld [smem:$0x7B0];
	s25 =	ssub.s32 $0x5A78, s13;
	s26 =	sadd.s32 s14, s21  }
0x330: {  	[hbm4b:s26+s2] =	stream.linear.scatter [tilespmem:s25], [sflag:$0x1], $0x80, $0x38;
	[tilespmem:$0x9280] =	vst v63  }
0x331: {  	s31 =	sld [smem:$0x7B1];
	s29 =	ssub.s32 $0x5AF8, s13;
	s30 =	sadd.s32 s14, s24  }
0x332: {  	[hbm4b:s30+s2] =	stream.linear.scatter [tilespmem:s29], [sflag:$0x1], $0x80, $0x38;
	[tilespmem:$0x9280] =	vst v63  }
0x333: {  	s21 =	sld [smem:$0x7B2];
	s19 =	ssub.s32 $0x5B78, s13;
	s20 =	sadd.s32 s14, s28  }
0x334: {  	[hbm4b:s20+s2] =	stream.linear.scatter [tilespmem:s19], [sflag:$0x1], $0x80, $0x38;
	[tilespmem:$0x9280] =	vst v63  }
0x335: {  	s24 =	sld [smem:$0x7B3];
	s22 =	ssub.s32 $0x5BF8, s13;
	s23 =	sadd.s32 s14, s31  }
0x336: {  	[hbm4b:s23+s2] =	stream.linear.scatter [tilespmem:s22], [sflag:$0x1], $0x80, $0x38;
	[tilespmem:$0x9280] =	vst v63  }
0x337: {  	s28 =	sld [smem:$0x7B4];
	s25 =	ssub.s32 $0x5C78, s13;
	s26 =	sadd.s32 s14, s21  }
0x338: {  	[hbm4b:s26+s2] =	stream.linear.scatter [tilespmem:s25], [sflag:$0x1], $0x80, $0x38;
	[tilespmem:$0x9280] =	vst v63  }
0x339: {  	s31 =	sld [smem:$0x7B5];
	s29 =	ssub.s32 $0x5CF8, s13;
	s30 =	sadd.s32 s14, s24  }
0x33a: {  	[hbm4b:s30+s2] =	stream.linear.scatter [tilespmem:s29], [sflag:$0x1], $0x80, $0x38;
	[tilespmem:$0x9280] =	vst v63  }
0x33b: {  	s21 =	sld [smem:$0x7B6];
	s19 =	ssub.s32 $0x5D78, s13;
	s20 =	sadd.s32 s14, s28  }
0x33c: {  	[hbm4b:s20+s2] =	stream.linear.scatter [tilespmem:s19], [sflag:$0x1], $0x80, $0x38;
	[tilespmem:$0x9280] =	vst v63  }
0x33d: {  	s24 =	sld [smem:$0x7B7];
	s22 =	ssub.s32 $0x5DF8, s13;
	s23 =	sadd.s32 s14, s31  }
0x33e: {  	[hbm4b:s23+s2] =	stream.linear.scatter [tilespmem:s22], [sflag:$0x1], $0x80, $0x38;
	[tilespmem:$0x9280] =	vst v63  }
0x33f: {  	s28 =	sld [smem:$0x7B8];
	s25 =	ssub.s32 $0x5E78, s13;
	s26 =	sadd.s32 s14, s21  }
0x340: {  	[hbm4b:s26+s2] =	stream.linear.scatter [tilespmem:s25], [sflag:$0x1], $0x80, $0x38;
	[tilespmem:$0x9280] =	vst v63  }
0x341: {  	s31 =	sld [smem:$0x7B9];
	s29 =	ssub.s32 $0x5EF8, s13;
	s30 =	sadd.s32 s14, s24  }
0x342: {  	[hbm4b:s30+s2] =	stream.linear.scatter [tilespmem:s29], [sflag:$0x1], $0x80, $0x38;
	[tilespmem:$0x9280] =	vst v63  }
0x343: {  	s21 =	sld [smem:$0x7BA];
	s19 =	ssub.s32 $0x5F78, s13;
	s20 =	sadd.s32 s14, s28  }
0x344: {  	[hbm4b:s20+s2] =	stream.linear.scatter [tilespmem:s19], [sflag:$0x1], $0x80, $0x38;
	[tilespmem:$0x9280] =	vst v63  }
0x345: {  	s24 =	sld [smem:$0x7BB];
	s22 =	sadd.s32 s14, s31;
	s23 =	ssub.s32 $0x5FF8, s13  }
0x346: {  	[hbm4b:s22+s2] =	stream.linear.scatter [tilespmem:s23], [sflag:$0x1], $0x80, $0x38;
	[tilespmem:$0x9280] =	vst v63  }
0x347: {  	s28 =	sld [smem:$0x7BC];
	s25 =	sadd.s32 s14, s21;
	s26 =	ssub.s32 $0x6078, s13  }
0x348: {  	[hbm4b:s25+s2] =	stream.linear.scatter [tilespmem:s26], [sflag:$0x1], $0x80, $0x38;
	[tilespmem:$0x9280] =	vst v63  }
0x349: {  	s31 =	sld [smem:$0x7BD];
	s29 =	sadd.s32 s14, s24;
	s30 =	ssub.s32 $0x60F8, s13  }
0x34a: {  	[hbm4b:s29+s2] =	stream.linear.scatter [tilespmem:s30], [sflag:$0x1], $0x80, $0x38;
	[tilespmem:$0x9280] =	vst v63  }
0x34b: {  	s21 =	sld [smem:$0x7BE];
	s19 =	sadd.s32 s14, s28;
	s20 =	ssub.s32 $0x6178, s13  }
0x34c: {  	[hbm4b:s19+s2] =	stream.linear.scatter [tilespmem:s20], [sflag:$0x1], $0x80, $0x38;
	[tilespmem:$0x9280] =	vst v63  }
0x34d: {  	s24 =	sld [smem:$0x7BF];
	s22 =	sadd.s32 s14, s31;
	s23 =	ssub.s32 $0x61F8, s13  }
0x34e: {  	[hbm4b:s22+s2] =	stream.linear.scatter [tilespmem:s23], [sflag:$0x1], $0x80, $0x38;
	[tilespmem:$0x9280] =	vst v63  }
0x34f: {  	s28 =	sld [smem:$0x7C0];
	s25 =	ssub.s32 $0x4A78, s13;
	s26 =	sadd.s32 s14, s21  }
0x350: {  	[hbm4b:s26+s2] =	stream.linear.scatter [tilespmem:s25], [sflag:$0x1], $0x80, $0x38;
	[tilespmem:$0x9280] =	vst v63  }
0x351: {  	s31 =	sld [smem:$0x7C1];
	s29 =	ssub.s32 $0x4AF8, s13;
	s30 =	sadd.s32 s14, s24  }
0x352: {  	[hbm4b:s30+s2] =	stream.linear.scatter [tilespmem:s29], [sflag:$0x1], $0x80, $0x38;
	[tilespmem:$0x9280] =	vst v63  }
0x353: {  	s21 =	sld [smem:$0x7C2];
	s19 =	ssub.s32 $0x4B78, s13;
	s20 =	sadd.s32 s14, s28  }
0x354: {  	[hbm4b:s20+s2] =	stream.linear.scatter [tilespmem:s19], [sflag:$0x1], $0x80, $0x38;
	[tilespmem:$0x9280] =	vst v63  }
0x355: {  	s24 =	sld [smem:$0x7C3];
	s22 =	ssub.s32 $0x4BF8, s13;
	s23 =	sadd.s32 s14, s31  }
0x356: {  	[hbm4b:s23+s2] =	stream.linear.scatter [tilespmem:s22], [sflag:$0x1], $0x80, $0x38;
	[tilespmem:$0x9280] =	vst v63  }
0x357: {  	s28 =	sld [smem:$0x7C4];
	s25 =	ssub.s32 $0x4C78, s13;
	s26 =	sadd.s32 s14, s21  }
0x358: {  	[hbm4b:s26+s2] =	stream.linear.scatter [tilespmem:s25], [sflag:$0x1], $0x80, $0x38;
	[tilespmem:$0x9280] =	vst v63  }
0x359: {  	s31 =	sld [smem:$0x7C5];
	s29 =	ssub.s32 $0x4CF8, s13;
	s30 =	sadd.s32 s14, s24  }
0x35a: {  	[hbm4b:s30+s2] =	stream.linear.scatter [tilespmem:s29], [sflag:$0x1], $0x80, $0x38;
	[tilespmem:$0x9280] =	vst v63  }
0x35b: {  	s21 =	sld [smem:$0x7C6];
	s19 =	ssub.s32 $0x4D78, s13;
	s20 =	sadd.s32 s14, s28  }
0x35c: {  	[hbm4b:s20+s2] =	stream.linear.scatter [tilespmem:s19], [sflag:$0x1], $0x80, $0x38;
	[tilespmem:$0x9280] =	vst v63  }
0x35d: {  	s24 =	sld [smem:$0x7C7];
	s22 =	ssub.s32 $0x4DF8, s13;
	s23 =	sadd.s32 s14, s31  }
0x35e: {  	[hbm4b:s23+s2] =	stream.linear.scatter [tilespmem:s22], [sflag:$0x1], $0x80, $0x38;
	[tilespmem:$0x9280] =	vst v63  }
0x35f: {  	s28 =	sld [smem:$0x7C8];
	s25 =	ssub.s32 $0x4E78, s13;
	s26 =	sadd.s32 s14, s21  }
0x360: {  	[hbm4b:s26+s2] =	stream.linear.scatter [tilespmem:s25], [sflag:$0x1], $0x80, $0x38;
	[tilespmem:$0x9280] =	vst v63  }
0x361: {  	s31 =	sld [smem:$0x7C9];
	s29 =	ssub.s32 $0x4EF8, s13;
	s30 =	sadd.s32 s14, s24  }
0x362: {  	[hbm4b:s30+s2] =	stream.linear.scatter [tilespmem:s29], [sflag:$0x1], $0x80, $0x38;
	[tilespmem:$0x9280] =	vst v63  }
0x363: {  	s21 =	sld [smem:$0x7CA];
	s19 =	ssub.s32 $0x4F78, s13;
	s20 =	sadd.s32 s14, s28  }
0x364: {  	[hbm4b:s20+s2] =	stream.linear.scatter [tilespmem:s19], [sflag:$0x1], $0x80, $0x38;
	[tilespmem:$0x9280] =	vst v63  }
0x365: {  	s24 =	sld [smem:$0x7CB];
	s22 =	sadd.s32 s14, s31;
	s23 =	ssub.s32 $0x4FF8, s13  }
0x366: {  	[hbm4b:s22+s2] =	stream.linear.scatter [tilespmem:s23], [sflag:$0x1], $0x80, $0x38;
	[tilespmem:$0x9280] =	vst v63  }
0x367: {  	s28 =	sld [smem:$0x7CC];
	s25 =	sadd.s32 s14, s21;
	s26 =	ssub.s32 $0x5078, s13  }
0x368: {  	[hbm4b:s25+s2] =	stream.linear.scatter [tilespmem:s26], [sflag:$0x1], $0x80, $0x38;
	[tilespmem:$0x9280] =	vst v63  }
0x369: {  	s31 =	sld [smem:$0x7CD];
	s29 =	sadd.s32 s14, s24;
	s30 =	ssub.s32 $0x50F8, s13  }
0x36a: {  	[hbm4b:s29+s2] =	stream.linear.scatter [tilespmem:s30], [sflag:$0x1], $0x80, $0x38;
	[tilespmem:$0x9280] =	vst v63  }
0x36b: {  	s21 =	sld [smem:$0x7CE];
	s19 =	sadd.s32 s14, s28;
	s20 =	ssub.s32 $0x5178, s13  }
0x36c: {  	[hbm4b:s19+s2] =	stream.linear.scatter [tilespmem:s20], [sflag:$0x1], $0x80, $0x38;
	[tilespmem:$0x9280] =	vst v63  }
0x36d: {  	s24 =	sld [smem:$0x7CF];
	s22 =	sadd.s32 s14, s31;
	s23 =	ssub.s32 $0x51F8, s13  }
0x36e: {  	[hbm4b:s22+s2] =	stream.linear.scatter [tilespmem:s23], [sflag:$0x1], $0x80, $0x38;
	[tilespmem:$0x9280] =	vst v63  }
0x36f: {  	s28 =	sld [smem:$0x7D0];
	s25 =	ssub.s32 $0x3A78, s13;
	s26 =	sadd.s32 s14, s21  }
0x370: {  	[hbm4b:s26+s2] =	stream.linear.scatter [tilespmem:s25], [sflag:$0x1], $0x80, $0x38;
	[tilespmem:$0x9280] =	vst v63  }
0x371: {  	s31 =	sld [smem:$0x7D1];
	s29 =	ssub.s32 $0x3AF8, s13;
	s30 =	sadd.s32 s14, s24  }
0x372: {  	[hbm4b:s30+s2] =	stream.linear.scatter [tilespmem:s29], [sflag:$0x1], $0x80, $0x38;
	[tilespmem:$0x9280] =	vst v63  }
0x373: {  	s21 =	sld [smem:$0x7D2];
	s19 =	ssub.s32 $0x3B78, s13;
	s20 =	sadd.s32 s14, s28  }
0x374: {  	[hbm4b:s20+s2] =	stream.linear.scatter [tilespmem:s19], [sflag:$0x1], $0x80, $0x38;
	[tilespmem:$0x9280] =	vst v63  }
0x375: {  	s24 =	sld [smem:$0x7D3];
	s22 =	ssub.s32 $0x3BF8, s13;
	s23 =	sadd.s32 s14, s31  }
0x376: {  	[hbm4b:s23+s2] =	stream.linear.scatter [tilespmem:s22], [sflag:$0x1], $0x80, $0x38;
	[tilespmem:$0x9280] =	vst v63  }
0x377: {  	s28 =	sld [smem:$0x7D4];
	s25 =	ssub.s32 $0x3C78, s13;
	s26 =	sadd.s32 s14, s21  }
0x378: {  	[hbm4b:s26+s2] =	stream.linear.scatter [tilespmem:s25], [sflag:$0x1], $0x80, $0x38;
	[tilespmem:$0x9280] =	vst v63  }
0x379: {  	s31 =	sld [smem:$0x7D5];
	s29 =	ssub.s32 $0x3CF8, s13;
	s30 =	sadd.s32 s14, s24  }
0x37a: {  	[hbm4b:s30+s2] =	stream.linear.scatter [tilespmem:s29], [sflag:$0x1], $0x80, $0x38;
	[tilespmem:$0x9280] =	vst v63  }
0x37b: {  	s21 =	sld [smem:$0x7D6];
	s19 =	ssub.s32 $0x3D78, s13;
	s20 =	sadd.s32 s14, s28  }
0x37c: {  	[hbm4b:s20+s2] =	stream.linear.scatter [tilespmem:s19], [sflag:$0x1], $0x80, $0x38;
	[tilespmem:$0x9280] =	vst v63  }
0x37d: {  	s24 =	sld [smem:$0x7D7];
	s22 =	ssub.s32 $0x3DF8, s13;
	s23 =	sadd.s32 s14, s31  }
0x37e: {  	[hbm4b:s23+s2] =	stream.linear.scatter [tilespmem:s22], [sflag:$0x1], $0x80, $0x38;
	[tilespmem:$0x9280] =	vst v63  }
0x37f: {  	s28 =	sld [smem:$0x7D8];
	s25 =	ssub.s32 $0x3E78, s13;
	s26 =	sadd.s32 s14, s21  }
0x380: {  	[hbm4b:s26+s2] =	stream.linear.scatter [tilespmem:s25], [sflag:$0x1], $0x80, $0x38;
	[tilespmem:$0x9280] =	vst v63  }
0x381: {  	s31 =	sld [smem:$0x7D9];
	s29 =	ssub.s32 $0x3EF8, s13;
	s30 =	sadd.s32 s14, s24  }
0x382: {  	[hbm4b:s30+s2] =	stream.linear.scatter [tilespmem:s29], [sflag:$0x1], $0x80, $0x38;
	[tilespmem:$0x9280] =	vst v63  }
0x383: {  	s21 =	sld [smem:$0x7DA];
	s19 =	ssub.s32 $0x3F78, s13;
	s20 =	sadd.s32 s14, s28  }
0x384: {  	[hbm4b:s20+s2] =	stream.linear.scatter [tilespmem:s19], [sflag:$0x1], $0x80, $0x38;
	[tilespmem:$0x9280] =	vst v63  }
0x385: {  	s24 =	sld [smem:$0x7DB];
	s22 =	sadd.s32 s14, s31;
	s23 =	ssub.s32 $0x3FF8, s13  }
0x386: {  	[hbm4b:s22+s2] =	stream.linear.scatter [tilespmem:s23], [sflag:$0x1], $0x80, $0x38;
	[tilespmem:$0x9280] =	vst v63  }
0x387: {  	s28 =	sld [smem:$0x7DC];
	s25 =	sadd.s32 s14, s21;
	s26 =	ssub.s32 $0x4078, s13  }
0x388: {  	[hbm4b:s25+s2] =	stream.linear.scatter [tilespmem:s26], [sflag:$0x1], $0x80, $0x38;
	[tilespmem:$0x9280] =	vst v63  }
0x389: {  	s31 =	sld [smem:$0x7DD];
	s29 =	sadd.s32 s14, s24;
	s30 =	ssub.s32 $0x40F8, s13  }
0x38a: {  	[hbm4b:s29+s2] =	stream.linear.scatter [tilespmem:s30], [sflag:$0x1], $0x80, $0x38;
	[tilespmem:$0x9280] =	vst v63  }
0x38b: {  	s21 =	sld [smem:$0x7DE];
	s19 =	sadd.s32 s14, s28;
	s20 =	ssub.s32 $0x4178, s13  }
0x38c: {  	[hbm4b:s19+s2] =	stream.linear.scatter [tilespmem:s20], [sflag:$0x1], $0x80, $0x38;
	[tilespmem:$0x9280] =	vst v63  }
0x38d: {  	s24 =	sld [smem:$0x7DF];
	s22 =	sadd.s32 s14, s31;
	s23 =	ssub.s32 $0x41F8, s13  }
0x38e: {  	[hbm4b:s22+s2] =	stream.linear.scatter [tilespmem:s23], [sflag:$0x1], $0x80, $0x38;
	[tilespmem:$0x9280] =	vst v63  }
0x38f: {  	s28 =	sld [smem:$0x7E0];
	s25 =	ssub.s32 $0x2A78, s13;
	s26 =	sadd.s32 s14, s21  }
0x390: {  	[hbm4b:s26+s2] =	stream.linear.scatter [tilespmem:s25], [sflag:$0x1], $0x80, $0x38;
	[tilespmem:$0x9280] =	vst v63  }
0x391: {  	s31 =	sld [smem:$0x7E1];
	s29 =	ssub.s32 $0x2AF8, s13;
	s30 =	sadd.s32 s14, s24  }
0x392: {  	[hbm4b:s30+s2] =	stream.linear.scatter [tilespmem:s29], [sflag:$0x1], $0x80, $0x38;
	[tilespmem:$0x9280] =	vst v63  }
0x393: {  	s21 =	sld [smem:$0x7E2];
	s19 =	ssub.s32 $0x2B78, s13;
	s20 =	sadd.s32 s14, s28  }
0x394: {  	[hbm4b:s20+s2] =	stream.linear.scatter [tilespmem:s19], [sflag:$0x1], $0x80, $0x38;
	[tilespmem:$0x9280] =	vst v63  }
0x395: {  	s24 =	sld [smem:$0x7E3];
	s22 =	ssub.s32 $0x2BF8, s13;
	s23 =	sadd.s32 s14, s31  }
0x396: {  	[hbm4b:s23+s2] =	stream.linear.scatter [tilespmem:s22], [sflag:$0x1], $0x80, $0x38;
	[tilespmem:$0x9280] =	vst v63  }
0x397: {  	s28 =	sld [smem:$0x7E4];
	s25 =	ssub.s32 $0x2C78, s13;
	s26 =	sadd.s32 s14, s21  }
0x398: {  	[hbm4b:s26+s2] =	stream.linear.scatter [tilespmem:s25], [sflag:$0x1], $0x80, $0x38;
	[tilespmem:$0x9280] =	vst v63  }
0x399: {  	s31 =	sld [smem:$0x7E5];
	s29 =	ssub.s32 $0x2CF8, s13;
	s30 =	sadd.s32 s14, s24  }
0x39a: {  	[hbm4b:s30+s2] =	stream.linear.scatter [tilespmem:s29], [sflag:$0x1], $0x80, $0x38;
	[tilespmem:$0x9280] =	vst v63  }
0x39b: {  	s21 =	sld [smem:$0x7E6];
	s19 =	ssub.s32 $0x2D78, s13;
	s20 =	sadd.s32 s14, s28  }
0x39c: {  	[hbm4b:s20+s2] =	stream.linear.scatter [tilespmem:s19], [sflag:$0x1], $0x80, $0x38;
	[tilespmem:$0x9280] =	vst v63  }
0x39d: {  	s24 =	sld [smem:$0x7E7];
	s22 =	ssub.s32 $0x2DF8, s13;
	s23 =	sadd.s32 s14, s31  }
0x39e: {  	[hbm4b:s23+s2] =	stream.linear.scatter [tilespmem:s22], [sflag:$0x1], $0x80, $0x38;
	[tilespmem:$0x9280] =	vst v63  }
0x39f: {  	s28 =	sld [smem:$0x7E8];
	s25 =	ssub.s32 $0x2E78, s13;
	s26 =	sadd.s32 s14, s21  }
0x3a0: {  	[hbm4b:s26+s2] =	stream.linear.scatter [tilespmem:s25], [sflag:$0x1], $0x80, $0x38;
	[tilespmem:$0x9280] =	vst v63  }
0x3a1: {  	s31 =	sld [smem:$0x7E9];
	s29 =	ssub.s32 $0x2EF8, s13;
	s30 =	sadd.s32 s14, s24  }
0x3a2: {  	[hbm4b:s30+s2] =	stream.linear.scatter [tilespmem:s29], [sflag:$0x1], $0x80, $0x38;
	[tilespmem:$0x9280] =	vst v63  }
0x3a3: {  	s21 =	sld [smem:$0x7EA];
	s19 =	ssub.s32 $0x2F78, s13;
	s20 =	sadd.s32 s14, s28  }
0x3a4: {  	[hbm4b:s20+s2] =	stream.linear.scatter [tilespmem:s19], [sflag:$0x1], $0x80, $0x38;
	[tilespmem:$0x9280] =	vst v63  }
0x3a5: {  	s24 =	sld [smem:$0x7EB];
	s22 =	sadd.s32 s14, s31;
	s23 =	ssub.s32 $0x2FF8, s13  }
0x3a6: {  	[hbm4b:s22+s2] =	stream.linear.scatter [tilespmem:s23], [sflag:$0x1], $0x80, $0x38;
	[tilespmem:$0x9280] =	vst v63  }
0x3a7: {  	s28 =	sld [smem:$0x7EC];
	s25 =	sadd.s32 s14, s21;
	s26 =	ssub.s32 $0x3078, s13  }
0x3a8: {  	[hbm4b:s25+s2] =	stream.linear.scatter [tilespmem:s26], [sflag:$0x1], $0x80, $0x38;
	[tilespmem:$0x9280] =	vst v63  }
0x3a9: {  	s31 =	sld [smem:$0x7ED];
	s29 =	sadd.s32 s14, s24;
	s30 =	ssub.s32 $0x30F8, s13  }
0x3aa: {  	[hbm4b:s29+s2] =	stream.linear.scatter [tilespmem:s30], [sflag:$0x1], $0x80, $0x38;
	[tilespmem:$0x9280] =	vst v63  }
0x3ab: {  	s21 =	sld [smem:$0x7EE];
	s19 =	sadd.s32 s14, s28;
	s20 =	ssub.s32 $0x3178, s13  }
0x3ac: {  	[hbm4b:s19+s2] =	stream.linear.scatter [tilespmem:s20], [sflag:$0x1], $0x80, $0x38;
	[tilespmem:$0x9280] =	vst v63  }
0x3ad: {  	s24 =	sld [smem:$0x7EF];
	s22 =	sadd.s32 s14, s31;
	s23 =	ssub.s32 $0x31F8, s13  }
0x3ae: {  	[hbm4b:s22+s2] =	stream.linear.scatter [tilespmem:s23], [sflag:$0x1], $0x80, $0x38;
	[tilespmem:$0x9280] =	vst v63  }
0x3af: {  	s28 =	sld [smem:$0x7F0];
	s25 =	ssub.s32 $0x1A78, s13;
	s26 =	sadd.s32 s14, s21  }
0x3b0: {  	[hbm4b:s26+s2] =	stream.linear.scatter [tilespmem:s25], [sflag:$0x1], $0x80, $0x38;
	[tilespmem:$0x9280] =	vst v63  }
0x3b1: {  	s31 =	sld [smem:$0x7F1];
	s29 =	ssub.s32 $0x1AF8, s13;
	s30 =	sadd.s32 s14, s24  }
0x3b2: {  	[hbm4b:s30+s2] =	stream.linear.scatter [tilespmem:s29], [sflag:$0x1], $0x80, $0x38;
	[tilespmem:$0x9280] =	vst v63  }
0x3b3: {  	s21 =	sld [smem:$0x7F2];
	s19 =	ssub.s32 $0x1B78, s13;
	s20 =	sadd.s32 s14, s28  }
0x3b4: {  	[hbm4b:s20+s2] =	stream.linear.scatter [tilespmem:s19], [sflag:$0x1], $0x80, $0x38;
	[tilespmem:$0x9280] =	vst v63  }
0x3b5: {  	s24 =	sld [smem:$0x7F3];
	s22 =	ssub.s32 $0x1BF8, s13;
	s23 =	sadd.s32 s14, s31  }
0x3b6: {  	[hbm4b:s23+s2] =	stream.linear.scatter [tilespmem:s22], [sflag:$0x1], $0x80, $0x38;
	[tilespmem:$0x9280] =	vst v63  }
0x3b7: {  	s28 =	sld [smem:$0x7F4];
	s25 =	ssub.s32 $0x1C78, s13;
	s26 =	sadd.s32 s14, s21  }
0x3b8: {  	[hbm4b:s26+s2] =	stream.linear.scatter [tilespmem:s25], [sflag:$0x1], $0x80, $0x38;
	[tilespmem:$0x9280] =	vst v63  }
0x3b9: {  	s31 =	sld [smem:$0x7F5];
	s29 =	ssub.s32 $0x1CF8, s13;
	s30 =	sadd.s32 s14, s24  }
0x3ba: {  	[hbm4b:s30+s2] =	stream.linear.scatter [tilespmem:s29], [sflag:$0x1], $0x80, $0x38;
	[tilespmem:$0x9280] =	vst v63  }
0x3bb: {  	s21 =	sld [smem:$0x7F6];
	s19 =	ssub.s32 $0x1D78, s13;
	s20 =	sadd.s32 s14, s28  }
0x3bc: {  	[hbm4b:s20+s2] =	stream.linear.scatter [tilespmem:s19], [sflag:$0x1], $0x80, $0x38;
	[tilespmem:$0x9280] =	vst v63  }
0x3bd: {  	s24 =	sld [smem:$0x7F7];
	s22 =	ssub.s32 $0x1DF8, s13;
	s23 =	sadd.s32 s14, s31  }
0x3be: {  	[hbm4b:s23+s2] =	stream.linear.scatter [tilespmem:s22], [sflag:$0x1], $0x80, $0x38;
	[tilespmem:$0x9280] =	vst v63  }
0x3bf: {  	s28 =	sld [smem:$0x7F8];
	s25 =	ssub.s32 $0x1E78, s13;
	s26 =	sadd.s32 s14, s21  }
0x3c0: {  	[hbm4b:s26+s2] =	stream.linear.scatter [tilespmem:s25], [sflag:$0x1], $0x80, $0x38;
	[tilespmem:$0x9280] =	vst v63  }
0x3c1: {  	s31 =	sld [smem:$0x7F9];
	s29 =	ssub.s32 $0x1EF8, s13;
	s30 =	sadd.s32 s14, s24  }
0x3c2: {  	[hbm4b:s30+s2] =	stream.linear.scatter [tilespmem:s29], [sflag:$0x1], $0x80, $0x38;
	[tilespmem:$0x9280] =	vst v63  }
0x3c3: {  	s16 =	ssub.s32 $0x1F78, s13;
	s18 =	sadd.s32 s14, s28;
	s19 =	sld [smem:$0x7FA]  }
0x3c4: {  	[hbm4b:s18+s2] =	stream.linear.scatter [tilespmem:s16], [sflag:$0x1], $0x80, $0x38;
	[tilespmem:$0x9280] =	vst v63  }
0x3c5: {  	s21 =	ssub.s32 $0x1FF8, s13;
	s20 =	sadd.s32 s14, s31;
	s22 =	sld [smem:$0x7FB]  }
0x3c6: {  	[hbm4b:s20+s2] =	stream.linear.scatter [tilespmem:s21], [sflag:$0x1], $0x80, $0x38;
	[tilespmem:$0x9280] =	vst v63  }
0x3c7: {  	s24 =	ssub.s32 $0x2078, s13;
	s23 =	sadd.s32 s14, s19;
	s25 =	sld [smem:$0x7FC]  }
0x3c8: {  	[hbm4b:s23+s2] =	stream.linear.scatter [tilespmem:s24], [sflag:$0x1], $0x80, $0x38;
	[tilespmem:$0x9280] =	vst v63  }
0x3c9: {  	p0 =	sne.s32 s11, $0x80;
	s28 =	ssub.s32 $0x20F8, s13;
	s26 =	sadd.s32 s14, s22  }
0x3ca: {  	[hbm4b:s26+s2] =	stream.linear.scatter [tilespmem:s28], [sflag:$0x1], $0x80, $0x38;
	[tilespmem:$0x9280] =	vst v63  }
0x3cb: {  	s31 =	ssub.s32 $0x2178, s13;
	s29 =	sld [smem:$0x7FD];
	s30 =	sadd.s32 s14, s25  }
0x3cc: {  	[hbm4b:s30+s2] =	stream.linear.scatter [tilespmem:s31], [sflag:$0x1], $0x80, $0x38;
	[tilespmem:$0x9280] =	vst v63  }
.Ltmp9:
0x3cd: {  	_ = 	snop;
	(pc) =	sbr.rel @p0 .LBB2_20-.Ltmp9, $4  }
0x3ce: {  	p1 =	slt.u32 s10, $0x2;
	s13 =	ssub.s32 $0x21F8, s13;
	s14 =	sadd.s32 s14, s29  }
0x3cf: {  	[hbm4b:s14+s2] =	stream.linear.scatter [tilespmem:s13], [sflag:$0x1], $0x80, $0x38;
	[tilespmem:$0x9280] =	vst v63  }
0x3d0: {  	s13 =	simm.s32 @!p1 $0x1  }
0x3d1: {  	s10 =	smov.u32 s12;
	_ =	swait.ge @!p1 [sflag:s13], $0x4000  }
0x3d2: {  	s11 =	rddreg [dreg:$0x3]  }
0x3d3: {  	s12 =	sshll.u32 s10, $0x3;
	s14 =	rddreg [dreg:$0x4]  }
0x3d4: {  	s29 =	rddreg [dreg:$0x5];
	s11 =	sadd.s32 s11, s12  }
0x3d5: {  	s16 =	rddreg [dreg:$0x6];
	s12 =	sshll.u32 s11, $0x8  }
0x3d6: {  	[sflag:s13] =	ssyncset.done @!p1 $0x0;
	s31 =	rddreg [dreg:$0x7];
	s12 =	sadd.s32 s14, s12  }
0x3d7: {  	[sflag:s13] =	ssyncadd.s32 @!p1 $0xFFFFC000;
	s15 =	ssub.s32 $0x8A78, s11;
	s14 =	sadd.s32 s1, s12  }
0x3d8: {  	[hbm4b:s14+s2] =	stream.linear.scatter [tilespmem:s15], [sflag:$0x1], $0x80, $0x38;
	[tilespmem:$0x9280] =	vst v63  }
0x3d9: {  	s18 =	rddreg [dreg:$0x8];
	s30 =	ssub.s32 $0x8AF8, s11;
	s13 =	sadd.s32 s12, s29  }
0x3da: {  	[hbm4b:s13+s2] =	stream.linear.scatter [tilespmem:s30], [sflag:$0x1], $0x80, $0x38;
	[tilespmem:$0x9280] =	vst v63  }
0x3db: {  	s21 =	rddreg [dreg:$0x9];
	s17 =	ssub.s32 $0x8B78, s11;
	s16 =	sadd.s32 s12, s16  }
0x3dc: {  	[hbm4b:s16+s2] =	stream.linear.scatter [tilespmem:s17], [sflag:$0x1], $0x80, $0x38;
	[tilespmem:$0x9280] =	vst v63  }
0x3dd: {  	s24 =	rddreg [dreg:$0xa];
	s20 =	ssub.s32 $0x8BF8, s11;
	s19 =	sadd.s32 s12, s31  }
0x3de: {  	[hbm4b:s19+s2] =	stream.linear.scatter [tilespmem:s20], [sflag:$0x1], $0x80, $0x38;
	[tilespmem:$0x9280] =	vst v63  }
0x3df: {  	s28 =	rddreg [dreg:$0xb];
	s23 =	ssub.s32 $0x8C78, s11;
	s22 =	sadd.s32 s12, s18  }
0x3e0: {  	[hbm4b:s22+s2] =	stream.linear.scatter [tilespmem:s23], [sflag:$0x1], $0x80, $0x38;
	[tilespmem:$0x9280] =	vst v63  }
0x3e1: {  	s26 =	ssub.s32 $0x8CF8, s11;
	s25 =	sadd.s32 s12, s21;
	s31 =	rddreg [dreg:$0xc]  }
0x3e2: {  	[hbm4b:s25+s2] =	stream.linear.scatter [tilespmem:s26], [sflag:$0x1], $0x80, $0x38;
	[tilespmem:$0x9280] =	vst v63  }
0x3e3: {  	s29 =	sadd.s32 s12, s24;
	s18 =	rddreg [dreg:$0xd];
	s30 =	ssub.s32 $0x8D78, s11  }
0x3e4: {  	[hbm4b:s29+s2] =	stream.linear.scatter [tilespmem:s30], [sflag:$0x1], $0x80, $0x38;
	[tilespmem:$0x9280] =	vst v63  }
0x3e5: {  	s21 =	rddreg [dreg:$0xe];
	s15 =	sadd.s32 s12, s28;
	s17 =	ssub.s32 $0x8DF8, s11  }
0x3e6: {  	[hbm4b:s15+s2] =	stream.linear.scatter [tilespmem:s17], [sflag:$0x1], $0x80, $0x38;
	[tilespmem:$0x9280] =	vst v63  }
0x3e7: {  	s24 =	rddreg [dreg:$0xf];
	s19 =	sadd.s32 s12, s31;
	s20 =	ssub.s32 $0x8E78, s11  }
0x3e8: {  	[hbm4b:s19+s2] =	stream.linear.scatter [tilespmem:s20], [sflag:$0x1], $0x80, $0x38;
	[tilespmem:$0x9280] =	vst v63  }
0x3e9: {  	s28 =	rddreg [dreg:$0x10];
	s22 =	sadd.s32 s12, s18;
	s23 =	ssub.s32 $0x8EF8, s11  }
0x3ea: {  	[hbm4b:s22+s2] =	stream.linear.scatter [tilespmem:s23], [sflag:$0x1], $0x80, $0x38;
	[tilespmem:$0x9280] =	vst v63  }
0x3eb: {  	s16 =	sadd.s32 s12, s28;
	s25 =	sadd.s32 s12, s21;
	s26 =	ssub.s32 $0x8F78, s11  }
0x3ec: {  	[hbm4b:s25+s2] =	stream.linear.scatter [tilespmem:s26], [sflag:$0x1], $0x80, $0x38;
	[tilespmem:$0x9280] =	vst v63  }
0x3ed: {  	s28 =	rddreg [dreg:$0x15];
	s29 =	sadd.s32 s12, s24;
	s30 =	ssub.s32 $0x8FF8, s11  }
0x3ee: {  	[hbm4b:s29+s2] =	stream.linear.scatter [tilespmem:s30], [sflag:$0x1], $0x80, $0x38;
	[tilespmem:$0x9280] =	vst v63  }
0x3ef: {  	s31 =	rddreg [dreg:$0x11];
	s17 =	ssub.s32 $0x9078, s11  }
0x3f0: {  	[hbm4b:s16+s2] =	stream.linear.scatter [tilespmem:s17], [sflag:$0x1], $0x80, $0x38;
	[tilespmem:$0x9280] =	vst v63  }
0x3f1: {  	s18 =	rddreg [dreg:$0x12];
	s19 =	sadd.s32 s12, s31;
	s20 =	ssub.s32 $0x90F8, s11  }
0x3f2: {  	[hbm4b:s19+s2] =	stream.linear.scatter [tilespmem:s20], [sflag:$0x1], $0x80, $0x38;
	[tilespmem:$0x9280] =	vst v63  }
0x3f3: {  	s21 =	rddreg [dreg:$0x13];
	s22 =	sadd.s32 s12, s18;
	s23 =	ssub.s32 $0x9178, s11  }
0x3f4: {  	[hbm4b:s22+s2] =	stream.linear.scatter [tilespmem:s23], [sflag:$0x1], $0x80, $0x38;
	[tilespmem:$0x9280] =	vst v63  }
0x3f5: {  	s24 =	rddreg [dreg:$0x14];
	s25 =	sadd.s32 s12, s21;
	s26 =	ssub.s32 $0x91F8, s11  }
0x3f6: {  	[hbm4b:s25+s2] =	stream.linear.scatter [tilespmem:s26], [sflag:$0x1], $0x80, $0x38;
	[tilespmem:$0x9280] =	vst v63  }
0x3f7: {  	s31 =	rddreg [dreg:$0x16];
	s29 =	ssub.s32 $0x7A78, s11;
	s30 =	sadd.s32 s12, s24  }
0x3f8: {  	[hbm4b:s30+s2] =	stream.linear.scatter [tilespmem:s29], [sflag:$0x1], $0x80, $0x38;
	[tilespmem:$0x9280] =	vst v63  }
0x3f9: {  	s14 =	ssub.s32 $0x7AF8, s11;
	s18 =	rddreg [dreg:$0x17];
	s17 =	sadd.s32 s12, s28  }
0x3fa: {  	[hbm4b:s17+s2] =	stream.linear.scatter [tilespmem:s14], [sflag:$0x1], $0x80, $0x38;
	[tilespmem:$0x9280] =	vst v63  }
0x3fb: {  	s21 =	rddreg [dreg:$0x18];
	s19 =	ssub.s32 $0x7B78, s11;
	s20 =	sadd.s32 s12, s31  }
0x3fc: {  	[hbm4b:s20+s2] =	stream.linear.scatter [tilespmem:s19], [sflag:$0x1], $0x80, $0x38;
	[tilespmem:$0x9280] =	vst v63  }
0x3fd: {  	s24 =	rddreg [dreg:$0x19];
	s22 =	ssub.s32 $0x7BF8, s11;
	s23 =	sadd.s32 s12, s18  }
0x3fe: {  	[hbm4b:s23+s2] =	stream.linear.scatter [tilespmem:s22], [sflag:$0x1], $0x80, $0x38;
	[tilespmem:$0x9280] =	vst v63  }
0x3ff: {  	s28 =	rddreg [dreg:$0x1a];
	s25 =	ssub.s32 $0x7C78, s11;
	s26 =	sadd.s32 s12, s21  }
0x400: {  	[hbm4b:s26+s2] =	stream.linear.scatter [tilespmem:s25], [sflag:$0x1], $0x80, $0x38;
	[tilespmem:$0x9280] =	vst v63  }
0x401: {  	s31 =	rddreg [dreg:$0x1b];
	s29 =	ssub.s32 $0x7CF8, s11;
	s30 =	sadd.s32 s12, s24  }
0x402: {  	[hbm4b:s30+s2] =	stream.linear.scatter [tilespmem:s29], [sflag:$0x1], $0x80, $0x38;
	[tilespmem:$0x9280] =	vst v63  }
0x403: {  	s18 =	rddreg [dreg:$0x1c];
	s14 =	ssub.s32 $0x7D78, s11;
	s17 =	sadd.s32 s12, s28  }
0x404: {  	[hbm4b:s17+s2] =	stream.linear.scatter [tilespmem:s14], [sflag:$0x1], $0x80, $0x38;
	[tilespmem:$0x9280] =	vst v63  }
0x405: {  	s21 =	rddreg [dreg:$0x1d];
	s19 =	ssub.s32 $0x7DF8, s11;
	s20 =	sadd.s32 s12, s31  }
0x406: {  	[hbm4b:s20+s2] =	stream.linear.scatter [tilespmem:s19], [sflag:$0x1], $0x80, $0x38;
	[tilespmem:$0x9280] =	vst v63  }
0x407: {  	s24 =	rddreg [dreg:$0x1e];
	s22 =	ssub.s32 $0x7E78, s11;
	s23 =	sadd.s32 s12, s18  }
0x408: {  	[hbm4b:s23+s2] =	stream.linear.scatter [tilespmem:s22], [sflag:$0x1], $0x80, $0x38;
	[tilespmem:$0x9280] =	vst v63  }
0x409: {  	s28 =	rddreg [dreg:$0x1f];
	s25 =	ssub.s32 $0x7EF8, s11;
	s26 =	sadd.s32 s12, s21  }
0x40a: {  	[hbm4b:s26+s2] =	stream.linear.scatter [tilespmem:s25], [sflag:$0x1], $0x80, $0x38;
	[tilespmem:$0x9280] =	vst v63  }
0x40b: {  	s31 =	sld [smem:$0x79A];
	s29 =	ssub.s32 $0x7F78, s11;
	s30 =	sadd.s32 s12, s24  }
0x40c: {  	[hbm4b:s30+s2] =	stream.linear.scatter [tilespmem:s29], [sflag:$0x1], $0x80, $0x38;
	[tilespmem:$0x9280] =	vst v63  }
0x40d: {  	s15 =	sadd.s32 s12, s28;
	s18 =	sld [smem:$0x79B];
	s17 =	ssub.s32 $0x7FF8, s11  }
0x40e: {  	[hbm4b:s15+s2] =	stream.linear.scatter [tilespmem:s17], [sflag:$0x1], $0x80, $0x38;
	[tilespmem:$0x9280] =	vst v63  }
0x40f: {  	s21 =	sld [smem:$0x79C];
	s19 =	sadd.s32 s12, s31;
	s20 =	ssub.s32 $0x8078, s11  }
0x410: {  	[hbm4b:s19+s2] =	stream.linear.scatter [tilespmem:s20], [sflag:$0x1], $0x80, $0x38;
	[tilespmem:$0x9280] =	vst v63  }
0x411: {  	s24 =	sld [smem:$0x79D];
	s22 =	sadd.s32 s12, s18;
	s23 =	ssub.s32 $0x80F8, s11  }
0x412: {  	[hbm4b:s22+s2] =	stream.linear.scatter [tilespmem:s23], [sflag:$0x1], $0x80, $0x38;
	[tilespmem:$0x9280] =	vst v63  }
0x413: {  	s28 =	sld [smem:$0x79E];
	s25 =	sadd.s32 s12, s21;
	s26 =	ssub.s32 $0x8178, s11  }
0x414: {  	[hbm4b:s25+s2] =	stream.linear.scatter [tilespmem:s26], [sflag:$0x1], $0x80, $0x38;
	[tilespmem:$0x9280] =	vst v63  }
0x415: {  	s31 =	sld [smem:$0x79F];
	s29 =	sadd.s32 s12, s24;
	s30 =	ssub.s32 $0x81F8, s11  }
0x416: {  	[hbm4b:s29+s2] =	stream.linear.scatter [tilespmem:s30], [sflag:$0x1], $0x80, $0x38;
	[tilespmem:$0x9280] =	vst v63  }
0x417: {  	s14 =	ssub.s32 $0x6A78, s11;
	s18 =	sld [smem:$0x7A0];
	s17 =	sadd.s32 s12, s28  }
0x418: {  	[hbm4b:s17+s2] =	stream.linear.scatter [tilespmem:s14], [sflag:$0x1], $0x80, $0x38;
	[tilespmem:$0x9280] =	vst v63  }
0x419: {  	s21 =	sld [smem:$0x7A1];
	s19 =	ssub.s32 $0x6AF8, s11;
	s20 =	sadd.s32 s12, s31  }
0x41a: {  	[hbm4b:s20+s2] =	stream.linear.scatter [tilespmem:s19], [sflag:$0x1], $0x80, $0x38;
	[tilespmem:$0x9280] =	vst v63  }
0x41b: {  	s24 =	sld [smem:$0x7A2];
	s22 =	ssub.s32 $0x6B78, s11;
	s23 =	sadd.s32 s12, s18  }
0x41c: {  	[hbm4b:s23+s2] =	stream.linear.scatter [tilespmem:s22], [sflag:$0x1], $0x80, $0x38;
	[tilespmem:$0x9280] =	vst v63  }
0x41d: {  	s28 =	sld [smem:$0x7A3];
	s25 =	ssub.s32 $0x6BF8, s11;
	s26 =	sadd.s32 s12, s21  }
0x41e: {  	[hbm4b:s26+s2] =	stream.linear.scatter [tilespmem:s25], [sflag:$0x1], $0x80, $0x38;
	[tilespmem:$0x9280] =	vst v63  }
0x41f: {  	s31 =	sld [smem:$0x7A4];
	s29 =	ssub.s32 $0x6C78, s11;
	s30 =	sadd.s32 s12, s24  }
0x420: {  	[hbm4b:s30+s2] =	stream.linear.scatter [tilespmem:s29], [sflag:$0x1], $0x80, $0x38;
	[tilespmem:$0x9280] =	vst v63  }
0x421: {  	s18 =	sld [smem:$0x7A5];
	s14 =	ssub.s32 $0x6CF8, s11;
	s17 =	sadd.s32 s12, s28  }
0x422: {  	[hbm4b:s17+s2] =	stream.linear.scatter [tilespmem:s14], [sflag:$0x1], $0x80, $0x38;
	[tilespmem:$0x9280] =	vst v63  }
0x423: {  	s21 =	sld [smem:$0x7A6];
	s19 =	ssub.s32 $0x6D78, s11;
	s20 =	sadd.s32 s12, s31  }
0x424: {  	[hbm4b:s20+s2] =	stream.linear.scatter [tilespmem:s19], [sflag:$0x1], $0x80, $0x38;
	[tilespmem:$0x9280] =	vst v63  }
0x425: {  	s24 =	sld [smem:$0x7A7];
	s22 =	ssub.s32 $0x6DF8, s11;
	s23 =	sadd.s32 s12, s18  }
0x426: {  	[hbm4b:s23+s2] =	stream.linear.scatter [tilespmem:s22], [sflag:$0x1], $0x80, $0x38;
	[tilespmem:$0x9280] =	vst v63  }
0x427: {  	s28 =	sld [smem:$0x7A8];
	s25 =	ssub.s32 $0x6E78, s11;
	s26 =	sadd.s32 s12, s21  }
0x428: {  	[hbm4b:s26+s2] =	stream.linear.scatter [tilespmem:s25], [sflag:$0x1], $0x80, $0x38;
	[tilespmem:$0x9280] =	vst v63  }
0x429: {  	s31 =	sld [smem:$0x7A9];
	s29 =	ssub.s32 $0x6EF8, s11;
	s30 =	sadd.s32 s12, s24  }
0x42a: {  	[hbm4b:s30+s2] =	stream.linear.scatter [tilespmem:s29], [sflag:$0x1], $0x80, $0x38;
	[tilespmem:$0x9280] =	vst v63  }
0x42b: {  	s18 =	sld [smem:$0x7AA];
	s14 =	ssub.s32 $0x6F78, s11;
	s17 =	sadd.s32 s12, s28  }
0x42c: {  	[hbm4b:s17+s2] =	stream.linear.scatter [tilespmem:s14], [sflag:$0x1], $0x80, $0x38;
	[tilespmem:$0x9280] =	vst v63  }
0x42d: {  	s21 =	sld [smem:$0x7AB];
	s19 =	sadd.s32 s12, s31;
	s20 =	ssub.s32 $0x6FF8, s11  }
0x42e: {  	[hbm4b:s19+s2] =	stream.linear.scatter [tilespmem:s20], [sflag:$0x1], $0x80, $0x38;
	[tilespmem:$0x9280] =	vst v63  }
0x42f: {  	s24 =	sld [smem:$0x7AC];
	s22 =	sadd.s32 s12, s18;
	s23 =	ssub.s32 $0x7078, s11  }
0x430: {  	[hbm4b:s22+s2] =	stream.linear.scatter [tilespmem:s23], [sflag:$0x1], $0x80, $0x38;
	[tilespmem:$0x9280] =	vst v63  }
0x431: {  	s28 =	sld [smem:$0x7AD];
	s25 =	sadd.s32 s12, s21;
	s26 =	ssub.s32 $0x70F8, s11  }
0x432: {  	[hbm4b:s25+s2] =	stream.linear.scatter [tilespmem:s26], [sflag:$0x1], $0x80, $0x38;
	[tilespmem:$0x9280] =	vst v63  }
0x433: {  	s31 =	sld [smem:$0x7AE];
	s29 =	sadd.s32 s12, s24;
	s30 =	ssub.s32 $0x7178, s11  }
0x434: {  	[hbm4b:s29+s2] =	stream.linear.scatter [tilespmem:s30], [sflag:$0x1], $0x80, $0x38;
	[tilespmem:$0x9280] =	vst v63  }
0x435: {  	s15 =	sadd.s32 s12, s28;
	s18 =	sld [smem:$0x7AF];
	s17 =	ssub.s32 $0x71F8, s11  }
0x436: {  	[hbm4b:s15+s2] =	stream.linear.scatter [tilespmem:s17], [sflag:$0x1], $0x80, $0x38;
	[tilespmem:$0x9280] =	vst v63  }
0x437: {  	s21 =	sld [smem:$0x7B0];
	s19 =	ssub.s32 $0x5A78, s11;
	s20 =	sadd.s32 s12, s31  }
0x438: {  	[hbm4b:s20+s2] =	stream.linear.scatter [tilespmem:s19], [sflag:$0x1], $0x80, $0x38;
	[tilespmem:$0x9280] =	vst v63  }
0x439: {  	s24 =	sld [smem:$0x7B1];
	s22 =	ssub.s32 $0x5AF8, s11;
	s23 =	sadd.s32 s12, s18  }
0x43a: {  	[hbm4b:s23+s2] =	stream.linear.scatter [tilespmem:s22], [sflag:$0x1], $0x80, $0x38;
	[tilespmem:$0x9280] =	vst v63  }
0x43b: {  	s28 =	sld [smem:$0x7B2];
	s25 =	ssub.s32 $0x5B78, s11;
	s26 =	sadd.s32 s12, s21  }
0x43c: {  	[hbm4b:s26+s2] =	stream.linear.scatter [tilespmem:s25], [sflag:$0x1], $0x80, $0x38;
	[tilespmem:$0x9280] =	vst v63  }
0x43d: {  	s31 =	sld [smem:$0x7B3];
	s29 =	ssub.s32 $0x5BF8, s11;
	s30 =	sadd.s32 s12, s24  }
0x43e: {  	[hbm4b:s30+s2] =	stream.linear.scatter [tilespmem:s29], [sflag:$0x1], $0x80, $0x38;
	[tilespmem:$0x9280] =	vst v63  }
0x43f: {  	s14 =	ssub.s32 $0x5C78, s11;
	s18 =	sld [smem:$0x7B4];
	s17 =	sadd.s32 s12, s28  }
0x440: {  	[hbm4b:s17+s2] =	stream.linear.scatter [tilespmem:s14], [sflag:$0x1], $0x80, $0x38;
	[tilespmem:$0x9280] =	vst v63  }
0x441: {  	s21 =	sld [smem:$0x7B5];
	s19 =	ssub.s32 $0x5CF8, s11;
	s20 =	sadd.s32 s12, s31  }
0x442: {  	[hbm4b:s20+s2] =	stream.linear.scatter [tilespmem:s19], [sflag:$0x1], $0x80, $0x38;
	[tilespmem:$0x9280] =	vst v63  }
0x443: {  	s24 =	sld [smem:$0x7B6];
	s22 =	ssub.s32 $0x5D78, s11;
	s23 =	sadd.s32 s12, s18  }
0x444: {  	[hbm4b:s23+s2] =	stream.linear.scatter [tilespmem:s22], [sflag:$0x1], $0x80, $0x38;
	[tilespmem:$0x9280] =	vst v63  }
0x445: {  	s28 =	sld [smem:$0x7B7];
	s25 =	ssub.s32 $0x5DF8, s11;
	s26 =	sadd.s32 s12, s21  }
0x446: {  	[hbm4b:s26+s2] =	stream.linear.scatter [tilespmem:s25], [sflag:$0x1], $0x80, $0x38;
	[tilespmem:$0x9280] =	vst v63  }
0x447: {  	s31 =	sld [smem:$0x7B8];
	s29 =	ssub.s32 $0x5E78, s11;
	s30 =	sadd.s32 s12, s24  }
0x448: {  	[hbm4b:s30+s2] =	stream.linear.scatter [tilespmem:s29], [sflag:$0x1], $0x80, $0x38;
	[tilespmem:$0x9280] =	vst v63  }
0x449: {  	s18 =	sld [smem:$0x7B9];
	s14 =	ssub.s32 $0x5EF8, s11;
	s17 =	sadd.s32 s12, s28  }
0x44a: {  	[hbm4b:s17+s2] =	stream.linear.scatter [tilespmem:s14], [sflag:$0x1], $0x80, $0x38;
	[tilespmem:$0x9280] =	vst v63  }
0x44b: {  	s21 =	sld [smem:$0x7BA];
	s19 =	ssub.s32 $0x5F78, s11;
	s20 =	sadd.s32 s12, s31  }
0x44c: {  	[hbm4b:s20+s2] =	stream.linear.scatter [tilespmem:s19], [sflag:$0x1], $0x80, $0x38;
	[tilespmem:$0x9280] =	vst v63  }
0x44d: {  	s24 =	sld [smem:$0x7BB];
	s22 =	sadd.s32 s12, s18;
	s23 =	ssub.s32 $0x5FF8, s11  }
0x44e: {  	[hbm4b:s22+s2] =	stream.linear.scatter [tilespmem:s23], [sflag:$0x1], $0x80, $0x38;
	[tilespmem:$0x9280] =	vst v63  }
0x44f: {  	s28 =	sld [smem:$0x7BC];
	s25 =	sadd.s32 s12, s21;
	s26 =	ssub.s32 $0x6078, s11  }
0x450: {  	[hbm4b:s25+s2] =	stream.linear.scatter [tilespmem:s26], [sflag:$0x1], $0x80, $0x38;
	[tilespmem:$0x9280] =	vst v63  }
0x451: {  	s31 =	sld [smem:$0x7BD];
	s29 =	sadd.s32 s12, s24;
	s30 =	ssub.s32 $0x60F8, s11  }
0x452: {  	[hbm4b:s29+s2] =	stream.linear.scatter [tilespmem:s30], [sflag:$0x1], $0x80, $0x38;
	[tilespmem:$0x9280] =	vst v63  }
0x453: {  	s16 =	sadd.s32 s12, s28;
	s18 =	sld [smem:$0x7BE];
	s17 =	ssub.s32 $0x6178, s11  }
0x454: {  	[hbm4b:s16+s2] =	stream.linear.scatter [tilespmem:s17], [sflag:$0x1], $0x80, $0x38;
	[tilespmem:$0x9280] =	vst v63  }
0x455: {  	s21 =	sld [smem:$0x7BF];
	s19 =	sadd.s32 s12, s31;
	s20 =	ssub.s32 $0x61F8, s11  }
0x456: {  	[hbm4b:s19+s2] =	stream.linear.scatter [tilespmem:s20], [sflag:$0x1], $0x80, $0x38;
	[tilespmem:$0x9280] =	vst v63  }
0x457: {  	s24 =	sld [smem:$0x7C0];
	s22 =	ssub.s32 $0x4A78, s11;
	s23 =	sadd.s32 s12, s18  }
0x458: {  	[hbm4b:s23+s2] =	stream.linear.scatter [tilespmem:s22], [sflag:$0x1], $0x80, $0x38;
	[tilespmem:$0x9280] =	vst v63  }
0x459: {  	s28 =	sld [smem:$0x7C1];
	s25 =	ssub.s32 $0x4AF8, s11;
	s26 =	sadd.s32 s12, s21  }
0x45a: {  	[hbm4b:s26+s2] =	stream.linear.scatter [tilespmem:s25], [sflag:$0x1], $0x80, $0x38;
	[tilespmem:$0x9280] =	vst v63  }
0x45b: {  	s31 =	sld [smem:$0x7C2];
	s29 =	ssub.s32 $0x4B78, s11;
	s30 =	sadd.s32 s12, s24  }
0x45c: {  	[hbm4b:s30+s2] =	stream.linear.scatter [tilespmem:s29], [sflag:$0x1], $0x80, $0x38;
	[tilespmem:$0x9280] =	vst v63  }
0x45d: {  	s14 =	ssub.s32 $0x4BF8, s11;
	s18 =	sld [smem:$0x7C3];
	s17 =	sadd.s32 s12, s28  }
0x45e: {  	[hbm4b:s17+s2] =	stream.linear.scatter [tilespmem:s14], [sflag:$0x1], $0x80, $0x38;
	[tilespmem:$0x9280] =	vst v63  }
0x45f: {  	s21 =	sld [smem:$0x7C4];
	s19 =	ssub.s32 $0x4C78, s11;
	s20 =	sadd.s32 s12, s31  }
0x460: {  	[hbm4b:s20+s2] =	stream.linear.scatter [tilespmem:s19], [sflag:$0x1], $0x80, $0x38;
	[tilespmem:$0x9280] =	vst v63  }
0x461: {  	s24 =	sld [smem:$0x7C5];
	s22 =	ssub.s32 $0x4CF8, s11;
	s23 =	sadd.s32 s12, s18  }
0x462: {  	[hbm4b:s23+s2] =	stream.linear.scatter [tilespmem:s22], [sflag:$0x1], $0x80, $0x38;
	[tilespmem:$0x9280] =	vst v63  }
0x463: {  	s28 =	sld [smem:$0x7C6];
	s25 =	ssub.s32 $0x4D78, s11;
	s26 =	sadd.s32 s12, s21  }
0x464: {  	[hbm4b:s26+s2] =	stream.linear.scatter [tilespmem:s25], [sflag:$0x1], $0x80, $0x38;
	[tilespmem:$0x9280] =	vst v63  }
0x465: {  	s31 =	sld [smem:$0x7C7];
	s29 =	ssub.s32 $0x4DF8, s11;
	s30 =	sadd.s32 s12, s24  }
0x466: {  	[hbm4b:s30+s2] =	stream.linear.scatter [tilespmem:s29], [sflag:$0x1], $0x80, $0x38;
	[tilespmem:$0x9280] =	vst v63  }
0x467: {  	s18 =	sld [smem:$0x7C8];
	s14 =	ssub.s32 $0x4E78, s11;
	s17 =	sadd.s32 s12, s28  }
0x468: {  	[hbm4b:s17+s2] =	stream.linear.scatter [tilespmem:s14], [sflag:$0x1], $0x80, $0x38;
	[tilespmem:$0x9280] =	vst v63  }
0x469: {  	s21 =	sld [smem:$0x7C9];
	s19 =	ssub.s32 $0x4EF8, s11;
	s20 =	sadd.s32 s12, s31  }
0x46a: {  	[hbm4b:s20+s2] =	stream.linear.scatter [tilespmem:s19], [sflag:$0x1], $0x80, $0x38;
	[tilespmem:$0x9280] =	vst v63  }
0x46b: {  	s24 =	sld [smem:$0x7CA];
	s22 =	ssub.s32 $0x4F78, s11;
	s23 =	sadd.s32 s12, s18  }
0x46c: {  	[hbm4b:s23+s2] =	stream.linear.scatter [tilespmem:s22], [sflag:$0x1], $0x80, $0x38;
	[tilespmem:$0x9280] =	vst v63  }
0x46d: {  	s28 =	sld [smem:$0x7CB];
	s25 =	sadd.s32 s12, s21;
	s26 =	ssub.s32 $0x4FF8, s11  }
0x46e: {  	[hbm4b:s25+s2] =	stream.linear.scatter [tilespmem:s26], [sflag:$0x1], $0x80, $0x38;
	[tilespmem:$0x9280] =	vst v63  }
0x46f: {  	s31 =	sld [smem:$0x7CC];
	s29 =	sadd.s32 s12, s24;
	s30 =	ssub.s32 $0x5078, s11  }
0x470: {  	[hbm4b:s29+s2] =	stream.linear.scatter [tilespmem:s30], [sflag:$0x1], $0x80, $0x38;
	[tilespmem:$0x9280] =	vst v63  }
0x471: {  	s15 =	sadd.s32 s12, s28;
	s18 =	sld [smem:$0x7CD];
	s17 =	ssub.s32 $0x50F8, s11  }
0x472: {  	[hbm4b:s15+s2] =	stream.linear.scatter [tilespmem:s17], [sflag:$0x1], $0x80, $0x38;
	[tilespmem:$0x9280] =	vst v63  }
0x473: {  	s21 =	sld [smem:$0x7CE];
	s19 =	sadd.s32 s12, s31;
	s20 =	ssub.s32 $0x5178, s11  }
0x474: {  	[hbm4b:s19+s2] =	stream.linear.scatter [tilespmem:s20], [sflag:$0x1], $0x80, $0x38;
	[tilespmem:$0x9280] =	vst v63  }
0x475: {  	s24 =	sld [smem:$0x7CF];
	s22 =	sadd.s32 s12, s18;
	s23 =	ssub.s32 $0x51F8, s11  }
0x476: {  	[hbm4b:s22+s2] =	stream.linear.scatter [tilespmem:s23], [sflag:$0x1], $0x80, $0x38;
	[tilespmem:$0x9280] =	vst v63  }
0x477: {  	s28 =	sld [smem:$0x7D0];
	s25 =	ssub.s32 $0x3A78, s11;
	s26 =	sadd.s32 s12, s21  }
0x478: {  	[hbm4b:s26+s2] =	stream.linear.scatter [tilespmem:s25], [sflag:$0x1], $0x80, $0x38;
	[tilespmem:$0x9280] =	vst v63  }
0x479: {  	s31 =	sld [smem:$0x7D1];
	s29 =	ssub.s32 $0x3AF8, s11;
	s30 =	sadd.s32 s12, s24  }
0x47a: {  	[hbm4b:s30+s2] =	stream.linear.scatter [tilespmem:s29], [sflag:$0x1], $0x80, $0x38;
	[tilespmem:$0x9280] =	vst v63  }
0x47b: {  	s14 =	ssub.s32 $0x3B78, s11;
	s18 =	sld [smem:$0x7D2];
	s17 =	sadd.s32 s12, s28  }
0x47c: {  	[hbm4b:s17+s2] =	stream.linear.scatter [tilespmem:s14], [sflag:$0x1], $0x80, $0x38;
	[tilespmem:$0x9280] =	vst v63  }
0x47d: {  	s21 =	sld [smem:$0x7D3];
	s19 =	ssub.s32 $0x3BF8, s11;
	s20 =	sadd.s32 s12, s31  }
0x47e: {  	[hbm4b:s20+s2] =	stream.linear.scatter [tilespmem:s19], [sflag:$0x1], $0x80, $0x38;
	[tilespmem:$0x9280] =	vst v63  }
0x47f: {  	s24 =	sld [smem:$0x7D4];
	s22 =	ssub.s32 $0x3C78, s11;
	s23 =	sadd.s32 s12, s18  }
0x480: {  	[hbm4b:s23+s2] =	stream.linear.scatter [tilespmem:s22], [sflag:$0x1], $0x80, $0x38;
	[tilespmem:$0x9280] =	vst v63  }
0x481: {  	s28 =	sld [smem:$0x7D5];
	s25 =	ssub.s32 $0x3CF8, s11;
	s26 =	sadd.s32 s12, s21  }
0x482: {  	[hbm4b:s26+s2] =	stream.linear.scatter [tilespmem:s25], [sflag:$0x1], $0x80, $0x38;
	[tilespmem:$0x9280] =	vst v63  }
0x483: {  	s31 =	sld [smem:$0x7D6];
	s29 =	ssub.s32 $0x3D78, s11;
	s30 =	sadd.s32 s12, s24  }
0x484: {  	[hbm4b:s30+s2] =	stream.linear.scatter [tilespmem:s29], [sflag:$0x1], $0x80, $0x38;
	[tilespmem:$0x9280] =	vst v63  }
0x485: {  	s18 =	sld [smem:$0x7D7];
	s14 =	ssub.s32 $0x3DF8, s11;
	s17 =	sadd.s32 s12, s28  }
0x486: {  	[hbm4b:s17+s2] =	stream.linear.scatter [tilespmem:s14], [sflag:$0x1], $0x80, $0x38;
	[tilespmem:$0x9280] =	vst v63  }
0x487: {  	s21 =	sld [smem:$0x7D8];
	s19 =	ssub.s32 $0x3E78, s11;
	s20 =	sadd.s32 s12, s31  }
0x488: {  	[hbm4b:s20+s2] =	stream.linear.scatter [tilespmem:s19], [sflag:$0x1], $0x80, $0x38;
	[tilespmem:$0x9280] =	vst v63  }
0x489: {  	s24 =	sld [smem:$0x7D9];
	s22 =	ssub.s32 $0x3EF8, s11;
	s23 =	sadd.s32 s12, s18  }
0x48a: {  	[hbm4b:s23+s2] =	stream.linear.scatter [tilespmem:s22], [sflag:$0x1], $0x80, $0x38;
	[tilespmem:$0x9280] =	vst v63  }
0x48b: {  	s28 =	sld [smem:$0x7DA];
	s25 =	ssub.s32 $0x3F78, s11;
	s26 =	sadd.s32 s12, s21  }
0x48c: {  	[hbm4b:s26+s2] =	stream.linear.scatter [tilespmem:s25], [sflag:$0x1], $0x80, $0x38;
	[tilespmem:$0x9280] =	vst v63  }
0x48d: {  	s31 =	sld [smem:$0x7DB];
	s29 =	sadd.s32 s12, s24;
	s30 =	ssub.s32 $0x3FF8, s11  }
0x48e: {  	[hbm4b:s29+s2] =	stream.linear.scatter [tilespmem:s30], [sflag:$0x1], $0x80, $0x38;
	[tilespmem:$0x9280] =	vst v63  }
0x48f: {  	s16 =	sadd.s32 s12, s28;
	s18 =	sld [smem:$0x7DC];
	s17 =	ssub.s32 $0x4078, s11  }
0x490: {  	[hbm4b:s16+s2] =	stream.linear.scatter [tilespmem:s17], [sflag:$0x1], $0x80, $0x38;
	[tilespmem:$0x9280] =	vst v63  }
0x491: {  	s21 =	sld [smem:$0x7DD];
	s19 =	sadd.s32 s12, s31;
	s20 =	ssub.s32 $0x40F8, s11  }
0x492: {  	[hbm4b:s19+s2] =	stream.linear.scatter [tilespmem:s20], [sflag:$0x1], $0x80, $0x38;
	[tilespmem:$0x9280] =	vst v63  }
0x493: {  	s24 =	sld [smem:$0x7DE];
	s22 =	sadd.s32 s12, s18;
	s23 =	ssub.s32 $0x4178, s11  }
0x494: {  	[hbm4b:s22+s2] =	stream.linear.scatter [tilespmem:s23], [sflag:$0x1], $0x80, $0x38;
	[tilespmem:$0x9280] =	vst v63  }
0x495: {  	s28 =	sld [smem:$0x7DF];
	s25 =	sadd.s32 s12, s21;
	s26 =	ssub.s32 $0x41F8, s11  }
0x496: {  	[hbm4b:s25+s2] =	stream.linear.scatter [tilespmem:s26], [sflag:$0x1], $0x80, $0x38;
	[tilespmem:$0x9280] =	vst v63  }
0x497: {  	s31 =	sld [smem:$0x7E0];
	s29 =	ssub.s32 $0x2A78, s11;
	s30 =	sadd.s32 s12, s24  }
0x498: {  	[hbm4b:s30+s2] =	stream.linear.scatter [tilespmem:s29], [sflag:$0x1], $0x80, $0x38;
	[tilespmem:$0x9280] =	vst v63  }
0x499: {  	s14 =	ssub.s32 $0x2AF8, s11;
	s18 =	sld [smem:$0x7E1];
	s17 =	sadd.s32 s12, s28  }
0x49a: {  	[hbm4b:s17+s2] =	stream.linear.scatter [tilespmem:s14], [sflag:$0x1], $0x80, $0x38;
	[tilespmem:$0x9280] =	vst v63  }
0x49b: {  	s21 =	sld [smem:$0x7E2];
	s19 =	ssub.s32 $0x2B78, s11;
	s20 =	sadd.s32 s12, s31  }
0x49c: {  	[hbm4b:s20+s2] =	stream.linear.scatter [tilespmem:s19], [sflag:$0x1], $0x80, $0x38;
	[tilespmem:$0x9280] =	vst v63  }
0x49d: {  	s24 =	sld [smem:$0x7E3];
	s22 =	ssub.s32 $0x2BF8, s11;
	s23 =	sadd.s32 s12, s18  }
0x49e: {  	[hbm4b:s23+s2] =	stream.linear.scatter [tilespmem:s22], [sflag:$0x1], $0x80, $0x38;
	[tilespmem:$0x9280] =	vst v63  }
0x49f: {  	s28 =	sld [smem:$0x7E4];
	s25 =	ssub.s32 $0x2C78, s11;
	s26 =	sadd.s32 s12, s21  }
0x4a0: {  	[hbm4b:s26+s2] =	stream.linear.scatter [tilespmem:s25], [sflag:$0x1], $0x80, $0x38;
	[tilespmem:$0x9280] =	vst v63  }
0x4a1: {  	s31 =	sld [smem:$0x7E5];
	s29 =	ssub.s32 $0x2CF8, s11;
	s30 =	sadd.s32 s12, s24  }
0x4a2: {  	[hbm4b:s30+s2] =	stream.linear.scatter [tilespmem:s29], [sflag:$0x1], $0x80, $0x38;
	[tilespmem:$0x9280] =	vst v63  }
0x4a3: {  	s18 =	sld [smem:$0x7E6];
	s14 =	ssub.s32 $0x2D78, s11;
	s17 =	sadd.s32 s12, s28  }
0x4a4: {  	[hbm4b:s17+s2] =	stream.linear.scatter [tilespmem:s14], [sflag:$0x1], $0x80, $0x38;
	[tilespmem:$0x9280] =	vst v63  }
0x4a5: {  	s21 =	sld [smem:$0x7E7];
	s19 =	ssub.s32 $0x2DF8, s11;
	s20 =	sadd.s32 s12, s31  }
0x4a6: {  	[hbm4b:s20+s2] =	stream.linear.scatter [tilespmem:s19], [sflag:$0x1], $0x80, $0x38;
	[tilespmem:$0x9280] =	vst v63  }
0x4a7: {  	s24 =	sld [smem:$0x7E8];
	s22 =	ssub.s32 $0x2E78, s11;
	s23 =	sadd.s32 s12, s18  }
0x4a8: {  	[hbm4b:s23+s2] =	stream.linear.scatter [tilespmem:s22], [sflag:$0x1], $0x80, $0x38;
	[tilespmem:$0x9280] =	vst v63  }
0x4a9: {  	s28 =	sld [smem:$0x7E9];
	s25 =	ssub.s32 $0x2EF8, s11;
	s26 =	sadd.s32 s12, s21  }
0x4aa: {  	[hbm4b:s26+s2] =	stream.linear.scatter [tilespmem:s25], [sflag:$0x1], $0x80, $0x38;
	[tilespmem:$0x9280] =	vst v63  }
0x4ab: {  	s31 =	sld [smem:$0x7EA];
	s29 =	ssub.s32 $0x2F78, s11;
	s30 =	sadd.s32 s12, s24  }
0x4ac: {  	[hbm4b:s30+s2] =	stream.linear.scatter [tilespmem:s29], [sflag:$0x1], $0x80, $0x38;
	[tilespmem:$0x9280] =	vst v63  }
0x4ad: {  	s15 =	sadd.s32 s12, s28;
	s18 =	sld [smem:$0x7EB];
	s17 =	ssub.s32 $0x2FF8, s11  }
0x4ae: {  	[hbm4b:s15+s2] =	stream.linear.scatter [tilespmem:s17], [sflag:$0x1], $0x80, $0x38;
	[tilespmem:$0x9280] =	vst v63  }
0x4af: {  	s21 =	sld [smem:$0x7EC];
	s19 =	sadd.s32 s12, s31;
	s20 =	ssub.s32 $0x3078, s11  }
0x4b0: {  	[hbm4b:s19+s2] =	stream.linear.scatter [tilespmem:s20], [sflag:$0x1], $0x80, $0x38;
	[tilespmem:$0x9280] =	vst v63  }
0x4b1: {  	s24 =	sld [smem:$0x7ED];
	s22 =	sadd.s32 s12, s18;
	s23 =	ssub.s32 $0x30F8, s11  }
0x4b2: {  	[hbm4b:s22+s2] =	stream.linear.scatter [tilespmem:s23], [sflag:$0x1], $0x80, $0x38;
	[tilespmem:$0x9280] =	vst v63  }
0x4b3: {  	s28 =	sld [smem:$0x7EE];
	s25 =	sadd.s32 s12, s21;
	s26 =	ssub.s32 $0x3178, s11  }
0x4b4: {  	[hbm4b:s25+s2] =	stream.linear.scatter [tilespmem:s26], [sflag:$0x1], $0x80, $0x38;
	[tilespmem:$0x9280] =	vst v63  }
0x4b5: {  	s31 =	sld [smem:$0x7EF];
	s29 =	sadd.s32 s12, s24;
	s30 =	ssub.s32 $0x31F8, s11  }
0x4b6: {  	[hbm4b:s29+s2] =	stream.linear.scatter [tilespmem:s30], [sflag:$0x1], $0x80, $0x38;
	[tilespmem:$0x9280] =	vst v63  }
0x4b7: {  	s14 =	ssub.s32 $0x1A78, s11;
	s18 =	sld [smem:$0x7F0];
	s17 =	sadd.s32 s12, s28  }
0x4b8: {  	[hbm4b:s17+s2] =	stream.linear.scatter [tilespmem:s14], [sflag:$0x1], $0x80, $0x38;
	[tilespmem:$0x9280] =	vst v63  }
0x4b9: {  	s21 =	sld [smem:$0x7F1];
	s19 =	ssub.s32 $0x1AF8, s11;
	s20 =	sadd.s32 s12, s31  }
0x4ba: {  	[hbm4b:s20+s2] =	stream.linear.scatter [tilespmem:s19], [sflag:$0x1], $0x80, $0x38;
	[tilespmem:$0x9280] =	vst v63  }
0x4bb: {  	s24 =	sld [smem:$0x7F2];
	s22 =	ssub.s32 $0x1B78, s11;
	s23 =	sadd.s32 s12, s18  }
0x4bc: {  	[hbm4b:s23+s2] =	stream.linear.scatter [tilespmem:s22], [sflag:$0x1], $0x80, $0x38;
	[tilespmem:$0x9280] =	vst v63  }
0x4bd: {  	s28 =	sld [smem:$0x7F3];
	s25 =	ssub.s32 $0x1BF8, s11;
	s26 =	sadd.s32 s12, s21  }
0x4be: {  	[hbm4b:s26+s2] =	stream.linear.scatter [tilespmem:s25], [sflag:$0x1], $0x80, $0x38;
	[tilespmem:$0x9280] =	vst v63  }
0x4bf: {  	s31 =	sld [smem:$0x7F4];
	s29 =	ssub.s32 $0x1C78, s11;
	s30 =	sadd.s32 s12, s24  }
0x4c0: {  	[hbm4b:s30+s2] =	stream.linear.scatter [tilespmem:s29], [sflag:$0x1], $0x80, $0x38;
	[tilespmem:$0x9280] =	vst v63  }
0x4c1: {  	s18 =	sld [smem:$0x7F5];
	s14 =	ssub.s32 $0x1CF8, s11;
	s17 =	sadd.s32 s12, s28  }
0x4c2: {  	[hbm4b:s17+s2] =	stream.linear.scatter [tilespmem:s14], [sflag:$0x1], $0x80, $0x38;
	[tilespmem:$0x9280] =	vst v63  }
0x4c3: {  	s21 =	sld [smem:$0x7F6];
	s19 =	ssub.s32 $0x1D78, s11;
	s20 =	sadd.s32 s12, s31  }
0x4c4: {  	[hbm4b:s20+s2] =	stream.linear.scatter [tilespmem:s19], [sflag:$0x1], $0x80, $0x38;
	[tilespmem:$0x9280] =	vst v63  }
0x4c5: {  	s24 =	sld [smem:$0x7F7];
	s22 =	ssub.s32 $0x1DF8, s11;
	s23 =	sadd.s32 s12, s18  }
0x4c6: {  	[hbm4b:s23+s2] =	stream.linear.scatter [tilespmem:s22], [sflag:$0x1], $0x80, $0x38;
	[tilespmem:$0x9280] =	vst v63  }
0x4c7: {  	s28 =	sld [smem:$0x7F8];
	s25 =	ssub.s32 $0x1E78, s11;
	s26 =	sadd.s32 s12, s21  }
0x4c8: {  	[hbm4b:s26+s2] =	stream.linear.scatter [tilespmem:s25], [sflag:$0x1], $0x80, $0x38;
	[tilespmem:$0x9280] =	vst v63  }
0x4c9: {  	s31 =	sld [smem:$0x7F9];
	s29 =	ssub.s32 $0x1EF8, s11;
	s30 =	sadd.s32 s12, s24  }
0x4ca: {  	[hbm4b:s30+s2] =	stream.linear.scatter [tilespmem:s29], [sflag:$0x1], $0x80, $0x38;
	[tilespmem:$0x9280] =	vst v63  }
0x4cb: {  	s18 =	sadd.s32 s12, s28;
	s17 =	ssub.s32 $0x1F78, s11;
	s19 =	sld [smem:$0x7FA]  }
0x4cc: {  	[hbm4b:s18+s2] =	stream.linear.scatter [tilespmem:s17], [sflag:$0x1], $0x80, $0x38;
	[tilespmem:$0x9280] =	vst v63  }
0x4cd: {  	s21 =	ssub.s32 $0x1FF8, s11;
	s20 =	sadd.s32 s12, s31;
	s22 =	sld [smem:$0x7FB]  }
0x4ce: {  	[hbm4b:s20+s2] =	stream.linear.scatter [tilespmem:s21], [sflag:$0x1], $0x80, $0x38;
	[tilespmem:$0x9280] =	vst v63  }
0x4cf: {  	s24 =	ssub.s32 $0x2078, s11;
	s23 =	sadd.s32 s12, s19;
	s25 =	sld [smem:$0x7FC]  }
0x4d0: {  	[hbm4b:s23+s2] =	stream.linear.scatter [tilespmem:s24], [sflag:$0x1], $0x80, $0x38;
	[tilespmem:$0x9280] =	vst v63  }
0x4d1: {  	s28 =	ssub.s32 $0x20F8, s11;
	s26 =	sadd.s32 s12, s22;
	s29 =	sld [smem:$0x7FD]  }
0x4d2: {  	[hbm4b:s26+s2] =	stream.linear.scatter [tilespmem:s28], [sflag:$0x1], $0x80, $0x38;
	[tilespmem:$0x9280] =	vst v63  }
0x4d3: {  	p0 =	slt.u32 s10, $0x2;
	s31 =	ssub.s32 $0x2178, s11;
	s30 =	sadd.s32 s12, s25  }
0x4d4: {  	[hbm4b:s30+s2] =	stream.linear.scatter [tilespmem:s31], [sflag:$0x1], $0x80, $0x38;
	[tilespmem:$0x9280] =	vst v63  }
0x4d5: {  	s10 =	simm.s32 @!p0 $0x1;
	s11 =	ssub.s32 $0x21F8, s11;
	s12 =	sadd.s32 s12, s29  }
0x4d6: {  	[hbm4b:s12+s2] =	stream.linear.scatter [tilespmem:s11], [sflag:$0x1], $0x80, $0x38;
	[tilespmem:$0x9280] =	vst v63  }
0x4d7: {  	_ =	swait.ge @!p0 [sflag:s10], $0x4000  }
0x4d8: {  	[sflag:s10] =	ssyncset.done @!p0 $0x0  }
0x4d9: {  	s9 =	sadd.s32 $0x1, s9;
	[sflag:s10] =	ssyncadd.s32 @!p0 $0xFFFFC000  }
0x4da: {  	p0 =	sne.s32 s9, s6;
	_ =	swait.ge [sflag:s8], $0x4000  }
.Ltmp10:
0x4db: {  	[sflag:s8] =	ssyncset.done $0x0;
	(pc) =	sbr.rel @p0 .LBB2_1-.Ltmp10, $4  }
0x4dc: {  	[sflag:s8] =	ssyncadd.s32 $0xFFFFC000  }
0x4dd: {  	_ =	swait.ge [sflag:s8], $0x4000  }
0x4de: {  	[sflag:s8] =	ssyncset.done $0x0  }
0x4df: {  	[sflag:s8] =	ssyncadd.s32 $0xFFFFC000  }
0x4e0: {  	_ =	sfence.sel $0x180000  }
0x4e1: {  	[bflag:$0x0] =	sbarrier.arrive $0xFFFF  }
0x4e2: {  	p0 =	sne.s32 s3, $0x0;
	_ =	strace $0x90000047  }
0x4e3: {  	s0 =	sadd.s32 @!p0 $0x100000, s0;
	[bflag:$0x2] =	sbarrier.arrive $0xFFFF  }
0x4e4: {  	[sflag:s0] =	ssyncadd.tile.s32 @!p0 $0x1;
	_ =	shalt  }
.Lfunc_end2:
_tile_overlayer_lowered:
.L_overlay_start_2:
0x4e5: {  	(tag) =	ssettag $0x2  }
0x4e6: {  	s0 =	rddreg [dreg:$0x0];
	s2 =	stileid.u32  }
0x4e7: {  	s1 =	rddreg [dreg:$0x1];
	p0 =	sne.s32 s2, $0x0  }
0x4e8: {  	s3 =	rddreg [dreg:$0x2];
	[bflag:$0x3] =	sbarrier.arrive $0xFFFF;
	s2 =	simm.s32 @!p0 $0x1C02  }
0x4e9: {  	[timem:s3], [sflag:s2] =	dma.local @!p0 [hbm:s0], s1  }
0x4ea: {  	s0 =	simm.s32 @!p0 $0x2  }
0x4eb: {  	_ =	swait.ge @!p0 [sflag:s0], s1  }
0x4ec: {  	s1 =	ssub.s32 @!p0 $0x0, s1;
	[sflag:s0] =	ssyncset.done @!p0 $0x0  }
0x4ed: {  	[sflag:s0] =	ssyncadd.s32 @!p0 s1  }
0x4ee: {  	[bflag:$0x3] =	sbarrier.arrive $0xFFFF  }
0x4ef: {  	_ =	shalt  }

</sc_bundles>
